<compile_context>
chip_gen: v7x
topology: tpu7x:2x2x1
jax: 0.10.2.dev20260603
libtpu: 0.0.44.dev20260713+nightly
codegen_flags: <defaults>
</compile_context>

<pallas_src>
import jax
import jax.numpy as jnp
from jax import lax
from jax.experimental import pallas as pl
from jax.experimental.pallas import tpu as pltpu
from jax.experimental.pallas import tpu_sc as plsc

_N = 10000
_NP = 10240
_E = 160000
_D = 256
_DH = 128
_G = 128
_NC = 2
_NS = 16
_K = 125
_EPT = _E // _NS
_CH = _EPT // _K
_NH = 2
_CHH = _CH // _NH
_RPT = _NP // _NS
_ZC = 40
_BN = 2000


def _deg_body(dst3_hbm, dega_hbm, degb_hbm, deg_sh, dstv, onesv, zv, sem):
    c = lax.axis_index("c")
    s = lax.axis_index("s")
    w = s * _NC + c

    @pl.when(s == 0)
    def _():
        def zstep(i, _):
            zv[pl.ds(i * 16, 16)] = jnp.zeros((16,), jnp.float32)
            return 0
        lax.fori_loop(0, _NP // 16, zstep, 0)
        pltpu.sync_copy(zv, deg_sh)

    def ostep(i, _):
        start = jnp.minimum(i * 16, _K - 16)
        onesv[pl.ds(start, 16)] = jnp.ones((16,), jnp.float32)
        return 0
    lax.fori_loop(0, (_K + 15) // 16, ostep, 0)

    pltpu.sync_copy(dst3_hbm.at[w], dstv)
    plsc.subcore_barrier()

    def step(i, _):
        pltpu.sync_copy(onesv, deg_sh.at[dstv.at[i]], add=True)
        return 0
    lax.fori_loop(0, _CH // _NC, step, 0)

    plsc.subcore_barrier()

    @pl.when((s == 0) & (c == 0))
    def _():
        pltpu.sync_copy(deg_sh, dega_hbm)

    @pl.when((s == 0) & (c == 1))
    def _():
        pltpu.sync_copy(deg_sh, degb_hbm)


_deg_call = pl.kernel(
    _deg_body,
    out_type=(
        jax.ShapeDtypeStruct((_NP,), jnp.float32),
        jax.ShapeDtypeStruct((_NP,), jnp.float32),
    ),
    mesh=plsc.VectorSubcoreMesh(
        core_axis_name="c", subcore_axis_name="s", num_cores=_NC,
        num_subcores=_NS),
    scratch_types=[
        pltpu.VMEM_SHARED((_NP,), jnp.float32),
        pltpu.VMEM((_CH // _NC, _K), jnp.int32),
        pltpu.VMEM((_K,), jnp.float32),
        pltpu.VMEM((_NP,), jnp.float32),
        pltpu.SemaphoreType.DMA,
    ],
)


def _half_work(y_hbm, out_hbm, src4_hbm, dst4_hbm, acc_sh, srcv, dstv, grow0,
               grow1, sem0, sem1, s):
    def zstep(i, _):
        grow0[i // 8, pl.ds((i % 8) * 16, 16)] = jnp.zeros((16,), jnp.float32)
        return 0
    lax.fori_loop(0, _ZC * 8, zstep, 0)
    for r in range(_RPT // _ZC):
        pltpu.sync_copy(grow0.at[pl.ds(0, _ZC)],
                        acc_sh.at[pl.ds(s * _RPT + r * _ZC, _ZC)])

    plsc.subcore_barrier()

    for h in range(_NH):
        pltpu.sync_copy(src4_hbm.at[s, h], srcv)
        pltpu.sync_copy(dst4_hbm.at[s, h], dstv)
        pltpu.async_copy(y_hbm.at[srcv.at[0]], grow0, sem0)
        pltpu.async_copy(y_hbm.at[srcv.at[1]], grow1, sem1)

        def step(j, _):
            i0 = j * 2
            pltpu.make_async_copy(y_hbm.at[srcv.at[i0]], grow0, sem0).wait()
            pltpu.sync_copy(grow0, acc_sh.at[dstv.at[i0]], add=True)

            @pl.when(i0 + 2 < _CHH)
            def _():
                pltpu.async_copy(y_hbm.at[srcv.at[i0 + 2]], grow0, sem0)

            pltpu.make_async_copy(y_hbm.at[srcv.at[i0 + 1]], grow1, sem1).wait()
            pltpu.sync_copy(grow1, acc_sh.at[dstv.at[i0 + 1]], add=True)

            @pl.when(i0 + 3 < _CHH)
            def _():
                pltpu.async_copy(y_hbm.at[srcv.at[i0 + 3]], grow1, sem1)

            return 0
        lax.fori_loop(0, _CHH // 2, step, 0)

    plsc.subcore_barrier()

    pltpu.sync_copy(acc_sh.at[pl.ds(s * _RPT, _RPT)],
                    out_hbm.at[pl.ds(s * _RPT, _RPT)])


def _scatter_body(ylo_hbm, yhi_hbm, src4_hbm, dst4_hbm, slo_hbm, shi_hbm,
                  acc_sh, srcv, dstv, grow0, grow1, sem0, sem1):
    c = lax.axis_index("c")
    s = lax.axis_index("s")

    @pl.when(c == 0)
    def _():
        _half_work(ylo_hbm, slo_hbm, src4_hbm, dst4_hbm, acc_sh, srcv, dstv,
                   grow0, grow1, sem0, sem1, s)

    @pl.when(c == 1)
    def _():
        _half_work(yhi_hbm, shi_hbm, src4_hbm, dst4_hbm, acc_sh, srcv, dstv,
                   grow0, grow1, sem0, sem1, s)


_scatter_call = pl.kernel(
    _scatter_body,
    out_type=(
        jax.ShapeDtypeStruct((_NP, _DH), jnp.float32),
        jax.ShapeDtypeStruct((_NP, _DH), jnp.float32),
    ),
    mesh=plsc.VectorSubcoreMesh(
        core_axis_name="c", subcore_axis_name="s", num_cores=_NC,
        num_subcores=_NS),
    scratch_types=[
        pltpu.VMEM_SHARED((_NP, _DH), jnp.float32),
        pltpu.VMEM((_CHH, _K), jnp.int32),
        pltpu.VMEM((_CHH, _K), jnp.int32),
        pltpu.VMEM((_K, _DH), jnp.float32),
        pltpu.VMEM((_K, _DH), jnp.float32),
        pltpu.SemaphoreType.DMA,
        pltpu.SemaphoreType.DMA,
    ],
)


def _dis(deg_blk):
    return lax.rsqrt(deg_blk + 1.0)


def _mm1_body(x_ref, w_ref, dega_ref, degb_ref, ylo_ref, yhi_ref, degs_ref):
    deg = dega_ref[...] + degb_ref[...]
    degs_ref[...] = deg
    dis = _dis(deg)
    y = jnp.dot(x_ref[...], w_ref[...], preferred_element_type=jnp.float32)
    y = y * dis
    ylo_ref[...] = y[:, :_DH]
    yhi_ref[...] = y[:, _DH:]


def _mm1(x, W1, dega2, degb2):
    return pl.pallas_call(
        _mm1_body,
        grid=(_N // _BN,),
        in_specs=[
            pl.BlockSpec((_BN, _D), lambda i: (i, 0)),
            pl.BlockSpec((_D, _D), lambda i: (0, 0)),
            pl.BlockSpec((_BN, 1), lambda i: (i, 0)),
            pl.BlockSpec((_BN, 1), lambda i: (i, 0)),
        ],
        out_specs=(
            pl.BlockSpec((_BN, _DH), lambda i: (i, 0)),
            pl.BlockSpec((_BN, _DH), lambda i: (i, 0)),
            pl.BlockSpec((_BN, 1), lambda i: (i, 0)),
        ),
        out_shape=(
            jax.ShapeDtypeStruct((_N, _DH), jnp.float32),
            jax.ShapeDtypeStruct((_N, _DH), jnp.float32),
            jax.ShapeDtypeStruct((_N, 1), jnp.float32),
        ),
    )(x, W1, dega2, degb2)


def _mm2_body(slo_ref, shi_ref, ylo_ref, yhi_ref, deg_ref, b_ref, w_ref,
              ylo2_ref, yhi2_ref):
    dis = _dis(deg_ref[...])
    hlo = dis * (slo_ref[...] + ylo_ref[...]) + b_ref[:, :_DH]
    hhi = dis * (shi_ref[...] + yhi_ref[...]) + b_ref[:, _DH:]
    h = jnp.maximum(jnp.concatenate([hlo, hhi], axis=1), 0.0)
    y = jnp.dot(h, w_ref[...], preferred_element_type=jnp.float32) * dis
    ylo2_ref[...] = y[:, :_DH]
    yhi2_ref[...] = y[:, _DH:]


def _mm2(slo, shi, ylo, yhi, deg2, b1, W2):
    return pl.pallas_call(
        _mm2_body,
        grid=(_N // _BN,),
        in_specs=[
            pl.BlockSpec((_BN, _DH), lambda i: (i, 0)),
            pl.BlockSpec((_BN, _DH), lambda i: (i, 0)),
            pl.BlockSpec((_BN, _DH), lambda i: (i, 0)),
            pl.BlockSpec((_BN, _DH), lambda i: (i, 0)),
            pl.BlockSpec((_BN, 1), lambda i: (i, 0)),
            pl.BlockSpec((1, _D), lambda i: (0, 0)),
            pl.BlockSpec((_D, _D), lambda i: (0, 0)),
        ],
        out_specs=(
            pl.BlockSpec((_BN, _DH), lambda i: (i, 0)),
            pl.BlockSpec((_BN, _DH), lambda i: (i, 0)),
        ),
        out_shape=(
            jax.ShapeDtypeStruct((_N, _DH), jnp.float32),
            jax.ShapeDtypeStruct((_N, _DH), jnp.float32),
        ),
    )(slo, shi, ylo, yhi, deg2, b1, W2)


def _pool_body(slo_ref, shi_ref, ylo_ref, yhi_ref, deg_ref, b_ref, batch_ref,
               w3_ref, b3_ref, out_ref, acc_ref, cnt_ref):
    i = pl.program_id(0)

    @pl.when(i == 0)
    def _():
        acc_ref[...] = jnp.zeros_like(acc_ref)
        cnt_ref[...] = jnp.zeros_like(cnt_ref)

    dis = _dis(deg_ref[...])
    hlo = dis * (slo_ref[...] + ylo_ref[...]) + b_ref[:, :_DH]
    hhi = dis * (shi_ref[...] + yhi_ref[...]) + b_ref[:, _DH:]
    h = jnp.maximum(jnp.concatenate([hlo, hhi], axis=1), 0.0)

    onehot = (batch_ref[...] ==
              lax.broadcasted_iota(jnp.int32, (_BN, _G), 1)).astype(jnp.float32)
    acc_ref[...] += lax.dot_general(
        onehot, h, (((0,), (0,)), ((), ())),
        preferred_element_type=jnp.float32)
    cnt_ref[...] += lax.dot_general(
        onehot, jnp.ones((_BN, 1), jnp.float32), (((0,), (0,)), ((), ())),
        preferred_element_type=jnp.float32)

    @pl.when(i == pl.num_programs(0) - 1)
    def _():
        pooled = acc_ref[...] / jnp.maximum(cnt_ref[...], 1.0)
        out_ref[...] = jnp.dot(
            pooled, w3_ref[...],
            preferred_element_type=jnp.float32) + b3_ref[...]


def _pool(slo, shi, ylo, yhi, deg2, b2, batch2, W3, b3):
    return pl.pallas_call(
        _pool_body,
        grid=(_N // _BN,),
        in_specs=[
            pl.BlockSpec((_BN, _DH), lambda i: (i, 0)),
            pl.BlockSpec((_BN, _DH), lambda i: (i, 0)),
            pl.BlockSpec((_BN, _DH), lambda i: (i, 0)),
            pl.BlockSpec((_BN, _DH), lambda i: (i, 0)),
            pl.BlockSpec((_BN, 1), lambda i: (i, 0)),
            pl.BlockSpec((1, _D), lambda i: (0, 0)),
            pl.BlockSpec((_BN, 1), lambda i: (i, 0)),
            pl.BlockSpec((_D, _G), lambda i: (0, 0)),
            pl.BlockSpec((1, _G), lambda i: (0, 0)),
        ],
        out_specs=pl.BlockSpec((_G, _G), lambda i: (0, 0)),
        out_shape=jax.ShapeDtypeStruct((_G, _G), jnp.float32),
        scratch_shapes=[
            pltpu.VMEM((_G, _D), jnp.float32),
            pltpu.VMEM((_G, 1), jnp.float32),
        ],
        compiler_params=pltpu.CompilerParams(
            dimension_semantics=("arbitrary",)),
    )(slo, shi, ylo, yhi, deg2, b2, batch2, W3, b3)


def kernel(x, edge_index, batch, W1, b1, W2, b2, W3, b3):
    src4 = edge_index[0].reshape(_NS, _NH, _CHH, _K)
    dst4 = edge_index[1].reshape(_NS, _NH, _CHH, _K)
    dst3 = edge_index[1].reshape(_NS * _NC, _CH // _NC, _K)

    dega, degb = _deg_call(dst3)
    dega2 = dega.reshape(_NP, 1)
    degb2 = degb.reshape(_NP, 1)

    ylo1, yhi1, deg2 = _mm1(x, W1, dega2, degb2)
    slo1, shi1 = _scatter_call(ylo1, yhi1, src4, dst4)
    ylo2, yhi2 = _mm2(slo1, shi1, ylo1, yhi1, deg2,
                      b1.reshape(1, _D), W2)
    slo2, shi2 = _scatter_call(ylo2, yhi2, src4, dst4)
    return _pool(slo2, shi2, ylo2, yhi2, deg2, b2.reshape(1, _D),
                 batch.reshape(_N, 1), W3, b3.reshape(1, _G))

# --- scband reference (transcript-rebuilt; emitter-appended) ---
"""Pipeline reference for scband-gcn-17549236371986 (READ-ONLY COPY).

The authoritative reference and input builder live on the scoring server;
editing this copy changes nothing except your own understanding.
"""

import jax, jax.numpy as jnp
import numpy as np

N = 10000
E = 160000
D_IN = 256
D_HID = 256
D_OUT = 128
N_GRAPHS = 128


def setup_inputs(seed: int = 0) -> dict:
    key = jax.random.key(seed)
    ks = jax.random.split(key, 10)
    x = jax.random.normal(ks[0], (N, D_IN), dtype=jnp.float32)
    edge_index = jax.random.randint(ks[1], (2, E), 0, N, dtype=jnp.int32)
    batch = jnp.sort(jax.random.randint(ks[2], (N,), 0, N_GRAPHS, dtype=jnp.int32))
    W1 = jax.random.normal(ks[3], (D_IN, D_HID), dtype=jnp.float32) * (1.0 / np.sqrt(D_IN))
    b1 = jnp.zeros((D_HID,), dtype=jnp.float32)
    W2 = jax.random.normal(ks[4], (D_HID, D_HID), dtype=jnp.float32) * (1.0 / np.sqrt(D_HID))
    b2 = jnp.zeros((D_HID,), dtype=jnp.float32)
    W3 = jax.random.normal(ks[5], (D_HID, D_OUT), dtype=jnp.float32) * (1.0 / np.sqrt(D_HID))
    b3 = jnp.zeros((D_OUT,), dtype=jnp.float32)
    return {"x": x, "edge_index": edge_index, "batch": batch,
            "W1": W1, "b1": b1, "W2": W2, "b2": b2, "W3": W3, "b3": b3}


def gcn_conv(x, src, dst, W, b, num_nodes):
    # symmetric normalization with self-loops (PyG GCNConv semantics)
    deg = jnp.zeros((num_nodes,), dtype=x.dtype).at[dst].add(1.0)
    deg_inv_sqrt = jnp.where(deg > 0, jax.lax.rsqrt(jnp.maximum(deg, 1e-12)), 0.0)
    norm = deg_inv_sqrt[src] * deg_inv_sqrt[dst]
    xw = x @ W
    msg = xw[src] * norm[:, None]
    out = jnp.zeros((num_nodes, W.shape[1]), dtype=x.dtype).at[dst].add(msg)
    return out + b


def global_mean_pool(x, batch, num_graphs):
    s = jax.ops.segment_sum(x, batch, num_segments=num_graphs)
    cnt = jax.ops.segment_sum(jnp.ones((x.shape[0],), dtype=x.dtype), batch, num_segments=num_graphs)
    return s / jnp.maximum(cnt, 1.0)[:, None]


def reference(x, edge_index, batch, W1, b1, W2, b2, W3, b3):
    loop = jnp.arange(N, dtype=edge_index.dtype)
    src = jnp.concatenate([edge_index[0], loop])
    dst = jnp.concatenate([edge_index[1], loop])
    h = gcn_conv(x, src, dst, W1, b1, N)
    h = jax.nn.relu(h)
    h = gcn_conv(h, src, dst, W2, b2, N)
    h = jax.nn.relu(h)
    g = global_mean_pool(h, batch, N_GRAPHS)
    return g @ W3 + b3

if __name__ == "__main__":
    import jax
    _d = setup_inputs()
    print(jax.jit(kernel)(*tuple(_d.values())))

</pallas_src>

<mosaic_0001>
#map = affine_map<(d0, d1) -> (0, 0, 0)>
#map1 = affine_map<(d0, d1) -> (0)>
module attributes {stable_mosaic.version = 14 : i64} {
  func.func @_deg_body(%arg0: i32, %arg1: i32, %arg2: memref<32x40x125xi32, #tpu.memory_space<hbm>>, %arg3: memref<10240xf32, #tpu.memory_space<hbm>>, %arg4: memref<10240xf32, #tpu.memory_space<hbm>>, %arg5: memref<10240xf32, #tpu.memory_space<vmem_shared>>, %arg6: memref<40x125xi32, #tpu.memory_space<vmem>>, %arg7: memref<125xf32, #tpu.memory_space<vmem>>, %arg8: memref<10240xf32, #tpu.memory_space<vmem>>, %arg9: memref<!tpu.dma_semaphore, #tpu.memory_space<semaphore_mem>>) attributes {dimension_semantics = [#tpu.dimension_semantics<core_parallel>, #tpu.dimension_semantics<subcore_parallel>], iteration_bounds = array<i64: 2, 16>, scalar_prefetch = 0 : i64, scratch_operands = 5 : i64, tpu.core_type = #tpu.core_type<sc_vector_subcore>, window_params = [{transform_indices = #map}, {transform_indices = #map1}, {transform_indices = #map1}]} {
    %mul3A = arith.constant 2 : i32
    %mul3A_0 = arith.muli %arg1, %mul3A : i32
    %add3A = arith.addi %mul3A_0, %arg0 : i32
    %eq3A = arith.constant 0 : i32
    %eq3A_1 = arith.cmpi eq, %arg1, %eq3A : i32
    %convert_element_type3A = arith.extui %eq3A_1 : i1 to i32
    %cond3A = arith.constant 0 : i32
    %cond3A_2 = arith.cmpi ne, %convert_element_type3A, %cond3A : i32
    scf.if %cond3A_2 {
      %scan3A_32 = arith.constant 0 : i32
      %scan3A_33 = arith.constant 0 : i32
      %scan3A_34 = arith.constant 640 : i32
      %scan3A_35 = arith.addi %scan3A_33, %scan3A_34 : i32
      %scan3A_36 = arith.constant 1 : i32
      %scan3A_37 = scf.for %scan3A_39 = %scan3A_33 to %scan3A_35 step %scan3A_36 iter_args(%scan3A_40 = %scan3A_32) -> (i32)  : i32 {
        %broadcast_in_dim3A = arith.constant 0.000000e+00 : f32
        %broadcast_in_dim3A_41 = vector.broadcast %broadcast_in_dim3A : f32 to vector<16xf32>
        %mul3A_42 = arith.constant 16 : i32
        %mul3A_43 = arith.muli %scan3A_39, %mul3A_42 : i32
        %swap3A = arith.index_cast %mul3A_43 : i32 to index
        %swap3A_44 = tpu.vector_load %arg8[%swap3A] {strides = array<i32>} : memref<10240xf32, #tpu.memory_space<vmem>>, vector<16xf32>,
        %swap3A_45 = vector.shape_cast %swap3A_44 : vector<16xf32> to vector<16xf32>
        %swap3A_46 = vector.shape_cast %broadcast_in_dim3A_41 : vector<16xf32> to vector<16xf32>
        tpu.vector_store %arg8[%swap3A], %swap3A_46 {strides = array<i32>} : memref<10240xf32, #tpu.memory_space<vmem>>, vector<16xf32>,
        %scan3A_47 = arith.constant 0 : i32
        scf.yield %scan3A_47 : i32
      }
      %scan3A_38 = arith.constant 640 : i32
      "tpu.region"() ({
        %run_scoped3A = tpu.sem_alloc : memref<!tpu.dma_semaphore, #tpu.memory_space<semaphore_mem>>
        tpu.enqueue_dma source(%arg8 : memref<10240xf32, #tpu.memory_space<vmem>>) target(%arg5 : memref<10240xf32, #tpu.memory_space<vmem_shared>>) target_semaphore(%run_scoped3A : memref<!tpu.dma_semaphore, #tpu.memory_space<semaphore_mem>>)
        tpu.wait_dma2 semaphore(%run_scoped3A : memref<!tpu.dma_semaphore, #tpu.memory_space<semaphore_mem>>) src(%arg8 : memref<10240xf32, #tpu.memory_space<vmem>>) dst(%arg5 : memref<10240xf32, #tpu.memory_space<vmem_shared>>)
        tpu.yield
      }) : () -> ()
    } else {
    }
    %scan3A = arith.constant 0 : i32
    %scan3A_3 = arith.constant 0 : i32
    %scan3A_4 = arith.constant 8 : i32
    %scan3A_5 = arith.addi %scan3A_3, %scan3A_4 : i32
    %scan3A_6 = arith.constant 1 : i32
    %scan3A_7 = scf.for %scan3A_32 = %scan3A_3 to %scan3A_5 step %scan3A_6 iter_args(%scan3A_33 = %scan3A) -> (i32)  : i32 {
      %mul3A_34 = arith.constant 16 : i32
      %mul3A_35 = arith.muli %scan3A_32, %mul3A_34 : i32
      %min3A = arith.constant 109 : i32
      %min3A_36 = arith.minsi %mul3A_35, %min3A : i32
      %broadcast_in_dim3A = arith.constant 1.000000e+00 : f32
      %broadcast_in_dim3A_37 = vector.broadcast %broadcast_in_dim3A : f32 to vector<16xf32>
      %swap3A = arith.index_cast %min3A_36 : i32 to index
      %swap3A_38 = tpu.vector_load %arg7[%swap3A] {strides = array<i32>} : memref<125xf32, #tpu.memory_space<vmem>>, vector<16xf32>,
      %swap3A_39 = vector.shape_cast %swap3A_38 : vector<16xf32> to vector<16xf32>
      %swap3A_40 = vector.shape_cast %broadcast_in_dim3A_37 : vector<16xf32> to vector<16xf32>
      tpu.vector_store %arg7[%swap3A], %swap3A_40 {strides = array<i32>} : memref<125xf32, #tpu.memory_space<vmem>>, vector<16xf32>,
      %scan3A_41 = arith.constant 0 : i32
      scf.yield %scan3A_41 : i32
    }
    %scan3A_8 = arith.constant 8 : i32
    "tpu.region"() ({
      %run_scoped3A = tpu.sem_alloc : memref<!tpu.dma_semaphore, #tpu.memory_space<semaphore_mem>>
      %dma_start3A = arith.constant 0 : i32
      %dma_start3A_32 = arith.constant 0 : i32
      %dma_start3A_33 = tpu.memref_slice %arg2[%add3A, %dma_start3A, %dma_start3A_32] : memref<32x40x125xi32, #tpu.memory_space<hbm>> -> memref<1x40x125xi32, #tpu.memory_space<hbm>>
      %dma_start3A_34 = tpu.memref_squeeze %dma_start3A_33 : memref<1x40x125xi32, #tpu.memory_space<hbm>> -> memref<40x125xi32, #tpu.memory_space<hbm>>
      %dma_start3A_35 = arith.constant 0 : i32
      %dma_start3A_36 = arith.constant 0 : i32
      %dma_start3A_37 = tpu.memref_slice %arg2[%add3A, %dma_start3A_35, %dma_start3A_36] : memref<32x40x125xi32, #tpu.memory_space<hbm>> -> memref<1x40x125xi32, #tpu.memory_space<hbm>>
      %dma_start3A_38 = tpu.memref_squeeze %dma_start3A_37 : memref<1x40x125xi32, #tpu.memory_space<hbm>> -> memref<40x125xi32, #tpu.memory_space<hbm>>
      tpu.enqueue_dma source(%dma_start3A_38 : memref<40x125xi32, #tpu.memory_space<hbm>>) target(%arg6 : memref<40x125xi32, #tpu.memory_space<vmem>>) target_semaphore(%run_scoped3A : memref<!tpu.dma_semaphore, #tpu.memory_space<semaphore_mem>>)
      %dma_wait3A = arith.constant 0 : i32
      %dma_wait3A_39 = arith.constant 0 : i32
      %dma_wait3A_40 = tpu.memref_slice %arg2[%add3A, %dma_wait3A, %dma_wait3A_39] : memref<32x40x125xi32, #tpu.memory_space<hbm>> -> memref<1x40x125xi32, #tpu.memory_space<hbm>>
      %dma_wait3A_41 = tpu.memref_squeeze %dma_wait3A_40 : memref<1x40x125xi32, #tpu.memory_space<hbm>> -> memref<40x125xi32, #tpu.memory_space<hbm>>
      %dma_wait3A_42 = arith.constant 0 : i32
      %dma_wait3A_43 = arith.constant 0 : i32
      %dma_wait3A_44 = tpu.memref_slice %arg2[%add3A, %dma_wait3A_42, %dma_wait3A_43] : memref<32x40x125xi32, #tpu.memory_space<hbm>> -> memref<1x40x125xi32, #tpu.memory_space<hbm>>
      %dma_wait3A_45 = tpu.memref_squeeze %dma_wait3A_44 : memref<1x40x125xi32, #tpu.memory_space<hbm>> -> memref<40x125xi32, #tpu.memory_space<hbm>>
      tpu.wait_dma2 semaphore(%run_scoped3A : memref<!tpu.dma_semaphore, #tpu.memory_space<semaphore_mem>>) src(%dma_wait3A_45 : memref<40x125xi32, #tpu.memory_space<hbm>>) dst(%arg6 : memref<40x125xi32, #tpu.memory_space<vmem>>)
      tpu.yield
    }) : () -> ()
    %barrier3A = arith.constant 0 : index
    tpu.barrier barrier_id(%barrier3A)
    %scan3A_9 = arith.constant 0 : i32
    %scan3A_10 = arith.constant 0 : i32
    %scan3A_11 = arith.constant 40 : i32
    %scan3A_12 = arith.addi %scan3A_10, %scan3A_11 : i32
    %scan3A_13 = arith.constant 1 : i32
    %scan3A_14 = scf.for %scan3A_32 = %scan3A_10 to %scan3A_12 step %scan3A_13 iter_args(%scan3A_33 = %scan3A_9) -> (i32)  : i32 {
      "tpu.region"() ({
        %run_scoped3A = tpu.sem_alloc : memref<!tpu.dma_semaphore, #tpu.memory_space<semaphore_mem>>
        %dma_start3A = arith.constant 0 : i32
        %dma_start3A_35 = tpu.memref_slice %arg6[%scan3A_32, %dma_start3A] : memref<40x125xi32, #tpu.memory_space<vmem>> -> memref<1x125xi32, #tpu.memory_space<vmem>>
        %dma_start3A_36 = tpu.memref_squeeze %dma_start3A_35 : memref<1x125xi32, #tpu.memory_space<vmem>> -> memref<125xi32, #tpu.memory_space<vmem>>
        %dma_start3A_37 = arith.constant 0 : i32
        %dma_start3A_38 = tpu.memref_slice %arg5[%dma_start3A_37] : memref<10240xf32, #tpu.memory_space<vmem_shared>> -> memref<10240xf32, #tpu.memory_space<vmem_shared>>
        tpu.enqueue_indirect_dma source(%arg7 : memref<125xf32, #tpu.memory_space<vmem>>) target(%dma_start3A_38 : memref<10240xf32, #tpu.memory_space<vmem_shared>>) offsets(%dma_start3A_36 : memref<125xi32, #tpu.memory_space<vmem>>) semaphore(%run_scoped3A : memref<!tpu.dma_semaphore, #tpu.memory_space<semaphore_mem>>) {add = true}
        %dma_wait3A = arith.constant 0 : i32
        %dma_wait3A_39 = tpu.memref_slice %arg6[%scan3A_32, %dma_wait3A] : memref<40x125xi32, #tpu.memory_space<vmem>> -> memref<1x125xi32, #tpu.memory_space<vmem>>
        %dma_wait3A_40 = tpu.memref_squeeze %dma_wait3A_39 : memref<1x125xi32, #tpu.memory_space<vmem>> -> memref<125xi32, #tpu.memory_space<vmem>>
        %dma_wait3A_41 = arith.constant 0 : i32
        %dma_wait3A_42 = tpu.memref_slice %arg5[%dma_wait3A_41] : memref<10240xf32, #tpu.memory_space<vmem_shared>> -> memref<10240xf32, #tpu.memory_space<vmem_shared>>
        tpu.wait_indirect_dma semaphore(%run_scoped3A : memref<!tpu.dma_semaphore, #tpu.memory_space<semaphore_mem>>) src(%arg7 : memref<125xf32, #tpu.memory_space<vmem>>) dst(%dma_wait3A_42 : memref<10240xf32, #tpu.memory_space<vmem_shared>>)
        tpu.yield
      }) : () -> ()
      %scan3A_34 = arith.constant 0 : i32
      scf.yield %scan3A_34 : i32
    }
    %scan3A_15 = arith.constant 40 : i32
    %barrier3A_16 = arith.constant 0 : index
    tpu.barrier barrier_id(%barrier3A_16)
    %eq3A_17 = arith.constant 0 : i32
    %eq3A_18 = arith.cmpi eq, %arg1, %eq3A_17 : i32
    %eq3A_19 = arith.constant 0 : i32
    %eq3A_20 = arith.cmpi eq, %arg0, %eq3A_19 : i32
    %and3A = arith.andi %eq3A_18, %eq3A_20 : i1
    %convert_element_type3A_21 = arith.extui %and3A : i1 to i32
    %cond3A_22 = arith.constant 0 : i32
    %cond3A_23 = arith.cmpi ne, %convert_element_type3A_21, %cond3A_22 : i32
    scf.if %cond3A_23 {
      "tpu.region"() ({
        %run_scoped3A = tpu.sem_alloc : memref<!tpu.dma_semaphore, #tpu.memory_space<semaphore_mem>>
        tpu.enqueue_dma source(%arg5 : memref<10240xf32, #tpu.memory_space<vmem_shared>>) target(%arg3 : memref<10240xf32, #tpu.memory_space<hbm>>) target_semaphore(%run_scoped3A : memref<!tpu.dma_semaphore, #tpu.memory_space<semaphore_mem>>)
        tpu.wait_dma2 semaphore(%run_scoped3A : memref<!tpu.dma_semaphore, #tpu.memory_space<semaphore_mem>>) src(%arg5 : memref<10240xf32, #tpu.memory_space<vmem_shared>>) dst(%arg3 : memref<10240xf32, #tpu.memory_space<hbm>>)
        tpu.yield
      }) : () -> ()
    } else {
    }
    %eq3A_24 = arith.constant 0 : i32
    %eq3A_25 = arith.cmpi eq, %arg1, %eq3A_24 : i32
    %eq3A_26 = arith.constant 1 : i32
    %eq3A_27 = arith.cmpi eq, %arg0, %eq3A_26 : i32
    %and3A_28 = arith.andi %eq3A_25, %eq3A_27 : i1
    %convert_element_type3A_29 = arith.extui %and3A_28 : i1 to i32
    %cond3A_30 = arith.constant 0 : i32
    %cond3A_31 = arith.cmpi ne, %convert_element_type3A_29, %cond3A_30 : i32
    scf.if %cond3A_31 {
      "tpu.region"() ({
        %run_scoped3A = tpu.sem_alloc : memref<!tpu.dma_semaphore, #tpu.memory_space<semaphore_mem>>
        tpu.enqueue_dma source(%arg5 : memref<10240xf32, #tpu.memory_space<vmem_shared>>) target(%arg4 : memref<10240xf32, #tpu.memory_space<hbm>>) target_semaphore(%run_scoped3A : memref<!tpu.dma_semaphore, #tpu.memory_space<semaphore_mem>>)
        tpu.wait_dma2 semaphore(%run_scoped3A : memref<!tpu.dma_semaphore, #tpu.memory_space<semaphore_mem>>) src(%arg5 : memref<10240xf32, #tpu.memory_space<vmem_shared>>) dst(%arg4 : memref<10240xf32, #tpu.memory_space<hbm>>)
        tpu.yield
      }) : () -> ()
    } else {
    }
    return
  }
}

#map = affine_map<(d0, d1) -> (0, 0)>
#map1 = affine_map<(d0, d1) -> (0, 0, 0, 0)>
module attributes {stable_mosaic.version = 14 : i64} {
  func.func @_scatter_body(%arg0: i32, %arg1: i32, %arg2: memref<10000x128xf32, #tpu.memory_space<hbm>>, %arg3: memref<10000x128xf32, #tpu.memory_space<hbm>>, %arg4: memref<16x2x40x125xi32, #tpu.memory_space<hbm>>, %arg5: memref<16x2x40x125xi32, #tpu.memory_space<hbm>>, %arg6: memref<10240x128xf32, #tpu.memory_space<hbm>>, %arg7: memref<10240x128xf32, #tpu.memory_space<hbm>>, %arg8: memref<10240x128xf32, #tpu.memory_space<vmem_shared>>, %arg9: memref<40x125xi32, #tpu.memory_space<vmem>>, %arg10: memref<40x125xi32, #tpu.memory_space<vmem>>, %arg11: memref<125x128xf32, #tpu.memory_space<vmem>>, %arg12: memref<125x128xf32, #tpu.memory_space<vmem>>, %arg13: memref<!tpu.dma_semaphore, #tpu.memory_space<semaphore_mem>>, %arg14: memref<!tpu.dma_semaphore, #tpu.memory_space<semaphore_mem>>) attributes {dimension_semantics = [#tpu.dimension_semantics<core_parallel>, #tpu.dimension_semantics<subcore_parallel>], iteration_bounds = array<i64: 2, 16>, scalar_prefetch = 0 : i64, scratch_operands = 7 : i64, tpu.core_type = #tpu.core_type<sc_vector_subcore>, window_params = [{transform_indices = #map}, {transform_indices = #map}, {transform_indices = #map1}, {transform_indices = #map1}, {transform_indices = #map}, {transform_indices = #map}]} {
    %eq3A = arith.constant 0 : i32
    %eq3A_0 = arith.cmpi eq, %arg0, %eq3A : i32
    %convert_element_type3A = arith.extui %eq3A_0 : i1 to i32
    %cond3A = arith.constant 0 : i32
    %cond3A_1 = arith.cmpi ne, %convert_element_type3A, %cond3A : i32
    scf.if %cond3A_1 {
      %scan3A = arith.constant 0 : i32
      %scan3A_7 = arith.constant 0 : i32
      %scan3A_8 = arith.constant 320 : i32
      %scan3A_9 = arith.addi %scan3A_7, %scan3A_8 : i32
      %scan3A_10 = arith.constant 1 : i32
      %scan3A_11 = scf.for %scan3A_124 = %scan3A_7 to %scan3A_9 step %scan3A_10 iter_args(%scan3A_125 = %scan3A) -> (i32)  : i32 {
        %broadcast_in_dim3A = arith.constant 0.000000e+00 : f32
        %broadcast_in_dim3A_126 = vector.broadcast %broadcast_in_dim3A : f32 to vector<16xf32>
        %jit3A = arith.constant 8 : i32
        %div3A = arith.divsi %scan3A_124, %jit3A : i32
        %sign3A = arith.constant 0 : i32
        %sign3A_127 = arith.cmpi sgt, %scan3A_124, %sign3A : i32
        %sign3A_128 = arith.extui %sign3A_127 : i1 to i32
        %sign3A_129 = arith.constant 0 : i32
        %sign3A_130 = arith.cmpi slt, %scan3A_124, %sign3A_129 : i32
        %sign3A_131 = arith.extui %sign3A_130 : i1 to i32
        %sign3A_132 = arith.subi %sign3A_128, %sign3A_131 : i32
        %sign3A_133 = arith.constant 0 : i32
        %sign3A_134 = arith.cmpi sgt, %jit3A, %sign3A_133 : i32
        %sign3A_135 = arith.extui %sign3A_134 : i1 to i32
        %sign3A_136 = arith.constant 0 : i32
        %sign3A_137 = arith.cmpi slt, %jit3A, %sign3A_136 : i32
        %sign3A_138 = arith.extui %sign3A_137 : i1 to i32
        %sign3A_139 = arith.subi %sign3A_135, %sign3A_138 : i32
        %ne3A = arith.cmpi ne, %sign3A_132, %sign3A_139 : i32
        %rem3A = arith.remsi %scan3A_124, %jit3A : i32
        %ne3A_140 = arith.constant 0 : i32
        %ne3A_141 = arith.cmpi ne, %rem3A, %ne3A_140 : i32
        %and3A = arith.andi %ne3A, %ne3A_141 : i1
        %sub3A = arith.constant 1 : i32
        %sub3A_142 = arith.subi %div3A, %sub3A : i32
        %select_n3A = arith.select %and3A, %sub3A_142, %div3A : i32
        %jit3A_143 = arith.constant 8 : i32
        %eq3A_144 = arith.constant 0 : i32
        %eq3A_145 = arith.cmpi eq, %jit3A_143, %eq3A_144 : i32
        %jit3A_146 = arith.constant 1 : i32
        %select_n3A_147 = arith.select %eq3A_145, %jit3A_146, %jit3A_143 : i32
        %rem3A_148 = arith.remsi %scan3A_124, %select_n3A_147 : i32
        %ne3A_149 = arith.constant 0 : i32
        %ne3A_150 = arith.cmpi ne, %rem3A_148, %ne3A_149 : i32
        %lt3A = arith.constant 0 : i32
        %lt3A_151 = arith.cmpi slt, %rem3A_148, %lt3A : i32
        %lt3A_152 = arith.constant 0 : i32
        %lt3A_153 = arith.cmpi slt, %select_n3A_147, %lt3A_152 : i32
        %ne3A_154 = arith.xori %lt3A_151, %lt3A_153 : i1
        %and3A_155 = arith.andi %ne3A_154, %ne3A_150 : i1
        %add3A_156 = arith.addi %rem3A_148, %select_n3A_147 : i32
        %select_n3A_157 = arith.select %and3A_155, %add3A_156, %rem3A_148 : i32
        %mul3A_158 = arith.constant 16 : i32
        %mul3A_159 = arith.muli %select_n3A_157, %mul3A_158 : i32
        %swap3A = arith.index_cast %select_n3A : i32 to index
        %swap3A_160 = arith.index_cast %mul3A_159 : i32 to index
        %swap3A_161 = tpu.vector_load %arg11[%swap3A, %swap3A_160] {strides = array<i32>} : memref<125x128xf32, #tpu.memory_space<vmem>>, vector<1x16xf32>,
        %swap3A_162 = vector.shape_cast %swap3A_161 : vector<1x16xf32> to vector<16xf32>
        %swap3A_163 = vector.shape_cast %broadcast_in_dim3A_126 : vector<16xf32> to vector<1x16xf32>
        tpu.vector_store %arg11[%swap3A, %swap3A_160], %swap3A_163 {strides = array<i32>} : memref<125x128xf32, #tpu.memory_space<vmem>>, vector<1x16xf32>,
        %scan3A_164 = arith.constant 0 : i32
        scf.yield %scan3A_164 : i32
      }
      %scan3A_12 = arith.constant 320 : i32
      %mul3A = arith.constant 640 : i32
      %mul3A_13 = arith.muli %arg1, %mul3A : i32
      %add3A = arith.constant 0 : i32
      %add3A_14 = arith.addi %mul3A_13, %add3A : i32
      "tpu.region"() ({
        %run_scoped3A_124 = tpu.sem_alloc : memref<!tpu.dma_semaphore, #tpu.memory_space<semaphore_mem>>
        %dma_start3A_125 = arith.constant 0 : i32
        %dma_start3A_126 = arith.constant 0 : i32
        %dma_start3A_127 = tpu.memref_slice %arg11[%dma_start3A_125, %dma_start3A_126] : memref<125x128xf32, #tpu.memory_space<vmem>> -> memref<40x128xf32, #tpu.memory_space<vmem>>
        %dma_start3A_128 = arith.constant 0 : i32
        %dma_start3A_129 = tpu.memref_slice %arg8[%add3A_14, %dma_start3A_128] : memref<10240x128xf32, #tpu.memory_space<vmem_shared>> -> memref<40x128xf32, #tpu.memory_space<vmem_shared>>
        %dma_start3A_130 = arith.constant 0 : i32
        %dma_start3A_131 = tpu.memref_slice %arg8[%add3A_14, %dma_start3A_130] : memref<10240x128xf32, #tpu.memory_space<vmem_shared>> -> memref<40x128xf32, #tpu.memory_space<vmem_shared>>
        %dma_start3A_132 = arith.constant 0 : i32
        %dma_start3A_133 = arith.constant 0 : i32
        %dma_start3A_134 = tpu.memref_slice %arg11[%dma_start3A_132, %dma_start3A_133] : memref<125x128xf32, #tpu.memory_space<vmem>> -> memref<40x128xf32, #tpu.memory_space<vmem>>
        tpu.enqueue_dma source(%dma_start3A_134 : memref<40x128xf32, #tpu.memory_space<vmem>>) target(%dma_start3A_131 : memref<40x128xf32, #tpu.memory_space<vmem_shared>>) target_semaphore(%run_scoped3A_124 : memref<!tpu.dma_semaphore, #tpu.memory_space<semaphore_mem>>)
        %dma_wait3A = arith.constant 0 : i32
        %dma_wait3A_135 = arith.constant 0 : i32
        %dma_wait3A_136 = tpu.memref_slice %arg11[%dma_wait3A, %dma_wait3A_135] : memref<125x128xf32, #tpu.memory_space<vmem>> -> memref<40x128xf32, #tpu.memory_space<vmem>>
        %dma_wait3A_137 = arith.constant 0 : i32
        %dma_wait3A_138 = tpu.memref_slice %arg8[%add3A_14, %dma_wait3A_137] : memref<10240x128xf32, #tpu.memory_space<vmem_shared>> -> memref<40x128xf32, #tpu.memory_space<vmem_shared>>
        %dma_wait3A_139 = arith.constant 0 : i32
        %dma_wait3A_140 = tpu.memref_slice %arg8[%add3A_14, %dma_wait3A_139] : memref<10240x128xf32, #tpu.memory_space<vmem_shared>> -> memref<40x128xf32, #tpu.memory_space<vmem_shared>>
        %dma_wait3A_141 = arith.constant 0 : i32
        %dma_wait3A_142 = arith.constant 0 : i32
        %dma_wait3A_143 = tpu.memref_slice %arg11[%dma_wait3A_141, %dma_wait3A_142] : memref<125x128xf32, #tpu.memory_space<vmem>> -> memref<40x128xf32, #tpu.memory_space<vmem>>
        tpu.wait_dma2 semaphore(%run_scoped3A_124 : memref<!tpu.dma_semaphore, #tpu.memory_space<semaphore_mem>>) src(%dma_wait3A_143 : memref<40x128xf32, #tpu.memory_space<vmem>>) dst(%dma_wait3A_140 : memref<40x128xf32, #tpu.memory_space<vmem_shared>>)
        tpu.yield
      }) : () -> ()
      %mul3A_15 = arith.constant 640 : i32
      %mul3A_16 = arith.muli %arg1, %mul3A_15 : i32
      %add3A_17 = arith.constant 40 : i32
      %add3A_18 = arith.addi %mul3A_16, %add3A_17 : i32
      "tpu.region"() ({
        %run_scoped3A_124 = tpu.sem_alloc : memref<!tpu.dma_semaphore, #tpu.memory_space<semaphore_mem>>
        %dma_start3A_125 = arith.constant 0 : i32
        %dma_start3A_126 = arith.constant 0 : i32
        %dma_start3A_127 = tpu.memref_slice %arg11[%dma_start3A_125, %dma_start3A_126] : memref<125x128xf32, #tpu.memory_space<vmem>> -> memref<40x128xf32, #tpu.memory_space<vmem>>
        %dma_start3A_128 = arith.constant 0 : i32
        %dma_start3A_129 = tpu.memref_slice %arg8[%add3A_18, %dma_start3A_128] : memref<10240x128xf32, #tpu.memory_space<vmem_shared>> -> memref<40x128xf32, #tpu.memory_space<vmem_shared>>
        %dma_start3A_130 = arith.constant 0 : i32
        %dma_start3A_131 = tpu.memref_slice %arg8[%add3A_18, %dma_start3A_130] : memref<10240x128xf32, #tpu.memory_space<vmem_shared>> -> memref<40x128xf32, #tpu.memory_space<vmem_shared>>
        %dma_start3A_132 = arith.constant 0 : i32
        %dma_start3A_133 = arith.constant 0 : i32
        %dma_start3A_134 = tpu.memref_slice %arg11[%dma_start3A_132, %dma_start3A_133] : memref<125x128xf32, #tpu.memory_space<vmem>> -> memref<40x128xf32, #tpu.memory_space<vmem>>
        tpu.enqueue_dma source(%dma_start3A_134 : memref<40x128xf32, #tpu.memory_space<vmem>>) target(%dma_start3A_131 : memref<40x128xf32, #tpu.memory_space<vmem_shared>>) target_semaphore(%run_scoped3A_124 : memref<!tpu.dma_semaphore, #tpu.memory_space<semaphore_mem>>)
        %dma_wait3A = arith.constant 0 : i32
        %dma_wait3A_135 = arith.constant 0 : i32
        %dma_wait3A_136 = tpu.memref_slice %arg11[%dma_wait3A, %dma_wait3A_135] : memref<125x128xf32, #tpu.memory_space<vmem>> -> memref<40x128xf32, #tpu.memory_space<vmem>>
        %dma_wait3A_137 = arith.constant 0 : i32
        %dma_wait3A_138 = tpu.memref_slice %arg8[%add3A_18, %dma_wait3A_137] : memref<10240x128xf32, #tpu.memory_space<vmem_shared>> -> memref<40x128xf32, #tpu.memory_space<vmem_shared>>
        %dma_wait3A_139 = arith.constant 0 : i32
        %dma_wait3A_140 = tpu.memref_slice %arg8[%add3A_18, %dma_wait3A_139] : memref<10240x128xf32, #tpu.memory_space<vmem_shared>> -> memref<40x128xf32, #tpu.memory_space<vmem_shared>>
        %dma_wait3A_141 = arith.constant 0 : i32
        %dma_wait3A_142 = arith.constant 0 : i32
        %dma_wait3A_143 = tpu.memref_slice %arg11[%dma_wait3A_141, %dma_wait3A_142] : memref<125x128xf32, #tpu.memory_space<vmem>> -> memref<40x128xf32, #tpu.memory_space<vmem>>
        tpu.wait_dma2 semaphore(%run_scoped3A_124 : memref<!tpu.dma_semaphore, #tpu.memory_space<semaphore_mem>>) src(%dma_wait3A_143 : memref<40x128xf32, #tpu.memory_space<vmem>>) dst(%dma_wait3A_140 : memref<40x128xf32, #tpu.memory_space<vmem_shared>>)
        tpu.yield
      }) : () -> ()
      %mul3A_19 = arith.constant 640 : i32
      %mul3A_20 = arith.muli %arg1, %mul3A_19 : i32
      %add3A_21 = arith.constant 80 : i32
      %add3A_22 = arith.addi %mul3A_20, %add3A_21 : i32
      "tpu.region"() ({
        %run_scoped3A_124 = tpu.sem_alloc : memref<!tpu.dma_semaphore, #tpu.memory_space<semaphore_mem>>
        %dma_start3A_125 = arith.constant 0 : i32
        %dma_start3A_126 = arith.constant 0 : i32
        %dma_start3A_127 = tpu.memref_slice %arg11[%dma_start3A_125, %dma_start3A_126] : memref<125x128xf32, #tpu.memory_space<vmem>> -> memref<40x128xf32, #tpu.memory_space<vmem>>
        %dma_start3A_128 = arith.constant 0 : i32
        %dma_start3A_129 = tpu.memref_slice %arg8[%add3A_22, %dma_start3A_128] : memref<10240x128xf32, #tpu.memory_space<vmem_shared>> -> memref<40x128xf32, #tpu.memory_space<vmem_shared>>
        %dma_start3A_130 = arith.constant 0 : i32
        %dma_start3A_131 = tpu.memref_slice %arg8[%add3A_22, %dma_start3A_130] : memref<10240x128xf32, #tpu.memory_space<vmem_shared>> -> memref<40x128xf32, #tpu.memory_space<vmem_shared>>
        %dma_start3A_132 = arith.constant 0 : i32
        %dma_start3A_133 = arith.constant 0 : i32
        %dma_start3A_134 = tpu.memref_slice %arg11[%dma_start3A_132, %dma_start3A_133] : memref<125x128xf32, #tpu.memory_space<vmem>> -> memref<40x128xf32, #tpu.memory_space<vmem>>
        tpu.enqueue_dma source(%dma_start3A_134 : memref<40x128xf32, #tpu.memory_space<vmem>>) target(%dma_start3A_131 : memref<40x128xf32, #tpu.memory_space<vmem_shared>>) target_semaphore(%run_scoped3A_124 : memref<!tpu.dma_semaphore, #tpu.memory_space<semaphore_mem>>)
        %dma_wait3A = arith.constant 0 : i32
        %dma_wait3A_135 = arith.constant 0 : i32
        %dma_wait3A_136 = tpu.memref_slice %arg11[%dma_wait3A, %dma_wait3A_135] : memref<125x128xf32, #tpu.memory_space<vmem>> -> memref<40x128xf32, #tpu.memory_space<vmem>>
        %dma_wait3A_137 = arith.constant 0 : i32
        %dma_wait3A_138 = tpu.memref_slice %arg8[%add3A_22, %dma_wait3A_137] : memref<10240x128xf32, #tpu.memory_space<vmem_shared>> -> memref<40x128xf32, #tpu.memory_space<vmem_shared>>
        %dma_wait3A_139 = arith.constant 0 : i32
        %dma_wait3A_140 = tpu.memref_slice %arg8[%add3A_22, %dma_wait3A_139] : memref<10240x128xf32, #tpu.memory_space<vmem_shared>> -> memref<40x128xf32, #tpu.memory_space<vmem_shared>>
        %dma_wait3A_141 = arith.constant 0 : i32
        %dma_wait3A_142 = arith.constant 0 : i32
        %dma_wait3A_143 = tpu.memref_slice %arg11[%dma_wait3A_141, %dma_wait3A_142] : memref<125x128xf32, #tpu.memory_space<vmem>> -> memref<40x128xf32, #tpu.memory_space<vmem>>
        tpu.wait_dma2 semaphore(%run_scoped3A_124 : memref<!tpu.dma_semaphore, #tpu.memory_space<semaphore_mem>>) src(%dma_wait3A_143 : memref<40x128xf32, #tpu.memory_space<vmem>>) dst(%dma_wait3A_140 : memref<40x128xf32, #tpu.memory_space<vmem_shared>>)
        tpu.yield
      }) : () -> ()
      %mul3A_23 = arith.constant 640 : i32
      %mul3A_24 = arith.muli %arg1, %mul3A_23 : i32
      %add3A_25 = arith.constant 120 : i32
      %add3A_26 = arith.addi %mul3A_24, %add3A_25 : i32
      "tpu.region"() ({
        %run_scoped3A_124 = tpu.sem_alloc : memref<!tpu.dma_semaphore, #tpu.memory_space<semaphore_mem>>
        %dma_start3A_125 = arith.constant 0 : i32
        %dma_start3A_126 = arith.constant 0 : i32
        %dma_start3A_127 = tpu.memref_slice %arg11[%dma_start3A_125, %dma_start3A_126] : memref<125x128xf32, #tpu.memory_space<vmem>> -> memref<40x128xf32, #tpu.memory_space<vmem>>
        %dma_start3A_128 = arith.constant 0 : i32
        %dma_start3A_129 = tpu.memref_slice %arg8[%add3A_26, %dma_start3A_128] : memref<10240x128xf32, #tpu.memory_space<vmem_shared>> -> memref<40x128xf32, #tpu.memory_space<vmem_shared>>
        %dma_start3A_130 = arith.constant 0 : i32
        %dma_start3A_131 = tpu.memref_slice %arg8[%add3A_26, %dma_start3A_130] : memref<10240x128xf32, #tpu.memory_space<vmem_shared>> -> memref<40x128xf32, #tpu.memory_space<vmem_shared>>
        %dma_start3A_132 = arith.constant 0 : i32
        %dma_start3A_133 = arith.constant 0 : i32
        %dma_start3A_134 = tpu.memref_slice %arg11[%dma_start3A_132, %dma_start3A_133] : memref<125x128xf32, #tpu.memory_space<vmem>> -> memref<40x128xf32, #tpu.memory_space<vmem>>
        tpu.enqueue_dma source(%dma_start3A_134 : memref<40x128xf32, #tpu.memory_space<vmem>>) target(%dma_start3A_131 : memref<40x128xf32, #tpu.memory_space<vmem_shared>>) target_semaphore(%run_scoped3A_124 : memref<!tpu.dma_semaphore, #tpu.memory_space<semaphore_mem>>)
        %dma_wait3A = arith.constant 0 : i32
        %dma_wait3A_135 = arith.constant 0 : i32
        %dma_wait3A_136 = tpu.memref_slice %arg11[%dma_wait3A, %dma_wait3A_135] : memref<125x128xf32, #tpu.memory_space<vmem>> -> memref<40x128xf32, #tpu.memory_space<vmem>>
        %dma_wait3A_137 = arith.constant 0 : i32
        %dma_wait3A_138 = tpu.memref_slice %arg8[%add3A_26, %dma_wait3A_137] : memref<10240x128xf32, #tpu.memory_space<vmem_shared>> -> memref<40x128xf32, #tpu.memory_space<vmem_shared>>
        %dma_wait3A_139 = arith.constant 0 : i32
        %dma_wait3A_140 = tpu.memref_slice %arg8[%add3A_26, %dma_wait3A_139] : memref<10240x128xf32, #tpu.memory_space<vmem_shared>> -> memref<40x128xf32, #tpu.memory_space<vmem_shared>>
        %dma_wait3A_141 = arith.constant 0 : i32
        %dma_wait3A_142 = arith.constant 0 : i32
        %dma_wait3A_143 = tpu.memref_slice %arg11[%dma_wait3A_141, %dma_wait3A_142] : memref<125x128xf32, #tpu.memory_space<vmem>> -> memref<40x128xf32, #tpu.memory_space<vmem>>
        tpu.wait_dma2 semaphore(%run_scoped3A_124 : memref<!tpu.dma_semaphore, #tpu.memory_space<semaphore_mem>>) src(%dma_wait3A_143 : memref<40x128xf32, #tpu.memory_space<vmem>>) dst(%dma_wait3A_140 : memref<40x128xf32, #tpu.memory_space<vmem_shared>>)
        tpu.yield
      }) : () -> ()
      %mul3A_27 = arith.constant 640 : i32
      %mul3A_28 = arith.muli %arg1, %mul3A_27 : i32
      %add3A_29 = arith.constant 160 : i32
      %add3A_30 = arith.addi %mul3A_28, %add3A_29 : i32
      "tpu.region"() ({
        %run_scoped3A_124 = tpu.sem_alloc : memref<!tpu.dma_semaphore, #tpu.memory_space<semaphore_mem>>
        %dma_start3A_125 = arith.constant 0 : i32
        %dma_start3A_126 = arith.constant 0 : i32
        %dma_start3A_127 = tpu.memref_slice %arg11[%dma_start3A_125, %dma_start3A_126] : memref<125x128xf32, #tpu.memory_space<vmem>> -> memref<40x128xf32, #tpu.memory_space<vmem>>
        %dma_start3A_128 = arith.constant 0 : i32
        %dma_start3A_129 = tpu.memref_slice %arg8[%add3A_30, %dma_start3A_128] : memref<10240x128xf32, #tpu.memory_space<vmem_shared>> -> memref<40x128xf32, #tpu.memory_space<vmem_shared>>
        %dma_start3A_130 = arith.constant 0 : i32
        %dma_start3A_131 = tpu.memref_slice %arg8[%add3A_30, %dma_start3A_130] : memref<10240x128xf32, #tpu.memory_space<vmem_shared>> -> memref<40x128xf32, #tpu.memory_space<vmem_shared>>
        %dma_start3A_132 = arith.constant 0 : i32
        %dma_start3A_133 = arith.constant 0 : i32
        %dma_start3A_134 = tpu.memref_slice %arg11[%dma_start3A_132, %dma_start3A_133] : memref<125x128xf32, #tpu.memory_space<vmem>> -> memref<40x128xf32, #tpu.memory_space<vmem>>
        tpu.enqueue_dma source(%dma_start3A_134 : memref<40x128xf32, #tpu.memory_space<vmem>>) target(%dma_start3A_131 : memref<40x128xf32, #tpu.memory_space<vmem_shared>>) target_semaphore(%run_scoped3A_124 : memref<!tpu.dma_semaphore, #tpu.memory_space<semaphore_mem>>)
        %dma_wait3A = arith.constant 0 : i32
        %dma_wait3A_135 = arith.constant 0 : i32
        %dma_wait3A_136 = tpu.memref_slice %arg11[%dma_wait3A, %dma_wait3A_135] : memref<125x128xf32, #tpu.memory_space<vmem>> -> memref<40x128xf32, #tpu.memory_space<vmem>>
        %dma_wait3A_137 = arith.constant 0 : i32
        %dma_wait3A_138 = tpu.memref_slice %arg8[%add3A_30, %dma_wait3A_137] : memref<10240x128xf32, #tpu.memory_space<vmem_shared>> -> memref<40x128xf32, #tpu.memory_space<vmem_shared>>
        %dma_wait3A_139 = arith.constant 0 : i32
        %dma_wait3A_140 = tpu.memref_slice %arg8[%add3A_30, %dma_wait3A_139] : memref<10240x128xf32, #tpu.memory_space<vmem_shared>> -> memref<40x128xf32, #tpu.memory_space<vmem_shared>>
        %dma_wait3A_141 = arith.constant 0 : i32
        %dma_wait3A_142 = arith.constant 0 : i32
        %dma_wait3A_143 = tpu.memref_slice %arg11[%dma_wait3A_141, %dma_wait3A_142] : memref<125x128xf32, #tpu.memory_space<vmem>> -> memref<40x128xf32, #tpu.memory_space<vmem>>
        tpu.wait_dma2 semaphore(%run_scoped3A_124 : memref<!tpu.dma_semaphore, #tpu.memory_space<semaphore_mem>>) src(%dma_wait3A_143 : memref<40x128xf32, #tpu.memory_space<vmem>>) dst(%dma_wait3A_140 : memref<40x128xf32, #tpu.memory_space<vmem_shared>>)
        tpu.yield
      }) : () -> ()
      %mul3A_31 = arith.constant 640 : i32
      %mul3A_32 = arith.muli %arg1, %mul3A_31 : i32
      %add3A_33 = arith.constant 200 : i32
      %add3A_34 = arith.addi %mul3A_32, %add3A_33 : i32
      "tpu.region"() ({
        %run_scoped3A_124 = tpu.sem_alloc : memref<!tpu.dma_semaphore, #tpu.memory_space<semaphore_mem>>
        %dma_start3A_125 = arith.constant 0 : i32
        %dma_start3A_126 = arith.constant 0 : i32
        %dma_start3A_127 = tpu.memref_slice %arg11[%dma_start3A_125, %dma_start3A_126] : memref<125x128xf32, #tpu.memory_space<vmem>> -> memref<40x128xf32, #tpu.memory_space<vmem>>
        %dma_start3A_128 = arith.constant 0 : i32
        %dma_start3A_129 = tpu.memref_slice %arg8[%add3A_34, %dma_start3A_128] : memref<10240x128xf32, #tpu.memory_space<vmem_shared>> -> memref<40x128xf32, #tpu.memory_space<vmem_shared>>
        %dma_start3A_130 = arith.constant 0 : i32
        %dma_start3A_131 = tpu.memref_slice %arg8[%add3A_34, %dma_start3A_130] : memref<10240x128xf32, #tpu.memory_space<vmem_shared>> -> memref<40x128xf32, #tpu.memory_space<vmem_shared>>
        %dma_start3A_132 = arith.constant 0 : i32
        %dma_start3A_133 = arith.constant 0 : i32
        %dma_start3A_134 = tpu.memref_slice %arg11[%dma_start3A_132, %dma_start3A_133] : memref<125x128xf32, #tpu.memory_space<vmem>> -> memref<40x128xf32, #tpu.memory_space<vmem>>
        tpu.enqueue_dma source(%dma_start3A_134 : memref<40x128xf32, #tpu.memory_space<vmem>>) target(%dma_start3A_131 : memref<40x128xf32, #tpu.memory_space<vmem_shared>>) target_semaphore(%run_scoped3A_124 : memref<!tpu.dma_semaphore, #tpu.memory_space<semaphore_mem>>)
        %dma_wait3A = arith.constant 0 : i32
        %dma_wait3A_135 = arith.constant 0 : i32
        %dma_wait3A_136 = tpu.memref_slice %arg11[%dma_wait3A, %dma_wait3A_135] : memref<125x128xf32, #tpu.memory_space<vmem>> -> memref<40x128xf32, #tpu.memory_space<vmem>>
        %dma_wait3A_137 = arith.constant 0 : i32
        %dma_wait3A_138 = tpu.memref_slice %arg8[%add3A_34, %dma_wait3A_137] : memref<10240x128xf32, #tpu.memory_space<vmem_shared>> -> memref<40x128xf32, #tpu.memory_space<vmem_shared>>
        %dma_wait3A_139 = arith.constant 0 : i32
        %dma_wait3A_140 = tpu.memref_slice %arg8[%add3A_34, %dma_wait3A_139] : memref<10240x128xf32, #tpu.memory_space<vmem_shared>> -> memref<40x128xf32, #tpu.memory_space<vmem_shared>>
        %dma_wait3A_141 = arith.constant 0 : i32
        %dma_wait3A_142 = arith.constant 0 : i32
        %dma_wait3A_143 = tpu.memref_slice %arg11[%dma_wait3A_141, %dma_wait3A_142] : memref<125x128xf32, #tpu.memory_space<vmem>> -> memref<40x128xf32, #tpu.memory_space<vmem>>
        tpu.wait_dma2 semaphore(%run_scoped3A_124 : memref<!tpu.dma_semaphore, #tpu.memory_space<semaphore_mem>>) src(%dma_wait3A_143 : memref<40x128xf32, #tpu.memory_space<vmem>>) dst(%dma_wait3A_140 : memref<40x128xf32, #tpu.memory_space<vmem_shared>>)
        tpu.yield
      }) : () -> ()
      %mul3A_35 = arith.constant 640 : i32
      %mul3A_36 = arith.muli %arg1, %mul3A_35 : i32
      %add3A_37 = arith.constant 240 : i32
      %add3A_38 = arith.addi %mul3A_36, %add3A_37 : i32
      "tpu.region"() ({
        %run_scoped3A_124 = tpu.sem_alloc : memref<!tpu.dma_semaphore, #tpu.memory_space<semaphore_mem>>
        %dma_start3A_125 = arith.constant 0 : i32
        %dma_start3A_126 = arith.constant 0 : i32
        %dma_start3A_127 = tpu.memref_slice %arg11[%dma_start3A_125, %dma_start3A_126] : memref<125x128xf32, #tpu.memory_space<vmem>> -> memref<40x128xf32, #tpu.memory_space<vmem>>
        %dma_start3A_128 = arith.constant 0 : i32
        %dma_start3A_129 = tpu.memref_slice %arg8[%add3A_38, %dma_start3A_128] : memref<10240x128xf32, #tpu.memory_space<vmem_shared>> -> memref<40x128xf32, #tpu.memory_space<vmem_shared>>
        %dma_start3A_130 = arith.constant 0 : i32
        %dma_start3A_131 = tpu.memref_slice %arg8[%add3A_38, %dma_start3A_130] : memref<10240x128xf32, #tpu.memory_space<vmem_shared>> -> memref<40x128xf32, #tpu.memory_space<vmem_shared>>
        %dma_start3A_132 = arith.constant 0 : i32
        %dma_start3A_133 = arith.constant 0 : i32
        %dma_start3A_134 = tpu.memref_slice %arg11[%dma_start3A_132, %dma_start3A_133] : memref<125x128xf32, #tpu.memory_space<vmem>> -> memref<40x128xf32, #tpu.memory_space<vmem>>
        tpu.enqueue_dma source(%dma_start3A_134 : memref<40x128xf32, #tpu.memory_space<vmem>>) target(%dma_start3A_131 : memref<40x128xf32, #tpu.memory_space<vmem_shared>>) target_semaphore(%run_scoped3A_124 : memref<!tpu.dma_semaphore, #tpu.memory_space<semaphore_mem>>)
        %dma_wait3A = arith.constant 0 : i32
        %dma_wait3A_135 = arith.constant 0 : i32
        %dma_wait3A_136 = tpu.memref_slice %arg11[%dma_wait3A, %dma_wait3A_135] : memref<125x128xf32, #tpu.memory_space<vmem>> -> memref<40x128xf32, #tpu.memory_space<vmem>>
        %dma_wait3A_137 = arith.constant 0 : i32
        %dma_wait3A_138 = tpu.memref_slice %arg8[%add3A_38, %dma_wait3A_137] : memref<10240x128xf32, #tpu.memory_space<vmem_shared>> -> memref<40x128xf32, #tpu.memory_space<vmem_shared>>
        %dma_wait3A_139 = arith.constant 0 : i32
        %dma_wait3A_140 = tpu.memref_slice %arg8[%add3A_38, %dma_wait3A_139] : memref<10240x128xf32, #tpu.memory_space<vmem_shared>> -> memref<40x128xf32, #tpu.memory_space<vmem_shared>>
        %dma_wait3A_141 = arith.constant 0 : i32
        %dma_wait3A_142 = arith.constant 0 : i32
        %dma_wait3A_143 = tpu.memref_slice %arg11[%dma_wait3A_141, %dma_wait3A_142] : memref<125x128xf32, #tpu.memory_space<vmem>> -> memref<40x128xf32, #tpu.memory_space<vmem>>
        tpu.wait_dma2 semaphore(%run_scoped3A_124 : memref<!tpu.dma_semaphore, #tpu.memory_space<semaphore_mem>>) src(%dma_wait3A_143 : memref<40x128xf32, #tpu.memory_space<vmem>>) dst(%dma_wait3A_140 : memref<40x128xf32, #tpu.memory_space<vmem_shared>>)
        tpu.yield
      }) : () -> ()
      %mul3A_39 = arith.constant 640 : i32
      %mul3A_40 = arith.muli %arg1, %mul3A_39 : i32
      %add3A_41 = arith.constant 280 : i32
      %add3A_42 = arith.addi %mul3A_40, %add3A_41 : i32
      "tpu.region"() ({
        %run_scoped3A_124 = tpu.sem_alloc : memref<!tpu.dma_semaphore, #tpu.memory_space<semaphore_mem>>
        %dma_start3A_125 = arith.constant 0 : i32
        %dma_start3A_126 = arith.constant 0 : i32
        %dma_start3A_127 = tpu.memref_slice %arg11[%dma_start3A_125, %dma_start3A_126] : memref<125x128xf32, #tpu.memory_space<vmem>> -> memref<40x128xf32, #tpu.memory_space<vmem>>
        %dma_start3A_128 = arith.constant 0 : i32
        %dma_start3A_129 = tpu.memref_slice %arg8[%add3A_42, %dma_start3A_128] : memref<10240x128xf32, #tpu.memory_space<vmem_shared>> -> memref<40x128xf32, #tpu.memory_space<vmem_shared>>
        %dma_start3A_130 = arith.constant 0 : i32
        %dma_start3A_131 = tpu.memref_slice %arg8[%add3A_42, %dma_start3A_130] : memref<10240x128xf32, #tpu.memory_space<vmem_shared>> -> memref<40x128xf32, #tpu.memory_space<vmem_shared>>
        %dma_start3A_132 = arith.constant 0 : i32
        %dma_start3A_133 = arith.constant 0 : i32
        %dma_start3A_134 = tpu.memref_slice %arg11[%dma_start3A_132, %dma_start3A_133] : memref<125x128xf32, #tpu.memory_space<vmem>> -> memref<40x128xf32, #tpu.memory_space<vmem>>
        tpu.enqueue_dma source(%dma_start3A_134 : memref<40x128xf32, #tpu.memory_space<vmem>>) target(%dma_start3A_131 : memref<40x128xf32, #tpu.memory_space<vmem_shared>>) target_semaphore(%run_scoped3A_124 : memref<!tpu.dma_semaphore, #tpu.memory_space<semaphore_mem>>)
        %dma_wait3A = arith.constant 0 : i32
        %dma_wait3A_135 = arith.constant 0 : i32
        %dma_wait3A_136 = tpu.memref_slice %arg11[%dma_wait3A, %dma_wait3A_135] : memref<125x128xf32, #tpu.memory_space<vmem>> -> memref<40x128xf32, #tpu.memory_space<vmem>>
        %dma_wait3A_137 = arith.constant 0 : i32
        %dma_wait3A_138 = tpu.memref_slice %arg8[%add3A_42, %dma_wait3A_137] : memref<10240x128xf32, #tpu.memory_space<vmem_shared>> -> memref<40x128xf32, #tpu.memory_space<vmem_shared>>
        %dma_wait3A_139 = arith.constant 0 : i32
        %dma_wait3A_140 = tpu.memref_slice %arg8[%add3A_42, %dma_wait3A_139] : memref<10240x128xf32, #tpu.memory_space<vmem_shared>> -> memref<40x128xf32, #tpu.memory_space<vmem_shared>>
        %dma_wait3A_141 = arith.constant 0 : i32
        %dma_wait3A_142 = arith.constant 0 : i32
        %dma_wait3A_143 = tpu.memref_slice %arg11[%dma_wait3A_141, %dma_wait3A_142] : memref<125x128xf32, #tpu.memory_space<vmem>> -> memref<40x128xf32, #tpu.memory_space<vmem>>
        tpu.wait_dma2 semaphore(%run_scoped3A_124 : memref<!tpu.dma_semaphore, #tpu.memory_space<semaphore_mem>>) src(%dma_wait3A_143 : memref<40x128xf32, #tpu.memory_space<vmem>>) dst(%dma_wait3A_140 : memref<40x128xf32, #tpu.memory_space<vmem_shared>>)
        tpu.yield
      }) : () -> ()
      %mul3A_43 = arith.constant 640 : i32
      %mul3A_44 = arith.muli %arg1, %mul3A_43 : i32
      %add3A_45 = arith.constant 320 : i32
      %add3A_46 = arith.addi %mul3A_44, %add3A_45 : i32
      "tpu.region"() ({
        %run_scoped3A_124 = tpu.sem_alloc : memref<!tpu.dma_semaphore, #tpu.memory_space<semaphore_mem>>
        %dma_start3A_125 = arith.constant 0 : i32
        %dma_start3A_126 = arith.constant 0 : i32
        %dma_start3A_127 = tpu.memref_slice %arg11[%dma_start3A_125, %dma_start3A_126] : memref<125x128xf32, #tpu.memory_space<vmem>> -> memref<40x128xf32, #tpu.memory_space<vmem>>
        %dma_start3A_128 = arith.constant 0 : i32
        %dma_start3A_129 = tpu.memref_slice %arg8[%add3A_46, %dma_start3A_128] : memref<10240x128xf32, #tpu.memory_space<vmem_shared>> -> memref<40x128xf32, #tpu.memory_space<vmem_shared>>
        %dma_start3A_130 = arith.constant 0 : i32
        %dma_start3A_131 = tpu.memref_slice %arg8[%add3A_46, %dma_start3A_130] : memref<10240x128xf32, #tpu.memory_space<vmem_shared>> -> memref<40x128xf32, #tpu.memory_space<vmem_shared>>
        %dma_start3A_132 = arith.constant 0 : i32
        %dma_start3A_133 = arith.constant 0 : i32
        %dma_start3A_134 = tpu.memref_slice %arg11[%dma_start3A_132, %dma_start3A_133] : memref<125x128xf32, #tpu.memory_space<vmem>> -> memref<40x128xf32, #tpu.memory_space<vmem>>
        tpu.enqueue_dma source(%dma_start3A_134 : memref<40x128xf32, #tpu.memory_space<vmem>>) target(%dma_start3A_131 : memref<40x128xf32, #tpu.memory_space<vmem_shared>>) target_semaphore(%run_scoped3A_124 : memref<!tpu.dma_semaphore, #tpu.memory_space<semaphore_mem>>)
        %dma_wait3A = arith.constant 0 : i32
        %dma_wait3A_135 = arith.constant 0 : i32
        %dma_wait3A_136 = tpu.memref_slice %arg11[%dma_wait3A, %dma_wait3A_135] : memref<125x128xf32, #tpu.memory_space<vmem>> -> memref<40x128xf32, #tpu.memory_space<vmem>>
        %dma_wait3A_137 = arith.constant 0 : i32
        %dma_wait3A_138 = tpu.memref_slice %arg8[%add3A_46, %dma_wait3A_137] : memref<10240x128xf32, #tpu.memory_space<vmem_shared>> -> memref<40x128xf32, #tpu.memory_space<vmem_shared>>
        %dma_wait3A_139 = arith.constant 0 : i32
        %dma_wait3A_140 = tpu.memref_slice %arg8[%add3A_46, %dma_wait3A_139] : memref<10240x128xf32, #tpu.memory_space<vmem_shared>> -> memref<40x128xf32, #tpu.memory_space<vmem_shared>>
        %dma_wait3A_141 = arith.constant 0 : i32
        %dma_wait3A_142 = arith.constant 0 : i32
        %dma_wait3A_143 = tpu.memref_slice %arg11[%dma_wait3A_141, %dma_wait3A_142] : memref<125x128xf32, #tpu.memory_space<vmem>> -> memref<40x128xf32, #tpu.memory_space<vmem>>
        tpu.wait_dma2 semaphore(%run_scoped3A_124 : memref<!tpu.dma_semaphore, #tpu.memory_space<semaphore_mem>>) src(%dma_wait3A_143 : memref<40x128xf32, #tpu.memory_space<vmem>>) dst(%dma_wait3A_140 : memref<40x128xf32, #tpu.memory_space<vmem_shared>>)
        tpu.yield
      }) : () -> ()
      %mul3A_47 = arith.constant 640 : i32
      %mul3A_48 = arith.muli %arg1, %mul3A_47 : i32
      %add3A_49 = arith.constant 360 : i32
      %add3A_50 = arith.addi %mul3A_48, %add3A_49 : i32
      "tpu.region"() ({
        %run_scoped3A_124 = tpu.sem_alloc : memref<!tpu.dma_semaphore, #tpu.memory_space<semaphore_mem>>
        %dma_start3A_125 = arith.constant 0 : i32
        %dma_start3A_126 = arith.constant 0 : i32
        %dma_start3A_127 = tpu.memref_slice %arg11[%dma_start3A_125, %dma_start3A_126] : memref<125x128xf32, #tpu.memory_space<vmem>> -> memref<40x128xf32, #tpu.memory_space<vmem>>
        %dma_start3A_128 = arith.constant 0 : i32
        %dma_start3A_129 = tpu.memref_slice %arg8[%add3A_50, %dma_start3A_128] : memref<10240x128xf32, #tpu.memory_space<vmem_shared>> -> memref<40x128xf32, #tpu.memory_space<vmem_shared>>
        %dma_start3A_130 = arith.constant 0 : i32
        %dma_start3A_131 = tpu.memref_slice %arg8[%add3A_50, %dma_start3A_130] : memref<10240x128xf32, #tpu.memory_space<vmem_shared>> -> memref<40x128xf32, #tpu.memory_space<vmem_shared>>
        %dma_start3A_132 = arith.constant 0 : i32
        %dma_start3A_133 = arith.constant 0 : i32
        %dma_start3A_134 = tpu.memref_slice %arg11[%dma_start3A_132, %dma_start3A_133] : memref<125x128xf32, #tpu.memory_space<vmem>> -> memref<40x128xf32, #tpu.memory_space<vmem>>
        tpu.enqueue_dma source(%dma_start3A_134 : memref<40x128xf32, #tpu.memory_space<vmem>>) target(%dma_start3A_131 : memref<40x128xf32, #tpu.memory_space<vmem_shared>>) target_semaphore(%run_scoped3A_124 : memref<!tpu.dma_semaphore, #tpu.memory_space<semaphore_mem>>)
        %dma_wait3A = arith.constant 0 : i32
        %dma_wait3A_135 = arith.constant 0 : i32
        %dma_wait3A_136 = tpu.memref_slice %arg11[%dma_wait3A, %dma_wait3A_135] : memref<125x128xf32, #tpu.memory_space<vmem>> -> memref<40x128xf32, #tpu.memory_space<vmem>>
        %dma_wait3A_137 = arith.constant 0 : i32
        %dma_wait3A_138 = tpu.memref_slice %arg8[%add3A_50, %dma_wait3A_137] : memref<10240x128xf32, #tpu.memory_space<vmem_shared>> -> memref<40x128xf32, #tpu.memory_space<vmem_shared>>
        %dma_wait3A_139 = arith.constant 0 : i32
        %dma_wait3A_140 = tpu.memref_slice %arg8[%add3A_50, %dma_wait3A_139] : memref<10240x128xf32, #tpu.memory_space<vmem_shared>> -> memref<40x128xf32, #tpu.memory_space<vmem_shared>>
        %dma_wait3A_141 = arith.constant 0 : i32
        %dma_wait3A_142 = arith.constant 0 : i32
        %dma_wait3A_143 = tpu.memref_slice %arg11[%dma_wait3A_141, %dma_wait3A_142] : memref<125x128xf32, #tpu.memory_space<vmem>> -> memref<40x128xf32, #tpu.memory_space<vmem>>
        tpu.wait_dma2 semaphore(%run_scoped3A_124 : memref<!tpu.dma_semaphore, #tpu.memory_space<semaphore_mem>>) src(%dma_wait3A_143 : memref<40x128xf32, #tpu.memory_space<vmem>>) dst(%dma_wait3A_140 : memref<40x128xf32, #tpu.memory_space<vmem_shared>>)
        tpu.yield
      }) : () -> ()
      %mul3A_51 = arith.constant 640 : i32
      %mul3A_52 = arith.muli %arg1, %mul3A_51 : i32
      %add3A_53 = arith.constant 400 : i32
      %add3A_54 = arith.addi %mul3A_52, %add3A_53 : i32
      "tpu.region"() ({
        %run_scoped3A_124 = tpu.sem_alloc : memref<!tpu.dma_semaphore, #tpu.memory_space<semaphore_mem>>
        %dma_start3A_125 = arith.constant 0 : i32
        %dma_start3A_126 = arith.constant 0 : i32
        %dma_start3A_127 = tpu.memref_slice %arg11[%dma_start3A_125, %dma_start3A_126] : memref<125x128xf32, #tpu.memory_space<vmem>> -> memref<40x128xf32, #tpu.memory_space<vmem>>
        %dma_start3A_128 = arith.constant 0 : i32
        %dma_start3A_129 = tpu.memref_slice %arg8[%add3A_54, %dma_start3A_128] : memref<10240x128xf32, #tpu.memory_space<vmem_shared>> -> memref<40x128xf32, #tpu.memory_space<vmem_shared>>
        %dma_start3A_130 = arith.constant 0 : i32
        %dma_start3A_131 = tpu.memref_slice %arg8[%add3A_54, %dma_start3A_130] : memref<10240x128xf32, #tpu.memory_space<vmem_shared>> -> memref<40x128xf32, #tpu.memory_space<vmem_shared>>
        %dma_start3A_132 = arith.constant 0 : i32
        %dma_start3A_133 = arith.constant 0 : i32
        %dma_start3A_134 = tpu.memref_slice %arg11[%dma_start3A_132, %dma_start3A_133] : memref<125x128xf32, #tpu.memory_space<vmem>> -> memref<40x128xf32, #tpu.memory_space<vmem>>
        tpu.enqueue_dma source(%dma_start3A_134 : memref<40x128xf32, #tpu.memory_space<vmem>>) target(%dma_start3A_131 : memref<40x128xf32, #tpu.memory_space<vmem_shared>>) target_semaphore(%run_scoped3A_124 : memref<!tpu.dma_semaphore, #tpu.memory_space<semaphore_mem>>)
        %dma_wait3A = arith.constant 0 : i32
        %dma_wait3A_135 = arith.constant 0 : i32
        %dma_wait3A_136 = tpu.memref_slice %arg11[%dma_wait3A, %dma_wait3A_135] : memref<125x128xf32, #tpu.memory_space<vmem>> -> memref<40x128xf32, #tpu.memory_space<vmem>>
        %dma_wait3A_137 = arith.constant 0 : i32
        %dma_wait3A_138 = tpu.memref_slice %arg8[%add3A_54, %dma_wait3A_137] : memref<10240x128xf32, #tpu.memory_space<vmem_shared>> -> memref<40x128xf32, #tpu.memory_space<vmem_shared>>
        %dma_wait3A_139 = arith.constant 0 : i32
        %dma_wait3A_140 = tpu.memref_slice %arg8[%add3A_54, %dma_wait3A_139] : memref<10240x128xf32, #tpu.memory_space<vmem_shared>> -> memref<40x128xf32, #tpu.memory_space<vmem_shared>>
        %dma_wait3A_141 = arith.constant 0 : i32
        %dma_wait3A_142 = arith.constant 0 : i32
        %dma_wait3A_143 = tpu.memref_slice %arg11[%dma_wait3A_141, %dma_wait3A_142] : memref<125x128xf32, #tpu.memory_space<vmem>> -> memref<40x128xf32, #tpu.memory_space<vmem>>
        tpu.wait_dma2 semaphore(%run_scoped3A_124 : memref<!tpu.dma_semaphore, #tpu.memory_space<semaphore_mem>>) src(%dma_wait3A_143 : memref<40x128xf32, #tpu.memory_space<vmem>>) dst(%dma_wait3A_140 : memref<40x128xf32, #tpu.memory_space<vmem_shared>>)
        tpu.yield
      }) : () -> ()
      %mul3A_55 = arith.constant 640 : i32
      %mul3A_56 = arith.muli %arg1, %mul3A_55 : i32
      %add3A_57 = arith.constant 440 : i32
      %add3A_58 = arith.addi %mul3A_56, %add3A_57 : i32
      "tpu.region"() ({
        %run_scoped3A_124 = tpu.sem_alloc : memref<!tpu.dma_semaphore, #tpu.memory_space<semaphore_mem>>
        %dma_start3A_125 = arith.constant 0 : i32
        %dma_start3A_126 = arith.constant 0 : i32
        %dma_start3A_127 = tpu.memref_slice %arg11[%dma_start3A_125, %dma_start3A_126] : memref<125x128xf32, #tpu.memory_space<vmem>> -> memref<40x128xf32, #tpu.memory_space<vmem>>
        %dma_start3A_128 = arith.constant 0 : i32
        %dma_start3A_129 = tpu.memref_slice %arg8[%add3A_58, %dma_start3A_128] : memref<10240x128xf32, #tpu.memory_space<vmem_shared>> -> memref<40x128xf32, #tpu.memory_space<vmem_shared>>
        %dma_start3A_130 = arith.constant 0 : i32
        %dma_start3A_131 = tpu.memref_slice %arg8[%add3A_58, %dma_start3A_130] : memref<10240x128xf32, #tpu.memory_space<vmem_shared>> -> memref<40x128xf32, #tpu.memory_space<vmem_shared>>
        %dma_start3A_132 = arith.constant 0 : i32
        %dma_start3A_133 = arith.constant 0 : i32
        %dma_start3A_134 = tpu.memref_slice %arg11[%dma_start3A_132, %dma_start3A_133] : memref<125x128xf32, #tpu.memory_space<vmem>> -> memref<40x128xf32, #tpu.memory_space<vmem>>
        tpu.enqueue_dma source(%dma_start3A_134 : memref<40x128xf32, #tpu.memory_space<vmem>>) target(%dma_start3A_131 : memref<40x128xf32, #tpu.memory_space<vmem_shared>>) target_semaphore(%run_scoped3A_124 : memref<!tpu.dma_semaphore, #tpu.memory_space<semaphore_mem>>)
        %dma_wait3A = arith.constant 0 : i32
        %dma_wait3A_135 = arith.constant 0 : i32
        %dma_wait3A_136 = tpu.memref_slice %arg11[%dma_wait3A, %dma_wait3A_135] : memref<125x128xf32, #tpu.memory_space<vmem>> -> memref<40x128xf32, #tpu.memory_space<vmem>>
        %dma_wait3A_137 = arith.constant 0 : i32
        %dma_wait3A_138 = tpu.memref_slice %arg8[%add3A_58, %dma_wait3A_137] : memref<10240x128xf32, #tpu.memory_space<vmem_shared>> -> memref<40x128xf32, #tpu.memory_space<vmem_shared>>
        %dma_wait3A_139 = arith.constant 0 : i32
        %dma_wait3A_140 = tpu.memref_slice %arg8[%add3A_58, %dma_wait3A_139] : memref<10240x128xf32, #tpu.memory_space<vmem_shared>> -> memref<40x128xf32, #tpu.memory_space<vmem_shared>>
        %dma_wait3A_141 = arith.constant 0 : i32
        %dma_wait3A_142 = arith.constant 0 : i32
        %dma_wait3A_143 = tpu.memref_slice %arg11[%dma_wait3A_141, %dma_wait3A_142] : memref<125x128xf32, #tpu.memory_space<vmem>> -> memref<40x128xf32, #tpu.memory_space<vmem>>
        tpu.wait_dma2 semaphore(%run_scoped3A_124 : memref<!tpu.dma_semaphore, #tpu.memory_space<semaphore_mem>>) src(%dma_wait3A_143 : memref<40x128xf32, #tpu.memory_space<vmem>>) dst(%dma_wait3A_140 : memref<40x128xf32, #tpu.memory_space<vmem_shared>>)
        tpu.yield
      }) : () -> ()
      %mul3A_59 = arith.constant 640 : i32
      %mul3A_60 = arith.muli %arg1, %mul3A_59 : i32
      %add3A_61 = arith.constant 480 : i32
      %add3A_62 = arith.addi %mul3A_60, %add3A_61 : i32
      "tpu.region"() ({
        %run_scoped3A_124 = tpu.sem_alloc : memref<!tpu.dma_semaphore, #tpu.memory_space<semaphore_mem>>
        %dma_start3A_125 = arith.constant 0 : i32
        %dma_start3A_126 = arith.constant 0 : i32
        %dma_start3A_127 = tpu.memref_slice %arg11[%dma_start3A_125, %dma_start3A_126] : memref<125x128xf32, #tpu.memory_space<vmem>> -> memref<40x128xf32, #tpu.memory_space<vmem>>
        %dma_start3A_128 = arith.constant 0 : i32
        %dma_start3A_129 = tpu.memref_slice %arg8[%add3A_62, %dma_start3A_128] : memref<10240x128xf32, #tpu.memory_space<vmem_shared>> -> memref<40x128xf32, #tpu.memory_space<vmem_shared>>
        %dma_start3A_130 = arith.constant 0 : i32
        %dma_start3A_131 = tpu.memref_slice %arg8[%add3A_62, %dma_start3A_130] : memref<10240x128xf32, #tpu.memory_space<vmem_shared>> -> memref<40x128xf32, #tpu.memory_space<vmem_shared>>
        %dma_start3A_132 = arith.constant 0 : i32
        %dma_start3A_133 = arith.constant 0 : i32
        %dma_start3A_134 = tpu.memref_slice %arg11[%dma_start3A_132, %dma_start3A_133] : memref<125x128xf32, #tpu.memory_space<vmem>> -> memref<40x128xf32, #tpu.memory_space<vmem>>
        tpu.enqueue_dma source(%dma_start3A_134 : memref<40x128xf32, #tpu.memory_space<vmem>>) target(%dma_start3A_131 : memref<40x128xf32, #tpu.memory_space<vmem_shared>>) target_semaphore(%run_scoped3A_124 : memref<!tpu.dma_semaphore, #tpu.memory_space<semaphore_mem>>)
        %dma_wait3A = arith.constant 0 : i32
        %dma_wait3A_135 = arith.constant 0 : i32
        %dma_wait3A_136 = tpu.memref_slice %arg11[%dma_wait3A, %dma_wait3A_135] : memref<125x128xf32, #tpu.memory_space<vmem>> -> memref<40x128xf32, #tpu.memory_space<vmem>>
        %dma_wait3A_137 = arith.constant 0 : i32
        %dma_wait3A_138 = tpu.memref_slice %arg8[%add3A_62, %dma_wait3A_137] : memref<10240x128xf32, #tpu.memory_space<vmem_shared>> -> memref<40x128xf32, #tpu.memory_space<vmem_shared>>
        %dma_wait3A_139 = arith.constant 0 : i32
        %dma_wait3A_140 = tpu.memref_slice %arg8[%add3A_62, %dma_wait3A_139] : memref<10240x128xf32, #tpu.memory_space<vmem_shared>> -> memref<40x128xf32, #tpu.memory_space<vmem_shared>>
        %dma_wait3A_141 = arith.constant 0 : i32
        %dma_wait3A_142 = arith.constant 0 : i32
        %dma_wait3A_143 = tpu.memref_slice %arg11[%dma_wait3A_141, %dma_wait3A_142] : memref<125x128xf32, #tpu.memory_space<vmem>> -> memref<40x128xf32, #tpu.memory_space<vmem>>
        tpu.wait_dma2 semaphore(%run_scoped3A_124 : memref<!tpu.dma_semaphore, #tpu.memory_space<semaphore_mem>>) src(%dma_wait3A_143 : memref<40x128xf32, #tpu.memory_space<vmem>>) dst(%dma_wait3A_140 : memref<40x128xf32, #tpu.memory_space<vmem_shared>>)
        tpu.yield
      }) : () -> ()
      %mul3A_63 = arith.constant 640 : i32
      %mul3A_64 = arith.muli %arg1, %mul3A_63 : i32
      %add3A_65 = arith.constant 520 : i32
      %add3A_66 = arith.addi %mul3A_64, %add3A_65 : i32
      "tpu.region"() ({
        %run_scoped3A_124 = tpu.sem_alloc : memref<!tpu.dma_semaphore, #tpu.memory_space<semaphore_mem>>
        %dma_start3A_125 = arith.constant 0 : i32
        %dma_start3A_126 = arith.constant 0 : i32
        %dma_start3A_127 = tpu.memref_slice %arg11[%dma_start3A_125, %dma_start3A_126] : memref<125x128xf32, #tpu.memory_space<vmem>> -> memref<40x128xf32, #tpu.memory_space<vmem>>
        %dma_start3A_128 = arith.constant 0 : i32
        %dma_start3A_129 = tpu.memref_slice %arg8[%add3A_66, %dma_start3A_128] : memref<10240x128xf32, #tpu.memory_space<vmem_shared>> -> memref<40x128xf32, #tpu.memory_space<vmem_shared>>
        %dma_start3A_130 = arith.constant 0 : i32
        %dma_start3A_131 = tpu.memref_slice %arg8[%add3A_66, %dma_start3A_130] : memref<10240x128xf32, #tpu.memory_space<vmem_shared>> -> memref<40x128xf32, #tpu.memory_space<vmem_shared>>
        %dma_start3A_132 = arith.constant 0 : i32
        %dma_start3A_133 = arith.constant 0 : i32
        %dma_start3A_134 = tpu.memref_slice %arg11[%dma_start3A_132, %dma_start3A_133] : memref<125x128xf32, #tpu.memory_space<vmem>> -> memref<40x128xf32, #tpu.memory_space<vmem>>
        tpu.enqueue_dma source(%dma_start3A_134 : memref<40x128xf32, #tpu.memory_space<vmem>>) target(%dma_start3A_131 : memref<40x128xf32, #tpu.memory_space<vmem_shared>>) target_semaphore(%run_scoped3A_124 : memref<!tpu.dma_semaphore, #tpu.memory_space<semaphore_mem>>)
        %dma_wait3A = arith.constant 0 : i32
        %dma_wait3A_135 = arith.constant 0 : i32
        %dma_wait3A_136 = tpu.memref_slice %arg11[%dma_wait3A, %dma_wait3A_135] : memref<125x128xf32, #tpu.memory_space<vmem>> -> memref<40x128xf32, #tpu.memory_space<vmem>>
        %dma_wait3A_137 = arith.constant 0 : i32
        %dma_wait3A_138 = tpu.memref_slice %arg8[%add3A_66, %dma_wait3A_137] : memref<10240x128xf32, #tpu.memory_space<vmem_shared>> -> memref<40x128xf32, #tpu.memory_space<vmem_shared>>
        %dma_wait3A_139 = arith.constant 0 : i32
        %dma_wait3A_140 = tpu.memref_slice %arg8[%add3A_66, %dma_wait3A_139] : memref<10240x128xf32, #tpu.memory_space<vmem_shared>> -> memref<40x128xf32, #tpu.memory_space<vmem_shared>>
        %dma_wait3A_141 = arith.constant 0 : i32
        %dma_wait3A_142 = arith.constant 0 : i32
        %dma_wait3A_143 = tpu.memref_slice %arg11[%dma_wait3A_141, %dma_wait3A_142] : memref<125x128xf32, #tpu.memory_space<vmem>> -> memref<40x128xf32, #tpu.memory_space<vmem>>
        tpu.wait_dma2 semaphore(%run_scoped3A_124 : memref<!tpu.dma_semaphore, #tpu.memory_space<semaphore_mem>>) src(%dma_wait3A_143 : memref<40x128xf32, #tpu.memory_space<vmem>>) dst(%dma_wait3A_140 : memref<40x128xf32, #tpu.memory_space<vmem_shared>>)
        tpu.yield
      }) : () -> ()
      %mul3A_67 = arith.constant 640 : i32
      %mul3A_68 = arith.muli %arg1, %mul3A_67 : i32
      %add3A_69 = arith.constant 560 : i32
      %add3A_70 = arith.addi %mul3A_68, %add3A_69 : i32
      "tpu.region"() ({
        %run_scoped3A_124 = tpu.sem_alloc : memref<!tpu.dma_semaphore, #tpu.memory_space<semaphore_mem>>
        %dma_start3A_125 = arith.constant 0 : i32
        %dma_start3A_126 = arith.constant 0 : i32
        %dma_start3A_127 = tpu.memref_slice %arg11[%dma_start3A_125, %dma_start3A_126] : memref<125x128xf32, #tpu.memory_space<vmem>> -> memref<40x128xf32, #tpu.memory_space<vmem>>
        %dma_start3A_128 = arith.constant 0 : i32
        %dma_start3A_129 = tpu.memref_slice %arg8[%add3A_70, %dma_start3A_128] : memref<10240x128xf32, #tpu.memory_space<vmem_shared>> -> memref<40x128xf32, #tpu.memory_space<vmem_shared>>
        %dma_start3A_130 = arith.constant 0 : i32
        %dma_start3A_131 = tpu.memref_slice %arg8[%add3A_70, %dma_start3A_130] : memref<10240x128xf32, #tpu.memory_space<vmem_shared>> -> memref<40x128xf32, #tpu.memory_space<vmem_shared>>
        %dma_start3A_132 = arith.constant 0 : i32
        %dma_start3A_133 = arith.constant 0 : i32
        %dma_start3A_134 = tpu.memref_slice %arg11[%dma_start3A_132, %dma_start3A_133] : memref<125x128xf32, #tpu.memory_space<vmem>> -> memref<40x128xf32, #tpu.memory_space<vmem>>
        tpu.enqueue_dma source(%dma_start3A_134 : memref<40x128xf32, #tpu.memory_space<vmem>>) target(%dma_start3A_131 : memref<40x128xf32, #tpu.memory_space<vmem_shared>>) target_semaphore(%run_scoped3A_124 : memref<!tpu.dma_semaphore, #tpu.memory_space<semaphore_mem>>)
        %dma_wait3A = arith.constant 0 : i32
        %dma_wait3A_135 = arith.constant 0 : i32
        %dma_wait3A_136 = tpu.memref_slice %arg11[%dma_wait3A, %dma_wait3A_135] : memref<125x128xf32, #tpu.memory_space<vmem>> -> memref<40x128xf32, #tpu.memory_space<vmem>>
        %dma_wait3A_137 = arith.constant 0 : i32
        %dma_wait3A_138 = tpu.memref_slice %arg8[%add3A_70, %dma_wait3A_137] : memref<10240x128xf32, #tpu.memory_space<vmem_shared>> -> memref<40x128xf32, #tpu.memory_space<vmem_shared>>
        %dma_wait3A_139 = arith.constant 0 : i32
        %dma_wait3A_140 = tpu.memref_slice %arg8[%add3A_70, %dma_wait3A_139] : memref<10240x128xf32, #tpu.memory_space<vmem_shared>> -> memref<40x128xf32, #tpu.memory_space<vmem_shared>>
        %dma_wait3A_141 = arith.constant 0 : i32
        %dma_wait3A_142 = arith.constant 0 : i32
        %dma_wait3A_143 = tpu.memref_slice %arg11[%dma_wait3A_141, %dma_wait3A_142] : memref<125x128xf32, #tpu.memory_space<vmem>> -> memref<40x128xf32, #tpu.memory_space<vmem>>
        tpu.wait_dma2 semaphore(%run_scoped3A_124 : memref<!tpu.dma_semaphore, #tpu.memory_space<semaphore_mem>>) src(%dma_wait3A_143 : memref<40x128xf32, #tpu.memory_space<vmem>>) dst(%dma_wait3A_140 : memref<40x128xf32, #tpu.memory_space<vmem_shared>>)
        tpu.yield
      }) : () -> ()
      %mul3A_71 = arith.constant 640 : i32
      %mul3A_72 = arith.muli %arg1, %mul3A_71 : i32
      %add3A_73 = arith.constant 600 : i32
      %add3A_74 = arith.addi %mul3A_72, %add3A_73 : i32
      "tpu.region"() ({
        %run_scoped3A_124 = tpu.sem_alloc : memref<!tpu.dma_semaphore, #tpu.memory_space<semaphore_mem>>
        %dma_start3A_125 = arith.constant 0 : i32
        %dma_start3A_126 = arith.constant 0 : i32
        %dma_start3A_127 = tpu.memref_slice %arg11[%dma_start3A_125, %dma_start3A_126] : memref<125x128xf32, #tpu.memory_space<vmem>> -> memref<40x128xf32, #tpu.memory_space<vmem>>
        %dma_start3A_128 = arith.constant 0 : i32
        %dma_start3A_129 = tpu.memref_slice %arg8[%add3A_74, %dma_start3A_128] : memref<10240x128xf32, #tpu.memory_space<vmem_shared>> -> memref<40x128xf32, #tpu.memory_space<vmem_shared>>
        %dma_start3A_130 = arith.constant 0 : i32
        %dma_start3A_131 = tpu.memref_slice %arg8[%add3A_74, %dma_start3A_130] : memref<10240x128xf32, #tpu.memory_space<vmem_shared>> -> memref<40x128xf32, #tpu.memory_space<vmem_shared>>
        %dma_start3A_132 = arith.constant 0 : i32
        %dma_start3A_133 = arith.constant 0 : i32
        %dma_start3A_134 = tpu.memref_slice %arg11[%dma_start3A_132, %dma_start3A_133] : memref<125x128xf32, #tpu.memory_space<vmem>> -> memref<40x128xf32, #tpu.memory_space<vmem>>
        tpu.enqueue_dma source(%dma_start3A_134 : memref<40x128xf32, #tpu.memory_space<vmem>>) target(%dma_start3A_131 : memref<40x128xf32, #tpu.memory_space<vmem_shared>>) target_semaphore(%run_scoped3A_124 : memref<!tpu.dma_semaphore, #tpu.memory_space<semaphore_mem>>)
        %dma_wait3A = arith.constant 0 : i32
        %dma_wait3A_135 = arith.constant 0 : i32
        %dma_wait3A_136 = tpu.memref_slice %arg11[%dma_wait3A, %dma_wait3A_135] : memref<125x128xf32, #tpu.memory_space<vmem>> -> memref<40x128xf32, #tpu.memory_space<vmem>>
        %dma_wait3A_137 = arith.constant 0 : i32
        %dma_wait3A_138 = tpu.memref_slice %arg8[%add3A_74, %dma_wait3A_137] : memref<10240x128xf32, #tpu.memory_space<vmem_shared>> -> memref<40x128xf32, #tpu.memory_space<vmem_shared>>
        %dma_wait3A_139 = arith.constant 0 : i32
        %dma_wait3A_140 = tpu.memref_slice %arg8[%add3A_74, %dma_wait3A_139] : memref<10240x128xf32, #tpu.memory_space<vmem_shared>> -> memref<40x128xf32, #tpu.memory_space<vmem_shared>>
        %dma_wait3A_141 = arith.constant 0 : i32
        %dma_wait3A_142 = arith.constant 0 : i32
        %dma_wait3A_143 = tpu.memref_slice %arg11[%dma_wait3A_141, %dma_wait3A_142] : memref<125x128xf32, #tpu.memory_space<vmem>> -> memref<40x128xf32, #tpu.memory_space<vmem>>
        tpu.wait_dma2 semaphore(%run_scoped3A_124 : memref<!tpu.dma_semaphore, #tpu.memory_space<semaphore_mem>>) src(%dma_wait3A_143 : memref<40x128xf32, #tpu.memory_space<vmem>>) dst(%dma_wait3A_140 : memref<40x128xf32, #tpu.memory_space<vmem_shared>>)
        tpu.yield
      }) : () -> ()
      %barrier3A = arith.constant 0 : index
      tpu.barrier barrier_id(%barrier3A)
      %run_scoped3A = arith.constant 0 : i32
      "tpu.region"() ({
        %run_scoped3A_124 = tpu.sem_alloc : memref<!tpu.dma_semaphore, #tpu.memory_space<semaphore_mem>>
        %dma_start3A_125 = arith.constant 0 : i32
        %dma_start3A_126 = arith.constant 0 : i32
        %dma_start3A_127 = tpu.memref_slice %arg4[%arg1, %run_scoped3A, %dma_start3A_125, %dma_start3A_126] : memref<16x2x40x125xi32, #tpu.memory_space<hbm>> -> memref<1x1x40x125xi32, #tpu.memory_space<hbm>>
        %dma_start3A_128 = tpu.memref_squeeze %dma_start3A_127 : memref<1x1x40x125xi32, #tpu.memory_space<hbm>> -> memref<40x125xi32, #tpu.memory_space<hbm>>
        %dma_start3A_129 = arith.constant 0 : i32
        %dma_start3A_130 = arith.constant 0 : i32
        %dma_start3A_131 = tpu.memref_slice %arg4[%arg1, %run_scoped3A, %dma_start3A_129, %dma_start3A_130] : memref<16x2x40x125xi32, #tpu.memory_space<hbm>> -> memref<1x1x40x125xi32, #tpu.memory_space<hbm>>
        %dma_start3A_132 = tpu.memref_squeeze %dma_start3A_131 : memref<1x1x40x125xi32, #tpu.memory_space<hbm>> -> memref<40x125xi32, #tpu.memory_space<hbm>>
        tpu.enqueue_dma source(%dma_start3A_132 : memref<40x125xi32, #tpu.memory_space<hbm>>) target(%arg9 : memref<40x125xi32, #tpu.memory_space<vmem>>) target_semaphore(%run_scoped3A_124 : memref<!tpu.dma_semaphore, #tpu.memory_space<semaphore_mem>>)
        %dma_wait3A = arith.constant 0 : i32
        %dma_wait3A_133 = arith.constant 0 : i32
        %dma_wait3A_134 = tpu.memref_slice %arg4[%arg1, %run_scoped3A, %dma_wait3A, %dma_wait3A_133] : memref<16x2x40x125xi32, #tpu.memory_space<hbm>> -> memref<1x1x40x125xi32, #tpu.memory_space<hbm>>
        %dma_wait3A_135 = tpu.memref_squeeze %dma_wait3A_134 : memref<1x1x40x125xi32, #tpu.memory_space<hbm>> -> memref<40x125xi32, #tpu.memory_space<hbm>>
        %dma_wait3A_136 = arith.constant 0 : i32
        %dma_wait3A_137 = arith.constant 0 : i32
        %dma_wait3A_138 = tpu.memref_slice %arg4[%arg1, %run_scoped3A, %dma_wait3A_136, %dma_wait3A_137] : memref<16x2x40x125xi32, #tpu.memory_space<hbm>> -> memref<1x1x40x125xi32, #tpu.memory_space<hbm>>
        %dma_wait3A_139 = tpu.memref_squeeze %dma_wait3A_138 : memref<1x1x40x125xi32, #tpu.memory_space<hbm>> -> memref<40x125xi32, #tpu.memory_space<hbm>>
        tpu.wait_dma2 semaphore(%run_scoped3A_124 : memref<!tpu.dma_semaphore, #tpu.memory_space<semaphore_mem>>) src(%dma_wait3A_139 : memref<40x125xi32, #tpu.memory_space<hbm>>) dst(%arg9 : memref<40x125xi32, #tpu.memory_space<vmem>>)
        tpu.yield
      }) : () -> ()
      %run_scoped3A_75 = arith.constant 0 : i32
      "tpu.region"() ({
        %run_scoped3A_124 = tpu.sem_alloc : memref<!tpu.dma_semaphore, #tpu.memory_space<semaphore_mem>>
        %dma_start3A_125 = arith.constant 0 : i32
        %dma_start3A_126 = arith.constant 0 : i32
        %dma_start3A_127 = tpu.memref_slice %arg5[%arg1, %run_scoped3A_75, %dma_start3A_125, %dma_start3A_126] : memref<16x2x40x125xi32, #tpu.memory_space<hbm>> -> memref<1x1x40x125xi32, #tpu.memory_space<hbm>>
        %dma_start3A_128 = tpu.memref_squeeze %dma_start3A_127 : memref<1x1x40x125xi32, #tpu.memory_space<hbm>> -> memref<40x125xi32, #tpu.memory_space<hbm>>
        %dma_start3A_129 = arith.constant 0 : i32
        %dma_start3A_130 = arith.constant 0 : i32
        %dma_start3A_131 = tpu.memref_slice %arg5[%arg1, %run_scoped3A_75, %dma_start3A_129, %dma_start3A_130] : memref<16x2x40x125xi32, #tpu.memory_space<hbm>> -> memref<1x1x40x125xi32, #tpu.memory_space<hbm>>
        %dma_start3A_132 = tpu.memref_squeeze %dma_start3A_131 : memref<1x1x40x125xi32, #tpu.memory_space<hbm>> -> memref<40x125xi32, #tpu.memory_space<hbm>>
        tpu.enqueue_dma source(%dma_start3A_132 : memref<40x125xi32, #tpu.memory_space<hbm>>) target(%arg10 : memref<40x125xi32, #tpu.memory_space<vmem>>) target_semaphore(%run_scoped3A_124 : memref<!tpu.dma_semaphore, #tpu.memory_space<semaphore_mem>>)
        %dma_wait3A = arith.constant 0 : i32
        %dma_wait3A_133 = arith.constant 0 : i32
        %dma_wait3A_134 = tpu.memref_slice %arg5[%arg1, %run_scoped3A_75, %dma_wait3A, %dma_wait3A_133] : memref<16x2x40x125xi32, #tpu.memory_space<hbm>> -> memref<1x1x40x125xi32, #tpu.memory_space<hbm>>
        %dma_wait3A_135 = tpu.memref_squeeze %dma_wait3A_134 : memref<1x1x40x125xi32, #tpu.memory_space<hbm>> -> memref<40x125xi32, #tpu.memory_space<hbm>>
        %dma_wait3A_136 = arith.constant 0 : i32
        %dma_wait3A_137 = arith.constant 0 : i32
        %dma_wait3A_138 = tpu.memref_slice %arg5[%arg1, %run_scoped3A_75, %dma_wait3A_136, %dma_wait3A_137] : memref<16x2x40x125xi32, #tpu.memory_space<hbm>> -> memref<1x1x40x125xi32, #tpu.memory_space<hbm>>
        %dma_wait3A_139 = tpu.memref_squeeze %dma_wait3A_138 : memref<1x1x40x125xi32, #tpu.memory_space<hbm>> -> memref<40x125xi32, #tpu.memory_space<hbm>>
        tpu.wait_dma2 semaphore(%run_scoped3A_124 : memref<!tpu.dma_semaphore, #tpu.memory_space<semaphore_mem>>) src(%dma_wait3A_139 : memref<40x125xi32, #tpu.memory_space<hbm>>) dst(%arg10 : memref<40x125xi32, #tpu.memory_space<vmem>>)
        tpu.yield
      }) : () -> ()
      %dma_start3A = arith.constant 0 : i32
      %dma_start3A_76 = arith.constant 0 : i32
      %dma_start3A_77 = tpu.memref_slice %arg9[%dma_start3A, %dma_start3A_76] : memref<40x125xi32, #tpu.memory_space<vmem>> -> memref<1x125xi32, #tpu.memory_space<vmem>>
      %dma_start3A_78 = tpu.memref_squeeze %dma_start3A_77 : memref<1x125xi32, #tpu.memory_space<vmem>> -> memref<125xi32, #tpu.memory_space<vmem>>
      %dma_start3A_79 = arith.constant 0 : i32
      %dma_start3A_80 = arith.constant 0 : i32
      %dma_start3A_81 = tpu.memref_slice %arg2[%dma_start3A_79, %dma_start3A_80] : memref<10000x128xf32, #tpu.memory_space<hbm>> -> memref<10000x128xf32, #tpu.memory_space<hbm>>
      tpu.enqueue_indirect_dma source(%dma_start3A_81 : memref<10000x128xf32, #tpu.memory_space<hbm>>) target(%arg11 : memref<125x128xf32, #tpu.memory_space<vmem>>) offsets(%dma_start3A_78 : memref<125xi32, #tpu.memory_space<vmem>>) semaphore(%arg13 : memref<!tpu.dma_semaphore, #tpu.memory_space<semaphore_mem>>)
      %dma_start3A_82 = arith.constant 1 : i32
      %dma_start3A_83 = arith.constant 0 : i32
      %dma_start3A_84 = tpu.memref_slice %arg9[%dma_start3A_82, %dma_start3A_83] : memref<40x125xi32, #tpu.memory_space<vmem>> -> memref<1x125xi32, #tpu.memory_space<vmem>>
      %dma_start3A_85 = tpu.memref_squeeze %dma_start3A_84 : memref<1x125xi32, #tpu.memory_space<vmem>> -> memref<125xi32, #tpu.memory_space<vmem>>
      %dma_start3A_86 = arith.constant 0 : i32
      %dma_start3A_87 = arith.constant 0 : i32
      %dma_start3A_88 = tpu.memref_slice %arg2[%dma_start3A_86, %dma_start3A_87] : memref<10000x128xf32, #tpu.memory_space<hbm>> -> memref<10000x128xf32, #tpu.memory_space<hbm>>
      tpu.enqueue_indirect_dma source(%dma_start3A_88 : memref<10000x128xf32, #tpu.memory_space<hbm>>) target(%arg12 : memref<125x128xf32, #tpu.memory_space<vmem>>) offsets(%dma_start3A_85 : memref<125xi32, #tpu.memory_space<vmem>>) semaphore(%arg14 : memref<!tpu.dma_semaphore, #tpu.memory_space<semaphore_mem>>)
      %scan3A_89 = arith.constant 0 : i32
      %scan3A_90 = arith.constant 0 : i32
      %scan3A_91 = arith.constant 20 : i32
      %scan3A_92 = arith.addi %scan3A_90, %scan3A_91 : i32
      %scan3A_93 = arith.constant 1 : i32
      %scan3A_94 = scf.for %scan3A_124 = %scan3A_90 to %scan3A_92 step %scan3A_93 iter_args(%scan3A_125 = %scan3A_89) -> (i32)  : i32 {
        %mul3A_126 = arith.constant 2 : i32
        %mul3A_127 = arith.muli %scan3A_124, %mul3A_126 : i32
        %dma_wait3A = arith.constant 0 : i32
        %dma_wait3A_128 = tpu.memref_slice %arg9[%mul3A_127, %dma_wait3A] : memref<40x125xi32, #tpu.memory_space<vmem>> -> memref<1x125xi32, #tpu.memory_space<vmem>>
        %dma_wait3A_129 = tpu.memref_squeeze %dma_wait3A_128 : memref<1x125xi32, #tpu.memory_space<vmem>> -> memref<125xi32, #tpu.memory_space<vmem>>
        %dma_wait3A_130 = arith.constant 0 : i32
        %dma_wait3A_131 = arith.constant 0 : i32
        %dma_wait3A_132 = tpu.memref_slice %arg2[%dma_wait3A_130, %dma_wait3A_131] : memref<10000x128xf32, #tpu.memory_space<hbm>> -> memref<10000x128xf32, #tpu.memory_space<hbm>>
        tpu.wait_indirect_dma semaphore(%arg13 : memref<!tpu.dma_semaphore, #tpu.memory_space<semaphore_mem>>) src(%dma_wait3A_132 : memref<10000x128xf32, #tpu.memory_space<hbm>>) dst(%arg11 : memref<125x128xf32, #tpu.memory_space<vmem>>)
        "tpu.region"() ({
          %run_scoped3A_157 = tpu.sem_alloc : memref<!tpu.dma_semaphore, #tpu.memory_space<semaphore_mem>>
          %dma_start3A_158 = arith.constant 0 : i32
          %dma_start3A_159 = tpu.memref_slice %arg10[%mul3A_127, %dma_start3A_158] : memref<40x125xi32, #tpu.memory_space<vmem>> -> memref<1x125xi32, #tpu.memory_space<vmem>>
          %dma_start3A_160 = tpu.memref_squeeze %dma_start3A_159 : memref<1x125xi32, #tpu.memory_space<vmem>> -> memref<125xi32, #tpu.memory_space<vmem>>
          %dma_start3A_161 = arith.constant 0 : i32
          %dma_start3A_162 = arith.constant 0 : i32
          %dma_start3A_163 = tpu.memref_slice %arg8[%dma_start3A_161, %dma_start3A_162] : memref<10240x128xf32, #tpu.memory_space<vmem_shared>> -> memref<10240x128xf32, #tpu.memory_space<vmem_shared>>
          tpu.enqueue_indirect_dma source(%arg11 : memref<125x128xf32, #tpu.memory_space<vmem>>) target(%dma_start3A_163 : memref<10240x128xf32, #tpu.memory_space<vmem_shared>>) offsets(%dma_start3A_160 : memref<125xi32, #tpu.memory_space<vmem>>) semaphore(%run_scoped3A_157 : memref<!tpu.dma_semaphore, #tpu.memory_space<semaphore_mem>>) {add = true}
          %dma_wait3A_164 = arith.constant 0 : i32
          %dma_wait3A_165 = tpu.memref_slice %arg10[%mul3A_127, %dma_wait3A_164] : memref<40x125xi32, #tpu.memory_space<vmem>> -> memref<1x125xi32, #tpu.memory_space<vmem>>
          %dma_wait3A_166 = tpu.memref_squeeze %dma_wait3A_165 : memref<1x125xi32, #tpu.memory_space<vmem>> -> memref<125xi32, #tpu.memory_space<vmem>>
          %dma_wait3A_167 = arith.constant 0 : i32
          %dma_wait3A_168 = arith.constant 0 : i32
          %dma_wait3A_169 = tpu.memref_slice %arg8[%dma_wait3A_167, %dma_wait3A_168] : memref<10240x128xf32, #tpu.memory_space<vmem_shared>> -> memref<10240x128xf32, #tpu.memory_space<vmem_shared>>
          tpu.wait_indirect_dma semaphore(%run_scoped3A_157 : memref<!tpu.dma_semaphore, #tpu.memory_space<semaphore_mem>>) src(%arg11 : memref<125x128xf32, #tpu.memory_space<vmem>>) dst(%dma_wait3A_169 : memref<10240x128xf32, #tpu.memory_space<vmem_shared>>)
          tpu.yield
        }) : () -> ()
        %add3A_133 = arith.constant 2 : i32
        %add3A_134 = arith.addi %mul3A_127, %add3A_133 : i32
        %lt3A = arith.constant 40 : i32
        %lt3A_135 = arith.cmpi slt, %add3A_134, %lt3A : i32
        %convert_element_type3A_136 = arith.extui %lt3A_135 : i1 to i32
        %cond3A_137 = arith.constant 0 : i32
        %cond3A_138 = arith.cmpi ne, %convert_element_type3A_136, %cond3A_137 : i32
        scf.if %cond3A_138 {
          %add3A_157 = arith.constant 2 : i32
          %add3A_158 = arith.addi %mul3A_127, %add3A_157 : i32
          %dma_start3A_159 = arith.constant 0 : i32
          %dma_start3A_160 = tpu.memref_slice %arg9[%add3A_158, %dma_start3A_159] : memref<40x125xi32, #tpu.memory_space<vmem>> -> memref<1x125xi32, #tpu.memory_space<vmem>>
          %dma_start3A_161 = tpu.memref_squeeze %dma_start3A_160 : memref<1x125xi32, #tpu.memory_space<vmem>> -> memref<125xi32, #tpu.memory_space<vmem>>
          %dma_start3A_162 = arith.constant 0 : i32
          %dma_start3A_163 = arith.constant 0 : i32
          %dma_start3A_164 = tpu.memref_slice %arg2[%dma_start3A_162, %dma_start3A_163] : memref<10000x128xf32, #tpu.memory_space<hbm>> -> memref<10000x128xf32, #tpu.memory_space<hbm>>
          tpu.enqueue_indirect_dma source(%dma_start3A_164 : memref<10000x128xf32, #tpu.memory_space<hbm>>) target(%arg11 : memref<125x128xf32, #tpu.memory_space<vmem>>) offsets(%dma_start3A_161 : memref<125xi32, #tpu.memory_space<vmem>>) semaphore(%arg13 : memref<!tpu.dma_semaphore, #tpu.memory_space<semaphore_mem>>)
        } else {
        }
        %add3A_139 = arith.constant 1 : i32
        %add3A_140 = arith.addi %mul3A_127, %add3A_139 : i32
        %dma_wait3A_141 = arith.constant 0 : i32
        %dma_wait3A_142 = tpu.memref_slice %arg9[%add3A_140, %dma_wait3A_141] : memref<40x125xi32, #tpu.memory_space<vmem>> -> memref<1x125xi32, #tpu.memory_space<vmem>>
        %dma_wait3A_143 = tpu.memref_squeeze %dma_wait3A_142 : memref<1x125xi32, #tpu.memory_space<vmem>> -> memref<125xi32, #tpu.memory_space<vmem>>
        %dma_wait3A_144 = arith.constant 0 : i32
        %dma_wait3A_145 = arith.constant 0 : i32
        %dma_wait3A_146 = tpu.memref_slice %arg2[%dma_wait3A_144, %dma_wait3A_145] : memref<10000x128xf32, #tpu.memory_space<hbm>> -> memref<10000x128xf32, #tpu.memory_space<hbm>>
        tpu.wait_indirect_dma semaphore(%arg14 : memref<!tpu.dma_semaphore, #tpu.memory_space<semaphore_mem>>) src(%dma_wait3A_146 : memref<10000x128xf32, #tpu.memory_space<hbm>>) dst(%arg12 : memref<125x128xf32, #tpu.memory_space<vmem>>)
        %add3A_147 = arith.constant 1 : i32
        %add3A_148 = arith.addi %mul3A_127, %add3A_147 : i32
        "tpu.region"() ({
          %run_scoped3A_157 = tpu.sem_alloc : memref<!tpu.dma_semaphore, #tpu.memory_space<semaphore_mem>>
          %dma_start3A_158 = arith.constant 0 : i32
          %dma_start3A_159 = tpu.memref_slice %arg10[%add3A_148, %dma_start3A_158] : memref<40x125xi32, #tpu.memory_space<vmem>> -> memref<1x125xi32, #tpu.memory_space<vmem>>
          %dma_start3A_160 = tpu.memref_squeeze %dma_start3A_159 : memref<1x125xi32, #tpu.memory_space<vmem>> -> memref<125xi32, #tpu.memory_space<vmem>>
          %dma_start3A_161 = arith.constant 0 : i32
          %dma_start3A_162 = arith.constant 0 : i32
          %dma_start3A_163 = tpu.memref_slice %arg8[%dma_start3A_161, %dma_start3A_162] : memref<10240x128xf32, #tpu.memory_space<vmem_shared>> -> memref<10240x128xf32, #tpu.memory_space<vmem_shared>>
          tpu.enqueue_indirect_dma source(%arg12 : memref<125x128xf32, #tpu.memory_space<vmem>>) target(%dma_start3A_163 : memref<10240x128xf32, #tpu.memory_space<vmem_shared>>) offsets(%dma_start3A_160 : memref<125xi32, #tpu.memory_space<vmem>>) semaphore(%run_scoped3A_157 : memref<!tpu.dma_semaphore, #tpu.memory_space<semaphore_mem>>) {add = true}
          %dma_wait3A_164 = arith.constant 0 : i32
          %dma_wait3A_165 = tpu.memref_slice %arg10[%add3A_148, %dma_wait3A_164] : memref<40x125xi32, #tpu.memory_space<vmem>> -> memref<1x125xi32, #tpu.memory_space<vmem>>
          %dma_wait3A_166 = tpu.memref_squeeze %dma_wait3A_165 : memref<1x125xi32, #tpu.memory_space<vmem>> -> memref<125xi32, #tpu.memory_space<vmem>>
          %dma_wait3A_167 = arith.constant 0 : i32
          %dma_wait3A_168 = arith.constant 0 : i32
          %dma_wait3A_169 = tpu.memref_slice %arg8[%dma_wait3A_167, %dma_wait3A_168] : memref<10240x128xf32, #tpu.memory_space<vmem_shared>> -> memref<10240x128xf32, #tpu.memory_space<vmem_shared>>
          tpu.wait_indirect_dma semaphore(%run_scoped3A_157 : memref<!tpu.dma_semaphore, #tpu.memory_space<semaphore_mem>>) src(%arg12 : memref<125x128xf32, #tpu.memory_space<vmem>>) dst(%dma_wait3A_169 : memref<10240x128xf32, #tpu.memory_space<vmem_shared>>)
          tpu.yield
        }) : () -> ()
        %add3A_149 = arith.constant 3 : i32
        %add3A_150 = arith.addi %mul3A_127, %add3A_149 : i32
        %lt3A_151 = arith.constant 40 : i32
        %lt3A_152 = arith.cmpi slt, %add3A_150, %lt3A_151 : i32
        %convert_element_type3A_153 = arith.extui %lt3A_152 : i1 to i32
        %cond3A_154 = arith.constant 0 : i32
        %cond3A_155 = arith.cmpi ne, %convert_element_type3A_153, %cond3A_154 : i32
        scf.if %cond3A_155 {
          %add3A_157 = arith.constant 3 : i32
          %add3A_158 = arith.addi %mul3A_127, %add3A_157 : i32
          %dma_start3A_159 = arith.constant 0 : i32
          %dma_start3A_160 = tpu.memref_slice %arg9[%add3A_158, %dma_start3A_159] : memref<40x125xi32, #tpu.memory_space<vmem>> -> memref<1x125xi32, #tpu.memory_space<vmem>>
          %dma_start3A_161 = tpu.memref_squeeze %dma_start3A_160 : memref<1x125xi32, #tpu.memory_space<vmem>> -> memref<125xi32, #tpu.memory_space<vmem>>
          %dma_start3A_162 = arith.constant 0 : i32
          %dma_start3A_163 = arith.constant 0 : i32
          %dma_start3A_164 = tpu.memref_slice %arg2[%dma_start3A_162, %dma_start3A_163] : memref<10000x128xf32, #tpu.memory_space<hbm>> -> memref<10000x128xf32, #tpu.memory_space<hbm>>
          tpu.enqueue_indirect_dma source(%dma_start3A_164 : memref<10000x128xf32, #tpu.memory_space<hbm>>) target(%arg12 : memref<125x128xf32, #tpu.memory_space<vmem>>) offsets(%dma_start3A_161 : memref<125xi32, #tpu.memory_space<vmem>>) semaphore(%arg14 : memref<!tpu.dma_semaphore, #tpu.memory_space<semaphore_mem>>)
        } else {
        }
        %scan3A_156 = arith.constant 0 : i32
        scf.yield %scan3A_156 : i32
      }
      %scan3A_95 = arith.constant 20 : i32
      %run_scoped3A_96 = arith.constant 1 : i32
      "tpu.region"() ({
        %run_scoped3A_124 = tpu.sem_alloc : memref<!tpu.dma_semaphore, #tpu.memory_space<semaphore_mem>>
        %dma_start3A_125 = arith.constant 0 : i32
        %dma_start3A_126 = arith.constant 0 : i32
        %dma_start3A_127 = tpu.memref_slice %arg4[%arg1, %run_scoped3A_96, %dma_start3A_125, %dma_start3A_126] : memref<16x2x40x125xi32, #tpu.memory_space<hbm>> -> memref<1x1x40x125xi32, #tpu.memory_space<hbm>>
        %dma_start3A_128 = tpu.memref_squeeze %dma_start3A_127 : memref<1x1x40x125xi32, #tpu.memory_space<hbm>> -> memref<40x125xi32, #tpu.memory_space<hbm>>
        %dma_start3A_129 = arith.constant 0 : i32
        %dma_start3A_130 = arith.constant 0 : i32
        %dma_start3A_131 = tpu.memref_slice %arg4[%arg1, %run_scoped3A_96, %dma_start3A_129, %dma_start3A_130] : memref<16x2x40x125xi32, #tpu.memory_space<hbm>> -> memref<1x1x40x125xi32, #tpu.memory_space<hbm>>
        %dma_start3A_132 = tpu.memref_squeeze %dma_start3A_131 : memref<1x1x40x125xi32, #tpu.memory_space<hbm>> -> memref<40x125xi32, #tpu.memory_space<hbm>>
        tpu.enqueue_dma source(%dma_start3A_132 : memref<40x125xi32, #tpu.memory_space<hbm>>) target(%arg9 : memref<40x125xi32, #tpu.memory_space<vmem>>) target_semaphore(%run_scoped3A_124 : memref<!tpu.dma_semaphore, #tpu.memory_space<semaphore_mem>>)
        %dma_wait3A = arith.constant 0 : i32
        %dma_wait3A_133 = arith.constant 0 : i32
        %dma_wait3A_134 = tpu.memref_slice %arg4[%arg1, %run_scoped3A_96, %dma_wait3A, %dma_wait3A_133] : memref<16x2x40x125xi32, #tpu.memory_space<hbm>> -> memref<1x1x40x125xi32, #tpu.memory_space<hbm>>
        %dma_wait3A_135 = tpu.memref_squeeze %dma_wait3A_134 : memref<1x1x40x125xi32, #tpu.memory_space<hbm>> -> memref<40x125xi32, #tpu.memory_space<hbm>>
        %dma_wait3A_136 = arith.constant 0 : i32
        %dma_wait3A_137 = arith.constant 0 : i32
        %dma_wait3A_138 = tpu.memref_slice %arg4[%arg1, %run_scoped3A_96, %dma_wait3A_136, %dma_wait3A_137] : memref<16x2x40x125xi32, #tpu.memory_space<hbm>> -> memref<1x1x40x125xi32, #tpu.memory_space<hbm>>
        %dma_wait3A_139 = tpu.memref_squeeze %dma_wait3A_138 : memref<1x1x40x125xi32, #tpu.memory_space<hbm>> -> memref<40x125xi32, #tpu.memory_space<hbm>>
        tpu.wait_dma2 semaphore(%run_scoped3A_124 : memref<!tpu.dma_semaphore, #tpu.memory_space<semaphore_mem>>) src(%dma_wait3A_139 : memref<40x125xi32, #tpu.memory_space<hbm>>) dst(%arg9 : memref<40x125xi32, #tpu.memory_space<vmem>>)
        tpu.yield
      }) : () -> ()
      %run_scoped3A_97 = arith.constant 1 : i32
      "tpu.region"() ({
        %run_scoped3A_124 = tpu.sem_alloc : memref<!tpu.dma_semaphore, #tpu.memory_space<semaphore_mem>>
        %dma_start3A_125 = arith.constant 0 : i32
        %dma_start3A_126 = arith.constant 0 : i32
        %dma_start3A_127 = tpu.memref_slice %arg5[%arg1, %run_scoped3A_97, %dma_start3A_125, %dma_start3A_126] : memref<16x2x40x125xi32, #tpu.memory_space<hbm>> -> memref<1x1x40x125xi32, #tpu.memory_space<hbm>>
        %dma_start3A_128 = tpu.memref_squeeze %dma_start3A_127 : memref<1x1x40x125xi32, #tpu.memory_space<hbm>> -> memref<40x125xi32, #tpu.memory_space<hbm>>
        %dma_start3A_129 = arith.constant 0 : i32
        %dma_start3A_130 = arith.constant 0 : i32
        %dma_start3A_131 = tpu.memref_slice %arg5[%arg1, %run_scoped3A_97, %dma_start3A_129, %dma_start3A_130] : memref<16x2x40x125xi32, #tpu.memory_space<hbm>> -> memref<1x1x40x125xi32, #tpu.memory_space<hbm>>
        %dma_start3A_132 = tpu.memref_squeeze %dma_start3A_131 : memref<1x1x40x125xi32, #tpu.memory_space<hbm>> -> memref<40x125xi32, #tpu.memory_space<hbm>>
        tpu.enqueue_dma source(%dma_start3A_132 : memref<40x125xi32, #tpu.memory_space<hbm>>) target(%arg10 : memref<40x125xi32, #tpu.memory_space<vmem>>) target_semaphore(%run_scoped3A_124 : memref<!tpu.dma_semaphore, #tpu.memory_space<semaphore_mem>>)
        %dma_wait3A = arith.constant 0 : i32
        %dma_wait3A_133 = arith.constant 0 : i32
        %dma_wait3A_134 = tpu.memref_slice %arg5[%arg1, %run_scoped3A_97, %dma_wait3A, %dma_wait3A_133] : memref<16x2x40x125xi32, #tpu.memory_space<hbm>> -> memref<1x1x40x125xi32, #tpu.memory_space<hbm>>
        %dma_wait3A_135 = tpu.memref_squeeze %dma_wait3A_134 : memref<1x1x40x125xi32, #tpu.memory_space<hbm>> -> memref<40x125xi32, #tpu.memory_space<hbm>>
        %dma_wait3A_136 = arith.constant 0 : i32
        %dma_wait3A_137 = arith.constant 0 : i32
        %dma_wait3A_138 = tpu.memref_slice %arg5[%arg1, %run_scoped3A_97, %dma_wait3A_136, %dma_wait3A_137] : memref<16x2x40x125xi32, #tpu.memory_space<hbm>> -> memref<1x1x40x125xi32, #tpu.memory_space<hbm>>
        %dma_wait3A_139 = tpu.memref_squeeze %dma_wait3A_138 : memref<1x1x40x125xi32, #tpu.memory_space<hbm>> -> memref<40x125xi32, #tpu.memory_space<hbm>>
        tpu.wait_dma2 semaphore(%run_scoped3A_124 : memref<!tpu.dma_semaphore, #tpu.memory_space<semaphore_mem>>) src(%dma_wait3A_139 : memref<40x125xi32, #tpu.memory_space<hbm>>) dst(%arg10 : memref<40x125xi32, #tpu.memory_space<vmem>>)
        tpu.yield
      }) : () -> ()
      %dma_start3A_98 = arith.constant 0 : i32
      %dma_start3A_99 = arith.constant 0 : i32
      %dma_start3A_100 = tpu.memref_slice %arg9[%dma_start3A_98, %dma_start3A_99] : memref<40x125xi32, #tpu.memory_space<vmem>> -> memref<1x125xi32, #tpu.memory_space<vmem>>
      %dma_start3A_101 = tpu.memref_squeeze %dma_start3A_100 : memref<1x125xi32, #tpu.memory_space<vmem>> -> memref<125xi32, #tpu.memory_space<vmem>>
      %dma_start3A_102 = arith.constant 0 : i32
      %dma_start3A_103 = arith.constant 0 : i32
      %dma_start3A_104 = tpu.memref_slice %arg2[%dma_start3A_102, %dma_start3A_103] : memref<10000x128xf32, #tpu.memory_space<hbm>> -> memref<10000x128xf32, #tpu.memory_space<hbm>>
      tpu.enqueue_indirect_dma source(%dma_start3A_104 : memref<10000x128xf32, #tpu.memory_space<hbm>>) target(%arg11 : memref<125x128xf32, #tpu.memory_space<vmem>>) offsets(%dma_start3A_101 : memref<125xi32, #tpu.memory_space<vmem>>) semaphore(%arg13 : memref<!tpu.dma_semaphore, #tpu.memory_space<semaphore_mem>>)
      %dma_start3A_105 = arith.constant 1 : i32
      %dma_start3A_106 = arith.constant 0 : i32
      %dma_start3A_107 = tpu.memref_slice %arg9[%dma_start3A_105, %dma_start3A_106] : memref<40x125xi32, #tpu.memory_space<vmem>> -> memref<1x125xi32, #tpu.memory_space<vmem>>
      %dma_start3A_108 = tpu.memref_squeeze %dma_start3A_107 : memref<1x125xi32, #tpu.memory_space<vmem>> -> memref<125xi32, #tpu.memory_space<vmem>>
      %dma_start3A_109 = arith.constant 0 : i32
      %dma_start3A_110 = arith.constant 0 : i32
      %dma_start3A_111 = tpu.memref_slice %arg2[%dma_start3A_109, %dma_start3A_110] : memref<10000x128xf32, #tpu.memory_space<hbm>> -> memref<10000x128xf32, #tpu.memory_space<hbm>>
      tpu.enqueue_indirect_dma source(%dma_start3A_111 : memref<10000x128xf32, #tpu.memory_space<hbm>>) target(%arg12 : memref<125x128xf32, #tpu.memory_space<vmem>>) offsets(%dma_start3A_108 : memref<125xi32, #tpu.memory_space<vmem>>) semaphore(%arg14 : memref<!tpu.dma_semaphore, #tpu.memory_space<semaphore_mem>>)
      %scan3A_112 = arith.constant 0 : i32
      %scan3A_113 = arith.constant 0 : i32
      %scan3A_114 = arith.constant 20 : i32
      %scan3A_115 = arith.addi %scan3A_113, %scan3A_114 : i32
      %scan3A_116 = arith.constant 1 : i32
      %scan3A_117 = scf.for %scan3A_124 = %scan3A_113 to %scan3A_115 step %scan3A_116 iter_args(%scan3A_125 = %scan3A_112) -> (i32)  : i32 {
        %mul3A_126 = arith.constant 2 : i32
        %mul3A_127 = arith.muli %scan3A_124, %mul3A_126 : i32
        %dma_wait3A = arith.constant 0 : i32
        %dma_wait3A_128 = tpu.memref_slice %arg9[%mul3A_127, %dma_wait3A] : memref<40x125xi32, #tpu.memory_space<vmem>> -> memref<1x125xi32, #tpu.memory_space<vmem>>
        %dma_wait3A_129 = tpu.memref_squeeze %dma_wait3A_128 : memref<1x125xi32, #tpu.memory_space<vmem>> -> memref<125xi32, #tpu.memory_space<vmem>>
        %dma_wait3A_130 = arith.constant 0 : i32
        %dma_wait3A_131 = arith.constant 0 : i32
        %dma_wait3A_132 = tpu.memref_slice %arg2[%dma_wait3A_130, %dma_wait3A_131] : memref<10000x128xf32, #tpu.memory_space<hbm>> -> memref<10000x128xf32, #tpu.memory_space<hbm>>
        tpu.wait_indirect_dma semaphore(%arg13 : memref<!tpu.dma_semaphore, #tpu.memory_space<semaphore_mem>>) src(%dma_wait3A_132 : memref<10000x128xf32, #tpu.memory_space<hbm>>) dst(%arg11 : memref<125x128xf32, #tpu.memory_space<vmem>>)
        "tpu.region"() ({
          %run_scoped3A_157 = tpu.sem_alloc : memref<!tpu.dma_semaphore, #tpu.memory_space<semaphore_mem>>
          %dma_start3A_158 = arith.constant 0 : i32
          %dma_start3A_159 = tpu.memref_slice %arg10[%mul3A_127, %dma_start3A_158] : memref<40x125xi32, #tpu.memory_space<vmem>> -> memref<1x125xi32, #tpu.memory_space<vmem>>
          %dma_start3A_160 = tpu.memref_squeeze %dma_start3A_159 : memref<1x125xi32, #tpu.memory_space<vmem>> -> memref<125xi32, #tpu.memory_space<vmem>>
          %dma_start3A_161 = arith.constant 0 : i32
          %dma_start3A_162 = arith.constant 0 : i32
          %dma_start3A_163 = tpu.memref_slice %arg8[%dma_start3A_161, %dma_start3A_162] : memref<10240x128xf32, #tpu.memory_space<vmem_shared>> -> memref<10240x128xf32, #tpu.memory_space<vmem_shared>>
          tpu.enqueue_indirect_dma source(%arg11 : memref<125x128xf32, #tpu.memory_space<vmem>>) target(%dma_start3A_163 : memref<10240x128xf32, #tpu.memory_space<vmem_shared>>) offsets(%dma_start3A_160 : memref<125xi32, #tpu.memory_space<vmem>>) semaphore(%run_scoped3A_157 : memref<!tpu.dma_semaphore, #tpu.memory_space<semaphore_mem>>) {add = true}
          %dma_wait3A_164 = arith.constant 0 : i32
          %dma_wait3A_165 = tpu.memref_slice %arg10[%mul3A_127, %dma_wait3A_164] : memref<40x125xi32, #tpu.memory_space<vmem>> -> memref<1x125xi32, #tpu.memory_space<vmem>>
          %dma_wait3A_166 = tpu.memref_squeeze %dma_wait3A_165 : memref<1x125xi32, #tpu.memory_space<vmem>> -> memref<125xi32, #tpu.memory_space<vmem>>
          %dma_wait3A_167 = arith.constant 0 : i32
          %dma_wait3A_168 = arith.constant 0 : i32
          %dma_wait3A_169 = tpu.memref_slice %arg8[%dma_wait3A_167, %dma_wait3A_168] : memref<10240x128xf32, #tpu.memory_space<vmem_shared>> -> memref<10240x128xf32, #tpu.memory_space<vmem_shared>>
          tpu.wait_indirect_dma semaphore(%run_scoped3A_157 : memref<!tpu.dma_semaphore, #tpu.memory_space<semaphore_mem>>) src(%arg11 : memref<125x128xf32, #tpu.memory_space<vmem>>) dst(%dma_wait3A_169 : memref<10240x128xf32, #tpu.memory_space<vmem_shared>>)
          tpu.yield
        }) : () -> ()
        %add3A_133 = arith.constant 2 : i32
        %add3A_134 = arith.addi %mul3A_127, %add3A_133 : i32
        %lt3A = arith.constant 40 : i32
        %lt3A_135 = arith.cmpi slt, %add3A_134, %lt3A : i32
        %convert_element_type3A_136 = arith.extui %lt3A_135 : i1 to i32
        %cond3A_137 = arith.constant 0 : i32
        %cond3A_138 = arith.cmpi ne, %convert_element_type3A_136, %cond3A_137 : i32
        scf.if %cond3A_138 {
          %add3A_157 = arith.constant 2 : i32
          %add3A_158 = arith.addi %mul3A_127, %add3A_157 : i32
          %dma_start3A_159 = arith.constant 0 : i32
          %dma_start3A_160 = tpu.memref_slice %arg9[%add3A_158, %dma_start3A_159] : memref<40x125xi32, #tpu.memory_space<vmem>> -> memref<1x125xi32, #tpu.memory_space<vmem>>
          %dma_start3A_161 = tpu.memref_squeeze %dma_start3A_160 : memref<1x125xi32, #tpu.memory_space<vmem>> -> memref<125xi32, #tpu.memory_space<vmem>>
          %dma_start3A_162 = arith.constant 0 : i32
          %dma_start3A_163 = arith.constant 0 : i32
          %dma_start3A_164 = tpu.memref_slice %arg2[%dma_start3A_162, %dma_start3A_163] : memref<10000x128xf32, #tpu.memory_space<hbm>> -> memref<10000x128xf32, #tpu.memory_space<hbm>>
          tpu.enqueue_indirect_dma source(%dma_start3A_164 : memref<10000x128xf32, #tpu.memory_space<hbm>>) target(%arg11 : memref<125x128xf32, #tpu.memory_space<vmem>>) offsets(%dma_start3A_161 : memref<125xi32, #tpu.memory_space<vmem>>) semaphore(%arg13 : memref<!tpu.dma_semaphore, #tpu.memory_space<semaphore_mem>>)
        } else {
        }
        %add3A_139 = arith.constant 1 : i32
        %add3A_140 = arith.addi %mul3A_127, %add3A_139 : i32
        %dma_wait3A_141 = arith.constant 0 : i32
        %dma_wait3A_142 = tpu.memref_slice %arg9[%add3A_140, %dma_wait3A_141] : memref<40x125xi32, #tpu.memory_space<vmem>> -> memref<1x125xi32, #tpu.memory_space<vmem>>
        %dma_wait3A_143 = tpu.memref_squeeze %dma_wait3A_142 : memref<1x125xi32, #tpu.memory_space<vmem>> -> memref<125xi32, #tpu.memory_space<vmem>>
        %dma_wait3A_144 = arith.constant 0 : i32
        %dma_wait3A_145 = arith.constant 0 : i32
        %dma_wait3A_146 = tpu.memref_slice %arg2[%dma_wait3A_144, %dma_wait3A_145] : memref<10000x128xf32, #tpu.memory_space<hbm>> -> memref<10000x128xf32, #tpu.memory_space<hbm>>
        tpu.wait_indirect_dma semaphore(%arg14 : memref<!tpu.dma_semaphore, #tpu.memory_space<semaphore_mem>>) src(%dma_wait3A_146 : memref<10000x128xf32, #tpu.memory_space<hbm>>) dst(%arg12 : memref<125x128xf32, #tpu.memory_space<vmem>>)
        %add3A_147 = arith.constant 1 : i32
        %add3A_148 = arith.addi %mul3A_127, %add3A_147 : i32
        "tpu.region"() ({
          %run_scoped3A_157 = tpu.sem_alloc : memref<!tpu.dma_semaphore, #tpu.memory_space<semaphore_mem>>
          %dma_start3A_158 = arith.constant 0 : i32
          %dma_start3A_159 = tpu.memref_slice %arg10[%add3A_148, %dma_start3A_158] : memref<40x125xi32, #tpu.memory_space<vmem>> -> memref<1x125xi32, #tpu.memory_space<vmem>>
          %dma_start3A_160 = tpu.memref_squeeze %dma_start3A_159 : memref<1x125xi32, #tpu.memory_space<vmem>> -> memref<125xi32, #tpu.memory_space<vmem>>
          %dma_start3A_161 = arith.constant 0 : i32
          %dma_start3A_162 = arith.constant 0 : i32
          %dma_start3A_163 = tpu.memref_slice %arg8[%dma_start3A_161, %dma_start3A_162] : memref<10240x128xf32, #tpu.memory_space<vmem_shared>> -> memref<10240x128xf32, #tpu.memory_space<vmem_shared>>
          tpu.enqueue_indirect_dma source(%arg12 : memref<125x128xf32, #tpu.memory_space<vmem>>) target(%dma_start3A_163 : memref<10240x128xf32, #tpu.memory_space<vmem_shared>>) offsets(%dma_start3A_160 : memref<125xi32, #tpu.memory_space<vmem>>) semaphore(%run_scoped3A_157 : memref<!tpu.dma_semaphore, #tpu.memory_space<semaphore_mem>>) {add = true}
          %dma_wait3A_164 = arith.constant 0 : i32
          %dma_wait3A_165 = tpu.memref_slice %arg10[%add3A_148, %dma_wait3A_164] : memref<40x125xi32, #tpu.memory_space<vmem>> -> memref<1x125xi32, #tpu.memory_space<vmem>>
          %dma_wait3A_166 = tpu.memref_squeeze %dma_wait3A_165 : memref<1x125xi32, #tpu.memory_space<vmem>> -> memref<125xi32, #tpu.memory_space<vmem>>
          %dma_wait3A_167 = arith.constant 0 : i32
          %dma_wait3A_168 = arith.constant 0 : i32
          %dma_wait3A_169 = tpu.memref_slice %arg8[%dma_wait3A_167, %dma_wait3A_168] : memref<10240x128xf32, #tpu.memory_space<vmem_shared>> -> memref<10240x128xf32, #tpu.memory_space<vmem_shared>>
          tpu.wait_indirect_dma semaphore(%run_scoped3A_157 : memref<!tpu.dma_semaphore, #tpu.memory_space<semaphore_mem>>) src(%arg12 : memref<125x128xf32, #tpu.memory_space<vmem>>) dst(%dma_wait3A_169 : memref<10240x128xf32, #tpu.memory_space<vmem_shared>>)
          tpu.yield
        }) : () -> ()
        %add3A_149 = arith.constant 3 : i32
        %add3A_150 = arith.addi %mul3A_127, %add3A_149 : i32
        %lt3A_151 = arith.constant 40 : i32
        %lt3A_152 = arith.cmpi slt, %add3A_150, %lt3A_151 : i32
        %convert_element_type3A_153 = arith.extui %lt3A_152 : i1 to i32
        %cond3A_154 = arith.constant 0 : i32
        %cond3A_155 = arith.cmpi ne, %convert_element_type3A_153, %cond3A_154 : i32
        scf.if %cond3A_155 {
          %add3A_157 = arith.constant 3 : i32
          %add3A_158 = arith.addi %mul3A_127, %add3A_157 : i32
          %dma_start3A_159 = arith.constant 0 : i32
          %dma_start3A_160 = tpu.memref_slice %arg9[%add3A_158, %dma_start3A_159] : memref<40x125xi32, #tpu.memory_space<vmem>> -> memref<1x125xi32, #tpu.memory_space<vmem>>
          %dma_start3A_161 = tpu.memref_squeeze %dma_start3A_160 : memref<1x125xi32, #tpu.memory_space<vmem>> -> memref<125xi32, #tpu.memory_space<vmem>>
          %dma_start3A_162 = arith.constant 0 : i32
          %dma_start3A_163 = arith.constant 0 : i32
          %dma_start3A_164 = tpu.memref_slice %arg2[%dma_start3A_162, %dma_start3A_163] : memref<10000x128xf32, #tpu.memory_space<hbm>> -> memref<10000x128xf32, #tpu.memory_space<hbm>>
          tpu.enqueue_indirect_dma source(%dma_start3A_164 : memref<10000x128xf32, #tpu.memory_space<hbm>>) target(%arg12 : memref<125x128xf32, #tpu.memory_space<vmem>>) offsets(%dma_start3A_161 : memref<125xi32, #tpu.memory_space<vmem>>) semaphore(%arg14 : memref<!tpu.dma_semaphore, #tpu.memory_space<semaphore_mem>>)
        } else {
        }
        %scan3A_156 = arith.constant 0 : i32
        scf.yield %scan3A_156 : i32
      }
      %scan3A_118 = arith.constant 20 : i32
      %barrier3A_119 = arith.constant 0 : index
      tpu.barrier barrier_id(%barrier3A_119)
      %mul3A_120 = arith.constant 640 : i32
      %mul3A_121 = arith.muli %arg1, %mul3A_120 : i32
      %mul3A_122 = arith.constant 640 : i32
      %mul3A_123 = arith.muli %arg1, %mul3A_122 : i32
      "tpu.region"() ({
        %run_scoped3A_124 = tpu.sem_alloc : memref<!tpu.dma_semaphore, #tpu.memory_space<semaphore_mem>>
        %dma_start3A_125 = arith.constant 0 : i32
        %dma_start3A_126 = tpu.memref_slice %arg6[%mul3A_123, %dma_start3A_125] : memref<10240x128xf32, #tpu.memory_space<hbm>> -> memref<640x128xf32, #tpu.memory_space<hbm>>
        %dma_start3A_127 = arith.constant 0 : i32
        %dma_start3A_128 = tpu.memref_slice %arg8[%mul3A_121, %dma_start3A_127] : memref<10240x128xf32, #tpu.memory_space<vmem_shared>> -> memref<640x128xf32, #tpu.memory_space<vmem_shared>>
        tpu.enqueue_dma source(%dma_start3A_128 : memref<640x128xf32, #tpu.memory_space<vmem_shared>>) target(%dma_start3A_126 : memref<640x128xf32, #tpu.memory_space<hbm>>) target_semaphore(%run_scoped3A_124 : memref<!tpu.dma_semaphore, #tpu.memory_space<semaphore_mem>>)
        %dma_wait3A = arith.constant 0 : i32
        %dma_wait3A_129 = tpu.memref_slice %arg6[%mul3A_123, %dma_wait3A] : memref<10240x128xf32, #tpu.memory_space<hbm>> -> memref<640x128xf32, #tpu.memory_space<hbm>>
        %dma_wait3A_130 = arith.constant 0 : i32
        %dma_wait3A_131 = tpu.memref_slice %arg8[%mul3A_121, %dma_wait3A_130] : memref<10240x128xf32, #tpu.memory_space<vmem_shared>> -> memref<640x128xf32, #tpu.memory_space<vmem_shared>>
        tpu.wait_dma2 semaphore(%run_scoped3A_124 : memref<!tpu.dma_semaphore, #tpu.memory_space<semaphore_mem>>) src(%dma_wait3A_131 : memref<640x128xf32, #tpu.memory_space<vmem_shared>>) dst(%dma_wait3A_129 : memref<640x128xf32, #tpu.memory_space<hbm>>)
        tpu.yield
      }) : () -> ()
    } else {
    }
    %eq3A_2 = arith.constant 1 : i32
    %eq3A_3 = arith.cmpi eq, %arg0, %eq3A_2 : i32
    %convert_element_type3A_4 = arith.extui %eq3A_3 : i1 to i32
    %cond3A_5 = arith.constant 0 : i32
    %cond3A_6 = arith.cmpi ne, %convert_element_type3A_4, %cond3A_5 : i32
    scf.if %cond3A_6 {
      %scan3A = arith.constant 0 : i32
      %scan3A_7 = arith.constant 0 : i32
      %scan3A_8 = arith.constant 320 : i32
      %scan3A_9 = arith.addi %scan3A_7, %scan3A_8 : i32
      %scan3A_10 = arith.constant 1 : i32
      %scan3A_11 = scf.for %scan3A_124 = %scan3A_7 to %scan3A_9 step %scan3A_10 iter_args(%scan3A_125 = %scan3A) -> (i32)  : i32 {
        %broadcast_in_dim3A = arith.constant 0.000000e+00 : f32
        %broadcast_in_dim3A_126 = vector.broadcast %broadcast_in_dim3A : f32 to vector<16xf32>
        %jit3A = arith.constant 8 : i32
        %div3A = arith.divsi %scan3A_124, %jit3A : i32
        %sign3A = arith.constant 0 : i32
        %sign3A_127 = arith.cmpi sgt, %scan3A_124, %sign3A : i32
        %sign3A_128 = arith.extui %sign3A_127 : i1 to i32
        %sign3A_129 = arith.constant 0 : i32
        %sign3A_130 = arith.cmpi slt, %scan3A_124, %sign3A_129 : i32
        %sign3A_131 = arith.extui %sign3A_130 : i1 to i32
        %sign3A_132 = arith.subi %sign3A_128, %sign3A_131 : i32
        %sign3A_133 = arith.constant 0 : i32
        %sign3A_134 = arith.cmpi sgt, %jit3A, %sign3A_133 : i32
        %sign3A_135 = arith.extui %sign3A_134 : i1 to i32
        %sign3A_136 = arith.constant 0 : i32
        %sign3A_137 = arith.cmpi slt, %jit3A, %sign3A_136 : i32
        %sign3A_138 = arith.extui %sign3A_137 : i1 to i32
        %sign3A_139 = arith.subi %sign3A_135, %sign3A_138 : i32
        %ne3A = arith.cmpi ne, %sign3A_132, %sign3A_139 : i32
        %rem3A = arith.remsi %scan3A_124, %jit3A : i32
        %ne3A_140 = arith.constant 0 : i32
        %ne3A_141 = arith.cmpi ne, %rem3A, %ne3A_140 : i32
        %and3A = arith.andi %ne3A, %ne3A_141 : i1
        %sub3A = arith.constant 1 : i32
        %sub3A_142 = arith.subi %div3A, %sub3A : i32
        %select_n3A = arith.select %and3A, %sub3A_142, %div3A : i32
        %jit3A_143 = arith.constant 8 : i32
        %eq3A_144 = arith.constant 0 : i32
        %eq3A_145 = arith.cmpi eq, %jit3A_143, %eq3A_144 : i32
        %jit3A_146 = arith.constant 1 : i32
        %select_n3A_147 = arith.select %eq3A_145, %jit3A_146, %jit3A_143 : i32
        %rem3A_148 = arith.remsi %scan3A_124, %select_n3A_147 : i32
        %ne3A_149 = arith.constant 0 : i32
        %ne3A_150 = arith.cmpi ne, %rem3A_148, %ne3A_149 : i32
        %lt3A = arith.constant 0 : i32
        %lt3A_151 = arith.cmpi slt, %rem3A_148, %lt3A : i32
        %lt3A_152 = arith.constant 0 : i32
        %lt3A_153 = arith.cmpi slt, %select_n3A_147, %lt3A_152 : i32
        %ne3A_154 = arith.xori %lt3A_151, %lt3A_153 : i1
        %and3A_155 = arith.andi %ne3A_154, %ne3A_150 : i1
        %add3A_156 = arith.addi %rem3A_148, %select_n3A_147 : i32
        %select_n3A_157 = arith.select %and3A_155, %add3A_156, %rem3A_148 : i32
        %mul3A_158 = arith.constant 16 : i32
        %mul3A_159 = arith.muli %select_n3A_157, %mul3A_158 : i32
        %swap3A = arith.index_cast %select_n3A : i32 to index
        %swap3A_160 = arith.index_cast %mul3A_159 : i32 to index
        %swap3A_161 = tpu.vector_load %arg11[%swap3A, %swap3A_160] {strides = array<i32>} : memref<125x128xf32, #tpu.memory_space<vmem>>, vector<1x16xf32>,
        %swap3A_162 = vector.shape_cast %swap3A_161 : vector<1x16xf32> to vector<16xf32>
        %swap3A_163 = vector.shape_cast %broadcast_in_dim3A_126 : vector<16xf32> to vector<1x16xf32>
        tpu.vector_store %arg11[%swap3A, %swap3A_160], %swap3A_163 {strides = array<i32>} : memref<125x128xf32, #tpu.memory_space<vmem>>, vector<1x16xf32>,
        %scan3A_164 = arith.constant 0 : i32
        scf.yield %scan3A_164 : i32
      }
      %scan3A_12 = arith.constant 320 : i32
      %mul3A = arith.constant 640 : i32
      %mul3A_13 = arith.muli %arg1, %mul3A : i32
      %add3A = arith.constant 0 : i32
      %add3A_14 = arith.addi %mul3A_13, %add3A : i32
      "tpu.region"() ({
        %run_scoped3A_124 = tpu.sem_alloc : memref<!tpu.dma_semaphore, #tpu.memory_space<semaphore_mem>>
        %dma_start3A_125 = arith.constant 0 : i32
        %dma_start3A_126 = arith.constant 0 : i32
        %dma_start3A_127 = tpu.memref_slice %arg11[%dma_start3A_125, %dma_start3A_126] : memref<125x128xf32, #tpu.memory_space<vmem>> -> memref<40x128xf32, #tpu.memory_space<vmem>>
        %dma_start3A_128 = arith.constant 0 : i32
        %dma_start3A_129 = tpu.memref_slice %arg8[%add3A_14, %dma_start3A_128] : memref<10240x128xf32, #tpu.memory_space<vmem_shared>> -> memref<40x128xf32, #tpu.memory_space<vmem_shared>>
        %dma_start3A_130 = arith.constant 0 : i32
        %dma_start3A_131 = tpu.memref_slice %arg8[%add3A_14, %dma_start3A_130] : memref<10240x128xf32, #tpu.memory_space<vmem_shared>> -> memref<40x128xf32, #tpu.memory_space<vmem_shared>>
        %dma_start3A_132 = arith.constant 0 : i32
        %dma_start3A_133 = arith.constant 0 : i32
        %dma_start3A_134 = tpu.memref_slice %arg11[%dma_start3A_132, %dma_start3A_133] : memref<125x128xf32, #tpu.memory_space<vmem>> -> memref<40x128xf32, #tpu.memory_space<vmem>>
        tpu.enqueue_dma source(%dma_start3A_134 : memref<40x128xf32, #tpu.memory_space<vmem>>) target(%dma_start3A_131 : memref<40x128xf32, #tpu.memory_space<vmem_shared>>) target_semaphore(%run_scoped3A_124 : memref<!tpu.dma_semaphore, #tpu.memory_space<semaphore_mem>>)
        %dma_wait3A = arith.constant 0 : i32
        %dma_wait3A_135 = arith.constant 0 : i32
        %dma_wait3A_136 = tpu.memref_slice %arg11[%dma_wait3A, %dma_wait3A_135] : memref<125x128xf32, #tpu.memory_space<vmem>> -> memref<40x128xf32, #tpu.memory_space<vmem>>
        %dma_wait3A_137 = arith.constant 0 : i32
        %dma_wait3A_138 = tpu.memref_slice %arg8[%add3A_14, %dma_wait3A_137] : memref<10240x128xf32, #tpu.memory_space<vmem_shared>> -> memref<40x128xf32, #tpu.memory_space<vmem_shared>>
        %dma_wait3A_139 = arith.constant 0 : i32
        %dma_wait3A_140 = tpu.memref_slice %arg8[%add3A_14, %dma_wait3A_139] : memref<10240x128xf32, #tpu.memory_space<vmem_shared>> -> memref<40x128xf32, #tpu.memory_space<vmem_shared>>
        %dma_wait3A_141 = arith.constant 0 : i32
        %dma_wait3A_142 = arith.constant 0 : i32
        %dma_wait3A_143 = tpu.memref_slice %arg11[%dma_wait3A_141, %dma_wait3A_142] : memref<125x128xf32, #tpu.memory_space<vmem>> -> memref<40x128xf32, #tpu.memory_space<vmem>>
        tpu.wait_dma2 semaphore(%run_scoped3A_124 : memref<!tpu.dma_semaphore, #tpu.memory_space<semaphore_mem>>) src(%dma_wait3A_143 : memref<40x128xf32, #tpu.memory_space<vmem>>) dst(%dma_wait3A_140 : memref<40x128xf32, #tpu.memory_space<vmem_shared>>)
        tpu.yield
      }) : () -> ()
      %mul3A_15 = arith.constant 640 : i32
      %mul3A_16 = arith.muli %arg1, %mul3A_15 : i32
      %add3A_17 = arith.constant 40 : i32
      %add3A_18 = arith.addi %mul3A_16, %add3A_17 : i32
      "tpu.region"() ({
        %run_scoped3A_124 = tpu.sem_alloc : memref<!tpu.dma_semaphore, #tpu.memory_space<semaphore_mem>>
        %dma_start3A_125 = arith.constant 0 : i32
        %dma_start3A_126 = arith.constant 0 : i32
        %dma_start3A_127 = tpu.memref_slice %arg11[%dma_start3A_125, %dma_start3A_126] : memref<125x128xf32, #tpu.memory_space<vmem>> -> memref<40x128xf32, #tpu.memory_space<vmem>>
        %dma_start3A_128 = arith.constant 0 : i32
        %dma_start3A_129 = tpu.memref_slice %arg8[%add3A_18, %dma_start3A_128] : memref<10240x128xf32, #tpu.memory_space<vmem_shared>> -> memref<40x128xf32, #tpu.memory_space<vmem_shared>>
        %dma_start3A_130 = arith.constant 0 : i32
        %dma_start3A_131 = tpu.memref_slice %arg8[%add3A_18, %dma_start3A_130] : memref<10240x128xf32, #tpu.memory_space<vmem_shared>> -> memref<40x128xf32, #tpu.memory_space<vmem_shared>>
        %dma_start3A_132 = arith.constant 0 : i32
        %dma_start3A_133 = arith.constant 0 : i32
        %dma_start3A_134 = tpu.memref_slice %arg11[%dma_start3A_132, %dma_start3A_133] : memref<125x128xf32, #tpu.memory_space<vmem>> -> memref<40x128xf32, #tpu.memory_space<vmem>>
        tpu.enqueue_dma source(%dma_start3A_134 : memref<40x128xf32, #tpu.memory_space<vmem>>) target(%dma_start3A_131 : memref<40x128xf32, #tpu.memory_space<vmem_shared>>) target_semaphore(%run_scoped3A_124 : memref<!tpu.dma_semaphore, #tpu.memory_space<semaphore_mem>>)
        %dma_wait3A = arith.constant 0 : i32
        %dma_wait3A_135 = arith.constant 0 : i32
        %dma_wait3A_136 = tpu.memref_slice %arg11[%dma_wait3A, %dma_wait3A_135] : memref<125x128xf32, #tpu.memory_space<vmem>> -> memref<40x128xf32, #tpu.memory_space<vmem>>
        %dma_wait3A_137 = arith.constant 0 : i32
        %dma_wait3A_138 = tpu.memref_slice %arg8[%add3A_18, %dma_wait3A_137] : memref<10240x128xf32, #tpu.memory_space<vmem_shared>> -> memref<40x128xf32, #tpu.memory_space<vmem_shared>>
        %dma_wait3A_139 = arith.constant 0 : i32
        %dma_wait3A_140 = tpu.memref_slice %arg8[%add3A_18, %dma_wait3A_139] : memref<10240x128xf32, #tpu.memory_space<vmem_shared>> -> memref<40x128xf32, #tpu.memory_space<vmem_shared>>
        %dma_wait3A_141 = arith.constant 0 : i32
        %dma_wait3A_142 = arith.constant 0 : i32
        %dma_wait3A_143 = tpu.memref_slice %arg11[%dma_wait3A_141, %dma_wait3A_142] : memref<125x128xf32, #tpu.memory_space<vmem>> -> memref<40x128xf32, #tpu.memory_space<vmem>>
        tpu.wait_dma2 semaphore(%run_scoped3A_124 : memref<!tpu.dma_semaphore, #tpu.memory_space<semaphore_mem>>) src(%dma_wait3A_143 : memref<40x128xf32, #tpu.memory_space<vmem>>) dst(%dma_wait3A_140 : memref<40x128xf32, #tpu.memory_space<vmem_shared>>)
        tpu.yield
      }) : () -> ()
      %mul3A_19 = arith.constant 640 : i32
      %mul3A_20 = arith.muli %arg1, %mul3A_19 : i32
      %add3A_21 = arith.constant 80 : i32
      %add3A_22 = arith.addi %mul3A_20, %add3A_21 : i32
      "tpu.region"() ({
        %run_scoped3A_124 = tpu.sem_alloc : memref<!tpu.dma_semaphore, #tpu.memory_space<semaphore_mem>>
        %dma_start3A_125 = arith.constant 0 : i32
        %dma_start3A_126 = arith.constant 0 : i32
        %dma_start3A_127 = tpu.memref_slice %arg11[%dma_start3A_125, %dma_start3A_126] : memref<125x128xf32, #tpu.memory_space<vmem>> -> memref<40x128xf32, #tpu.memory_space<vmem>>
        %dma_start3A_128 = arith.constant 0 : i32
        %dma_start3A_129 = tpu.memref_slice %arg8[%add3A_22, %dma_start3A_128] : memref<10240x128xf32, #tpu.memory_space<vmem_shared>> -> memref<40x128xf32, #tpu.memory_space<vmem_shared>>
        %dma_start3A_130 = arith.constant 0 : i32
        %dma_start3A_131 = tpu.memref_slice %arg8[%add3A_22, %dma_start3A_130] : memref<10240x128xf32, #tpu.memory_space<vmem_shared>> -> memref<40x128xf32, #tpu.memory_space<vmem_shared>>
        %dma_start3A_132 = arith.constant 0 : i32
        %dma_start3A_133 = arith.constant 0 : i32
        %dma_start3A_134 = tpu.memref_slice %arg11[%dma_start3A_132, %dma_start3A_133] : memref<125x128xf32, #tpu.memory_space<vmem>> -> memref<40x128xf32, #tpu.memory_space<vmem>>
        tpu.enqueue_dma source(%dma_start3A_134 : memref<40x128xf32, #tpu.memory_space<vmem>>) target(%dma_start3A_131 : memref<40x128xf32, #tpu.memory_space<vmem_shared>>) target_semaphore(%run_scoped3A_124 : memref<!tpu.dma_semaphore, #tpu.memory_space<semaphore_mem>>)
        %dma_wait3A = arith.constant 0 : i32
        %dma_wait3A_135 = arith.constant 0 : i32
        %dma_wait3A_136 = tpu.memref_slice %arg11[%dma_wait3A, %dma_wait3A_135] : memref<125x128xf32, #tpu.memory_space<vmem>> -> memref<40x128xf32, #tpu.memory_space<vmem>>
        %dma_wait3A_137 = arith.constant 0 : i32
        %dma_wait3A_138 = tpu.memref_slice %arg8[%add3A_22, %dma_wait3A_137] : memref<10240x128xf32, #tpu.memory_space<vmem_shared>> -> memref<40x128xf32, #tpu.memory_space<vmem_shared>>
        %dma_wait3A_139 = arith.constant 0 : i32
        %dma_wait3A_140 = tpu.memref_slice %arg8[%add3A_22, %dma_wait3A_139] : memref<10240x128xf32, #tpu.memory_space<vmem_shared>> -> memref<40x128xf32, #tpu.memory_space<vmem_shared>>
        %dma_wait3A_141 = arith.constant 0 : i32
        %dma_wait3A_142 = arith.constant 0 : i32
        %dma_wait3A_143 = tpu.memref_slice %arg11[%dma_wait3A_141, %dma_wait3A_142] : memref<125x128xf32, #tpu.memory_space<vmem>> -> memref<40x128xf32, #tpu.memory_space<vmem>>
        tpu.wait_dma2 semaphore(%run_scoped3A_124 : memref<!tpu.dma_semaphore, #tpu.memory_space<semaphore_mem>>) src(%dma_wait3A_143 : memref<40x128xf32, #tpu.memory_space<vmem>>) dst(%dma_wait3A_140 : memref<40x128xf32, #tpu.memory_space<vmem_shared>>)
        tpu.yield
      }) : () -> ()
      %mul3A_23 = arith.constant 640 : i32
      %mul3A_24 = arith.muli %arg1, %mul3A_23 : i32
      %add3A_25 = arith.constant 120 : i32
      %add3A_26 = arith.addi %mul3A_24, %add3A_25 : i32
      "tpu.region"() ({
        %run_scoped3A_124 = tpu.sem_alloc : memref<!tpu.dma_semaphore, #tpu.memory_space<semaphore_mem>>
        %dma_start3A_125 = arith.constant 0 : i32
        %dma_start3A_126 = arith.constant 0 : i32
        %dma_start3A_127 = tpu.memref_slice %arg11[%dma_start3A_125, %dma_start3A_126] : memref<125x128xf32, #tpu.memory_space<vmem>> -> memref<40x128xf32, #tpu.memory_space<vmem>>
        %dma_start3A_128 = arith.constant 0 : i32
        %dma_start3A_129 = tpu.memref_slice %arg8[%add3A_26, %dma_start3A_128] : memref<10240x128xf32, #tpu.memory_space<vmem_shared>> -> memref<40x128xf32, #tpu.memory_space<vmem_shared>>
        %dma_start3A_130 = arith.constant 0 : i32
        %dma_start3A_131 = tpu.memref_slice %arg8[%add3A_26, %dma_start3A_130] : memref<10240x128xf32, #tpu.memory_space<vmem_shared>> -> memref<40x128xf32, #tpu.memory_space<vmem_shared>>
        %dma_start3A_132 = arith.constant 0 : i32
        %dma_start3A_133 = arith.constant 0 : i32
        %dma_start3A_134 = tpu.memref_slice %arg11[%dma_start3A_132, %dma_start3A_133] : memref<125x128xf32, #tpu.memory_space<vmem>> -> memref<40x128xf32, #tpu.memory_space<vmem>>
        tpu.enqueue_dma source(%dma_start3A_134 : memref<40x128xf32, #tpu.memory_space<vmem>>) target(%dma_start3A_131 : memref<40x128xf32, #tpu.memory_space<vmem_shared>>) target_semaphore(%run_scoped3A_124 : memref<!tpu.dma_semaphore, #tpu.memory_space<semaphore_mem>>)
        %dma_wait3A = arith.constant 0 : i32
        %dma_wait3A_135 = arith.constant 0 : i32
        %dma_wait3A_136 = tpu.memref_slice %arg11[%dma_wait3A, %dma_wait3A_135] : memref<125x128xf32, #tpu.memory_space<vmem>> -> memref<40x128xf32, #tpu.memory_space<vmem>>
        %dma_wait3A_137 = arith.constant 0 : i32
        %dma_wait3A_138 = tpu.memref_slice %arg8[%add3A_26, %dma_wait3A_137] : memref<10240x128xf32, #tpu.memory_space<vmem_shared>> -> memref<40x128xf32, #tpu.memory_space<vmem_shared>>
        %dma_wait3A_139 = arith.constant 0 : i32
        %dma_wait3A_140 = tpu.memref_slice %arg8[%add3A_26, %dma_wait3A_139] : memref<10240x128xf32, #tpu.memory_space<vmem_shared>> -> memref<40x128xf32, #tpu.memory_space<vmem_shared>>
        %dma_wait3A_141 = arith.constant 0 : i32
        %dma_wait3A_142 = arith.constant 0 : i32
        %dma_wait3A_143 = tpu.memref_slice %arg11[%dma_wait3A_141, %dma_wait3A_142] : memref<125x128xf32, #tpu.memory_space<vmem>> -> memref<40x128xf32, #tpu.memory_space<vmem>>
        tpu.wait_dma2 semaphore(%run_scoped3A_124 : memref<!tpu.dma_semaphore, #tpu.memory_space<semaphore_mem>>) src(%dma_wait3A_143 : memref<40x128xf32, #tpu.memory_space<vmem>>) dst(%dma_wait3A_140 : memref<40x128xf32, #tpu.memory_space<vmem_shared>>)
        tpu.yield
      }) : () -> ()
      %mul3A_27 = arith.constant 640 : i32
      %mul3A_28 = arith.muli %arg1, %mul3A_27 : i32
      %add3A_29 = arith.constant 160 : i32
      %add3A_30 = arith.addi %mul3A_28, %add3A_29 : i32
      "tpu.region"() ({
        %run_scoped3A_124 = tpu.sem_alloc : memref<!tpu.dma_semaphore, #tpu.memory_space<semaphore_mem>>
        %dma_start3A_125 = arith.constant 0 : i32
        %dma_start3A_126 = arith.constant 0 : i32
        %dma_start3A_127 = tpu.memref_slice %arg11[%dma_start3A_125, %dma_start3A_126] : memref<125x128xf32, #tpu.memory_space<vmem>> -> memref<40x128xf32, #tpu.memory_space<vmem>>
        %dma_start3A_128 = arith.constant 0 : i32
        %dma_start3A_129 = tpu.memref_slice %arg8[%add3A_30, %dma_start3A_128] : memref<10240x128xf32, #tpu.memory_space<vmem_shared>> -> memref<40x128xf32, #tpu.memory_space<vmem_shared>>
        %dma_start3A_130 = arith.constant 0 : i32
        %dma_start3A_131 = tpu.memref_slice %arg8[%add3A_30, %dma_start3A_130] : memref<10240x128xf32, #tpu.memory_space<vmem_shared>> -> memref<40x128xf32, #tpu.memory_space<vmem_shared>>
        %dma_start3A_132 = arith.constant 0 : i32
        %dma_start3A_133 = arith.constant 0 : i32
        %dma_start3A_134 = tpu.memref_slice %arg11[%dma_start3A_132, %dma_start3A_133] : memref<125x128xf32, #tpu.memory_space<vmem>> -> memref<40x128xf32, #tpu.memory_space<vmem>>
        tpu.enqueue_dma source(%dma_start3A_134 : memref<40x128xf32, #tpu.memory_space<vmem>>) target(%dma_start3A_131 : memref<40x128xf32, #tpu.memory_space<vmem_shared>>) target_semaphore(%run_scoped3A_124 : memref<!tpu.dma_semaphore, #tpu.memory_space<semaphore_mem>>)
        %dma_wait3A = arith.constant 0 : i32
        %dma_wait3A_135 = arith.constant 0 : i32
        %dma_wait3A_136 = tpu.memref_slice %arg11[%dma_wait3A, %dma_wait3A_135] : memref<125x128xf32, #tpu.memory_space<vmem>> -> memref<40x128xf32, #tpu.memory_space<vmem>>
        %dma_wait3A_137 = arith.constant 0 : i32
        %dma_wait3A_138 = tpu.memref_slice %arg8[%add3A_30, %dma_wait3A_137] : memref<10240x128xf32, #tpu.memory_space<vmem_shared>> -> memref<40x128xf32, #tpu.memory_space<vmem_shared>>
        %dma_wait3A_139 = arith.constant 0 : i32
        %dma_wait3A_140 = tpu.memref_slice %arg8[%add3A_30, %dma_wait3A_139] : memref<10240x128xf32, #tpu.memory_space<vmem_shared>> -> memref<40x128xf32, #tpu.memory_space<vmem_shared>>
        %dma_wait3A_141 = arith.constant 0 : i32
        %dma_wait3A_142 = arith.constant 0 : i32
        %dma_wait3A_143 = tpu.memref_slice %arg11[%dma_wait3A_141, %dma_wait3A_142] : memref<125x128xf32, #tpu.memory_space<vmem>> -> memref<40x128xf32, #tpu.memory_space<vmem>>
        tpu.wait_dma2 semaphore(%run_scoped3A_124 : memref<!tpu.dma_semaphore, #tpu.memory_space<semaphore_mem>>) src(%dma_wait3A_143 : memref<40x128xf32, #tpu.memory_space<vmem>>) dst(%dma_wait3A_140 : memref<40x128xf32, #tpu.memory_space<vmem_shared>>)
        tpu.yield
      }) : () -> ()
      %mul3A_31 = arith.constant 640 : i32
      %mul3A_32 = arith.muli %arg1, %mul3A_31 : i32
      %add3A_33 = arith.constant 200 : i32
      %add3A_34 = arith.addi %mul3A_32, %add3A_33 : i32
      "tpu.region"() ({
        %run_scoped3A_124 = tpu.sem_alloc : memref<!tpu.dma_semaphore, #tpu.memory_space<semaphore_mem>>
        %dma_start3A_125 = arith.constant 0 : i32
        %dma_start3A_126 = arith.constant 0 : i32
        %dma_start3A_127 = tpu.memref_slice %arg11[%dma_start3A_125, %dma_start3A_126] : memref<125x128xf32, #tpu.memory_space<vmem>> -> memref<40x128xf32, #tpu.memory_space<vmem>>
        %dma_start3A_128 = arith.constant 0 : i32
        %dma_start3A_129 = tpu.memref_slice %arg8[%add3A_34, %dma_start3A_128] : memref<10240x128xf32, #tpu.memory_space<vmem_shared>> -> memref<40x128xf32, #tpu.memory_space<vmem_shared>>
        %dma_start3A_130 = arith.constant 0 : i32
        %dma_start3A_131 = tpu.memref_slice %arg8[%add3A_34, %dma_start3A_130] : memref<10240x128xf32, #tpu.memory_space<vmem_shared>> -> memref<40x128xf32, #tpu.memory_space<vmem_shared>>
        %dma_start3A_132 = arith.constant 0 : i32
        %dma_start3A_133 = arith.constant 0 : i32
        %dma_start3A_134 = tpu.memref_slice %arg11[%dma_start3A_132, %dma_start3A_133] : memref<125x128xf32, #tpu.memory_space<vmem>> -> memref<40x128xf32, #tpu.memory_space<vmem>>
        tpu.enqueue_dma source(%dma_start3A_134 : memref<40x128xf32, #tpu.memory_space<vmem>>) target(%dma_start3A_131 : memref<40x128xf32, #tpu.memory_space<vmem_shared>>) target_semaphore(%run_scoped3A_124 : memref<!tpu.dma_semaphore, #tpu.memory_space<semaphore_mem>>)
        %dma_wait3A = arith.constant 0 : i32
        %dma_wait3A_135 = arith.constant 0 : i32
        %dma_wait3A_136 = tpu.memref_slice %arg11[%dma_wait3A, %dma_wait3A_135] : memref<125x128xf32, #tpu.memory_space<vmem>> -> memref<40x128xf32, #tpu.memory_space<vmem>>
        %dma_wait3A_137 = arith.constant 0 : i32
        %dma_wait3A_138 = tpu.memref_slice %arg8[%add3A_34, %dma_wait3A_137] : memref<10240x128xf32, #tpu.memory_space<vmem_shared>> -> memref<40x128xf32, #tpu.memory_space<vmem_shared>>
        %dma_wait3A_139 = arith.constant 0 : i32
        %dma_wait3A_140 = tpu.memref_slice %arg8[%add3A_34, %dma_wait3A_139] : memref<10240x128xf32, #tpu.memory_space<vmem_shared>> -> memref<40x128xf32, #tpu.memory_space<vmem_shared>>
        %dma_wait3A_141 = arith.constant 0 : i32
        %dma_wait3A_142 = arith.constant 0 : i32
        %dma_wait3A_143 = tpu.memref_slice %arg11[%dma_wait3A_141, %dma_wait3A_142] : memref<125x128xf32, #tpu.memory_space<vmem>> -> memref<40x128xf32, #tpu.memory_space<vmem>>
        tpu.wait_dma2 semaphore(%run_scoped3A_124 : memref<!tpu.dma_semaphore, #tpu.memory_space<semaphore_mem>>) src(%dma_wait3A_143 : memref<40x128xf32, #tpu.memory_space<vmem>>) dst(%dma_wait3A_140 : memref<40x128xf32, #tpu.memory_space<vmem_shared>>)
        tpu.yield
      }) : () -> ()
      %mul3A_35 = arith.constant 640 : i32
      %mul3A_36 = arith.muli %arg1, %mul3A_35 : i32
      %add3A_37 = arith.constant 240 : i32
      %add3A_38 = arith.addi %mul3A_36, %add3A_37 : i32
      "tpu.region"() ({
        %run_scoped3A_124 = tpu.sem_alloc : memref<!tpu.dma_semaphore, #tpu.memory_space<semaphore_mem>>
        %dma_start3A_125 = arith.constant 0 : i32
        %dma_start3A_126 = arith.constant 0 : i32
        %dma_start3A_127 = tpu.memref_slice %arg11[%dma_start3A_125, %dma_start3A_126] : memref<125x128xf32, #tpu.memory_space<vmem>> -> memref<40x128xf32, #tpu.memory_space<vmem>>
        %dma_start3A_128 = arith.constant 0 : i32
        %dma_start3A_129 = tpu.memref_slice %arg8[%add3A_38, %dma_start3A_128] : memref<10240x128xf32, #tpu.memory_space<vmem_shared>> -> memref<40x128xf32, #tpu.memory_space<vmem_shared>>
        %dma_start3A_130 = arith.constant 0 : i32
        %dma_start3A_131 = tpu.memref_slice %arg8[%add3A_38, %dma_start3A_130] : memref<10240x128xf32, #tpu.memory_space<vmem_shared>> -> memref<40x128xf32, #tpu.memory_space<vmem_shared>>
        %dma_start3A_132 = arith.constant 0 : i32
        %dma_start3A_133 = arith.constant 0 : i32
        %dma_start3A_134 = tpu.memref_slice %arg11[%dma_start3A_132, %dma_start3A_133] : memref<125x128xf32, #tpu.memory_space<vmem>> -> memref<40x128xf32, #tpu.memory_space<vmem>>
        tpu.enqueue_dma source(%dma_start3A_134 : memref<40x128xf32, #tpu.memory_space<vmem>>) target(%dma_start3A_131 : memref<40x128xf32, #tpu.memory_space<vmem_shared>>) target_semaphore(%run_scoped3A_124 : memref<!tpu.dma_semaphore, #tpu.memory_space<semaphore_mem>>)
        %dma_wait3A = arith.constant 0 : i32
        %dma_wait3A_135 = arith.constant 0 : i32
        %dma_wait3A_136 = tpu.memref_slice %arg11[%dma_wait3A, %dma_wait3A_135] : memref<125x128xf32, #tpu.memory_space<vmem>> -> memref<40x128xf32, #tpu.memory_space<vmem>>
        %dma_wait3A_137 = arith.constant 0 : i32
        %dma_wait3A_138 = tpu.memref_slice %arg8[%add3A_38, %dma_wait3A_137] : memref<10240x128xf32, #tpu.memory_space<vmem_shared>> -> memref<40x128xf32, #tpu.memory_space<vmem_shared>>
        %dma_wait3A_139 = arith.constant 0 : i32
        %dma_wait3A_140 = tpu.memref_slice %arg8[%add3A_38, %dma_wait3A_139] : memref<10240x128xf32, #tpu.memory_space<vmem_shared>> -> memref<40x128xf32, #tpu.memory_space<vmem_shared>>
        %dma_wait3A_141 = arith.constant 0 : i32
        %dma_wait3A_142 = arith.constant 0 : i32
        %dma_wait3A_143 = tpu.memref_slice %arg11[%dma_wait3A_141, %dma_wait3A_142] : memref<125x128xf32, #tpu.memory_space<vmem>> -> memref<40x128xf32, #tpu.memory_space<vmem>>
        tpu.wait_dma2 semaphore(%run_scoped3A_124 : memref<!tpu.dma_semaphore, #tpu.memory_space<semaphore_mem>>) src(%dma_wait3A_143 : memref<40x128xf32, #tpu.memory_space<vmem>>) dst(%dma_wait3A_140 : memref<40x128xf32, #tpu.memory_space<vmem_shared>>)
        tpu.yield
      }) : () -> ()
      %mul3A_39 = arith.constant 640 : i32
      %mul3A_40 = arith.muli %arg1, %mul3A_39 : i32
      %add3A_41 = arith.constant 280 : i32
      %add3A_42 = arith.addi %mul3A_40, %add3A_41 : i32
      "tpu.region"() ({
        %run_scoped3A_124 = tpu.sem_alloc : memref<!tpu.dma_semaphore, #tpu.memory_space<semaphore_mem>>
        %dma_start3A_125 = arith.constant 0 : i32
        %dma_start3A_126 = arith.constant 0 : i32
        %dma_start3A_127 = tpu.memref_slice %arg11[%dma_start3A_125, %dma_start3A_126] : memref<125x128xf32, #tpu.memory_space<vmem>> -> memref<40x128xf32, #tpu.memory_space<vmem>>
        %dma_start3A_128 = arith.constant 0 : i32
        %dma_start3A_129 = tpu.memref_slice %arg8[%add3A_42, %dma_start3A_128] : memref<10240x128xf32, #tpu.memory_space<vmem_shared>> -> memref<40x128xf32, #tpu.memory_space<vmem_shared>>
        %dma_start3A_130 = arith.constant 0 : i32
        %dma_start3A_131 = tpu.memref_slice %arg8[%add3A_42, %dma_start3A_130] : memref<10240x128xf32, #tpu.memory_space<vmem_shared>> -> memref<40x128xf32, #tpu.memory_space<vmem_shared>>
        %dma_start3A_132 = arith.constant 0 : i32
        %dma_start3A_133 = arith.constant 0 : i32
        %dma_start3A_134 = tpu.memref_slice %arg11[%dma_start3A_132, %dma_start3A_133] : memref<125x128xf32, #tpu.memory_space<vmem>> -> memref<40x128xf32, #tpu.memory_space<vmem>>
        tpu.enqueue_dma source(%dma_start3A_134 : memref<40x128xf32, #tpu.memory_space<vmem>>) target(%dma_start3A_131 : memref<40x128xf32, #tpu.memory_space<vmem_shared>>) target_semaphore(%run_scoped3A_124 : memref<!tpu.dma_semaphore, #tpu.memory_space<semaphore_mem>>)
        %dma_wait3A = arith.constant 0 : i32
        %dma_wait3A_135 = arith.constant 0 : i32
        %dma_wait3A_136 = tpu.memref_slice %arg11[%dma_wait3A, %dma_wait3A_135] : memref<125x128xf32, #tpu.memory_space<vmem>> -> memref<40x128xf32, #tpu.memory_space<vmem>>
        %dma_wait3A_137 = arith.constant 0 : i32
        %dma_wait3A_138 = tpu.memref_slice %arg8[%add3A_42, %dma_wait3A_137] : memref<10240x128xf32, #tpu.memory_space<vmem_shared>> -> memref<40x128xf32, #tpu.memory_space<vmem_shared>>
        %dma_wait3A_139 = arith.constant 0 : i32
        %dma_wait3A_140 = tpu.memref_slice %arg8[%add3A_42, %dma_wait3A_139] : memref<10240x128xf32, #tpu.memory_space<vmem_shared>> -> memref<40x128xf32, #tpu.memory_space<vmem_shared>>
        %dma_wait3A_141 = arith.constant 0 : i32
        %dma_wait3A_142 = arith.constant 0 : i32
        %dma_wait3A_143 = tpu.memref_slice %arg11[%dma_wait3A_141, %dma_wait3A_142] : memref<125x128xf32, #tpu.memory_space<vmem>> -> memref<40x128xf32, #tpu.memory_space<vmem>>
        tpu.wait_dma2 semaphore(%run_scoped3A_124 : memref<!tpu.dma_semaphore, #tpu.memory_space<semaphore_mem>>) src(%dma_wait3A_143 : memref<40x128xf32, #tpu.memory_space<vmem>>) dst(%dma_wait3A_140 : memref<40x128xf32, #tpu.memory_space<vmem_shared>>)
        tpu.yield
      }) : () -> ()
      %mul3A_43 = arith.constant 640 : i32
      %mul3A_44 = arith.muli %arg1, %mul3A_43 : i32
      %add3A_45 = arith.constant 320 : i32
      %add3A_46 = arith.addi %mul3A_44, %add3A_45 : i32
      "tpu.region"() ({
        %run_scoped3A_124 = tpu.sem_alloc : memref<!tpu.dma_semaphore, #tpu.memory_space<semaphore_mem>>
        %dma_start3A_125 = arith.constant 0 : i32
        %dma_start3A_126 = arith.constant 0 : i32
        %dma_start3A_127 = tpu.memref_slice %arg11[%dma_start3A_125, %dma_start3A_126] : memref<125x128xf32, #tpu.memory_space<vmem>> -> memref<40x128xf32, #tpu.memory_space<vmem>>
        %dma_start3A_128 = arith.constant 0 : i32
        %dma_start3A_129 = tpu.memref_slice %arg8[%add3A_46, %dma_start3A_128] : memref<10240x128xf32, #tpu.memory_space<vmem_shared>> -> memref<40x128xf32, #tpu.memory_space<vmem_shared>>
        %dma_start3A_130 = arith.constant 0 : i32
        %dma_start3A_131 = tpu.memref_slice %arg8[%add3A_46, %dma_start3A_130] : memref<10240x128xf32, #tpu.memory_space<vmem_shared>> -> memref<40x128xf32, #tpu.memory_space<vmem_shared>>
        %dma_start3A_132 = arith.constant 0 : i32
        %dma_start3A_133 = arith.constant 0 : i32
        %dma_start3A_134 = tpu.memref_slice %arg11[%dma_start3A_132, %dma_start3A_133] : memref<125x128xf32, #tpu.memory_space<vmem>> -> memref<40x128xf32, #tpu.memory_space<vmem>>
        tpu.enqueue_dma source(%dma_start3A_134 : memref<40x128xf32, #tpu.memory_space<vmem>>) target(%dma_start3A_131 : memref<40x128xf32, #tpu.memory_space<vmem_shared>>) target_semaphore(%run_scoped3A_124 : memref<!tpu.dma_semaphore, #tpu.memory_space<semaphore_mem>>)
        %dma_wait3A = arith.constant 0 : i32
        %dma_wait3A_135 = arith.constant 0 : i32
        %dma_wait3A_136 = tpu.memref_slice %arg11[%dma_wait3A, %dma_wait3A_135] : memref<125x128xf32, #tpu.memory_space<vmem>> -> memref<40x128xf32, #tpu.memory_space<vmem>>
        %dma_wait3A_137 = arith.constant 0 : i32
        %dma_wait3A_138 = tpu.memref_slice %arg8[%add3A_46, %dma_wait3A_137] : memref<10240x128xf32, #tpu.memory_space<vmem_shared>> -> memref<40x128xf32, #tpu.memory_space<vmem_shared>>
        %dma_wait3A_139 = arith.constant 0 : i32
        %dma_wait3A_140 = tpu.memref_slice %arg8[%add3A_46, %dma_wait3A_139] : memref<10240x128xf32, #tpu.memory_space<vmem_shared>> -> memref<40x128xf32, #tpu.memory_space<vmem_shared>>
        %dma_wait3A_141 = arith.constant 0 : i32
        %dma_wait3A_142 = arith.constant 0 : i32
        %dma_wait3A_143 = tpu.memref_slice %arg11[%dma_wait3A_141, %dma_wait3A_142] : memref<125x128xf32, #tpu.memory_space<vmem>> -> memref<40x128xf32, #tpu.memory_space<vmem>>
        tpu.wait_dma2 semaphore(%run_scoped3A_124 : memref<!tpu.dma_semaphore, #tpu.memory_space<semaphore_mem>>) src(%dma_wait3A_143 : memref<40x128xf32, #tpu.memory_space<vmem>>) dst(%dma_wait3A_140 : memref<40x128xf32, #tpu.memory_space<vmem_shared>>)
        tpu.yield
      }) : () -> ()
      %mul3A_47 = arith.constant 640 : i32
      %mul3A_48 = arith.muli %arg1, %mul3A_47 : i32
      %add3A_49 = arith.constant 360 : i32
      %add3A_50 = arith.addi %mul3A_48, %add3A_49 : i32
      "tpu.region"() ({
        %run_scoped3A_124 = tpu.sem_alloc : memref<!tpu.dma_semaphore, #tpu.memory_space<semaphore_mem>>
        %dma_start3A_125 = arith.constant 0 : i32
        %dma_start3A_126 = arith.constant 0 : i32
        %dma_start3A_127 = tpu.memref_slice %arg11[%dma_start3A_125, %dma_start3A_126] : memref<125x128xf32, #tpu.memory_space<vmem>> -> memref<40x128xf32, #tpu.memory_space<vmem>>
        %dma_start3A_128 = arith.constant 0 : i32
        %dma_start3A_129 = tpu.memref_slice %arg8[%add3A_50, %dma_start3A_128] : memref<10240x128xf32, #tpu.memory_space<vmem_shared>> -> memref<40x128xf32, #tpu.memory_space<vmem_shared>>
        %dma_start3A_130 = arith.constant 0 : i32
        %dma_start3A_131 = tpu.memref_slice %arg8[%add3A_50, %dma_start3A_130] : memref<10240x128xf32, #tpu.memory_space<vmem_shared>> -> memref<40x128xf32, #tpu.memory_space<vmem_shared>>
        %dma_start3A_132 = arith.constant 0 : i32
        %dma_start3A_133 = arith.constant 0 : i32
        %dma_start3A_134 = tpu.memref_slice %arg11[%dma_start3A_132, %dma_start3A_133] : memref<125x128xf32, #tpu.memory_space<vmem>> -> memref<40x128xf32, #tpu.memory_space<vmem>>
        tpu.enqueue_dma source(%dma_start3A_134 : memref<40x128xf32, #tpu.memory_space<vmem>>) target(%dma_start3A_131 : memref<40x128xf32, #tpu.memory_space<vmem_shared>>) target_semaphore(%run_scoped3A_124 : memref<!tpu.dma_semaphore, #tpu.memory_space<semaphore_mem>>)
        %dma_wait3A = arith.constant 0 : i32
        %dma_wait3A_135 = arith.constant 0 : i32
        %dma_wait3A_136 = tpu.memref_slice %arg11[%dma_wait3A, %dma_wait3A_135] : memref<125x128xf32, #tpu.memory_space<vmem>> -> memref<40x128xf32, #tpu.memory_space<vmem>>
        %dma_wait3A_137 = arith.constant 0 : i32
        %dma_wait3A_138 = tpu.memref_slice %arg8[%add3A_50, %dma_wait3A_137] : memref<10240x128xf32, #tpu.memory_space<vmem_shared>> -> memref<40x128xf32, #tpu.memory_space<vmem_shared>>
        %dma_wait3A_139 = arith.constant 0 : i32
        %dma_wait3A_140 = tpu.memref_slice %arg8[%add3A_50, %dma_wait3A_139] : memref<10240x128xf32, #tpu.memory_space<vmem_shared>> -> memref<40x128xf32, #tpu.memory_space<vmem_shared>>
        %dma_wait3A_141 = arith.constant 0 : i32
        %dma_wait3A_142 = arith.constant 0 : i32
        %dma_wait3A_143 = tpu.memref_slice %arg11[%dma_wait3A_141, %dma_wait3A_142] : memref<125x128xf32, #tpu.memory_space<vmem>> -> memref<40x128xf32, #tpu.memory_space<vmem>>
        tpu.wait_dma2 semaphore(%run_scoped3A_124 : memref<!tpu.dma_semaphore, #tpu.memory_space<semaphore_mem>>) src(%dma_wait3A_143 : memref<40x128xf32, #tpu.memory_space<vmem>>) dst(%dma_wait3A_140 : memref<40x128xf32, #tpu.memory_space<vmem_shared>>)
        tpu.yield
      }) : () -> ()
      %mul3A_51 = arith.constant 640 : i32
      %mul3A_52 = arith.muli %arg1, %mul3A_51 : i32
      %add3A_53 = arith.constant 400 : i32
      %add3A_54 = arith.addi %mul3A_52, %add3A_53 : i32
      "tpu.region"() ({
        %run_scoped3A_124 = tpu.sem_alloc : memref<!tpu.dma_semaphore, #tpu.memory_space<semaphore_mem>>
        %dma_start3A_125 = arith.constant 0 : i32
        %dma_start3A_126 = arith.constant 0 : i32
        %dma_start3A_127 = tpu.memref_slice %arg11[%dma_start3A_125, %dma_start3A_126] : memref<125x128xf32, #tpu.memory_space<vmem>> -> memref<40x128xf32, #tpu.memory_space<vmem>>
        %dma_start3A_128 = arith.constant 0 : i32
        %dma_start3A_129 = tpu.memref_slice %arg8[%add3A_54, %dma_start3A_128] : memref<10240x128xf32, #tpu.memory_space<vmem_shared>> -> memref<40x128xf32, #tpu.memory_space<vmem_shared>>
        %dma_start3A_130 = arith.constant 0 : i32
        %dma_start3A_131 = tpu.memref_slice %arg8[%add3A_54, %dma_start3A_130] : memref<10240x128xf32, #tpu.memory_space<vmem_shared>> -> memref<40x128xf32, #tpu.memory_space<vmem_shared>>
        %dma_start3A_132 = arith.constant 0 : i32
        %dma_start3A_133 = arith.constant 0 : i32
        %dma_start3A_134 = tpu.memref_slice %arg11[%dma_start3A_132, %dma_start3A_133] : memref<125x128xf32, #tpu.memory_space<vmem>> -> memref<40x128xf32, #tpu.memory_space<vmem>>
        tpu.enqueue_dma source(%dma_start3A_134 : memref<40x128xf32, #tpu.memory_space<vmem>>) target(%dma_start3A_131 : memref<40x128xf32, #tpu.memory_space<vmem_shared>>) target_semaphore(%run_scoped3A_124 : memref<!tpu.dma_semaphore, #tpu.memory_space<semaphore_mem>>)
        %dma_wait3A = arith.constant 0 : i32
        %dma_wait3A_135 = arith.constant 0 : i32
        %dma_wait3A_136 = tpu.memref_slice %arg11[%dma_wait3A, %dma_wait3A_135] : memref<125x128xf32, #tpu.memory_space<vmem>> -> memref<40x128xf32, #tpu.memory_space<vmem>>
        %dma_wait3A_137 = arith.constant 0 : i32
        %dma_wait3A_138 = tpu.memref_slice %arg8[%add3A_54, %dma_wait3A_137] : memref<10240x128xf32, #tpu.memory_space<vmem_shared>> -> memref<40x128xf32, #tpu.memory_space<vmem_shared>>
        %dma_wait3A_139 = arith.constant 0 : i32
        %dma_wait3A_140 = tpu.memref_slice %arg8[%add3A_54, %dma_wait3A_139] : memref<10240x128xf32, #tpu.memory_space<vmem_shared>> -> memref<40x128xf32, #tpu.memory_space<vmem_shared>>
        %dma_wait3A_141 = arith.constant 0 : i32
        %dma_wait3A_142 = arith.constant 0 : i32
        %dma_wait3A_143 = tpu.memref_slice %arg11[%dma_wait3A_141, %dma_wait3A_142] : memref<125x128xf32, #tpu.memory_space<vmem>> -> memref<40x128xf32, #tpu.memory_space<vmem>>
        tpu.wait_dma2 semaphore(%run_scoped3A_124 : memref<!tpu.dma_semaphore, #tpu.memory_space<semaphore_mem>>) src(%dma_wait3A_143 : memref<40x128xf32, #tpu.memory_space<vmem>>) dst(%dma_wait3A_140 : memref<40x128xf32, #tpu.memory_space<vmem_shared>>)
        tpu.yield
      }) : () -> ()
      %mul3A_55 = arith.constant 640 : i32
      %mul3A_56 = arith.muli %arg1, %mul3A_55 : i32
      %add3A_57 = arith.constant 440 : i32
      %add3A_58 = arith.addi %mul3A_56, %add3A_57 : i32
      "tpu.region"() ({
        %run_scoped3A_124 = tpu.sem_alloc : memref<!tpu.dma_semaphore, #tpu.memory_space<semaphore_mem>>
        %dma_start3A_125 = arith.constant 0 : i32
        %dma_start3A_126 = arith.constant 0 : i32
        %dma_start3A_127 = tpu.memref_slice %arg11[%dma_start3A_125, %dma_start3A_126] : memref<125x128xf32, #tpu.memory_space<vmem>> -> memref<40x128xf32, #tpu.memory_space<vmem>>
        %dma_start3A_128 = arith.constant 0 : i32
        %dma_start3A_129 = tpu.memref_slice %arg8[%add3A_58, %dma_start3A_128] : memref<10240x128xf32, #tpu.memory_space<vmem_shared>> -> memref<40x128xf32, #tpu.memory_space<vmem_shared>>
        %dma_start3A_130 = arith.constant 0 : i32
        %dma_start3A_131 = tpu.memref_slice %arg8[%add3A_58, %dma_start3A_130] : memref<10240x128xf32, #tpu.memory_space<vmem_shared>> -> memref<40x128xf32, #tpu.memory_space<vmem_shared>>
        %dma_start3A_132 = arith.constant 0 : i32
        %dma_start3A_133 = arith.constant 0 : i32
        %dma_start3A_134 = tpu.memref_slice %arg11[%dma_start3A_132, %dma_start3A_133] : memref<125x128xf32, #tpu.memory_space<vmem>> -> memref<40x128xf32, #tpu.memory_space<vmem>>
        tpu.enqueue_dma source(%dma_start3A_134 : memref<40x128xf32, #tpu.memory_space<vmem>>) target(%dma_start3A_131 : memref<40x128xf32, #tpu.memory_space<vmem_shared>>) target_semaphore(%run_scoped3A_124 : memref<!tpu.dma_semaphore, #tpu.memory_space<semaphore_mem>>)
        %dma_wait3A = arith.constant 0 : i32
        %dma_wait3A_135 = arith.constant 0 : i32
        %dma_wait3A_136 = tpu.memref_slice %arg11[%dma_wait3A, %dma_wait3A_135] : memref<125x128xf32, #tpu.memory_space<vmem>> -> memref<40x128xf32, #tpu.memory_space<vmem>>
        %dma_wait3A_137 = arith.constant 0 : i32
        %dma_wait3A_138 = tpu.memref_slice %arg8[%add3A_58, %dma_wait3A_137] : memref<10240x128xf32, #tpu.memory_space<vmem_shared>> -> memref<40x128xf32, #tpu.memory_space<vmem_shared>>
        %dma_wait3A_139 = arith.constant 0 : i32
        %dma_wait3A_140 = tpu.memref_slice %arg8[%add3A_58, %dma_wait3A_139] : memref<10240x128xf32, #tpu.memory_space<vmem_shared>> -> memref<40x128xf32, #tpu.memory_space<vmem_shared>>
        %dma_wait3A_141 = arith.constant 0 : i32
        %dma_wait3A_142 = arith.constant 0 : i32
        %dma_wait3A_143 = tpu.memref_slice %arg11[%dma_wait3A_141, %dma_wait3A_142] : memref<125x128xf32, #tpu.memory_space<vmem>> -> memref<40x128xf32, #tpu.memory_space<vmem>>
        tpu.wait_dma2 semaphore(%run_scoped3A_124 : memref<!tpu.dma_semaphore, #tpu.memory_space<semaphore_mem>>) src(%dma_wait3A_143 : memref<40x128xf32, #tpu.memory_space<vmem>>) dst(%dma_wait3A_140 : memref<40x128xf32, #tpu.memory_space<vmem_shared>>)
        tpu.yield
      }) : () -> ()
      %mul3A_59 = arith.constant 640 : i32
      %mul3A_60 = arith.muli %arg1, %mul3A_59 : i32
      %add3A_61 = arith.constant 480 : i32
      %add3A_62 = arith.addi %mul3A_60, %add3A_61 : i32
      "tpu.region"() ({
        %run_scoped3A_124 = tpu.sem_alloc : memref<!tpu.dma_semaphore, #tpu.memory_space<semaphore_mem>>
        %dma_start3A_125 = arith.constant 0 : i32
        %dma_start3A_126 = arith.constant 0 : i32
        %dma_start3A_127 = tpu.memref_slice %arg11[%dma_start3A_125, %dma_start3A_126] : memref<125x128xf32, #tpu.memory_space<vmem>> -> memref<40x128xf32, #tpu.memory_space<vmem>>
        %dma_start3A_128 = arith.constant 0 : i32
        %dma_start3A_129 = tpu.memref_slice %arg8[%add3A_62, %dma_start3A_128] : memref<10240x128xf32, #tpu.memory_space<vmem_shared>> -> memref<40x128xf32, #tpu.memory_space<vmem_shared>>
        %dma_start3A_130 = arith.constant 0 : i32
        %dma_start3A_131 = tpu.memref_slice %arg8[%add3A_62, %dma_start3A_130] : memref<10240x128xf32, #tpu.memory_space<vmem_shared>> -> memref<40x128xf32, #tpu.memory_space<vmem_shared>>
        %dma_start3A_132 = arith.constant 0 : i32
        %dma_start3A_133 = arith.constant 0 : i32
        %dma_start3A_134 = tpu.memref_slice %arg11[%dma_start3A_132, %dma_start3A_133] : memref<125x128xf32, #tpu.memory_space<vmem>> -> memref<40x128xf32, #tpu.memory_space<vmem>>
        tpu.enqueue_dma source(%dma_start3A_134 : memref<40x128xf32, #tpu.memory_space<vmem>>) target(%dma_start3A_131 : memref<40x128xf32, #tpu.memory_space<vmem_shared>>) target_semaphore(%run_scoped3A_124 : memref<!tpu.dma_semaphore, #tpu.memory_space<semaphore_mem>>)
        %dma_wait3A = arith.constant 0 : i32
        %dma_wait3A_135 = arith.constant 0 : i32
        %dma_wait3A_136 = tpu.memref_slice %arg11[%dma_wait3A, %dma_wait3A_135] : memref<125x128xf32, #tpu.memory_space<vmem>> -> memref<40x128xf32, #tpu.memory_space<vmem>>
        %dma_wait3A_137 = arith.constant 0 : i32
        %dma_wait3A_138 = tpu.memref_slice %arg8[%add3A_62, %dma_wait3A_137] : memref<10240x128xf32, #tpu.memory_space<vmem_shared>> -> memref<40x128xf32, #tpu.memory_space<vmem_shared>>
        %dma_wait3A_139 = arith.constant 0 : i32
        %dma_wait3A_140 = tpu.memref_slice %arg8[%add3A_62, %dma_wait3A_139] : memref<10240x128xf32, #tpu.memory_space<vmem_shared>> -> memref<40x128xf32, #tpu.memory_space<vmem_shared>>
        %dma_wait3A_141 = arith.constant 0 : i32
        %dma_wait3A_142 = arith.constant 0 : i32
        %dma_wait3A_143 = tpu.memref_slice %arg11[%dma_wait3A_141, %dma_wait3A_142] : memref<125x128xf32, #tpu.memory_space<vmem>> -> memref<40x128xf32, #tpu.memory_space<vmem>>
        tpu.wait_dma2 semaphore(%run_scoped3A_124 : memref<!tpu.dma_semaphore, #tpu.memory_space<semaphore_mem>>) src(%dma_wait3A_143 : memref<40x128xf32, #tpu.memory_space<vmem>>) dst(%dma_wait3A_140 : memref<40x128xf32, #tpu.memory_space<vmem_shared>>)
        tpu.yield
      }) : () -> ()
      %mul3A_63 = arith.constant 640 : i32
      %mul3A_64 = arith.muli %arg1, %mul3A_63 : i32
      %add3A_65 = arith.constant 520 : i32
      %add3A_66 = arith.addi %mul3A_64, %add3A_65 : i32
      "tpu.region"() ({
        %run_scoped3A_124 = tpu.sem_alloc : memref<!tpu.dma_semaphore, #tpu.memory_space<semaphore_mem>>
        %dma_start3A_125 = arith.constant 0 : i32
        %dma_start3A_126 = arith.constant 0 : i32
        %dma_start3A_127 = tpu.memref_slice %arg11[%dma_start3A_125, %dma_start3A_126] : memref<125x128xf32, #tpu.memory_space<vmem>> -> memref<40x128xf32, #tpu.memory_space<vmem>>
        %dma_start3A_128 = arith.constant 0 : i32
        %dma_start3A_129 = tpu.memref_slice %arg8[%add3A_66, %dma_start3A_128] : memref<10240x128xf32, #tpu.memory_space<vmem_shared>> -> memref<40x128xf32, #tpu.memory_space<vmem_shared>>
        %dma_start3A_130 = arith.constant 0 : i32
        %dma_start3A_131 = tpu.memref_slice %arg8[%add3A_66, %dma_start3A_130] : memref<10240x128xf32, #tpu.memory_space<vmem_shared>> -> memref<40x128xf32, #tpu.memory_space<vmem_shared>>
        %dma_start3A_132 = arith.constant 0 : i32
        %dma_start3A_133 = arith.constant 0 : i32
        %dma_start3A_134 = tpu.memref_slice %arg11[%dma_start3A_132, %dma_start3A_133] : memref<125x128xf32, #tpu.memory_space<vmem>> -> memref<40x128xf32, #tpu.memory_space<vmem>>
        tpu.enqueue_dma source(%dma_start3A_134 : memref<40x128xf32, #tpu.memory_space<vmem>>) target(%dma_start3A_131 : memref<40x128xf32, #tpu.memory_space<vmem_shared>>) target_semaphore(%run_scoped3A_124 : memref<!tpu.dma_semaphore, #tpu.memory_space<semaphore_mem>>)
        %dma_wait3A = arith.constant 0 : i32
        %dma_wait3A_135 = arith.constant 0 : i32
        %dma_wait3A_136 = tpu.memref_slice %arg11[%dma_wait3A, %dma_wait3A_135] : memref<125x128xf32, #tpu.memory_space<vmem>> -> memref<40x128xf32, #tpu.memory_space<vmem>>
        %dma_wait3A_137 = arith.constant 0 : i32
        %dma_wait3A_138 = tpu.memref_slice %arg8[%add3A_66, %dma_wait3A_137] : memref<10240x128xf32, #tpu.memory_space<vmem_shared>> -> memref<40x128xf32, #tpu.memory_space<vmem_shared>>
        %dma_wait3A_139 = arith.constant 0 : i32
        %dma_wait3A_140 = tpu.memref_slice %arg8[%add3A_66, %dma_wait3A_139] : memref<10240x128xf32, #tpu.memory_space<vmem_shared>> -> memref<40x128xf32, #tpu.memory_space<vmem_shared>>
        %dma_wait3A_141 = arith.constant 0 : i32
        %dma_wait3A_142 = arith.constant 0 : i32
        %dma_wait3A_143 = tpu.memref_slice %arg11[%dma_wait3A_141, %dma_wait3A_142] : memref<125x128xf32, #tpu.memory_space<vmem>> -> memref<40x128xf32, #tpu.memory_space<vmem>>
        tpu.wait_dma2 semaphore(%run_scoped3A_124 : memref<!tpu.dma_semaphore, #tpu.memory_space<semaphore_mem>>) src(%dma_wait3A_143 : memref<40x128xf32, #tpu.memory_space<vmem>>) dst(%dma_wait3A_140 : memref<40x128xf32, #tpu.memory_space<vmem_shared>>)
        tpu.yield
      }) : () -> ()
      %mul3A_67 = arith.constant 640 : i32
      %mul3A_68 = arith.muli %arg1, %mul3A_67 : i32
      %add3A_69 = arith.constant 560 : i32
      %add3A_70 = arith.addi %mul3A_68, %add3A_69 : i32
      "tpu.region"() ({
        %run_scoped3A_124 = tpu.sem_alloc : memref<!tpu.dma_semaphore, #tpu.memory_space<semaphore_mem>>
        %dma_start3A_125 = arith.constant 0 : i32
        %dma_start3A_126 = arith.constant 0 : i32
        %dma_start3A_127 = tpu.memref_slice %arg11[%dma_start3A_125, %dma_start3A_126] : memref<125x128xf32, #tpu.memory_space<vmem>> -> memref<40x128xf32, #tpu.memory_space<vmem>>
        %dma_start3A_128 = arith.constant 0 : i32
        %dma_start3A_129 = tpu.memref_slice %arg8[%add3A_70, %dma_start3A_128] : memref<10240x128xf32, #tpu.memory_space<vmem_shared>> -> memref<40x128xf32, #tpu.memory_space<vmem_shared>>
        %dma_start3A_130 = arith.constant 0 : i32
        %dma_start3A_131 = tpu.memref_slice %arg8[%add3A_70, %dma_start3A_130] : memref<10240x128xf32, #tpu.memory_space<vmem_shared>> -> memref<40x128xf32, #tpu.memory_space<vmem_shared>>
        %dma_start3A_132 = arith.constant 0 : i32
        %dma_start3A_133 = arith.constant 0 : i32
        %dma_start3A_134 = tpu.memref_slice %arg11[%dma_start3A_132, %dma_start3A_133] : memref<125x128xf32, #tpu.memory_space<vmem>> -> memref<40x128xf32, #tpu.memory_space<vmem>>
        tpu.enqueue_dma source(%dma_start3A_134 : memref<40x128xf32, #tpu.memory_space<vmem>>) target(%dma_start3A_131 : memref<40x128xf32, #tpu.memory_space<vmem_shared>>) target_semaphore(%run_scoped3A_124 : memref<!tpu.dma_semaphore, #tpu.memory_space<semaphore_mem>>)
        %dma_wait3A = arith.constant 0 : i32
        %dma_wait3A_135 = arith.constant 0 : i32
        %dma_wait3A_136 = tpu.memref_slice %arg11[%dma_wait3A, %dma_wait3A_135] : memref<125x128xf32, #tpu.memory_space<vmem>> -> memref<40x128xf32, #tpu.memory_space<vmem>>
        %dma_wait3A_137 = arith.constant 0 : i32
        %dma_wait3A_138 = tpu.memref_slice %arg8[%add3A_70, %dma_wait3A_137] : memref<10240x128xf32, #tpu.memory_space<vmem_shared>> -> memref<40x128xf32, #tpu.memory_space<vmem_shared>>
        %dma_wait3A_139 = arith.constant 0 : i32
        %dma_wait3A_140 = tpu.memref_slice %arg8[%add3A_70, %dma_wait3A_139] : memref<10240x128xf32, #tpu.memory_space<vmem_shared>> -> memref<40x128xf32, #tpu.memory_space<vmem_shared>>
        %dma_wait3A_141 = arith.constant 0 : i32
        %dma_wait3A_142 = arith.constant 0 : i32
        %dma_wait3A_143 = tpu.memref_slice %arg11[%dma_wait3A_141, %dma_wait3A_142] : memref<125x128xf32, #tpu.memory_space<vmem>> -> memref<40x128xf32, #tpu.memory_space<vmem>>
        tpu.wait_dma2 semaphore(%run_scoped3A_124 : memref<!tpu.dma_semaphore, #tpu.memory_space<semaphore_mem>>) src(%dma_wait3A_143 : memref<40x128xf32, #tpu.memory_space<vmem>>) dst(%dma_wait3A_140 : memref<40x128xf32, #tpu.memory_space<vmem_shared>>)
        tpu.yield
      }) : () -> ()
      %mul3A_71 = arith.constant 640 : i32
      %mul3A_72 = arith.muli %arg1, %mul3A_71 : i32
      %add3A_73 = arith.constant 600 : i32
      %add3A_74 = arith.addi %mul3A_72, %add3A_73 : i32
      "tpu.region"() ({
        %run_scoped3A_124 = tpu.sem_alloc : memref<!tpu.dma_semaphore, #tpu.memory_space<semaphore_mem>>
        %dma_start3A_125 = arith.constant 0 : i32
        %dma_start3A_126 = arith.constant 0 : i32
        %dma_start3A_127 = tpu.memref_slice %arg11[%dma_start3A_125, %dma_start3A_126] : memref<125x128xf32, #tpu.memory_space<vmem>> -> memref<40x128xf32, #tpu.memory_space<vmem>>
        %dma_start3A_128 = arith.constant 0 : i32
        %dma_start3A_129 = tpu.memref_slice %arg8[%add3A_74, %dma_start3A_128] : memref<10240x128xf32, #tpu.memory_space<vmem_shared>> -> memref<40x128xf32, #tpu.memory_space<vmem_shared>>
        %dma_start3A_130 = arith.constant 0 : i32
        %dma_start3A_131 = tpu.memref_slice %arg8[%add3A_74, %dma_start3A_130] : memref<10240x128xf32, #tpu.memory_space<vmem_shared>> -> memref<40x128xf32, #tpu.memory_space<vmem_shared>>
        %dma_start3A_132 = arith.constant 0 : i32
        %dma_start3A_133 = arith.constant 0 : i32
        %dma_start3A_134 = tpu.memref_slice %arg11[%dma_start3A_132, %dma_start3A_133] : memref<125x128xf32, #tpu.memory_space<vmem>> -> memref<40x128xf32, #tpu.memory_space<vmem>>
        tpu.enqueue_dma source(%dma_start3A_134 : memref<40x128xf32, #tpu.memory_space<vmem>>) target(%dma_start3A_131 : memref<40x128xf32, #tpu.memory_space<vmem_shared>>) target_semaphore(%run_scoped3A_124 : memref<!tpu.dma_semaphore, #tpu.memory_space<semaphore_mem>>)
        %dma_wait3A = arith.constant 0 : i32
        %dma_wait3A_135 = arith.constant 0 : i32
        %dma_wait3A_136 = tpu.memref_slice %arg11[%dma_wait3A, %dma_wait3A_135] : memref<125x128xf32, #tpu.memory_space<vmem>> -> memref<40x128xf32, #tpu.memory_space<vmem>>
        %dma_wait3A_137 = arith.constant 0 : i32
        %dma_wait3A_138 = tpu.memref_slice %arg8[%add3A_74, %dma_wait3A_137] : memref<10240x128xf32, #tpu.memory_space<vmem_shared>> -> memref<40x128xf32, #tpu.memory_space<vmem_shared>>
        %dma_wait3A_139 = arith.constant 0 : i32
        %dma_wait3A_140 = tpu.memref_slice %arg8[%add3A_74, %dma_wait3A_139] : memref<10240x128xf32, #tpu.memory_space<vmem_shared>> -> memref<40x128xf32, #tpu.memory_space<vmem_shared>>
        %dma_wait3A_141 = arith.constant 0 : i32
        %dma_wait3A_142 = arith.constant 0 : i32
        %dma_wait3A_143 = tpu.memref_slice %arg11[%dma_wait3A_141, %dma_wait3A_142] : memref<125x128xf32, #tpu.memory_space<vmem>> -> memref<40x128xf32, #tpu.memory_space<vmem>>
        tpu.wait_dma2 semaphore(%run_scoped3A_124 : memref<!tpu.dma_semaphore, #tpu.memory_space<semaphore_mem>>) src(%dma_wait3A_143 : memref<40x128xf32, #tpu.memory_space<vmem>>) dst(%dma_wait3A_140 : memref<40x128xf32, #tpu.memory_space<vmem_shared>>)
        tpu.yield
      }) : () -> ()
      %barrier3A = arith.constant 0 : index
      tpu.barrier barrier_id(%barrier3A)
      %run_scoped3A = arith.constant 0 : i32
      "tpu.region"() ({
        %run_scoped3A_124 = tpu.sem_alloc : memref<!tpu.dma_semaphore, #tpu.memory_space<semaphore_mem>>
        %dma_start3A_125 = arith.constant 0 : i32
        %dma_start3A_126 = arith.constant 0 : i32
        %dma_start3A_127 = tpu.memref_slice %arg4[%arg1, %run_scoped3A, %dma_start3A_125, %dma_start3A_126] : memref<16x2x40x125xi32, #tpu.memory_space<hbm>> -> memref<1x1x40x125xi32, #tpu.memory_space<hbm>>
        %dma_start3A_128 = tpu.memref_squeeze %dma_start3A_127 : memref<1x1x40x125xi32, #tpu.memory_space<hbm>> -> memref<40x125xi32, #tpu.memory_space<hbm>>
        %dma_start3A_129 = arith.constant 0 : i32
        %dma_start3A_130 = arith.constant 0 : i32
        %dma_start3A_131 = tpu.memref_slice %arg4[%arg1, %run_scoped3A, %dma_start3A_129, %dma_start3A_130] : memref<16x2x40x125xi32, #tpu.memory_space<hbm>> -> memref<1x1x40x125xi32, #tpu.memory_space<hbm>>
        %dma_start3A_132 = tpu.memref_squeeze %dma_start3A_131 : memref<1x1x40x125xi32, #tpu.memory_space<hbm>> -> memref<40x125xi32, #tpu.memory_space<hbm>>
        tpu.enqueue_dma source(%dma_start3A_132 : memref<40x125xi32, #tpu.memory_space<hbm>>) target(%arg9 : memref<40x125xi32, #tpu.memory_space<vmem>>) target_semaphore(%run_scoped3A_124 : memref<!tpu.dma_semaphore, #tpu.memory_space<semaphore_mem>>)
        %dma_wait3A = arith.constant 0 : i32
        %dma_wait3A_133 = arith.constant 0 : i32
        %dma_wait3A_134 = tpu.memref_slice %arg4[%arg1, %run_scoped3A, %dma_wait3A, %dma_wait3A_133] : memref<16x2x40x125xi32, #tpu.memory_space<hbm>> -> memref<1x1x40x125xi32, #tpu.memory_space<hbm>>
        %dma_wait3A_135 = tpu.memref_squeeze %dma_wait3A_134 : memref<1x1x40x125xi32, #tpu.memory_space<hbm>> -> memref<40x125xi32, #tpu.memory_space<hbm>>
        %dma_wait3A_136 = arith.constant 0 : i32
        %dma_wait3A_137 = arith.constant 0 : i32
        %dma_wait3A_138 = tpu.memref_slice %arg4[%arg1, %run_scoped3A, %dma_wait3A_136, %dma_wait3A_137] : memref<16x2x40x125xi32, #tpu.memory_space<hbm>> -> memref<1x1x40x125xi32, #tpu.memory_space<hbm>>
        %dma_wait3A_139 = tpu.memref_squeeze %dma_wait3A_138 : memref<1x1x40x125xi32, #tpu.memory_space<hbm>> -> memref<40x125xi32, #tpu.memory_space<hbm>>
        tpu.wait_dma2 semaphore(%run_scoped3A_124 : memref<!tpu.dma_semaphore, #tpu.memory_space<semaphore_mem>>) src(%dma_wait3A_139 : memref<40x125xi32, #tpu.memory_space<hbm>>) dst(%arg9 : memref<40x125xi32, #tpu.memory_space<vmem>>)
        tpu.yield
      }) : () -> ()
      %run_scoped3A_75 = arith.constant 0 : i32
      "tpu.region"() ({
        %run_scoped3A_124 = tpu.sem_alloc : memref<!tpu.dma_semaphore, #tpu.memory_space<semaphore_mem>>
        %dma_start3A_125 = arith.constant 0 : i32
        %dma_start3A_126 = arith.constant 0 : i32
        %dma_start3A_127 = tpu.memref_slice %arg5[%arg1, %run_scoped3A_75, %dma_start3A_125, %dma_start3A_126] : memref<16x2x40x125xi32, #tpu.memory_space<hbm>> -> memref<1x1x40x125xi32, #tpu.memory_space<hbm>>
        %dma_start3A_128 = tpu.memref_squeeze %dma_start3A_127 : memref<1x1x40x125xi32, #tpu.memory_space<hbm>> -> memref<40x125xi32, #tpu.memory_space<hbm>>
        %dma_start3A_129 = arith.constant 0 : i32
        %dma_start3A_130 = arith.constant 0 : i32
        %dma_start3A_131 = tpu.memref_slice %arg5[%arg1, %run_scoped3A_75, %dma_start3A_129, %dma_start3A_130] : memref<16x2x40x125xi32, #tpu.memory_space<hbm>> -> memref<1x1x40x125xi32, #tpu.memory_space<hbm>>
        %dma_start3A_132 = tpu.memref_squeeze %dma_start3A_131 : memref<1x1x40x125xi32, #tpu.memory_space<hbm>> -> memref<40x125xi32, #tpu.memory_space<hbm>>
        tpu.enqueue_dma source(%dma_start3A_132 : memref<40x125xi32, #tpu.memory_space<hbm>>) target(%arg10 : memref<40x125xi32, #tpu.memory_space<vmem>>) target_semaphore(%run_scoped3A_124 : memref<!tpu.dma_semaphore, #tpu.memory_space<semaphore_mem>>)
        %dma_wait3A = arith.constant 0 : i32
        %dma_wait3A_133 = arith.constant 0 : i32
        %dma_wait3A_134 = tpu.memref_slice %arg5[%arg1, %run_scoped3A_75, %dma_wait3A, %dma_wait3A_133] : memref<16x2x40x125xi32, #tpu.memory_space<hbm>> -> memref<1x1x40x125xi32, #tpu.memory_space<hbm>>
        %dma_wait3A_135 = tpu.memref_squeeze %dma_wait3A_134 : memref<1x1x40x125xi32, #tpu.memory_space<hbm>> -> memref<40x125xi32, #tpu.memory_space<hbm>>
        %dma_wait3A_136 = arith.constant 0 : i32
        %dma_wait3A_137 = arith.constant 0 : i32
        %dma_wait3A_138 = tpu.memref_slice %arg5[%arg1, %run_scoped3A_75, %dma_wait3A_136, %dma_wait3A_137] : memref<16x2x40x125xi32, #tpu.memory_space<hbm>> -> memref<1x1x40x125xi32, #tpu.memory_space<hbm>>
        %dma_wait3A_139 = tpu.memref_squeeze %dma_wait3A_138 : memref<1x1x40x125xi32, #tpu.memory_space<hbm>> -> memref<40x125xi32, #tpu.memory_space<hbm>>
        tpu.wait_dma2 semaphore(%run_scoped3A_124 : memref<!tpu.dma_semaphore, #tpu.memory_space<semaphore_mem>>) src(%dma_wait3A_139 : memref<40x125xi32, #tpu.memory_space<hbm>>) dst(%arg10 : memref<40x125xi32, #tpu.memory_space<vmem>>)
        tpu.yield
      }) : () -> ()
      %dma_start3A = arith.constant 0 : i32
      %dma_start3A_76 = arith.constant 0 : i32
      %dma_start3A_77 = tpu.memref_slice %arg9[%dma_start3A, %dma_start3A_76] : memref<40x125xi32, #tpu.memory_space<vmem>> -> memref<1x125xi32, #tpu.memory_space<vmem>>
      %dma_start3A_78 = tpu.memref_squeeze %dma_start3A_77 : memref<1x125xi32, #tpu.memory_space<vmem>> -> memref<125xi32, #tpu.memory_space<vmem>>
      %dma_start3A_79 = arith.constant 0 : i32
      %dma_start3A_80 = arith.constant 0 : i32
      %dma_start3A_81 = tpu.memref_slice %arg3[%dma_start3A_79, %dma_start3A_80] : memref<10000x128xf32, #tpu.memory_space<hbm>> -> memref<10000x128xf32, #tpu.memory_space<hbm>>
      tpu.enqueue_indirect_dma source(%dma_start3A_81 : memref<10000x128xf32, #tpu.memory_space<hbm>>) target(%arg11 : memref<125x128xf32, #tpu.memory_space<vmem>>) offsets(%dma_start3A_78 : memref<125xi32, #tpu.memory_space<vmem>>) semaphore(%arg13 : memref<!tpu.dma_semaphore, #tpu.memory_space<semaphore_mem>>)
      %dma_start3A_82 = arith.constant 1 : i32
      %dma_start3A_83 = arith.constant 0 : i32
      %dma_start3A_84 = tpu.memref_slice %arg9[%dma_start3A_82, %dma_start3A_83] : memref<40x125xi32, #tpu.memory_space<vmem>> -> memref<1x125xi32, #tpu.memory_space<vmem>>
      %dma_start3A_85 = tpu.memref_squeeze %dma_start3A_84 : memref<1x125xi32, #tpu.memory_space<vmem>> -> memref<125xi32, #tpu.memory_space<vmem>>
      %dma_start3A_86 = arith.constant 0 : i32
      %dma_start3A_87 = arith.constant 0 : i32
      %dma_start3A_88 = tpu.memref_slice %arg3[%dma_start3A_86, %dma_start3A_87] : memref<10000x128xf32, #tpu.memory_space<hbm>> -> memref<10000x128xf32, #tpu.memory_space<hbm>>
      tpu.enqueue_indirect_dma source(%dma_start3A_88 : memref<10000x128xf32, #tpu.memory_space<hbm>>) target(%arg12 : memref<125x128xf32, #tpu.memory_space<vmem>>) offsets(%dma_start3A_85 : memref<125xi32, #tpu.memory_space<vmem>>) semaphore(%arg14 : memref<!tpu.dma_semaphore, #tpu.memory_space<semaphore_mem>>)
      %scan3A_89 = arith.constant 0 : i32
      %scan3A_90 = arith.constant 0 : i32
      %scan3A_91 = arith.constant 20 : i32
      %scan3A_92 = arith.addi %scan3A_90, %scan3A_91 : i32
      %scan3A_93 = arith.constant 1 : i32
      %scan3A_94 = scf.for %scan3A_124 = %scan3A_90 to %scan3A_92 step %scan3A_93 iter_args(%scan3A_125 = %scan3A_89) -> (i32)  : i32 {
        %mul3A_126 = arith.constant 2 : i32
        %mul3A_127 = arith.muli %scan3A_124, %mul3A_126 : i32
        %dma_wait3A = arith.constant 0 : i32
        %dma_wait3A_128 = tpu.memref_slice %arg9[%mul3A_127, %dma_wait3A] : memref<40x125xi32, #tpu.memory_space<vmem>> -> memref<1x125xi32, #tpu.memory_space<vmem>>
        %dma_wait3A_129 = tpu.memref_squeeze %dma_wait3A_128 : memref<1x125xi32, #tpu.memory_space<vmem>> -> memref<125xi32, #tpu.memory_space<vmem>>
        %dma_wait3A_130 = arith.constant 0 : i32
        %dma_wait3A_131 = arith.constant 0 : i32
        %dma_wait3A_132 = tpu.memref_slice %arg3[%dma_wait3A_130, %dma_wait3A_131] : memref<10000x128xf32, #tpu.memory_space<hbm>> -> memref<10000x128xf32, #tpu.memory_space<hbm>>
        tpu.wait_indirect_dma semaphore(%arg13 : memref<!tpu.dma_semaphore, #tpu.memory_space<semaphore_mem>>) src(%dma_wait3A_132 : memref<10000x128xf32, #tpu.memory_space<hbm>>) dst(%arg11 : memref<125x128xf32, #tpu.memory_space<vmem>>)
        "tpu.region"() ({
          %run_scoped3A_157 = tpu.sem_alloc : memref<!tpu.dma_semaphore, #tpu.memory_space<semaphore_mem>>
          %dma_start3A_158 = arith.constant 0 : i32
          %dma_start3A_159 = tpu.memref_slice %arg10[%mul3A_127, %dma_start3A_158] : memref<40x125xi32, #tpu.memory_space<vmem>> -> memref<1x125xi32, #tpu.memory_space<vmem>>
          %dma_start3A_160 = tpu.memref_squeeze %dma_start3A_159 : memref<1x125xi32, #tpu.memory_space<vmem>> -> memref<125xi32, #tpu.memory_space<vmem>>
          %dma_start3A_161 = arith.constant 0 : i32
          %dma_start3A_162 = arith.constant 0 : i32
          %dma_start3A_163 = tpu.memref_slice %arg8[%dma_start3A_161, %dma_start3A_162] : memref<10240x128xf32, #tpu.memory_space<vmem_shared>> -> memref<10240x128xf32, #tpu.memory_space<vmem_shared>>
          tpu.enqueue_indirect_dma source(%arg11 : memref<125x128xf32, #tpu.memory_space<vmem>>) target(%dma_start3A_163 : memref<10240x128xf32, #tpu.memory_space<vmem_shared>>) offsets(%dma_start3A_160 : memref<125xi32, #tpu.memory_space<vmem>>) semaphore(%run_scoped3A_157 : memref<!tpu.dma_semaphore, #tpu.memory_space<semaphore_mem>>) {add = true}
          %dma_wait3A_164 = arith.constant 0 : i32
          %dma_wait3A_165 = tpu.memref_slice %arg10[%mul3A_127, %dma_wait3A_164] : memref<40x125xi32, #tpu.memory_space<vmem>> -> memref<1x125xi32, #tpu.memory_space<vmem>>
          %dma_wait3A_166 = tpu.memref_squeeze %dma_wait3A_165 : memref<1x125xi32, #tpu.memory_space<vmem>> -> memref<125xi32, #tpu.memory_space<vmem>>
          %dma_wait3A_167 = arith.constant 0 : i32
          %dma_wait3A_168 = arith.constant 0 : i32
          %dma_wait3A_169 = tpu.memref_slice %arg8[%dma_wait3A_167, %dma_wait3A_168] : memref<10240x128xf32, #tpu.memory_space<vmem_shared>> -> memref<10240x128xf32, #tpu.memory_space<vmem_shared>>
          tpu.wait_indirect_dma semaphore(%run_scoped3A_157 : memref<!tpu.dma_semaphore, #tpu.memory_space<semaphore_mem>>) src(%arg11 : memref<125x128xf32, #tpu.memory_space<vmem>>) dst(%dma_wait3A_169 : memref<10240x128xf32, #tpu.memory_space<vmem_shared>>)
          tpu.yield
        }) : () -> ()
        %add3A_133 = arith.constant 2 : i32
        %add3A_134 = arith.addi %mul3A_127, %add3A_133 : i32
        %lt3A = arith.constant 40 : i32
        %lt3A_135 = arith.cmpi slt, %add3A_134, %lt3A : i32
        %convert_element_type3A_136 = arith.extui %lt3A_135 : i1 to i32
        %cond3A_137 = arith.constant 0 : i32
        %cond3A_138 = arith.cmpi ne, %convert_element_type3A_136, %cond3A_137 : i32
        scf.if %cond3A_138 {
          %add3A_157 = arith.constant 2 : i32
          %add3A_158 = arith.addi %mul3A_127, %add3A_157 : i32
          %dma_start3A_159 = arith.constant 0 : i32
          %dma_start3A_160 = tpu.memref_slice %arg9[%add3A_158, %dma_start3A_159] : memref<40x125xi32, #tpu.memory_space<vmem>> -> memref<1x125xi32, #tpu.memory_space<vmem>>
          %dma_start3A_161 = tpu.memref_squeeze %dma_start3A_160 : memref<1x125xi32, #tpu.memory_space<vmem>> -> memref<125xi32, #tpu.memory_space<vmem>>
          %dma_start3A_162 = arith.constant 0 : i32
          %dma_start3A_163 = arith.constant 0 : i32
          %dma_start3A_164 = tpu.memref_slice %arg3[%dma_start3A_162, %dma_start3A_163] : memref<10000x128xf32, #tpu.memory_space<hbm>> -> memref<10000x128xf32, #tpu.memory_space<hbm>>
          tpu.enqueue_indirect_dma source(%dma_start3A_164 : memref<10000x128xf32, #tpu.memory_space<hbm>>) target(%arg11 : memref<125x128xf32, #tpu.memory_space<vmem>>) offsets(%dma_start3A_161 : memref<125xi32, #tpu.memory_space<vmem>>) semaphore(%arg13 : memref<!tpu.dma_semaphore, #tpu.memory_space<semaphore_mem>>)
        } else {
        }
        %add3A_139 = arith.constant 1 : i32
        %add3A_140 = arith.addi %mul3A_127, %add3A_139 : i32
        %dma_wait3A_141 = arith.constant 0 : i32
        %dma_wait3A_142 = tpu.memref_slice %arg9[%add3A_140, %dma_wait3A_141] : memref<40x125xi32, #tpu.memory_space<vmem>> -> memref<1x125xi32, #tpu.memory_space<vmem>>
        %dma_wait3A_143 = tpu.memref_squeeze %dma_wait3A_142 : memref<1x125xi32, #tpu.memory_space<vmem>> -> memref<125xi32, #tpu.memory_space<vmem>>
        %dma_wait3A_144 = arith.constant 0 : i32
        %dma_wait3A_145 = arith.constant 0 : i32
        %dma_wait3A_146 = tpu.memref_slice %arg3[%dma_wait3A_144, %dma_wait3A_145] : memref<10000x128xf32, #tpu.memory_space<hbm>> -> memref<10000x128xf32, #tpu.memory_space<hbm>>
        tpu.wait_indirect_dma semaphore(%arg14 : memref<!tpu.dma_semaphore, #tpu.memory_space<semaphore_mem>>) src(%dma_wait3A_146 : memref<10000x128xf32, #tpu.memory_space<hbm>>) dst(%arg12 : memref<125x128xf32, #tpu.memory_space<vmem>>)
        %add3A_147 = arith.constant 1 : i32
        %add3A_148 = arith.addi %mul3A_127, %add3A_147 : i32
        "tpu.region"() ({
          %run_scoped3A_157 = tpu.sem_alloc : memref<!tpu.dma_semaphore, #tpu.memory_space<semaphore_mem>>
          %dma_start3A_158 = arith.constant 0 : i32
          %dma_start3A_159 = tpu.memref_slice %arg10[%add3A_148, %dma_start3A_158] : memref<40x125xi32, #tpu.memory_space<vmem>> -> memref<1x125xi32, #tpu.memory_space<vmem>>
          %dma_start3A_160 = tpu.memref_squeeze %dma_start3A_159 : memref<1x125xi32, #tpu.memory_space<vmem>> -> memref<125xi32, #tpu.memory_space<vmem>>
          %dma_start3A_161 = arith.constant 0 : i32
          %dma_start3A_162 = arith.constant 0 : i32
          %dma_start3A_163 = tpu.memref_slice %arg8[%dma_start3A_161, %dma_start3A_162] : memref<10240x128xf32, #tpu.memory_space<vmem_shared>> -> memref<10240x128xf32, #tpu.memory_space<vmem_shared>>
          tpu.enqueue_indirect_dma source(%arg12 : memref<125x128xf32, #tpu.memory_space<vmem>>) target(%dma_start3A_163 : memref<10240x128xf32, #tpu.memory_space<vmem_shared>>) offsets(%dma_start3A_160 : memref<125xi32, #tpu.memory_space<vmem>>) semaphore(%run_scoped3A_157 : memref<!tpu.dma_semaphore, #tpu.memory_space<semaphore_mem>>) {add = true}
          %dma_wait3A_164 = arith.constant 0 : i32
          %dma_wait3A_165 = tpu.memref_slice %arg10[%add3A_148, %dma_wait3A_164] : memref<40x125xi32, #tpu.memory_space<vmem>> -> memref<1x125xi32, #tpu.memory_space<vmem>>
          %dma_wait3A_166 = tpu.memref_squeeze %dma_wait3A_165 : memref<1x125xi32, #tpu.memory_space<vmem>> -> memref<125xi32, #tpu.memory_space<vmem>>
          %dma_wait3A_167 = arith.constant 0 : i32
          %dma_wait3A_168 = arith.constant 0 : i32
          %dma_wait3A_169 = tpu.memref_slice %arg8[%dma_wait3A_167, %dma_wait3A_168] : memref<10240x128xf32, #tpu.memory_space<vmem_shared>> -> memref<10240x128xf32, #tpu.memory_space<vmem_shared>>
          tpu.wait_indirect_dma semaphore(%run_scoped3A_157 : memref<!tpu.dma_semaphore, #tpu.memory_space<semaphore_mem>>) src(%arg12 : memref<125x128xf32, #tpu.memory_space<vmem>>) dst(%dma_wait3A_169 : memref<10240x128xf32, #tpu.memory_space<vmem_shared>>)
          tpu.yield
        }) : () -> ()
        %add3A_149 = arith.constant 3 : i32
        %add3A_150 = arith.addi %mul3A_127, %add3A_149 : i32
        %lt3A_151 = arith.constant 40 : i32
        %lt3A_152 = arith.cmpi slt, %add3A_150, %lt3A_151 : i32
        %convert_element_type3A_153 = arith.extui %lt3A_152 : i1 to i32
        %cond3A_154 = arith.constant 0 : i32
        %cond3A_155 = arith.cmpi ne, %convert_element_type3A_153, %cond3A_154 : i32
        scf.if %cond3A_155 {
          %add3A_157 = arith.constant 3 : i32
          %add3A_158 = arith.addi %mul3A_127, %add3A_157 : i32
          %dma_start3A_159 = arith.constant 0 : i32
          %dma_start3A_160 = tpu.memref_slice %arg9[%add3A_158, %dma_start3A_159] : memref<40x125xi32, #tpu.memory_space<vmem>> -> memref<1x125xi32, #tpu.memory_space<vmem>>
          %dma_start3A_161 = tpu.memref_squeeze %dma_start3A_160 : memref<1x125xi32, #tpu.memory_space<vmem>> -> memref<125xi32, #tpu.memory_space<vmem>>
          %dma_start3A_162 = arith.constant 0 : i32
          %dma_start3A_163 = arith.constant 0 : i32
          %dma_start3A_164 = tpu.memref_slice %arg3[%dma_start3A_162, %dma_start3A_163] : memref<10000x128xf32, #tpu.memory_space<hbm>> -> memref<10000x128xf32, #tpu.memory_space<hbm>>
          tpu.enqueue_indirect_dma source(%dma_start3A_164 : memref<10000x128xf32, #tpu.memory_space<hbm>>) target(%arg12 : memref<125x128xf32, #tpu.memory_space<vmem>>) offsets(%dma_start3A_161 : memref<125xi32, #tpu.memory_space<vmem>>) semaphore(%arg14 : memref<!tpu.dma_semaphore, #tpu.memory_space<semaphore_mem>>)
        } else {
        }
        %scan3A_156 = arith.constant 0 : i32
        scf.yield %scan3A_156 : i32
      }
      %scan3A_95 = arith.constant 20 : i32
      %run_scoped3A_96 = arith.constant 1 : i32
      "tpu.region"() ({
        %run_scoped3A_124 = tpu.sem_alloc : memref<!tpu.dma_semaphore, #tpu.memory_space<semaphore_mem>>
        %dma_start3A_125 = arith.constant 0 : i32
        %dma_start3A_126 = arith.constant 0 : i32
        %dma_start3A_127 = tpu.memref_slice %arg4[%arg1, %run_scoped3A_96, %dma_start3A_125, %dma_start3A_126] : memref<16x2x40x125xi32, #tpu.memory_space<hbm>> -> memref<1x1x40x125xi32, #tpu.memory_space<hbm>>
        %dma_start3A_128 = tpu.memref_squeeze %dma_start3A_127 : memref<1x1x40x125xi32, #tpu.memory_space<hbm>> -> memref<40x125xi32, #tpu.memory_space<hbm>>
        %dma_start3A_129 = arith.constant 0 : i32
        %dma_start3A_130 = arith.constant 0 : i32
        %dma_start3A_131 = tpu.memref_slice %arg4[%arg1, %run_scoped3A_96, %dma_start3A_129, %dma_start3A_130] : memref<16x2x40x125xi32, #tpu.memory_space<hbm>> -> memref<1x1x40x125xi32, #tpu.memory_space<hbm>>
        %dma_start3A_132 = tpu.memref_squeeze %dma_start3A_131 : memref<1x1x40x125xi32, #tpu.memory_space<hbm>> -> memref<40x125xi32, #tpu.memory_space<hbm>>
        tpu.enqueue_dma source(%dma_start3A_132 : memref<40x125xi32, #tpu.memory_space<hbm>>) target(%arg9 : memref<40x125xi32, #tpu.memory_space<vmem>>) target_semaphore(%run_scoped3A_124 : memref<!tpu.dma_semaphore, #tpu.memory_space<semaphore_mem>>)
        %dma_wait3A = arith.constant 0 : i32
        %dma_wait3A_133 = arith.constant 0 : i32
        %dma_wait3A_134 = tpu.memref_slice %arg4[%arg1, %run_scoped3A_96, %dma_wait3A, %dma_wait3A_133] : memref<16x2x40x125xi32, #tpu.memory_space<hbm>> -> memref<1x1x40x125xi32, #tpu.memory_space<hbm>>
        %dma_wait3A_135 = tpu.memref_squeeze %dma_wait3A_134 : memref<1x1x40x125xi32, #tpu.memory_space<hbm>> -> memref<40x125xi32, #tpu.memory_space<hbm>>
        %dma_wait3A_136 = arith.constant 0 : i32
        %dma_wait3A_137 = arith.constant 0 : i32
        %dma_wait3A_138 = tpu.memref_slice %arg4[%arg1, %run_scoped3A_96, %dma_wait3A_136, %dma_wait3A_137] : memref<16x2x40x125xi32, #tpu.memory_space<hbm>> -> memref<1x1x40x125xi32, #tpu.memory_space<hbm>>
        %dma_wait3A_139 = tpu.memref_squeeze %dma_wait3A_138 : memref<1x1x40x125xi32, #tpu.memory_space<hbm>> -> memref<40x125xi32, #tpu.memory_space<hbm>>
        tpu.wait_dma2 semaphore(%run_scoped3A_124 : memref<!tpu.dma_semaphore, #tpu.memory_space<semaphore_mem>>) src(%dma_wait3A_139 : memref<40x125xi32, #tpu.memory_space<hbm>>) dst(%arg9 : memref<40x125xi32, #tpu.memory_space<vmem>>)
        tpu.yield
      }) : () -> ()
      %run_scoped3A_97 = arith.constant 1 : i32
      "tpu.region"() ({
        %run_scoped3A_124 = tpu.sem_alloc : memref<!tpu.dma_semaphore, #tpu.memory_space<semaphore_mem>>
        %dma_start3A_125 = arith.constant 0 : i32
        %dma_start3A_126 = arith.constant 0 : i32
        %dma_start3A_127 = tpu.memref_slice %arg5[%arg1, %run_scoped3A_97, %dma_start3A_125, %dma_start3A_126] : memref<16x2x40x125xi32, #tpu.memory_space<hbm>> -> memref<1x1x40x125xi32, #tpu.memory_space<hbm>>
        %dma_start3A_128 = tpu.memref_squeeze %dma_start3A_127 : memref<1x1x40x125xi32, #tpu.memory_space<hbm>> -> memref<40x125xi32, #tpu.memory_space<hbm>>
        %dma_start3A_129 = arith.constant 0 : i32
        %dma_start3A_130 = arith.constant 0 : i32
        %dma_start3A_131 = tpu.memref_slice %arg5[%arg1, %run_scoped3A_97, %dma_start3A_129, %dma_start3A_130] : memref<16x2x40x125xi32, #tpu.memory_space<hbm>> -> memref<1x1x40x125xi32, #tpu.memory_space<hbm>>
        %dma_start3A_132 = tpu.memref_squeeze %dma_start3A_131 : memref<1x1x40x125xi32, #tpu.memory_space<hbm>> -> memref<40x125xi32, #tpu.memory_space<hbm>>
        tpu.enqueue_dma source(%dma_start3A_132 : memref<40x125xi32, #tpu.memory_space<hbm>>) target(%arg10 : memref<40x125xi32, #tpu.memory_space<vmem>>) target_semaphore(%run_scoped3A_124 : memref<!tpu.dma_semaphore, #tpu.memory_space<semaphore_mem>>)
        %dma_wait3A = arith.constant 0 : i32
        %dma_wait3A_133 = arith.constant 0 : i32
        %dma_wait3A_134 = tpu.memref_slice %arg5[%arg1, %run_scoped3A_97, %dma_wait3A, %dma_wait3A_133] : memref<16x2x40x125xi32, #tpu.memory_space<hbm>> -> memref<1x1x40x125xi32, #tpu.memory_space<hbm>>
        %dma_wait3A_135 = tpu.memref_squeeze %dma_wait3A_134 : memref<1x1x40x125xi32, #tpu.memory_space<hbm>> -> memref<40x125xi32, #tpu.memory_space<hbm>>
        %dma_wait3A_136 = arith.constant 0 : i32
        %dma_wait3A_137 = arith.constant 0 : i32
        %dma_wait3A_138 = tpu.memref_slice %arg5[%arg1, %run_scoped3A_97, %dma_wait3A_136, %dma_wait3A_137] : memref<16x2x40x125xi32, #tpu.memory_space<hbm>> -> memref<1x1x40x125xi32, #tpu.memory_space<hbm>>
        %dma_wait3A_139 = tpu.memref_squeeze %dma_wait3A_138 : memref<1x1x40x125xi32, #tpu.memory_space<hbm>> -> memref<40x125xi32, #tpu.memory_space<hbm>>
        tpu.wait_dma2 semaphore(%run_scoped3A_124 : memref<!tpu.dma_semaphore, #tpu.memory_space<semaphore_mem>>) src(%dma_wait3A_139 : memref<40x125xi32, #tpu.memory_space<hbm>>) dst(%arg10 : memref<40x125xi32, #tpu.memory_space<vmem>>)
        tpu.yield
      }) : () -> ()
      %dma_start3A_98 = arith.constant 0 : i32
      %dma_start3A_99 = arith.constant 0 : i32
      %dma_start3A_100 = tpu.memref_slice %arg9[%dma_start3A_98, %dma_start3A_99] : memref<40x125xi32, #tpu.memory_space<vmem>> -> memref<1x125xi32, #tpu.memory_space<vmem>>
      %dma_start3A_101 = tpu.memref_squeeze %dma_start3A_100 : memref<1x125xi32, #tpu.memory_space<vmem>> -> memref<125xi32, #tpu.memory_space<vmem>>
      %dma_start3A_102 = arith.constant 0 : i32
      %dma_start3A_103 = arith.constant 0 : i32
      %dma_start3A_104 = tpu.memref_slice %arg3[%dma_start3A_102, %dma_start3A_103] : memref<10000x128xf32, #tpu.memory_space<hbm>> -> memref<10000x128xf32, #tpu.memory_space<hbm>>
      tpu.enqueue_indirect_dma source(%dma_start3A_104 : memref<10000x128xf32, #tpu.memory_space<hbm>>) target(%arg11 : memref<125x128xf32, #tpu.memory_space<vmem>>) offsets(%dma_start3A_101 : memref<125xi32, #tpu.memory_space<vmem>>) semaphore(%arg13 : memref<!tpu.dma_semaphore, #tpu.memory_space<semaphore_mem>>)
      %dma_start3A_105 = arith.constant 1 : i32
      %dma_start3A_106 = arith.constant 0 : i32
      %dma_start3A_107 = tpu.memref_slice %arg9[%dma_start3A_105, %dma_start3A_106] : memref<40x125xi32, #tpu.memory_space<vmem>> -> memref<1x125xi32, #tpu.memory_space<vmem>>
      %dma_start3A_108 = tpu.memref_squeeze %dma_start3A_107 : memref<1x125xi32, #tpu.memory_space<vmem>> -> memref<125xi32, #tpu.memory_space<vmem>>
      %dma_start3A_109 = arith.constant 0 : i32
      %dma_start3A_110 = arith.constant 0 : i32
      %dma_start3A_111 = tpu.memref_slice %arg3[%dma_start3A_109, %dma_start3A_110] : memref<10000x128xf32, #tpu.memory_space<hbm>> -> memref<10000x128xf32, #tpu.memory_space<hbm>>
      tpu.enqueue_indirect_dma source(%dma_start3A_111 : memref<10000x128xf32, #tpu.memory_space<hbm>>) target(%arg12 : memref<125x128xf32, #tpu.memory_space<vmem>>) offsets(%dma_start3A_108 : memref<125xi32, #tpu.memory_space<vmem>>) semaphore(%arg14 : memref<!tpu.dma_semaphore, #tpu.memory_space<semaphore_mem>>)
      %scan3A_112 = arith.constant 0 : i32
      %scan3A_113 = arith.constant 0 : i32
      %scan3A_114 = arith.constant 20 : i32
      %scan3A_115 = arith.addi %scan3A_113, %scan3A_114 : i32
      %scan3A_116 = arith.constant 1 : i32
      %scan3A_117 = scf.for %scan3A_124 = %scan3A_113 to %scan3A_115 step %scan3A_116 iter_args(%scan3A_125 = %scan3A_112) -> (i32)  : i32 {
        %mul3A_126 = arith.constant 2 : i32
        %mul3A_127 = arith.muli %scan3A_124, %mul3A_126 : i32
        %dma_wait3A = arith.constant 0 : i32
        %dma_wait3A_128 = tpu.memref_slice %arg9[%mul3A_127, %dma_wait3A] : memref<40x125xi32, #tpu.memory_space<vmem>> -> memref<1x125xi32, #tpu.memory_space<vmem>>
        %dma_wait3A_129 = tpu.memref_squeeze %dma_wait3A_128 : memref<1x125xi32, #tpu.memory_space<vmem>> -> memref<125xi32, #tpu.memory_space<vmem>>
        %dma_wait3A_130 = arith.constant 0 : i32
        %dma_wait3A_131 = arith.constant 0 : i32
        %dma_wait3A_132 = tpu.memref_slice %arg3[%dma_wait3A_130, %dma_wait3A_131] : memref<10000x128xf32, #tpu.memory_space<hbm>> -> memref<10000x128xf32, #tpu.memory_space<hbm>>
        tpu.wait_indirect_dma semaphore(%arg13 : memref<!tpu.dma_semaphore, #tpu.memory_space<semaphore_mem>>) src(%dma_wait3A_132 : memref<10000x128xf32, #tpu.memory_space<hbm>>) dst(%arg11 : memref<125x128xf32, #tpu.memory_space<vmem>>)
        "tpu.region"() ({
          %run_scoped3A_157 = tpu.sem_alloc : memref<!tpu.dma_semaphore, #tpu.memory_space<semaphore_mem>>
          %dma_start3A_158 = arith.constant 0 : i32
          %dma_start3A_159 = tpu.memref_slice %arg10[%mul3A_127, %dma_start3A_158] : memref<40x125xi32, #tpu.memory_space<vmem>> -> memref<1x125xi32, #tpu.memory_space<vmem>>
          %dma_start3A_160 = tpu.memref_squeeze %dma_start3A_159 : memref<1x125xi32, #tpu.memory_space<vmem>> -> memref<125xi32, #tpu.memory_space<vmem>>
          %dma_start3A_161 = arith.constant 0 : i32
          %dma_start3A_162 = arith.constant 0 : i32
          %dma_start3A_163 = tpu.memref_slice %arg8[%dma_start3A_161, %dma_start3A_162] : memref<10240x128xf32, #tpu.memory_space<vmem_shared>> -> memref<10240x128xf32, #tpu.memory_space<vmem_shared>>
          tpu.enqueue_indirect_dma source(%arg11 : memref<125x128xf32, #tpu.memory_space<vmem>>) target(%dma_start3A_163 : memref<10240x128xf32, #tpu.memory_space<vmem_shared>>) offsets(%dma_start3A_160 : memref<125xi32, #tpu.memory_space<vmem>>) semaphore(%run_scoped3A_157 : memref<!tpu.dma_semaphore, #tpu.memory_space<semaphore_mem>>) {add = true}
          %dma_wait3A_164 = arith.constant 0 : i32
          %dma_wait3A_165 = tpu.memref_slice %arg10[%mul3A_127, %dma_wait3A_164] : memref<40x125xi32, #tpu.memory_space<vmem>> -> memref<1x125xi32, #tpu.memory_space<vmem>>
          %dma_wait3A_166 = tpu.memref_squeeze %dma_wait3A_165 : memref<1x125xi32, #tpu.memory_space<vmem>> -> memref<125xi32, #tpu.memory_space<vmem>>
          %dma_wait3A_167 = arith.constant 0 : i32
          %dma_wait3A_168 = arith.constant 0 : i32
          %dma_wait3A_169 = tpu.memref_slice %arg8[%dma_wait3A_167, %dma_wait3A_168] : memref<10240x128xf32, #tpu.memory_space<vmem_shared>> -> memref<10240x128xf32, #tpu.memory_space<vmem_shared>>
          tpu.wait_indirect_dma semaphore(%run_scoped3A_157 : memref<!tpu.dma_semaphore, #tpu.memory_space<semaphore_mem>>) src(%arg11 : memref<125x128xf32, #tpu.memory_space<vmem>>) dst(%dma_wait3A_169 : memref<10240x128xf32, #tpu.memory_space<vmem_shared>>)
          tpu.yield
        }) : () -> ()
        %add3A_133 = arith.constant 2 : i32
        %add3A_134 = arith.addi %mul3A_127, %add3A_133 : i32
        %lt3A = arith.constant 40 : i32
        %lt3A_135 = arith.cmpi slt, %add3A_134, %lt3A : i32
        %convert_element_type3A_136 = arith.extui %lt3A_135 : i1 to i32
        %cond3A_137 = arith.constant 0 : i32
        %cond3A_138 = arith.cmpi ne, %convert_element_type3A_136, %cond3A_137 : i32
        scf.if %cond3A_138 {
          %add3A_157 = arith.constant 2 : i32
          %add3A_158 = arith.addi %mul3A_127, %add3A_157 : i32
          %dma_start3A_159 = arith.constant 0 : i32
          %dma_start3A_160 = tpu.memref_slice %arg9[%add3A_158, %dma_start3A_159] : memref<40x125xi32, #tpu.memory_space<vmem>> -> memref<1x125xi32, #tpu.memory_space<vmem>>
          %dma_start3A_161 = tpu.memref_squeeze %dma_start3A_160 : memref<1x125xi32, #tpu.memory_space<vmem>> -> memref<125xi32, #tpu.memory_space<vmem>>
          %dma_start3A_162 = arith.constant 0 : i32
          %dma_start3A_163 = arith.constant 0 : i32
          %dma_start3A_164 = tpu.memref_slice %arg3[%dma_start3A_162, %dma_start3A_163] : memref<10000x128xf32, #tpu.memory_space<hbm>> -> memref<10000x128xf32, #tpu.memory_space<hbm>>
          tpu.enqueue_indirect_dma source(%dma_start3A_164 : memref<10000x128xf32, #tpu.memory_space<hbm>>) target(%arg11 : memref<125x128xf32, #tpu.memory_space<vmem>>) offsets(%dma_start3A_161 : memref<125xi32, #tpu.memory_space<vmem>>) semaphore(%arg13 : memref<!tpu.dma_semaphore, #tpu.memory_space<semaphore_mem>>)
        } else {
        }
        %add3A_139 = arith.constant 1 : i32
        %add3A_140 = arith.addi %mul3A_127, %add3A_139 : i32
        %dma_wait3A_141 = arith.constant 0 : i32
        %dma_wait3A_142 = tpu.memref_slice %arg9[%add3A_140, %dma_wait3A_141] : memref<40x125xi32, #tpu.memory_space<vmem>> -> memref<1x125xi32, #tpu.memory_space<vmem>>
        %dma_wait3A_143 = tpu.memref_squeeze %dma_wait3A_142 : memref<1x125xi32, #tpu.memory_space<vmem>> -> memref<125xi32, #tpu.memory_space<vmem>>
        %dma_wait3A_144 = arith.constant 0 : i32
        %dma_wait3A_145 = arith.constant 0 : i32
        %dma_wait3A_146 = tpu.memref_slice %arg3[%dma_wait3A_144, %dma_wait3A_145] : memref<10000x128xf32, #tpu.memory_space<hbm>> -> memref<10000x128xf32, #tpu.memory_space<hbm>>
        tpu.wait_indirect_dma semaphore(%arg14 : memref<!tpu.dma_semaphore, #tpu.memory_space<semaphore_mem>>) src(%dma_wait3A_146 : memref<10000x128xf32, #tpu.memory_space<hbm>>) dst(%arg12 : memref<125x128xf32, #tpu.memory_space<vmem>>)
        %add3A_147 = arith.constant 1 : i32
        %add3A_148 = arith.addi %mul3A_127, %add3A_147 : i32
        "tpu.region"() ({
          %run_scoped3A_157 = tpu.sem_alloc : memref<!tpu.dma_semaphore, #tpu.memory_space<semaphore_mem>>
          %dma_start3A_158 = arith.constant 0 : i32
          %dma_start3A_159 = tpu.memref_slice %arg10[%add3A_148, %dma_start3A_158] : memref<40x125xi32, #tpu.memory_space<vmem>> -> memref<1x125xi32, #tpu.memory_space<vmem>>
          %dma_start3A_160 = tpu.memref_squeeze %dma_start3A_159 : memref<1x125xi32, #tpu.memory_space<vmem>> -> memref<125xi32, #tpu.memory_space<vmem>>
          %dma_start3A_161 = arith.constant 0 : i32
          %dma_start3A_162 = arith.constant 0 : i32
          %dma_start3A_163 = tpu.memref_slice %arg8[%dma_start3A_161, %dma_start3A_162] : memref<10240x128xf32, #tpu.memory_space<vmem_shared>> -> memref<10240x128xf32, #tpu.memory_space<vmem_shared>>
          tpu.enqueue_indirect_dma source(%arg12 : memref<125x128xf32, #tpu.memory_space<vmem>>) target(%dma_start3A_163 : memref<10240x128xf32, #tpu.memory_space<vmem_shared>>) offsets(%dma_start3A_160 : memref<125xi32, #tpu.memory_space<vmem>>) semaphore(%run_scoped3A_157 : memref<!tpu.dma_semaphore, #tpu.memory_space<semaphore_mem>>) {add = true}
          %dma_wait3A_164 = arith.constant 0 : i32
          %dma_wait3A_165 = tpu.memref_slice %arg10[%add3A_148, %dma_wait3A_164] : memref<40x125xi32, #tpu.memory_space<vmem>> -> memref<1x125xi32, #tpu.memory_space<vmem>>
          %dma_wait3A_166 = tpu.memref_squeeze %dma_wait3A_165 : memref<1x125xi32, #tpu.memory_space<vmem>> -> memref<125xi32, #tpu.memory_space<vmem>>
          %dma_wait3A_167 = arith.constant 0 : i32
          %dma_wait3A_168 = arith.constant 0 : i32
          %dma_wait3A_169 = tpu.memref_slice %arg8[%dma_wait3A_167, %dma_wait3A_168] : memref<10240x128xf32, #tpu.memory_space<vmem_shared>> -> memref<10240x128xf32, #tpu.memory_space<vmem_shared>>
          tpu.wait_indirect_dma semaphore(%run_scoped3A_157 : memref<!tpu.dma_semaphore, #tpu.memory_space<semaphore_mem>>) src(%arg12 : memref<125x128xf32, #tpu.memory_space<vmem>>) dst(%dma_wait3A_169 : memref<10240x128xf32, #tpu.memory_space<vmem_shared>>)
          tpu.yield
        }) : () -> ()
        %add3A_149 = arith.constant 3 : i32
        %add3A_150 = arith.addi %mul3A_127, %add3A_149 : i32
        %lt3A_151 = arith.constant 40 : i32
        %lt3A_152 = arith.cmpi slt, %add3A_150, %lt3A_151 : i32
        %convert_element_type3A_153 = arith.extui %lt3A_152 : i1 to i32
        %cond3A_154 = arith.constant 0 : i32
        %cond3A_155 = arith.cmpi ne, %convert_element_type3A_153, %cond3A_154 : i32
        scf.if %cond3A_155 {
          %add3A_157 = arith.constant 3 : i32
          %add3A_158 = arith.addi %mul3A_127, %add3A_157 : i32
          %dma_start3A_159 = arith.constant 0 : i32
          %dma_start3A_160 = tpu.memref_slice %arg9[%add3A_158, %dma_start3A_159] : memref<40x125xi32, #tpu.memory_space<vmem>> -> memref<1x125xi32, #tpu.memory_space<vmem>>
          %dma_start3A_161 = tpu.memref_squeeze %dma_start3A_160 : memref<1x125xi32, #tpu.memory_space<vmem>> -> memref<125xi32, #tpu.memory_space<vmem>>
          %dma_start3A_162 = arith.constant 0 : i32
          %dma_start3A_163 = arith.constant 0 : i32
          %dma_start3A_164 = tpu.memref_slice %arg3[%dma_start3A_162, %dma_start3A_163] : memref<10000x128xf32, #tpu.memory_space<hbm>> -> memref<10000x128xf32, #tpu.memory_space<hbm>>
          tpu.enqueue_indirect_dma source(%dma_start3A_164 : memref<10000x128xf32, #tpu.memory_space<hbm>>) target(%arg12 : memref<125x128xf32, #tpu.memory_space<vmem>>) offsets(%dma_start3A_161 : memref<125xi32, #tpu.memory_space<vmem>>) semaphore(%arg14 : memref<!tpu.dma_semaphore, #tpu.memory_space<semaphore_mem>>)
        } else {
        }
        %scan3A_156 = arith.constant 0 : i32
        scf.yield %scan3A_156 : i32
      }
      %scan3A_118 = arith.constant 20 : i32
      %barrier3A_119 = arith.constant 0 : index
      tpu.barrier barrier_id(%barrier3A_119)
      %mul3A_120 = arith.constant 640 : i32
      %mul3A_121 = arith.muli %arg1, %mul3A_120 : i32
      %mul3A_122 = arith.constant 640 : i32
      %mul3A_123 = arith.muli %arg1, %mul3A_122 : i32
      "tpu.region"() ({
        %run_scoped3A_124 = tpu.sem_alloc : memref<!tpu.dma_semaphore, #tpu.memory_space<semaphore_mem>>
        %dma_start3A_125 = arith.constant 0 : i32
        %dma_start3A_126 = tpu.memref_slice %arg7[%mul3A_123, %dma_start3A_125] : memref<10240x128xf32, #tpu.memory_space<hbm>> -> memref<640x128xf32, #tpu.memory_space<hbm>>
        %dma_start3A_127 = arith.constant 0 : i32
        %dma_start3A_128 = tpu.memref_slice %arg8[%mul3A_121, %dma_start3A_127] : memref<10240x128xf32, #tpu.memory_space<vmem_shared>> -> memref<640x128xf32, #tpu.memory_space<vmem_shared>>
        tpu.enqueue_dma source(%dma_start3A_128 : memref<640x128xf32, #tpu.memory_space<vmem_shared>>) target(%dma_start3A_126 : memref<640x128xf32, #tpu.memory_space<hbm>>) target_semaphore(%run_scoped3A_124 : memref<!tpu.dma_semaphore, #tpu.memory_space<semaphore_mem>>)
        %dma_wait3A = arith.constant 0 : i32
        %dma_wait3A_129 = tpu.memref_slice %arg7[%mul3A_123, %dma_wait3A] : memref<10240x128xf32, #tpu.memory_space<hbm>> -> memref<640x128xf32, #tpu.memory_space<hbm>>
        %dma_wait3A_130 = arith.constant 0 : i32
        %dma_wait3A_131 = tpu.memref_slice %arg8[%mul3A_121, %dma_wait3A_130] : memref<10240x128xf32, #tpu.memory_space<vmem_shared>> -> memref<640x128xf32, #tpu.memory_space<vmem_shared>>
        tpu.wait_dma2 semaphore(%run_scoped3A_124 : memref<!tpu.dma_semaphore, #tpu.memory_space<semaphore_mem>>) src(%dma_wait3A_131 : memref<640x128xf32, #tpu.memory_space<vmem_shared>>) dst(%dma_wait3A_129 : memref<640x128xf32, #tpu.memory_space<hbm>>)
        tpu.yield
      }) : () -> ()
    } else {
    }
    return
  }
}

#map = affine_map<(d0, d1) -> (0, 0)>
#map1 = affine_map<(d0, d1) -> (0, 0, 0, 0)>
module attributes {stable_mosaic.version = 14 : i64} {
  func.func @_scatter_body(%arg0: i32, %arg1: i32, %arg2: memref<10000x128xf32, #tpu.memory_space<hbm>>, %arg3: memref<10000x128xf32, #tpu.memory_space<hbm>>, %arg4: memref<16x2x40x125xi32, #tpu.memory_space<hbm>>, %arg5: memref<16x2x40x125xi32, #tpu.memory_space<hbm>>, %arg6: memref<10240x128xf32, #tpu.memory_space<hbm>>, %arg7: memref<10240x128xf32, #tpu.memory_space<hbm>>, %arg8: memref<10240x128xf32, #tpu.memory_space<vmem_shared>>, %arg9: memref<40x125xi32, #tpu.memory_space<vmem>>, %arg10: memref<40x125xi32, #tpu.memory_space<vmem>>, %arg11: memref<125x128xf32, #tpu.memory_space<vmem>>, %arg12: memref<125x128xf32, #tpu.memory_space<vmem>>, %arg13: memref<!tpu.dma_semaphore, #tpu.memory_space<semaphore_mem>>, %arg14: memref<!tpu.dma_semaphore, #tpu.memory_space<semaphore_mem>>) attributes {dimension_semantics = [#tpu.dimension_semantics<core_parallel>, #tpu.dimension_semantics<subcore_parallel>], iteration_bounds = array<i64: 2, 16>, scalar_prefetch = 0 : i64, scratch_operands = 7 : i64, tpu.core_type = #tpu.core_type<sc_vector_subcore>, window_params = [{transform_indices = #map}, {transform_indices = #map}, {transform_indices = #map1}, {transform_indices = #map1}, {transform_indices = #map}, {transform_indices = #map}]} {
    %eq3A = arith.constant 0 : i32
    %eq3A_0 = arith.cmpi eq, %arg0, %eq3A : i32
    %convert_element_type3A = arith.extui %eq3A_0 : i1 to i32
    %cond3A = arith.constant 0 : i32
    %cond3A_1 = arith.cmpi ne, %convert_element_type3A, %cond3A : i32
    scf.if %cond3A_1 {
      %scan3A = arith.constant 0 : i32
      %scan3A_7 = arith.constant 0 : i32
      %scan3A_8 = arith.constant 320 : i32
      %scan3A_9 = arith.addi %scan3A_7, %scan3A_8 : i32
      %scan3A_10 = arith.constant 1 : i32
      %scan3A_11 = scf.for %scan3A_124 = %scan3A_7 to %scan3A_9 step %scan3A_10 iter_args(%scan3A_125 = %scan3A) -> (i32)  : i32 {
        %broadcast_in_dim3A = arith.constant 0.000000e+00 : f32
        %broadcast_in_dim3A_126 = vector.broadcast %broadcast_in_dim3A : f32 to vector<16xf32>
        %jit3A = arith.constant 8 : i32
        %div3A = arith.divsi %scan3A_124, %jit3A : i32
        %sign3A = arith.constant 0 : i32
        %sign3A_127 = arith.cmpi sgt, %scan3A_124, %sign3A : i32
        %sign3A_128 = arith.extui %sign3A_127 : i1 to i32
        %sign3A_129 = arith.constant 0 : i32
        %sign3A_130 = arith.cmpi slt, %scan3A_124, %sign3A_129 : i32
        %sign3A_131 = arith.extui %sign3A_130 : i1 to i32
        %sign3A_132 = arith.subi %sign3A_128, %sign3A_131 : i32
        %sign3A_133 = arith.constant 0 : i32
        %sign3A_134 = arith.cmpi sgt, %jit3A, %sign3A_133 : i32
        %sign3A_135 = arith.extui %sign3A_134 : i1 to i32
        %sign3A_136 = arith.constant 0 : i32
        %sign3A_137 = arith.cmpi slt, %jit3A, %sign3A_136 : i32
        %sign3A_138 = arith.extui %sign3A_137 : i1 to i32
        %sign3A_139 = arith.subi %sign3A_135, %sign3A_138 : i32
        %ne3A = arith.cmpi ne, %sign3A_132, %sign3A_139 : i32
        %rem3A = arith.remsi %scan3A_124, %jit3A : i32
        %ne3A_140 = arith.constant 0 : i32
        %ne3A_141 = arith.cmpi ne, %rem3A, %ne3A_140 : i32
        %and3A = arith.andi %ne3A, %ne3A_141 : i1
        %sub3A = arith.constant 1 : i32
        %sub3A_142 = arith.subi %div3A, %sub3A : i32
        %select_n3A = arith.select %and3A, %sub3A_142, %div3A : i32
        %jit3A_143 = arith.constant 8 : i32
        %eq3A_144 = arith.constant 0 : i32
        %eq3A_145 = arith.cmpi eq, %jit3A_143, %eq3A_144 : i32
        %jit3A_146 = arith.constant 1 : i32
        %select_n3A_147 = arith.select %eq3A_145, %jit3A_146, %jit3A_143 : i32
        %rem3A_148 = arith.remsi %scan3A_124, %select_n3A_147 : i32
        %ne3A_149 = arith.constant 0 : i32
        %ne3A_150 = arith.cmpi ne, %rem3A_148, %ne3A_149 : i32
        %lt3A = arith.constant 0 : i32
        %lt3A_151 = arith.cmpi slt, %rem3A_148, %lt3A : i32
        %lt3A_152 = arith.constant 0 : i32
        %lt3A_153 = arith.cmpi slt, %select_n3A_147, %lt3A_152 : i32
        %ne3A_154 = arith.xori %lt3A_151, %lt3A_153 : i1
        %and3A_155 = arith.andi %ne3A_154, %ne3A_150 : i1
        %add3A_156 = arith.addi %rem3A_148, %select_n3A_147 : i32
        %select_n3A_157 = arith.select %and3A_155, %add3A_156, %rem3A_148 : i32
        %mul3A_158 = arith.constant 16 : i32
        %mul3A_159 = arith.muli %select_n3A_157, %mul3A_158 : i32
        %swap3A = arith.index_cast %select_n3A : i32 to index
        %swap3A_160 = arith.index_cast %mul3A_159 : i32 to index
        %swap3A_161 = tpu.vector_load %arg11[%swap3A, %swap3A_160] {strides = array<i32>} : memref<125x128xf32, #tpu.memory_space<vmem>>, vector<1x16xf32>,
        %swap3A_162 = vector.shape_cast %swap3A_161 : vector<1x16xf32> to vector<16xf32>
        %swap3A_163 = vector.shape_cast %broadcast_in_dim3A_126 : vector<16xf32> to vector<1x16xf32>
        tpu.vector_store %arg11[%swap3A, %swap3A_160], %swap3A_163 {strides = array<i32>} : memref<125x128xf32, #tpu.memory_space<vmem>>, vector<1x16xf32>,
        %scan3A_164 = arith.constant 0 : i32
        scf.yield %scan3A_164 : i32
      }
      %scan3A_12 = arith.constant 320 : i32
      %mul3A = arith.constant 640 : i32
      %mul3A_13 = arith.muli %arg1, %mul3A : i32
      %add3A = arith.constant 0 : i32
      %add3A_14 = arith.addi %mul3A_13, %add3A : i32
      "tpu.region"() ({
        %run_scoped3A_124 = tpu.sem_alloc : memref<!tpu.dma_semaphore, #tpu.memory_space<semaphore_mem>>
        %dma_start3A_125 = arith.constant 0 : i32
        %dma_start3A_126 = arith.constant 0 : i32
        %dma_start3A_127 = tpu.memref_slice %arg11[%dma_start3A_125, %dma_start3A_126] : memref<125x128xf32, #tpu.memory_space<vmem>> -> memref<40x128xf32, #tpu.memory_space<vmem>>
        %dma_start3A_128 = arith.constant 0 : i32
        %dma_start3A_129 = tpu.memref_slice %arg8[%add3A_14, %dma_start3A_128] : memref<10240x128xf32, #tpu.memory_space<vmem_shared>> -> memref<40x128xf32, #tpu.memory_space<vmem_shared>>
        %dma_start3A_130 = arith.constant 0 : i32
        %dma_start3A_131 = tpu.memref_slice %arg8[%add3A_14, %dma_start3A_130] : memref<10240x128xf32, #tpu.memory_space<vmem_shared>> -> memref<40x128xf32, #tpu.memory_space<vmem_shared>>
        %dma_start3A_132 = arith.constant 0 : i32
        %dma_start3A_133 = arith.constant 0 : i32
        %dma_start3A_134 = tpu.memref_slice %arg11[%dma_start3A_132, %dma_start3A_133] : memref<125x128xf32, #tpu.memory_space<vmem>> -> memref<40x128xf32, #tpu.memory_space<vmem>>
        tpu.enqueue_dma source(%dma_start3A_134 : memref<40x128xf32, #tpu.memory_space<vmem>>) target(%dma_start3A_131 : memref<40x128xf32, #tpu.memory_space<vmem_shared>>) target_semaphore(%run_scoped3A_124 : memref<!tpu.dma_semaphore, #tpu.memory_space<semaphore_mem>>)
        %dma_wait3A = arith.constant 0 : i32
        %dma_wait3A_135 = arith.constant 0 : i32
        %dma_wait3A_136 = tpu.memref_slice %arg11[%dma_wait3A, %dma_wait3A_135] : memref<125x128xf32, #tpu.memory_space<vmem>> -> memref<40x128xf32, #tpu.memory_space<vmem>>
        %dma_wait3A_137 = arith.constant 0 : i32
        %dma_wait3A_138 = tpu.memref_slice %arg8[%add3A_14, %dma_wait3A_137] : memref<10240x128xf32, #tpu.memory_space<vmem_shared>> -> memref<40x128xf32, #tpu.memory_space<vmem_shared>>
        %dma_wait3A_139 = arith.constant 0 : i32
        %dma_wait3A_140 = tpu.memref_slice %arg8[%add3A_14, %dma_wait3A_139] : memref<10240x128xf32, #tpu.memory_space<vmem_shared>> -> memref<40x128xf32, #tpu.memory_space<vmem_shared>>
        %dma_wait3A_141 = arith.constant 0 : i32
        %dma_wait3A_142 = arith.constant 0 : i32
        %dma_wait3A_143 = tpu.memref_slice %arg11[%dma_wait3A_141, %dma_wait3A_142] : memref<125x128xf32, #tpu.memory_space<vmem>> -> memref<40x128xf32, #tpu.memory_space<vmem>>
        tpu.wait_dma2 semaphore(%run_scoped3A_124 : memref<!tpu.dma_semaphore, #tpu.memory_space<semaphore_mem>>) src(%dma_wait3A_143 : memref<40x128xf32, #tpu.memory_space<vmem>>) dst(%dma_wait3A_140 : memref<40x128xf32, #tpu.memory_space<vmem_shared>>)
        tpu.yield
      }) : () -> ()
      %mul3A_15 = arith.constant 640 : i32
      %mul3A_16 = arith.muli %arg1, %mul3A_15 : i32
      %add3A_17 = arith.constant 40 : i32
      %add3A_18 = arith.addi %mul3A_16, %add3A_17 : i32
      "tpu.region"() ({
        %run_scoped3A_124 = tpu.sem_alloc : memref<!tpu.dma_semaphore, #tpu.memory_space<semaphore_mem>>
        %dma_start3A_125 = arith.constant 0 : i32
        %dma_start3A_126 = arith.constant 0 : i32
        %dma_start3A_127 = tpu.memref_slice %arg11[%dma_start3A_125, %dma_start3A_126] : memref<125x128xf32, #tpu.memory_space<vmem>> -> memref<40x128xf32, #tpu.memory_space<vmem>>
        %dma_start3A_128 = arith.constant 0 : i32
        %dma_start3A_129 = tpu.memref_slice %arg8[%add3A_18, %dma_start3A_128] : memref<10240x128xf32, #tpu.memory_space<vmem_shared>> -> memref<40x128xf32, #tpu.memory_space<vmem_shared>>
        %dma_start3A_130 = arith.constant 0 : i32
        %dma_start3A_131 = tpu.memref_slice %arg8[%add3A_18, %dma_start3A_130] : memref<10240x128xf32, #tpu.memory_space<vmem_shared>> -> memref<40x128xf32, #tpu.memory_space<vmem_shared>>
        %dma_start3A_132 = arith.constant 0 : i32
        %dma_start3A_133 = arith.constant 0 : i32
        %dma_start3A_134 = tpu.memref_slice %arg11[%dma_start3A_132, %dma_start3A_133] : memref<125x128xf32, #tpu.memory_space<vmem>> -> memref<40x128xf32, #tpu.memory_space<vmem>>
        tpu.enqueue_dma source(%dma_start3A_134 : memref<40x128xf32, #tpu.memory_space<vmem>>) target(%dma_start3A_131 : memref<40x128xf32, #tpu.memory_space<vmem_shared>>) target_semaphore(%run_scoped3A_124 : memref<!tpu.dma_semaphore, #tpu.memory_space<semaphore_mem>>)
        %dma_wait3A = arith.constant 0 : i32
        %dma_wait3A_135 = arith.constant 0 : i32
        %dma_wait3A_136 = tpu.memref_slice %arg11[%dma_wait3A, %dma_wait3A_135] : memref<125x128xf32, #tpu.memory_space<vmem>> -> memref<40x128xf32, #tpu.memory_space<vmem>>
        %dma_wait3A_137 = arith.constant 0 : i32
        %dma_wait3A_138 = tpu.memref_slice %arg8[%add3A_18, %dma_wait3A_137] : memref<10240x128xf32, #tpu.memory_space<vmem_shared>> -> memref<40x128xf32, #tpu.memory_space<vmem_shared>>
        %dma_wait3A_139 = arith.constant 0 : i32
        %dma_wait3A_140 = tpu.memref_slice %arg8[%add3A_18, %dma_wait3A_139] : memref<10240x128xf32, #tpu.memory_space<vmem_shared>> -> memref<40x128xf32, #tpu.memory_space<vmem_shared>>
        %dma_wait3A_141 = arith.constant 0 : i32
        %dma_wait3A_142 = arith.constant 0 : i32
        %dma_wait3A_143 = tpu.memref_slice %arg11[%dma_wait3A_141, %dma_wait3A_142] : memref<125x128xf32, #tpu.memory_space<vmem>> -> memref<40x128xf32, #tpu.memory_space<vmem>>
        tpu.wait_dma2 semaphore(%run_scoped3A_124 : memref<!tpu.dma_semaphore, #tpu.memory_space<semaphore_mem>>) src(%dma_wait3A_143 : memref<40x128xf32, #tpu.memory_space<vmem>>) dst(%dma_wait3A_140 : memref<40x128xf32, #tpu.memory_space<vmem_shared>>)
        tpu.yield
      }) : () -> ()
      %mul3A_19 = arith.constant 640 : i32
      %mul3A_20 = arith.muli %arg1, %mul3A_19 : i32
      %add3A_21 = arith.constant 80 : i32
      %add3A_22 = arith.addi %mul3A_20, %add3A_21 : i32
      "tpu.region"() ({
        %run_scoped3A_124 = tpu.sem_alloc : memref<!tpu.dma_semaphore, #tpu.memory_space<semaphore_mem>>
        %dma_start3A_125 = arith.constant 0 : i32
        %dma_start3A_126 = arith.constant 0 : i32
        %dma_start3A_127 = tpu.memref_slice %arg11[%dma_start3A_125, %dma_start3A_126] : memref<125x128xf32, #tpu.memory_space<vmem>> -> memref<40x128xf32, #tpu.memory_space<vmem>>
        %dma_start3A_128 = arith.constant 0 : i32
        %dma_start3A_129 = tpu.memref_slice %arg8[%add3A_22, %dma_start3A_128] : memref<10240x128xf32, #tpu.memory_space<vmem_shared>> -> memref<40x128xf32, #tpu.memory_space<vmem_shared>>
        %dma_start3A_130 = arith.constant 0 : i32
        %dma_start3A_131 = tpu.memref_slice %arg8[%add3A_22, %dma_start3A_130] : memref<10240x128xf32, #tpu.memory_space<vmem_shared>> -> memref<40x128xf32, #tpu.memory_space<vmem_shared>>
        %dma_start3A_132 = arith.constant 0 : i32
        %dma_start3A_133 = arith.constant 0 : i32
        %dma_start3A_134 = tpu.memref_slice %arg11[%dma_start3A_132, %dma_start3A_133] : memref<125x128xf32, #tpu.memory_space<vmem>> -> memref<40x128xf32, #tpu.memory_space<vmem>>
        tpu.enqueue_dma source(%dma_start3A_134 : memref<40x128xf32, #tpu.memory_space<vmem>>) target(%dma_start3A_131 : memref<40x128xf32, #tpu.memory_space<vmem_shared>>) target_semaphore(%run_scoped3A_124 : memref<!tpu.dma_semaphore, #tpu.memory_space<semaphore_mem>>)
        %dma_wait3A = arith.constant 0 : i32
        %dma_wait3A_135 = arith.constant 0 : i32
        %dma_wait3A_136 = tpu.memref_slice %arg11[%dma_wait3A, %dma_wait3A_135] : memref<125x128xf32, #tpu.memory_space<vmem>> -> memref<40x128xf32, #tpu.memory_space<vmem>>
        %dma_wait3A_137 = arith.constant 0 : i32
        %dma_wait3A_138 = tpu.memref_slice %arg8[%add3A_22, %dma_wait3A_137] : memref<10240x128xf32, #tpu.memory_space<vmem_shared>> -> memref<40x128xf32, #tpu.memory_space<vmem_shared>>
        %dma_wait3A_139 = arith.constant 0 : i32
        %dma_wait3A_140 = tpu.memref_slice %arg8[%add3A_22, %dma_wait3A_139] : memref<10240x128xf32, #tpu.memory_space<vmem_shared>> -> memref<40x128xf32, #tpu.memory_space<vmem_shared>>
        %dma_wait3A_141 = arith.constant 0 : i32
        %dma_wait3A_142 = arith.constant 0 : i32
        %dma_wait3A_143 = tpu.memref_slice %arg11[%dma_wait3A_141, %dma_wait3A_142] : memref<125x128xf32, #tpu.memory_space<vmem>> -> memref<40x128xf32, #tpu.memory_space<vmem>>
        tpu.wait_dma2 semaphore(%run_scoped3A_124 : memref<!tpu.dma_semaphore, #tpu.memory_space<semaphore_mem>>) src(%dma_wait3A_143 : memref<40x128xf32, #tpu.memory_space<vmem>>) dst(%dma_wait3A_140 : memref<40x128xf32, #tpu.memory_space<vmem_shared>>)
        tpu.yield
      }) : () -> ()
      %mul3A_23 = arith.constant 640 : i32
      %mul3A_24 = arith.muli %arg1, %mul3A_23 : i32
      %add3A_25 = arith.constant 120 : i32
      %add3A_26 = arith.addi %mul3A_24, %add3A_25 : i32
      "tpu.region"() ({
        %run_scoped3A_124 = tpu.sem_alloc : memref<!tpu.dma_semaphore, #tpu.memory_space<semaphore_mem>>
        %dma_start3A_125 = arith.constant 0 : i32
        %dma_start3A_126 = arith.constant 0 : i32
        %dma_start3A_127 = tpu.memref_slice %arg11[%dma_start3A_125, %dma_start3A_126] : memref<125x128xf32, #tpu.memory_space<vmem>> -> memref<40x128xf32, #tpu.memory_space<vmem>>
        %dma_start3A_128 = arith.constant 0 : i32
        %dma_start3A_129 = tpu.memref_slice %arg8[%add3A_26, %dma_start3A_128] : memref<10240x128xf32, #tpu.memory_space<vmem_shared>> -> memref<40x128xf32, #tpu.memory_space<vmem_shared>>
        %dma_start3A_130 = arith.constant 0 : i32
        %dma_start3A_131 = tpu.memref_slice %arg8[%add3A_26, %dma_start3A_130] : memref<10240x128xf32, #tpu.memory_space<vmem_shared>> -> memref<40x128xf32, #tpu.memory_space<vmem_shared>>
        %dma_start3A_132 = arith.constant 0 : i32
        %dma_start3A_133 = arith.constant 0 : i32
        %dma_start3A_134 = tpu.memref_slice %arg11[%dma_start3A_132, %dma_start3A_133] : memref<125x128xf32, #tpu.memory_space<vmem>> -> memref<40x128xf32, #tpu.memory_space<vmem>>
        tpu.enqueue_dma source(%dma_start3A_134 : memref<40x128xf32, #tpu.memory_space<vmem>>) target(%dma_start3A_131 : memref<40x128xf32, #tpu.memory_space<vmem_shared>>) target_semaphore(%run_scoped3A_124 : memref<!tpu.dma_semaphore, #tpu.memory_space<semaphore_mem>>)
        %dma_wait3A = arith.constant 0 : i32
        %dma_wait3A_135 = arith.constant 0 : i32
        %dma_wait3A_136 = tpu.memref_slice %arg11[%dma_wait3A, %dma_wait3A_135] : memref<125x128xf32, #tpu.memory_space<vmem>> -> memref<40x128xf32, #tpu.memory_space<vmem>>
        %dma_wait3A_137 = arith.constant 0 : i32
        %dma_wait3A_138 = tpu.memref_slice %arg8[%add3A_26, %dma_wait3A_137] : memref<10240x128xf32, #tpu.memory_space<vmem_shared>> -> memref<40x128xf32, #tpu.memory_space<vmem_shared>>
        %dma_wait3A_139 = arith.constant 0 : i32
        %dma_wait3A_140 = tpu.memref_slice %arg8[%add3A_26, %dma_wait3A_139] : memref<10240x128xf32, #tpu.memory_space<vmem_shared>> -> memref<40x128xf32, #tpu.memory_space<vmem_shared>>
        %dma_wait3A_141 = arith.constant 0 : i32
        %dma_wait3A_142 = arith.constant 0 : i32
        %dma_wait3A_143 = tpu.memref_slice %arg11[%dma_wait3A_141, %dma_wait3A_142] : memref<125x128xf32, #tpu.memory_space<vmem>> -> memref<40x128xf32, #tpu.memory_space<vmem>>
        tpu.wait_dma2 semaphore(%run_scoped3A_124 : memref<!tpu.dma_semaphore, #tpu.memory_space<semaphore_mem>>) src(%dma_wait3A_143 : memref<40x128xf32, #tpu.memory_space<vmem>>) dst(%dma_wait3A_140 : memref<40x128xf32, #tpu.memory_space<vmem_shared>>)
        tpu.yield
      }) : () -> ()
      %mul3A_27 = arith.constant 640 : i32
      %mul3A_28 = arith.muli %arg1, %mul3A_27 : i32
      %add3A_29 = arith.constant 160 : i32
      %add3A_30 = arith.addi %mul3A_28, %add3A_29 : i32
      "tpu.region"() ({
        %run_scoped3A_124 = tpu.sem_alloc : memref<!tpu.dma_semaphore, #tpu.memory_space<semaphore_mem>>
        %dma_start3A_125 = arith.constant 0 : i32
        %dma_start3A_126 = arith.constant 0 : i32
        %dma_start3A_127 = tpu.memref_slice %arg11[%dma_start3A_125, %dma_start3A_126] : memref<125x128xf32, #tpu.memory_space<vmem>> -> memref<40x128xf32, #tpu.memory_space<vmem>>
        %dma_start3A_128 = arith.constant 0 : i32
        %dma_start3A_129 = tpu.memref_slice %arg8[%add3A_30, %dma_start3A_128] : memref<10240x128xf32, #tpu.memory_space<vmem_shared>> -> memref<40x128xf32, #tpu.memory_space<vmem_shared>>
        %dma_start3A_130 = arith.constant 0 : i32
        %dma_start3A_131 = tpu.memref_slice %arg8[%add3A_30, %dma_start3A_130] : memref<10240x128xf32, #tpu.memory_space<vmem_shared>> -> memref<40x128xf32, #tpu.memory_space<vmem_shared>>
        %dma_start3A_132 = arith.constant 0 : i32
        %dma_start3A_133 = arith.constant 0 : i32
        %dma_start3A_134 = tpu.memref_slice %arg11[%dma_start3A_132, %dma_start3A_133] : memref<125x128xf32, #tpu.memory_space<vmem>> -> memref<40x128xf32, #tpu.memory_space<vmem>>
        tpu.enqueue_dma source(%dma_start3A_134 : memref<40x128xf32, #tpu.memory_space<vmem>>) target(%dma_start3A_131 : memref<40x128xf32, #tpu.memory_space<vmem_shared>>) target_semaphore(%run_scoped3A_124 : memref<!tpu.dma_semaphore, #tpu.memory_space<semaphore_mem>>)
        %dma_wait3A = arith.constant 0 : i32
        %dma_wait3A_135 = arith.constant 0 : i32
        %dma_wait3A_136 = tpu.memref_slice %arg11[%dma_wait3A, %dma_wait3A_135] : memref<125x128xf32, #tpu.memory_space<vmem>> -> memref<40x128xf32, #tpu.memory_space<vmem>>
        %dma_wait3A_137 = arith.constant 0 : i32
        %dma_wait3A_138 = tpu.memref_slice %arg8[%add3A_30, %dma_wait3A_137] : memref<10240x128xf32, #tpu.memory_space<vmem_shared>> -> memref<40x128xf32, #tpu.memory_space<vmem_shared>>
        %dma_wait3A_139 = arith.constant 0 : i32
        %dma_wait3A_140 = tpu.memref_slice %arg8[%add3A_30, %dma_wait3A_139] : memref<10240x128xf32, #tpu.memory_space<vmem_shared>> -> memref<40x128xf32, #tpu.memory_space<vmem_shared>>
        %dma_wait3A_141 = arith.constant 0 : i32
        %dma_wait3A_142 = arith.constant 0 : i32
        %dma_wait3A_143 = tpu.memref_slice %arg11[%dma_wait3A_141, %dma_wait3A_142] : memref<125x128xf32, #tpu.memory_space<vmem>> -> memref<40x128xf32, #tpu.memory_space<vmem>>
        tpu.wait_dma2 semaphore(%run_scoped3A_124 : memref<!tpu.dma_semaphore, #tpu.memory_space<semaphore_mem>>) src(%dma_wait3A_143 : memref<40x128xf32, #tpu.memory_space<vmem>>) dst(%dma_wait3A_140 : memref<40x128xf32, #tpu.memory_space<vmem_shared>>)
        tpu.yield
      }) : () -> ()
      %mul3A_31 = arith.constant 640 : i32
      %mul3A_32 = arith.muli %arg1, %mul3A_31 : i32
      %add3A_33 = arith.constant 200 : i32
      %add3A_34 = arith.addi %mul3A_32, %add3A_33 : i32
      "tpu.region"() ({
        %run_scoped3A_124 = tpu.sem_alloc : memref<!tpu.dma_semaphore, #tpu.memory_space<semaphore_mem>>
        %dma_start3A_125 = arith.constant 0 : i32
        %dma_start3A_126 = arith.constant 0 : i32
        %dma_start3A_127 = tpu.memref_slice %arg11[%dma_start3A_125, %dma_start3A_126] : memref<125x128xf32, #tpu.memory_space<vmem>> -> memref<40x128xf32, #tpu.memory_space<vmem>>
        %dma_start3A_128 = arith.constant 0 : i32
        %dma_start3A_129 = tpu.memref_slice %arg8[%add3A_34, %dma_start3A_128] : memref<10240x128xf32, #tpu.memory_space<vmem_shared>> -> memref<40x128xf32, #tpu.memory_space<vmem_shared>>
        %dma_start3A_130 = arith.constant 0 : i32
        %dma_start3A_131 = tpu.memref_slice %arg8[%add3A_34, %dma_start3A_130] : memref<10240x128xf32, #tpu.memory_space<vmem_shared>> -> memref<40x128xf32, #tpu.memory_space<vmem_shared>>
        %dma_start3A_132 = arith.constant 0 : i32
        %dma_start3A_133 = arith.constant 0 : i32
        %dma_start3A_134 = tpu.memref_slice %arg11[%dma_start3A_132, %dma_start3A_133] : memref<125x128xf32, #tpu.memory_space<vmem>> -> memref<40x128xf32, #tpu.memory_space<vmem>>
        tpu.enqueue_dma source(%dma_start3A_134 : memref<40x128xf32, #tpu.memory_space<vmem>>) target(%dma_start3A_131 : memref<40x128xf32, #tpu.memory_space<vmem_shared>>) target_semaphore(%run_scoped3A_124 : memref<!tpu.dma_semaphore, #tpu.memory_space<semaphore_mem>>)
        %dma_wait3A = arith.constant 0 : i32
        %dma_wait3A_135 = arith.constant 0 : i32
        %dma_wait3A_136 = tpu.memref_slice %arg11[%dma_wait3A, %dma_wait3A_135] : memref<125x128xf32, #tpu.memory_space<vmem>> -> memref<40x128xf32, #tpu.memory_space<vmem>>
        %dma_wait3A_137 = arith.constant 0 : i32
        %dma_wait3A_138 = tpu.memref_slice %arg8[%add3A_34, %dma_wait3A_137] : memref<10240x128xf32, #tpu.memory_space<vmem_shared>> -> memref<40x128xf32, #tpu.memory_space<vmem_shared>>
        %dma_wait3A_139 = arith.constant 0 : i32
        %dma_wait3A_140 = tpu.memref_slice %arg8[%add3A_34, %dma_wait3A_139] : memref<10240x128xf32, #tpu.memory_space<vmem_shared>> -> memref<40x128xf32, #tpu.memory_space<vmem_shared>>
        %dma_wait3A_141 = arith.constant 0 : i32
        %dma_wait3A_142 = arith.constant 0 : i32
        %dma_wait3A_143 = tpu.memref_slice %arg11[%dma_wait3A_141, %dma_wait3A_142] : memref<125x128xf32, #tpu.memory_space<vmem>> -> memref<40x128xf32, #tpu.memory_space<vmem>>
        tpu.wait_dma2 semaphore(%run_scoped3A_124 : memref<!tpu.dma_semaphore, #tpu.memory_space<semaphore_mem>>) src(%dma_wait3A_143 : memref<40x128xf32, #tpu.memory_space<vmem>>) dst(%dma_wait3A_140 : memref<40x128xf32, #tpu.memory_space<vmem_shared>>)
        tpu.yield
      }) : () -> ()
      %mul3A_35 = arith.constant 640 : i32
      %mul3A_36 = arith.muli %arg1, %mul3A_35 : i32
      %add3A_37 = arith.constant 240 : i32
      %add3A_38 = arith.addi %mul3A_36, %add3A_37 : i32
      "tpu.region"() ({
        %run_scoped3A_124 = tpu.sem_alloc : memref<!tpu.dma_semaphore, #tpu.memory_space<semaphore_mem>>
        %dma_start3A_125 = arith.constant 0 : i32
        %dma_start3A_126 = arith.constant 0 : i32
        %dma_start3A_127 = tpu.memref_slice %arg11[%dma_start3A_125, %dma_start3A_126] : memref<125x128xf32, #tpu.memory_space<vmem>> -> memref<40x128xf32, #tpu.memory_space<vmem>>
        %dma_start3A_128 = arith.constant 0 : i32
        %dma_start3A_129 = tpu.memref_slice %arg8[%add3A_38, %dma_start3A_128] : memref<10240x128xf32, #tpu.memory_space<vmem_shared>> -> memref<40x128xf32, #tpu.memory_space<vmem_shared>>
        %dma_start3A_130 = arith.constant 0 : i32
        %dma_start3A_131 = tpu.memref_slice %arg8[%add3A_38, %dma_start3A_130] : memref<10240x128xf32, #tpu.memory_space<vmem_shared>> -> memref<40x128xf32, #tpu.memory_space<vmem_shared>>
        %dma_start3A_132 = arith.constant 0 : i32
        %dma_start3A_133 = arith.constant 0 : i32
        %dma_start3A_134 = tpu.memref_slice %arg11[%dma_start3A_132, %dma_start3A_133] : memref<125x128xf32, #tpu.memory_space<vmem>> -> memref<40x128xf32, #tpu.memory_space<vmem>>
        tpu.enqueue_dma source(%dma_start3A_134 : memref<40x128xf32, #tpu.memory_space<vmem>>) target(%dma_start3A_131 : memref<40x128xf32, #tpu.memory_space<vmem_shared>>) target_semaphore(%run_scoped3A_124 : memref<!tpu.dma_semaphore, #tpu.memory_space<semaphore_mem>>)
        %dma_wait3A = arith.constant 0 : i32
        %dma_wait3A_135 = arith.constant 0 : i32
        %dma_wait3A_136 = tpu.memref_slice %arg11[%dma_wait3A, %dma_wait3A_135] : memref<125x128xf32, #tpu.memory_space<vmem>> -> memref<40x128xf32, #tpu.memory_space<vmem>>
        %dma_wait3A_137 = arith.constant 0 : i32
        %dma_wait3A_138 = tpu.memref_slice %arg8[%add3A_38, %dma_wait3A_137] : memref<10240x128xf32, #tpu.memory_space<vmem_shared>> -> memref<40x128xf32, #tpu.memory_space<vmem_shared>>
        %dma_wait3A_139 = arith.constant 0 : i32
        %dma_wait3A_140 = tpu.memref_slice %arg8[%add3A_38, %dma_wait3A_139] : memref<10240x128xf32, #tpu.memory_space<vmem_shared>> -> memref<40x128xf32, #tpu.memory_space<vmem_shared>>
        %dma_wait3A_141 = arith.constant 0 : i32
        %dma_wait3A_142 = arith.constant 0 : i32
        %dma_wait3A_143 = tpu.memref_slice %arg11[%dma_wait3A_141, %dma_wait3A_142] : memref<125x128xf32, #tpu.memory_space<vmem>> -> memref<40x128xf32, #tpu.memory_space<vmem>>
        tpu.wait_dma2 semaphore(%run_scoped3A_124 : memref<!tpu.dma_semaphore, #tpu.memory_space<semaphore_mem>>) src(%dma_wait3A_143 : memref<40x128xf32, #tpu.memory_space<vmem>>) dst(%dma_wait3A_140 : memref<40x128xf32, #tpu.memory_space<vmem_shared>>)
        tpu.yield
      }) : () -> ()
      %mul3A_39 = arith.constant 640 : i32
      %mul3A_40 = arith.muli %arg1, %mul3A_39 : i32
      %add3A_41 = arith.constant 280 : i32
      %add3A_42 = arith.addi %mul3A_40, %add3A_41 : i32
      "tpu.region"() ({
        %run_scoped3A_124 = tpu.sem_alloc : memref<!tpu.dma_semaphore, #tpu.memory_space<semaphore_mem>>
        %dma_start3A_125 = arith.constant 0 : i32
        %dma_start3A_126 = arith.constant 0 : i32
        %dma_start3A_127 = tpu.memref_slice %arg11[%dma_start3A_125, %dma_start3A_126] : memref<125x128xf32, #tpu.memory_space<vmem>> -> memref<40x128xf32, #tpu.memory_space<vmem>>
        %dma_start3A_128 = arith.constant 0 : i32
        %dma_start3A_129 = tpu.memref_slice %arg8[%add3A_42, %dma_start3A_128] : memref<10240x128xf32, #tpu.memory_space<vmem_shared>> -> memref<40x128xf32, #tpu.memory_space<vmem_shared>>
        %dma_start3A_130 = arith.constant 0 : i32
        %dma_start3A_131 = tpu.memref_slice %arg8[%add3A_42, %dma_start3A_130] : memref<10240x128xf32, #tpu.memory_space<vmem_shared>> -> memref<40x128xf32, #tpu.memory_space<vmem_shared>>
        %dma_start3A_132 = arith.constant 0 : i32
        %dma_start3A_133 = arith.constant 0 : i32
        %dma_start3A_134 = tpu.memref_slice %arg11[%dma_start3A_132, %dma_start3A_133] : memref<125x128xf32, #tpu.memory_space<vmem>> -> memref<40x128xf32, #tpu.memory_space<vmem>>
        tpu.enqueue_dma source(%dma_start3A_134 : memref<40x128xf32, #tpu.memory_space<vmem>>) target(%dma_start3A_131 : memref<40x128xf32, #tpu.memory_space<vmem_shared>>) target_semaphore(%run_scoped3A_124 : memref<!tpu.dma_semaphore, #tpu.memory_space<semaphore_mem>>)
        %dma_wait3A = arith.constant 0 : i32
        %dma_wait3A_135 = arith.constant 0 : i32
        %dma_wait3A_136 = tpu.memref_slice %arg11[%dma_wait3A, %dma_wait3A_135] : memref<125x128xf32, #tpu.memory_space<vmem>> -> memref<40x128xf32, #tpu.memory_space<vmem>>
        %dma_wait3A_137 = arith.constant 0 : i32
        %dma_wait3A_138 = tpu.memref_slice %arg8[%add3A_42, %dma_wait3A_137] : memref<10240x128xf32, #tpu.memory_space<vmem_shared>> -> memref<40x128xf32, #tpu.memory_space<vmem_shared>>
        %dma_wait3A_139 = arith.constant 0 : i32
        %dma_wait3A_140 = tpu.memref_slice %arg8[%add3A_42, %dma_wait3A_139] : memref<10240x128xf32, #tpu.memory_space<vmem_shared>> -> memref<40x128xf32, #tpu.memory_space<vmem_shared>>
        %dma_wait3A_141 = arith.constant 0 : i32
        %dma_wait3A_142 = arith.constant 0 : i32
        %dma_wait3A_143 = tpu.memref_slice %arg11[%dma_wait3A_141, %dma_wait3A_142] : memref<125x128xf32, #tpu.memory_space<vmem>> -> memref<40x128xf32, #tpu.memory_space<vmem>>
        tpu.wait_dma2 semaphore(%run_scoped3A_124 : memref<!tpu.dma_semaphore, #tpu.memory_space<semaphore_mem>>) src(%dma_wait3A_143 : memref<40x128xf32, #tpu.memory_space<vmem>>) dst(%dma_wait3A_140 : memref<40x128xf32, #tpu.memory_space<vmem_shared>>)
        tpu.yield
      }) : () -> ()
      %mul3A_43 = arith.constant 640 : i32
      %mul3A_44 = arith.muli %arg1, %mul3A_43 : i32
      %add3A_45 = arith.constant 320 : i32
      %add3A_46 = arith.addi %mul3A_44, %add3A_45 : i32
      "tpu.region"() ({
        %run_scoped3A_124 = tpu.sem_alloc : memref<!tpu.dma_semaphore, #tpu.memory_space<semaphore_mem>>
        %dma_start3A_125 = arith.constant 0 : i32
        %dma_start3A_126 = arith.constant 0 : i32
        %dma_start3A_127 = tpu.memref_slice %arg11[%dma_start3A_125, %dma_start3A_126] : memref<125x128xf32, #tpu.memory_space<vmem>> -> memref<40x128xf32, #tpu.memory_space<vmem>>
        %dma_start3A_128 = arith.constant 0 : i32
        %dma_start3A_129 = tpu.memref_slice %arg8[%add3A_46, %dma_start3A_128] : memref<10240x128xf32, #tpu.memory_space<vmem_shared>> -> memref<40x128xf32, #tpu.memory_space<vmem_shared>>
        %dma_start3A_130 = arith.constant 0 : i32
        %dma_start3A_131 = tpu.memref_slice %arg8[%add3A_46, %dma_start3A_130] : memref<10240x128xf32, #tpu.memory_space<vmem_shared>> -> memref<40x128xf32, #tpu.memory_space<vmem_shared>>
        %dma_start3A_132 = arith.constant 0 : i32
        %dma_start3A_133 = arith.constant 0 : i32
        %dma_start3A_134 = tpu.memref_slice %arg11[%dma_start3A_132, %dma_start3A_133] : memref<125x128xf32, #tpu.memory_space<vmem>> -> memref<40x128xf32, #tpu.memory_space<vmem>>
        tpu.enqueue_dma source(%dma_start3A_134 : memref<40x128xf32, #tpu.memory_space<vmem>>) target(%dma_start3A_131 : memref<40x128xf32, #tpu.memory_space<vmem_shared>>) target_semaphore(%run_scoped3A_124 : memref<!tpu.dma_semaphore, #tpu.memory_space<semaphore_mem>>)
        %dma_wait3A = arith.constant 0 : i32
        %dma_wait3A_135 = arith.constant 0 : i32
        %dma_wait3A_136 = tpu.memref_slice %arg11[%dma_wait3A, %dma_wait3A_135] : memref<125x128xf32, #tpu.memory_space<vmem>> -> memref<40x128xf32, #tpu.memory_space<vmem>>
        %dma_wait3A_137 = arith.constant 0 : i32
        %dma_wait3A_138 = tpu.memref_slice %arg8[%add3A_46, %dma_wait3A_137] : memref<10240x128xf32, #tpu.memory_space<vmem_shared>> -> memref<40x128xf32, #tpu.memory_space<vmem_shared>>
        %dma_wait3A_139 = arith.constant 0 : i32
        %dma_wait3A_140 = tpu.memref_slice %arg8[%add3A_46, %dma_wait3A_139] : memref<10240x128xf32, #tpu.memory_space<vmem_shared>> -> memref<40x128xf32, #tpu.memory_space<vmem_shared>>
        %dma_wait3A_141 = arith.constant 0 : i32
        %dma_wait3A_142 = arith.constant 0 : i32
        %dma_wait3A_143 = tpu.memref_slice %arg11[%dma_wait3A_141, %dma_wait3A_142] : memref<125x128xf32, #tpu.memory_space<vmem>> -> memref<40x128xf32, #tpu.memory_space<vmem>>
        tpu.wait_dma2 semaphore(%run_scoped3A_124 : memref<!tpu.dma_semaphore, #tpu.memory_space<semaphore_mem>>) src(%dma_wait3A_143 : memref<40x128xf32, #tpu.memory_space<vmem>>) dst(%dma_wait3A_140 : memref<40x128xf32, #tpu.memory_space<vmem_shared>>)
        tpu.yield
      }) : () -> ()
      %mul3A_47 = arith.constant 640 : i32
      %mul3A_48 = arith.muli %arg1, %mul3A_47 : i32
      %add3A_49 = arith.constant 360 : i32
      %add3A_50 = arith.addi %mul3A_48, %add3A_49 : i32
      "tpu.region"() ({
        %run_scoped3A_124 = tpu.sem_alloc : memref<!tpu.dma_semaphore, #tpu.memory_space<semaphore_mem>>
        %dma_start3A_125 = arith.constant 0 : i32
        %dma_start3A_126 = arith.constant 0 : i32
        %dma_start3A_127 = tpu.memref_slice %arg11[%dma_start3A_125, %dma_start3A_126] : memref<125x128xf32, #tpu.memory_space<vmem>> -> memref<40x128xf32, #tpu.memory_space<vmem>>
        %dma_start3A_128 = arith.constant 0 : i32
        %dma_start3A_129 = tpu.memref_slice %arg8[%add3A_50, %dma_start3A_128] : memref<10240x128xf32, #tpu.memory_space<vmem_shared>> -> memref<40x128xf32, #tpu.memory_space<vmem_shared>>
        %dma_start3A_130 = arith.constant 0 : i32
        %dma_start3A_131 = tpu.memref_slice %arg8[%add3A_50, %dma_start3A_130] : memref<10240x128xf32, #tpu.memory_space<vmem_shared>> -> memref<40x128xf32, #tpu.memory_space<vmem_shared>>
        %dma_start3A_132 = arith.constant 0 : i32
        %dma_start3A_133 = arith.constant 0 : i32
        %dma_start3A_134 = tpu.memref_slice %arg11[%dma_start3A_132, %dma_start3A_133] : memref<125x128xf32, #tpu.memory_space<vmem>> -> memref<40x128xf32, #tpu.memory_space<vmem>>
        tpu.enqueue_dma source(%dma_start3A_134 : memref<40x128xf32, #tpu.memory_space<vmem>>) target(%dma_start3A_131 : memref<40x128xf32, #tpu.memory_space<vmem_shared>>) target_semaphore(%run_scoped3A_124 : memref<!tpu.dma_semaphore, #tpu.memory_space<semaphore_mem>>)
        %dma_wait3A = arith.constant 0 : i32
        %dma_wait3A_135 = arith.constant 0 : i32
        %dma_wait3A_136 = tpu.memref_slice %arg11[%dma_wait3A, %dma_wait3A_135] : memref<125x128xf32, #tpu.memory_space<vmem>> -> memref<40x128xf32, #tpu.memory_space<vmem>>
        %dma_wait3A_137 = arith.constant 0 : i32
        %dma_wait3A_138 = tpu.memref_slice %arg8[%add3A_50, %dma_wait3A_137] : memref<10240x128xf32, #tpu.memory_space<vmem_shared>> -> memref<40x128xf32, #tpu.memory_space<vmem_shared>>
        %dma_wait3A_139 = arith.constant 0 : i32
        %dma_wait3A_140 = tpu.memref_slice %arg8[%add3A_50, %dma_wait3A_139] : memref<10240x128xf32, #tpu.memory_space<vmem_shared>> -> memref<40x128xf32, #tpu.memory_space<vmem_shared>>
        %dma_wait3A_141 = arith.constant 0 : i32
        %dma_wait3A_142 = arith.constant 0 : i32
        %dma_wait3A_143 = tpu.memref_slice %arg11[%dma_wait3A_141, %dma_wait3A_142] : memref<125x128xf32, #tpu.memory_space<vmem>> -> memref<40x128xf32, #tpu.memory_space<vmem>>
        tpu.wait_dma2 semaphore(%run_scoped3A_124 : memref<!tpu.dma_semaphore, #tpu.memory_space<semaphore_mem>>) src(%dma_wait3A_143 : memref<40x128xf32, #tpu.memory_space<vmem>>) dst(%dma_wait3A_140 : memref<40x128xf32, #tpu.memory_space<vmem_shared>>)
        tpu.yield
      }) : () -> ()
      %mul3A_51 = arith.constant 640 : i32
      %mul3A_52 = arith.muli %arg1, %mul3A_51 : i32
      %add3A_53 = arith.constant 400 : i32
      %add3A_54 = arith.addi %mul3A_52, %add3A_53 : i32
      "tpu.region"() ({
        %run_scoped3A_124 = tpu.sem_alloc : memref<!tpu.dma_semaphore, #tpu.memory_space<semaphore_mem>>
        %dma_start3A_125 = arith.constant 0 : i32
        %dma_start3A_126 = arith.constant 0 : i32
        %dma_start3A_127 = tpu.memref_slice %arg11[%dma_start3A_125, %dma_start3A_126] : memref<125x128xf32, #tpu.memory_space<vmem>> -> memref<40x128xf32, #tpu.memory_space<vmem>>
        %dma_start3A_128 = arith.constant 0 : i32
        %dma_start3A_129 = tpu.memref_slice %arg8[%add3A_54, %dma_start3A_128] : memref<10240x128xf32, #tpu.memory_space<vmem_shared>> -> memref<40x128xf32, #tpu.memory_space<vmem_shared>>
        %dma_start3A_130 = arith.constant 0 : i32
        %dma_start3A_131 = tpu.memref_slice %arg8[%add3A_54, %dma_start3A_130] : memref<10240x128xf32, #tpu.memory_space<vmem_shared>> -> memref<40x128xf32, #tpu.memory_space<vmem_shared>>
        %dma_start3A_132 = arith.constant 0 : i32
        %dma_start3A_133 = arith.constant 0 : i32
        %dma_start3A_134 = tpu.memref_slice %arg11[%dma_start3A_132, %dma_start3A_133] : memref<125x128xf32, #tpu.memory_space<vmem>> -> memref<40x128xf32, #tpu.memory_space<vmem>>
        tpu.enqueue_dma source(%dma_start3A_134 : memref<40x128xf32, #tpu.memory_space<vmem>>) target(%dma_start3A_131 : memref<40x128xf32, #tpu.memory_space<vmem_shared>>) target_semaphore(%run_scoped3A_124 : memref<!tpu.dma_semaphore, #tpu.memory_space<semaphore_mem>>)
        %dma_wait3A = arith.constant 0 : i32
        %dma_wait3A_135 = arith.constant 0 : i32
        %dma_wait3A_136 = tpu.memref_slice %arg11[%dma_wait3A, %dma_wait3A_135] : memref<125x128xf32, #tpu.memory_space<vmem>> -> memref<40x128xf32, #tpu.memory_space<vmem>>
        %dma_wait3A_137 = arith.constant 0 : i32
        %dma_wait3A_138 = tpu.memref_slice %arg8[%add3A_54, %dma_wait3A_137] : memref<10240x128xf32, #tpu.memory_space<vmem_shared>> -> memref<40x128xf32, #tpu.memory_space<vmem_shared>>
        %dma_wait3A_139 = arith.constant 0 : i32
        %dma_wait3A_140 = tpu.memref_slice %arg8[%add3A_54, %dma_wait3A_139] : memref<10240x128xf32, #tpu.memory_space<vmem_shared>> -> memref<40x128xf32, #tpu.memory_space<vmem_shared>>
        %dma_wait3A_141 = arith.constant 0 : i32
        %dma_wait3A_142 = arith.constant 0 : i32
        %dma_wait3A_143 = tpu.memref_slice %arg11[%dma_wait3A_141, %dma_wait3A_142] : memref<125x128xf32, #tpu.memory_space<vmem>> -> memref<40x128xf32, #tpu.memory_space<vmem>>
        tpu.wait_dma2 semaphore(%run_scoped3A_124 : memref<!tpu.dma_semaphore, #tpu.memory_space<semaphore_mem>>) src(%dma_wait3A_143 : memref<40x128xf32, #tpu.memory_space<vmem>>) dst(%dma_wait3A_140 : memref<40x128xf32, #tpu.memory_space<vmem_shared>>)
        tpu.yield
      }) : () -> ()
      %mul3A_55 = arith.constant 640 : i32
      %mul3A_56 = arith.muli %arg1, %mul3A_55 : i32
      %add3A_57 = arith.constant 440 : i32
      %add3A_58 = arith.addi %mul3A_56, %add3A_57 : i32
      "tpu.region"() ({
        %run_scoped3A_124 = tpu.sem_alloc : memref<!tpu.dma_semaphore, #tpu.memory_space<semaphore_mem>>
        %dma_start3A_125 = arith.constant 0 : i32
        %dma_start3A_126 = arith.constant 0 : i32
        %dma_start3A_127 = tpu.memref_slice %arg11[%dma_start3A_125, %dma_start3A_126] : memref<125x128xf32, #tpu.memory_space<vmem>> -> memref<40x128xf32, #tpu.memory_space<vmem>>
        %dma_start3A_128 = arith.constant 0 : i32
        %dma_start3A_129 = tpu.memref_slice %arg8[%add3A_58, %dma_start3A_128] : memref<10240x128xf32, #tpu.memory_space<vmem_shared>> -> memref<40x128xf32, #tpu.memory_space<vmem_shared>>
        %dma_start3A_130 = arith.constant 0 : i32
        %dma_start3A_131 = tpu.memref_slice %arg8[%add3A_58, %dma_start3A_130] : memref<10240x128xf32, #tpu.memory_space<vmem_shared>> -> memref<40x128xf32, #tpu.memory_space<vmem_shared>>
        %dma_start3A_132 = arith.constant 0 : i32
        %dma_start3A_133 = arith.constant 0 : i32
        %dma_start3A_134 = tpu.memref_slice %arg11[%dma_start3A_132, %dma_start3A_133] : memref<125x128xf32, #tpu.memory_space<vmem>> -> memref<40x128xf32, #tpu.memory_space<vmem>>
        tpu.enqueue_dma source(%dma_start3A_134 : memref<40x128xf32, #tpu.memory_space<vmem>>) target(%dma_start3A_131 : memref<40x128xf32, #tpu.memory_space<vmem_shared>>) target_semaphore(%run_scoped3A_124 : memref<!tpu.dma_semaphore, #tpu.memory_space<semaphore_mem>>)
        %dma_wait3A = arith.constant 0 : i32
        %dma_wait3A_135 = arith.constant 0 : i32
        %dma_wait3A_136 = tpu.memref_slice %arg11[%dma_wait3A, %dma_wait3A_135] : memref<125x128xf32, #tpu.memory_space<vmem>> -> memref<40x128xf32, #tpu.memory_space<vmem>>
        %dma_wait3A_137 = arith.constant 0 : i32
        %dma_wait3A_138 = tpu.memref_slice %arg8[%add3A_58, %dma_wait3A_137] : memref<10240x128xf32, #tpu.memory_space<vmem_shared>> -> memref<40x128xf32, #tpu.memory_space<vmem_shared>>
        %dma_wait3A_139 = arith.constant 0 : i32
        %dma_wait3A_140 = tpu.memref_slice %arg8[%add3A_58, %dma_wait3A_139] : memref<10240x128xf32, #tpu.memory_space<vmem_shared>> -> memref<40x128xf32, #tpu.memory_space<vmem_shared>>
        %dma_wait3A_141 = arith.constant 0 : i32
        %dma_wait3A_142 = arith.constant 0 : i32
        %dma_wait3A_143 = tpu.memref_slice %arg11[%dma_wait3A_141, %dma_wait3A_142] : memref<125x128xf32, #tpu.memory_space<vmem>> -> memref<40x128xf32, #tpu.memory_space<vmem>>
        tpu.wait_dma2 semaphore(%run_scoped3A_124 : memref<!tpu.dma_semaphore, #tpu.memory_space<semaphore_mem>>) src(%dma_wait3A_143 : memref<40x128xf32, #tpu.memory_space<vmem>>) dst(%dma_wait3A_140 : memref<40x128xf32, #tpu.memory_space<vmem_shared>>)
        tpu.yield
      }) : () -> ()
      %mul3A_59 = arith.constant 640 : i32
      %mul3A_60 = arith.muli %arg1, %mul3A_59 : i32
      %add3A_61 = arith.constant 480 : i32
      %add3A_62 = arith.addi %mul3A_60, %add3A_61 : i32
      "tpu.region"() ({
        %run_scoped3A_124 = tpu.sem_alloc : memref<!tpu.dma_semaphore, #tpu.memory_space<semaphore_mem>>
        %dma_start3A_125 = arith.constant 0 : i32
        %dma_start3A_126 = arith.constant 0 : i32
        %dma_start3A_127 = tpu.memref_slice %arg11[%dma_start3A_125, %dma_start3A_126] : memref<125x128xf32, #tpu.memory_space<vmem>> -> memref<40x128xf32, #tpu.memory_space<vmem>>
        %dma_start3A_128 = arith.constant 0 : i32
        %dma_start3A_129 = tpu.memref_slice %arg8[%add3A_62, %dma_start3A_128] : memref<10240x128xf32, #tpu.memory_space<vmem_shared>> -> memref<40x128xf32, #tpu.memory_space<vmem_shared>>
        %dma_start3A_130 = arith.constant 0 : i32
        %dma_start3A_131 = tpu.memref_slice %arg8[%add3A_62, %dma_start3A_130] : memref<10240x128xf32, #tpu.memory_space<vmem_shared>> -> memref<40x128xf32, #tpu.memory_space<vmem_shared>>
        %dma_start3A_132 = arith.constant 0 : i32
        %dma_start3A_133 = arith.constant 0 : i32
        %dma_start3A_134 = tpu.memref_slice %arg11[%dma_start3A_132, %dma_start3A_133] : memref<125x128xf32, #tpu.memory_space<vmem>> -> memref<40x128xf32, #tpu.memory_space<vmem>>
        tpu.enqueue_dma source(%dma_start3A_134 : memref<40x128xf32, #tpu.memory_space<vmem>>) target(%dma_start3A_131 : memref<40x128xf32, #tpu.memory_space<vmem_shared>>) target_semaphore(%run_scoped3A_124 : memref<!tpu.dma_semaphore, #tpu.memory_space<semaphore_mem>>)
        %dma_wait3A = arith.constant 0 : i32
        %dma_wait3A_135 = arith.constant 0 : i32
        %dma_wait3A_136 = tpu.memref_slice %arg11[%dma_wait3A, %dma_wait3A_135] : memref<125x128xf32, #tpu.memory_space<vmem>> -> memref<40x128xf32, #tpu.memory_space<vmem>>
        %dma_wait3A_137 = arith.constant 0 : i32
        %dma_wait3A_138 = tpu.memref_slice %arg8[%add3A_62, %dma_wait3A_137] : memref<10240x128xf32, #tpu.memory_space<vmem_shared>> -> memref<40x128xf32, #tpu.memory_space<vmem_shared>>
        %dma_wait3A_139 = arith.constant 0 : i32
        %dma_wait3A_140 = tpu.memref_slice %arg8[%add3A_62, %dma_wait3A_139] : memref<10240x128xf32, #tpu.memory_space<vmem_shared>> -> memref<40x128xf32, #tpu.memory_space<vmem_shared>>
        %dma_wait3A_141 = arith.constant 0 : i32
        %dma_wait3A_142 = arith.constant 0 : i32
        %dma_wait3A_143 = tpu.memref_slice %arg11[%dma_wait3A_141, %dma_wait3A_142] : memref<125x128xf32, #tpu.memory_space<vmem>> -> memref<40x128xf32, #tpu.memory_space<vmem>>
        tpu.wait_dma2 semaphore(%run_scoped3A_124 : memref<!tpu.dma_semaphore, #tpu.memory_space<semaphore_mem>>) src(%dma_wait3A_143 : memref<40x128xf32, #tpu.memory_space<vmem>>) dst(%dma_wait3A_140 : memref<40x128xf32, #tpu.memory_space<vmem_shared>>)
        tpu.yield
      }) : () -> ()
      %mul3A_63 = arith.constant 640 : i32
      %mul3A_64 = arith.muli %arg1, %mul3A_63 : i32
      %add3A_65 = arith.constant 520 : i32
      %add3A_66 = arith.addi %mul3A_64, %add3A_65 : i32
      "tpu.region"() ({
        %run_scoped3A_124 = tpu.sem_alloc : memref<!tpu.dma_semaphore, #tpu.memory_space<semaphore_mem>>
        %dma_start3A_125 = arith.constant 0 : i32
        %dma_start3A_126 = arith.constant 0 : i32
        %dma_start3A_127 = tpu.memref_slice %arg11[%dma_start3A_125, %dma_start3A_126] : memref<125x128xf32, #tpu.memory_space<vmem>> -> memref<40x128xf32, #tpu.memory_space<vmem>>
        %dma_start3A_128 = arith.constant 0 : i32
        %dma_start3A_129 = tpu.memref_slice %arg8[%add3A_66, %dma_start3A_128] : memref<10240x128xf32, #tpu.memory_space<vmem_shared>> -> memref<40x128xf32, #tpu.memory_space<vmem_shared>>
        %dma_start3A_130 = arith.constant 0 : i32
        %dma_start3A_131 = tpu.memref_slice %arg8[%add3A_66, %dma_start3A_130] : memref<10240x128xf32, #tpu.memory_space<vmem_shared>> -> memref<40x128xf32, #tpu.memory_space<vmem_shared>>
        %dma_start3A_132 = arith.constant 0 : i32
        %dma_start3A_133 = arith.constant 0 : i32
        %dma_start3A_134 = tpu.memref_slice %arg11[%dma_start3A_132, %dma_start3A_133] : memref<125x128xf32, #tpu.memory_space<vmem>> -> memref<40x128xf32, #tpu.memory_space<vmem>>
        tpu.enqueue_dma source(%dma_start3A_134 : memref<40x128xf32, #tpu.memory_space<vmem>>) target(%dma_start3A_131 : memref<40x128xf32, #tpu.memory_space<vmem_shared>>) target_semaphore(%run_scoped3A_124 : memref<!tpu.dma_semaphore, #tpu.memory_space<semaphore_mem>>)
        %dma_wait3A = arith.constant 0 : i32
        %dma_wait3A_135 = arith.constant 0 : i32
        %dma_wait3A_136 = tpu.memref_slice %arg11[%dma_wait3A, %dma_wait3A_135] : memref<125x128xf32, #tpu.memory_space<vmem>> -> memref<40x128xf32, #tpu.memory_space<vmem>>
        %dma_wait3A_137 = arith.constant 0 : i32
        %dma_wait3A_138 = tpu.memref_slice %arg8[%add3A_66, %dma_wait3A_137] : memref<10240x128xf32, #tpu.memory_space<vmem_shared>> -> memref<40x128xf32, #tpu.memory_space<vmem_shared>>
        %dma_wait3A_139 = arith.constant 0 : i32
        %dma_wait3A_140 = tpu.memref_slice %arg8[%add3A_66, %dma_wait3A_139] : memref<10240x128xf32, #tpu.memory_space<vmem_shared>> -> memref<40x128xf32, #tpu.memory_space<vmem_shared>>
        %dma_wait3A_141 = arith.constant 0 : i32
        %dma_wait3A_142 = arith.constant 0 : i32
        %dma_wait3A_143 = tpu.memref_slice %arg11[%dma_wait3A_141, %dma_wait3A_142] : memref<125x128xf32, #tpu.memory_space<vmem>> -> memref<40x128xf32, #tpu.memory_space<vmem>>
        tpu.wait_dma2 semaphore(%run_scoped3A_124 : memref<!tpu.dma_semaphore, #tpu.memory_space<semaphore_mem>>) src(%dma_wait3A_143 : memref<40x128xf32, #tpu.memory_space<vmem>>) dst(%dma_wait3A_140 : memref<40x128xf32, #tpu.memory_space<vmem_shared>>)
        tpu.yield
      }) : () -> ()
      %mul3A_67 = arith.constant 640 : i32
      %mul3A_68 = arith.muli %arg1, %mul3A_67 : i32
      %add3A_69 = arith.constant 560 : i32
      %add3A_70 = arith.addi %mul3A_68, %add3A_69 : i32
      "tpu.region"() ({
        %run_scoped3A_124 = tpu.sem_alloc : memref<!tpu.dma_semaphore, #tpu.memory_space<semaphore_mem>>
        %dma_start3A_125 = arith.constant 0 : i32
        %dma_start3A_126 = arith.constant 0 : i32
        %dma_start3A_127 = tpu.memref_slice %arg11[%dma_start3A_125, %dma_start3A_126] : memref<125x128xf32, #tpu.memory_space<vmem>> -> memref<40x128xf32, #tpu.memory_space<vmem>>
        %dma_start3A_128 = arith.constant 0 : i32
        %dma_start3A_129 = tpu.memref_slice %arg8[%add3A_70, %dma_start3A_128] : memref<10240x128xf32, #tpu.memory_space<vmem_shared>> -> memref<40x128xf32, #tpu.memory_space<vmem_shared>>
        %dma_start3A_130 = arith.constant 0 : i32
        %dma_start3A_131 = tpu.memref_slice %arg8[%add3A_70, %dma_start3A_130] : memref<10240x128xf32, #tpu.memory_space<vmem_shared>> -> memref<40x128xf32, #tpu.memory_space<vmem_shared>>
        %dma_start3A_132 = arith.constant 0 : i32
        %dma_start3A_133 = arith.constant 0 : i32
        %dma_start3A_134 = tpu.memref_slice %arg11[%dma_start3A_132, %dma_start3A_133] : memref<125x128xf32, #tpu.memory_space<vmem>> -> memref<40x128xf32, #tpu.memory_space<vmem>>
        tpu.enqueue_dma source(%dma_start3A_134 : memref<40x128xf32, #tpu.memory_space<vmem>>) target(%dma_start3A_131 : memref<40x128xf32, #tpu.memory_space<vmem_shared>>) target_semaphore(%run_scoped3A_124 : memref<!tpu.dma_semaphore, #tpu.memory_space<semaphore_mem>>)
        %dma_wait3A = arith.constant 0 : i32
        %dma_wait3A_135 = arith.constant 0 : i32
        %dma_wait3A_136 = tpu.memref_slice %arg11[%dma_wait3A, %dma_wait3A_135] : memref<125x128xf32, #tpu.memory_space<vmem>> -> memref<40x128xf32, #tpu.memory_space<vmem>>
        %dma_wait3A_137 = arith.constant 0 : i32
        %dma_wait3A_138 = tpu.memref_slice %arg8[%add3A_70, %dma_wait3A_137] : memref<10240x128xf32, #tpu.memory_space<vmem_shared>> -> memref<40x128xf32, #tpu.memory_space<vmem_shared>>
        %dma_wait3A_139 = arith.constant 0 : i32
        %dma_wait3A_140 = tpu.memref_slice %arg8[%add3A_70, %dma_wait3A_139] : memref<10240x128xf32, #tpu.memory_space<vmem_shared>> -> memref<40x128xf32, #tpu.memory_space<vmem_shared>>
        %dma_wait3A_141 = arith.constant 0 : i32
        %dma_wait3A_142 = arith.constant 0 : i32
        %dma_wait3A_143 = tpu.memref_slice %arg11[%dma_wait3A_141, %dma_wait3A_142] : memref<125x128xf32, #tpu.memory_space<vmem>> -> memref<40x128xf32, #tpu.memory_space<vmem>>
        tpu.wait_dma2 semaphore(%run_scoped3A_124 : memref<!tpu.dma_semaphore, #tpu.memory_space<semaphore_mem>>) src(%dma_wait3A_143 : memref<40x128xf32, #tpu.memory_space<vmem>>) dst(%dma_wait3A_140 : memref<40x128xf32, #tpu.memory_space<vmem_shared>>)
        tpu.yield
      }) : () -> ()
      %mul3A_71 = arith.constant 640 : i32
      %mul3A_72 = arith.muli %arg1, %mul3A_71 : i32
      %add3A_73 = arith.constant 600 : i32
      %add3A_74 = arith.addi %mul3A_72, %add3A_73 : i32
      "tpu.region"() ({
        %run_scoped3A_124 = tpu.sem_alloc : memref<!tpu.dma_semaphore, #tpu.memory_space<semaphore_mem>>
        %dma_start3A_125 = arith.constant 0 : i32
        %dma_start3A_126 = arith.constant 0 : i32
        %dma_start3A_127 = tpu.memref_slice %arg11[%dma_start3A_125, %dma_start3A_126] : memref<125x128xf32, #tpu.memory_space<vmem>> -> memref<40x128xf32, #tpu.memory_space<vmem>>
        %dma_start3A_128 = arith.constant 0 : i32
        %dma_start3A_129 = tpu.memref_slice %arg8[%add3A_74, %dma_start3A_128] : memref<10240x128xf32, #tpu.memory_space<vmem_shared>> -> memref<40x128xf32, #tpu.memory_space<vmem_shared>>
        %dma_start3A_130 = arith.constant 0 : i32
        %dma_start3A_131 = tpu.memref_slice %arg8[%add3A_74, %dma_start3A_130] : memref<10240x128xf32, #tpu.memory_space<vmem_shared>> -> memref<40x128xf32, #tpu.memory_space<vmem_shared>>
        %dma_start3A_132 = arith.constant 0 : i32
        %dma_start3A_133 = arith.constant 0 : i32
        %dma_start3A_134 = tpu.memref_slice %arg11[%dma_start3A_132, %dma_start3A_133] : memref<125x128xf32, #tpu.memory_space<vmem>> -> memref<40x128xf32, #tpu.memory_space<vmem>>
        tpu.enqueue_dma source(%dma_start3A_134 : memref<40x128xf32, #tpu.memory_space<vmem>>) target(%dma_start3A_131 : memref<40x128xf32, #tpu.memory_space<vmem_shared>>) target_semaphore(%run_scoped3A_124 : memref<!tpu.dma_semaphore, #tpu.memory_space<semaphore_mem>>)
        %dma_wait3A = arith.constant 0 : i32
        %dma_wait3A_135 = arith.constant 0 : i32
        %dma_wait3A_136 = tpu.memref_slice %arg11[%dma_wait3A, %dma_wait3A_135] : memref<125x128xf32, #tpu.memory_space<vmem>> -> memref<40x128xf32, #tpu.memory_space<vmem>>
        %dma_wait3A_137 = arith.constant 0 : i32
        %dma_wait3A_138 = tpu.memref_slice %arg8[%add3A_74, %dma_wait3A_137] : memref<10240x128xf32, #tpu.memory_space<vmem_shared>> -> memref<40x128xf32, #tpu.memory_space<vmem_shared>>
        %dma_wait3A_139 = arith.constant 0 : i32
        %dma_wait3A_140 = tpu.memref_slice %arg8[%add3A_74, %dma_wait3A_139] : memref<10240x128xf32, #tpu.memory_space<vmem_shared>> -> memref<40x128xf32, #tpu.memory_space<vmem_shared>>
        %dma_wait3A_141 = arith.constant 0 : i32
        %dma_wait3A_142 = arith.constant 0 : i32
        %dma_wait3A_143 = tpu.memref_slice %arg11[%dma_wait3A_141, %dma_wait3A_142] : memref<125x128xf32, #tpu.memory_space<vmem>> -> memref<40x128xf32, #tpu.memory_space<vmem>>
        tpu.wait_dma2 semaphore(%run_scoped3A_124 : memref<!tpu.dma_semaphore, #tpu.memory_space<semaphore_mem>>) src(%dma_wait3A_143 : memref<40x128xf32, #tpu.memory_space<vmem>>) dst(%dma_wait3A_140 : memref<40x128xf32, #tpu.memory_space<vmem_shared>>)
        tpu.yield
      }) : () -> ()
      %barrier3A = arith.constant 0 : index
      tpu.barrier barrier_id(%barrier3A)
      %run_scoped3A = arith.constant 0 : i32
      "tpu.region"() ({
        %run_scoped3A_124 = tpu.sem_alloc : memref<!tpu.dma_semaphore, #tpu.memory_space<semaphore_mem>>
        %dma_start3A_125 = arith.constant 0 : i32
        %dma_start3A_126 = arith.constant 0 : i32
        %dma_start3A_127 = tpu.memref_slice %arg4[%arg1, %run_scoped3A, %dma_start3A_125, %dma_start3A_126] : memref<16x2x40x125xi32, #tpu.memory_space<hbm>> -> memref<1x1x40x125xi32, #tpu.memory_space<hbm>>
        %dma_start3A_128 = tpu.memref_squeeze %dma_start3A_127 : memref<1x1x40x125xi32, #tpu.memory_space<hbm>> -> memref<40x125xi32, #tpu.memory_space<hbm>>
        %dma_start3A_129 = arith.constant 0 : i32
        %dma_start3A_130 = arith.constant 0 : i32
        %dma_start3A_131 = tpu.memref_slice %arg4[%arg1, %run_scoped3A, %dma_start3A_129, %dma_start3A_130] : memref<16x2x40x125xi32, #tpu.memory_space<hbm>> -> memref<1x1x40x125xi32, #tpu.memory_space<hbm>>
        %dma_start3A_132 = tpu.memref_squeeze %dma_start3A_131 : memref<1x1x40x125xi32, #tpu.memory_space<hbm>> -> memref<40x125xi32, #tpu.memory_space<hbm>>
        tpu.enqueue_dma source(%dma_start3A_132 : memref<40x125xi32, #tpu.memory_space<hbm>>) target(%arg9 : memref<40x125xi32, #tpu.memory_space<vmem>>) target_semaphore(%run_scoped3A_124 : memref<!tpu.dma_semaphore, #tpu.memory_space<semaphore_mem>>)
        %dma_wait3A = arith.constant 0 : i32
        %dma_wait3A_133 = arith.constant 0 : i32
        %dma_wait3A_134 = tpu.memref_slice %arg4[%arg1, %run_scoped3A, %dma_wait3A, %dma_wait3A_133] : memref<16x2x40x125xi32, #tpu.memory_space<hbm>> -> memref<1x1x40x125xi32, #tpu.memory_space<hbm>>
        %dma_wait3A_135 = tpu.memref_squeeze %dma_wait3A_134 : memref<1x1x40x125xi32, #tpu.memory_space<hbm>> -> memref<40x125xi32, #tpu.memory_space<hbm>>
        %dma_wait3A_136 = arith.constant 0 : i32
        %dma_wait3A_137 = arith.constant 0 : i32
        %dma_wait3A_138 = tpu.memref_slice %arg4[%arg1, %run_scoped3A, %dma_wait3A_136, %dma_wait3A_137] : memref<16x2x40x125xi32, #tpu.memory_space<hbm>> -> memref<1x1x40x125xi32, #tpu.memory_space<hbm>>
        %dma_wait3A_139 = tpu.memref_squeeze %dma_wait3A_138 : memref<1x1x40x125xi32, #tpu.memory_space<hbm>> -> memref<40x125xi32, #tpu.memory_space<hbm>>
        tpu.wait_dma2 semaphore(%run_scoped3A_124 : memref<!tpu.dma_semaphore, #tpu.memory_space<semaphore_mem>>) src(%dma_wait3A_139 : memref<40x125xi32, #tpu.memory_space<hbm>>) dst(%arg9 : memref<40x125xi32, #tpu.memory_space<vmem>>)
        tpu.yield
      }) : () -> ()
      %run_scoped3A_75 = arith.constant 0 : i32
      "tpu.region"() ({
        %run_scoped3A_124 = tpu.sem_alloc : memref<!tpu.dma_semaphore, #tpu.memory_space<semaphore_mem>>
        %dma_start3A_125 = arith.constant 0 : i32
        %dma_start3A_126 = arith.constant 0 : i32
        %dma_start3A_127 = tpu.memref_slice %arg5[%arg1, %run_scoped3A_75, %dma_start3A_125, %dma_start3A_126] : memref<16x2x40x125xi32, #tpu.memory_space<hbm>> -> memref<1x1x40x125xi32, #tpu.memory_space<hbm>>
        %dma_start3A_128 = tpu.memref_squeeze %dma_start3A_127 : memref<1x1x40x125xi32, #tpu.memory_space<hbm>> -> memref<40x125xi32, #tpu.memory_space<hbm>>
        %dma_start3A_129 = arith.constant 0 : i32
        %dma_start3A_130 = arith.constant 0 : i32
        %dma_start3A_131 = tpu.memref_slice %arg5[%arg1, %run_scoped3A_75, %dma_start3A_129, %dma_start3A_130] : memref<16x2x40x125xi32, #tpu.memory_space<hbm>> -> memref<1x1x40x125xi32, #tpu.memory_space<hbm>>
        %dma_start3A_132 = tpu.memref_squeeze %dma_start3A_131 : memref<1x1x40x125xi32, #tpu.memory_space<hbm>> -> memref<40x125xi32, #tpu.memory_space<hbm>>
        tpu.enqueue_dma source(%dma_start3A_132 : memref<40x125xi32, #tpu.memory_space<hbm>>) target(%arg10 : memref<40x125xi32, #tpu.memory_space<vmem>>) target_semaphore(%run_scoped3A_124 : memref<!tpu.dma_semaphore, #tpu.memory_space<semaphore_mem>>)
        %dma_wait3A = arith.constant 0 : i32
        %dma_wait3A_133 = arith.constant 0 : i32
        %dma_wait3A_134 = tpu.memref_slice %arg5[%arg1, %run_scoped3A_75, %dma_wait3A, %dma_wait3A_133] : memref<16x2x40x125xi32, #tpu.memory_space<hbm>> -> memref<1x1x40x125xi32, #tpu.memory_space<hbm>>
        %dma_wait3A_135 = tpu.memref_squeeze %dma_wait3A_134 : memref<1x1x40x125xi32, #tpu.memory_space<hbm>> -> memref<40x125xi32, #tpu.memory_space<hbm>>
        %dma_wait3A_136 = arith.constant 0 : i32
        %dma_wait3A_137 = arith.constant 0 : i32
        %dma_wait3A_138 = tpu.memref_slice %arg5[%arg1, %run_scoped3A_75, %dma_wait3A_136, %dma_wait3A_137] : memref<16x2x40x125xi32, #tpu.memory_space<hbm>> -> memref<1x1x40x125xi32, #tpu.memory_space<hbm>>
        %dma_wait3A_139 = tpu.memref_squeeze %dma_wait3A_138 : memref<1x1x40x125xi32, #tpu.memory_space<hbm>> -> memref<40x125xi32, #tpu.memory_space<hbm>>
        tpu.wait_dma2 semaphore(%run_scoped3A_124 : memref<!tpu.dma_semaphore, #tpu.memory_space<semaphore_mem>>) src(%dma_wait3A_139 : memref<40x125xi32, #tpu.memory_space<hbm>>) dst(%arg10 : memref<40x125xi32, #tpu.memory_space<vmem>>)
        tpu.yield
      }) : () -> ()
      %dma_start3A = arith.constant 0 : i32
      %dma_start3A_76 = arith.constant 0 : i32
      %dma_start3A_77 = tpu.memref_slice %arg9[%dma_start3A, %dma_start3A_76] : memref<40x125xi32, #tpu.memory_space<vmem>> -> memref<1x125xi32, #tpu.memory_space<vmem>>
      %dma_start3A_78 = tpu.memref_squeeze %dma_start3A_77 : memref<1x125xi32, #tpu.memory_space<vmem>> -> memref<125xi32, #tpu.memory_space<vmem>>
      %dma_start3A_79 = arith.constant 0 : i32
      %dma_start3A_80 = arith.constant 0 : i32
      %dma_start3A_81 = tpu.memref_slice %arg2[%dma_start3A_79, %dma_start3A_80] : memref<10000x128xf32, #tpu.memory_space<hbm>> -> memref<10000x128xf32, #tpu.memory_space<hbm>>
      tpu.enqueue_indirect_dma source(%dma_start3A_81 : memref<10000x128xf32, #tpu.memory_space<hbm>>) target(%arg11 : memref<125x128xf32, #tpu.memory_space<vmem>>) offsets(%dma_start3A_78 : memref<125xi32, #tpu.memory_space<vmem>>) semaphore(%arg13 : memref<!tpu.dma_semaphore, #tpu.memory_space<semaphore_mem>>)
      %dma_start3A_82 = arith.constant 1 : i32
      %dma_start3A_83 = arith.constant 0 : i32
      %dma_start3A_84 = tpu.memref_slice %arg9[%dma_start3A_82, %dma_start3A_83] : memref<40x125xi32, #tpu.memory_space<vmem>> -> memref<1x125xi32, #tpu.memory_space<vmem>>
      %dma_start3A_85 = tpu.memref_squeeze %dma_start3A_84 : memref<1x125xi32, #tpu.memory_space<vmem>> -> memref<125xi32, #tpu.memory_space<vmem>>
      %dma_start3A_86 = arith.constant 0 : i32
      %dma_start3A_87 = arith.constant 0 : i32
      %dma_start3A_88 = tpu.memref_slice %arg2[%dma_start3A_86, %dma_start3A_87] : memref<10000x128xf32, #tpu.memory_space<hbm>> -> memref<10000x128xf32, #tpu.memory_space<hbm>>
      tpu.enqueue_indirect_dma source(%dma_start3A_88 : memref<10000x128xf32, #tpu.memory_space<hbm>>) target(%arg12 : memref<125x128xf32, #tpu.memory_space<vmem>>) offsets(%dma_start3A_85 : memref<125xi32, #tpu.memory_space<vmem>>) semaphore(%arg14 : memref<!tpu.dma_semaphore, #tpu.memory_space<semaphore_mem>>)
      %scan3A_89 = arith.constant 0 : i32
      %scan3A_90 = arith.constant 0 : i32
      %scan3A_91 = arith.constant 20 : i32
      %scan3A_92 = arith.addi %scan3A_90, %scan3A_91 : i32
      %scan3A_93 = arith.constant 1 : i32
      %scan3A_94 = scf.for %scan3A_124 = %scan3A_90 to %scan3A_92 step %scan3A_93 iter_args(%scan3A_125 = %scan3A_89) -> (i32)  : i32 {
        %mul3A_126 = arith.constant 2 : i32
        %mul3A_127 = arith.muli %scan3A_124, %mul3A_126 : i32
        %dma_wait3A = arith.constant 0 : i32
        %dma_wait3A_128 = tpu.memref_slice %arg9[%mul3A_127, %dma_wait3A] : memref<40x125xi32, #tpu.memory_space<vmem>> -> memref<1x125xi32, #tpu.memory_space<vmem>>
        %dma_wait3A_129 = tpu.memref_squeeze %dma_wait3A_128 : memref<1x125xi32, #tpu.memory_space<vmem>> -> memref<125xi32, #tpu.memory_space<vmem>>
        %dma_wait3A_130 = arith.constant 0 : i32
        %dma_wait3A_131 = arith.constant 0 : i32
        %dma_wait3A_132 = tpu.memref_slice %arg2[%dma_wait3A_130, %dma_wait3A_131] : memref<10000x128xf32, #tpu.memory_space<hbm>> -> memref<10000x128xf32, #tpu.memory_space<hbm>>
        tpu.wait_indirect_dma semaphore(%arg13 : memref<!tpu.dma_semaphore, #tpu.memory_space<semaphore_mem>>) src(%dma_wait3A_132 : memref<10000x128xf32, #tpu.memory_space<hbm>>) dst(%arg11 : memref<125x128xf32, #tpu.memory_space<vmem>>)
        "tpu.region"() ({
          %run_scoped3A_157 = tpu.sem_alloc : memref<!tpu.dma_semaphore, #tpu.memory_space<semaphore_mem>>
          %dma_start3A_158 = arith.constant 0 : i32
          %dma_start3A_159 = tpu.memref_slice %arg10[%mul3A_127, %dma_start3A_158] : memref<40x125xi32, #tpu.memory_space<vmem>> -> memref<1x125xi32, #tpu.memory_space<vmem>>
          %dma_start3A_160 = tpu.memref_squeeze %dma_start3A_159 : memref<1x125xi32, #tpu.memory_space<vmem>> -> memref<125xi32, #tpu.memory_space<vmem>>
          %dma_start3A_161 = arith.constant 0 : i32
          %dma_start3A_162 = arith.constant 0 : i32
          %dma_start3A_163 = tpu.memref_slice %arg8[%dma_start3A_161, %dma_start3A_162] : memref<10240x128xf32, #tpu.memory_space<vmem_shared>> -> memref<10240x128xf32, #tpu.memory_space<vmem_shared>>
          tpu.enqueue_indirect_dma source(%arg11 : memref<125x128xf32, #tpu.memory_space<vmem>>) target(%dma_start3A_163 : memref<10240x128xf32, #tpu.memory_space<vmem_shared>>) offsets(%dma_start3A_160 : memref<125xi32, #tpu.memory_space<vmem>>) semaphore(%run_scoped3A_157 : memref<!tpu.dma_semaphore, #tpu.memory_space<semaphore_mem>>) {add = true}
          %dma_wait3A_164 = arith.constant 0 : i32
          %dma_wait3A_165 = tpu.memref_slice %arg10[%mul3A_127, %dma_wait3A_164] : memref<40x125xi32, #tpu.memory_space<vmem>> -> memref<1x125xi32, #tpu.memory_space<vmem>>
          %dma_wait3A_166 = tpu.memref_squeeze %dma_wait3A_165 : memref<1x125xi32, #tpu.memory_space<vmem>> -> memref<125xi32, #tpu.memory_space<vmem>>
          %dma_wait3A_167 = arith.constant 0 : i32
          %dma_wait3A_168 = arith.constant 0 : i32
          %dma_wait3A_169 = tpu.memref_slice %arg8[%dma_wait3A_167, %dma_wait3A_168] : memref<10240x128xf32, #tpu.memory_space<vmem_shared>> -> memref<10240x128xf32, #tpu.memory_space<vmem_shared>>
          tpu.wait_indirect_dma semaphore(%run_scoped3A_157 : memref<!tpu.dma_semaphore, #tpu.memory_space<semaphore_mem>>) src(%arg11 : memref<125x128xf32, #tpu.memory_space<vmem>>) dst(%dma_wait3A_169 : memref<10240x128xf32, #tpu.memory_space<vmem_shared>>)
          tpu.yield
        }) : () -> ()
        %add3A_133 = arith.constant 2 : i32
        %add3A_134 = arith.addi %mul3A_127, %add3A_133 : i32
        %lt3A = arith.constant 40 : i32
        %lt3A_135 = arith.cmpi slt, %add3A_134, %lt3A : i32
        %convert_element_type3A_136 = arith.extui %lt3A_135 : i1 to i32
        %cond3A_137 = arith.constant 0 : i32
        %cond3A_138 = arith.cmpi ne, %convert_element_type3A_136, %cond3A_137 : i32
        scf.if %cond3A_138 {
          %add3A_157 = arith.constant 2 : i32
          %add3A_158 = arith.addi %mul3A_127, %add3A_157 : i32
          %dma_start3A_159 = arith.constant 0 : i32
          %dma_start3A_160 = tpu.memref_slice %arg9[%add3A_158, %dma_start3A_159] : memref<40x125xi32, #tpu.memory_space<vmem>> -> memref<1x125xi32, #tpu.memory_space<vmem>>
          %dma_start3A_161 = tpu.memref_squeeze %dma_start3A_160 : memref<1x125xi32, #tpu.memory_space<vmem>> -> memref<125xi32, #tpu.memory_space<vmem>>
          %dma_start3A_162 = arith.constant 0 : i32
          %dma_start3A_163 = arith.constant 0 : i32
          %dma_start3A_164 = tpu.memref_slice %arg2[%dma_start3A_162, %dma_start3A_163] : memref<10000x128xf32, #tpu.memory_space<hbm>> -> memref<10000x128xf32, #tpu.memory_space<hbm>>
          tpu.enqueue_indirect_dma source(%dma_start3A_164 : memref<10000x128xf32, #tpu.memory_space<hbm>>) target(%arg11 : memref<125x128xf32, #tpu.memory_space<vmem>>) offsets(%dma_start3A_161 : memref<125xi32, #tpu.memory_space<vmem>>) semaphore(%arg13 : memref<!tpu.dma_semaphore, #tpu.memory_space<semaphore_mem>>)
        } else {
        }
        %add3A_139 = arith.constant 1 : i32
        %add3A_140 = arith.addi %mul3A_127, %add3A_139 : i32
        %dma_wait3A_141 = arith.constant 0 : i32
        %dma_wait3A_142 = tpu.memref_slice %arg9[%add3A_140, %dma_wait3A_141] : memref<40x125xi32, #tpu.memory_space<vmem>> -> memref<1x125xi32, #tpu.memory_space<vmem>>
        %dma_wait3A_143 = tpu.memref_squeeze %dma_wait3A_142 : memref<1x125xi32, #tpu.memory_space<vmem>> -> memref<125xi32, #tpu.memory_space<vmem>>
        %dma_wait3A_144 = arith.constant 0 : i32
        %dma_wait3A_145 = arith.constant 0 : i32
        %dma_wait3A_146 = tpu.memref_slice %arg2[%dma_wait3A_144, %dma_wait3A_145] : memref<10000x128xf32, #tpu.memory_space<hbm>> -> memref<10000x128xf32, #tpu.memory_space<hbm>>
        tpu.wait_indirect_dma semaphore(%arg14 : memref<!tpu.dma_semaphore, #tpu.memory_space<semaphore_mem>>) src(%dma_wait3A_146 : memref<10000x128xf32, #tpu.memory_space<hbm>>) dst(%arg12 : memref<125x128xf32, #tpu.memory_space<vmem>>)
        %add3A_147 = arith.constant 1 : i32
        %add3A_148 = arith.addi %mul3A_127, %add3A_147 : i32
        "tpu.region"() ({
          %run_scoped3A_157 = tpu.sem_alloc : memref<!tpu.dma_semaphore, #tpu.memory_space<semaphore_mem>>
          %dma_start3A_158 = arith.constant 0 : i32
          %dma_start3A_159 = tpu.memref_slice %arg10[%add3A_148, %dma_start3A_158] : memref<40x125xi32, #tpu.memory_space<vmem>> -> memref<1x125xi32, #tpu.memory_space<vmem>>
          %dma_start3A_160 = tpu.memref_squeeze %dma_start3A_159 : memref<1x125xi32, #tpu.memory_space<vmem>> -> memref<125xi32, #tpu.memory_space<vmem>>
          %dma_start3A_161 = arith.constant 0 : i32
          %dma_start3A_162 = arith.constant 0 : i32
          %dma_start3A_163 = tpu.memref_slice %arg8[%dma_start3A_161, %dma_start3A_162] : memref<10240x128xf32, #tpu.memory_space<vmem_shared>> -> memref<10240x128xf32, #tpu.memory_space<vmem_shared>>
          tpu.enqueue_indirect_dma source(%arg12 : memref<125x128xf32, #tpu.memory_space<vmem>>) target(%dma_start3A_163 : memref<10240x128xf32, #tpu.memory_space<vmem_shared>>) offsets(%dma_start3A_160 : memref<125xi32, #tpu.memory_space<vmem>>) semaphore(%run_scoped3A_157 : memref<!tpu.dma_semaphore, #tpu.memory_space<semaphore_mem>>) {add = true}
          %dma_wait3A_164 = arith.constant 0 : i32
          %dma_wait3A_165 = tpu.memref_slice %arg10[%add3A_148, %dma_wait3A_164] : memref<40x125xi32, #tpu.memory_space<vmem>> -> memref<1x125xi32, #tpu.memory_space<vmem>>
          %dma_wait3A_166 = tpu.memref_squeeze %dma_wait3A_165 : memref<1x125xi32, #tpu.memory_space<vmem>> -> memref<125xi32, #tpu.memory_space<vmem>>
          %dma_wait3A_167 = arith.constant 0 : i32
          %dma_wait3A_168 = arith.constant 0 : i32
          %dma_wait3A_169 = tpu.memref_slice %arg8[%dma_wait3A_167, %dma_wait3A_168] : memref<10240x128xf32, #tpu.memory_space<vmem_shared>> -> memref<10240x128xf32, #tpu.memory_space<vmem_shared>>
          tpu.wait_indirect_dma semaphore(%run_scoped3A_157 : memref<!tpu.dma_semaphore, #tpu.memory_space<semaphore_mem>>) src(%arg12 : memref<125x128xf32, #tpu.memory_space<vmem>>) dst(%dma_wait3A_169 : memref<10240x128xf32, #tpu.memory_space<vmem_shared>>)
          tpu.yield
        }) : () -> ()
        %add3A_149 = arith.constant 3 : i32
        %add3A_150 = arith.addi %mul3A_127, %add3A_149 : i32
        %lt3A_151 = arith.constant 40 : i32
        %lt3A_152 = arith.cmpi slt, %add3A_150, %lt3A_151 : i32
        %convert_element_type3A_153 = arith.extui %lt3A_152 : i1 to i32
        %cond3A_154 = arith.constant 0 : i32
        %cond3A_155 = arith.cmpi ne, %convert_element_type3A_153, %cond3A_154 : i32
        scf.if %cond3A_155 {
          %add3A_157 = arith.constant 3 : i32
          %add3A_158 = arith.addi %mul3A_127, %add3A_157 : i32
          %dma_start3A_159 = arith.constant 0 : i32
          %dma_start3A_160 = tpu.memref_slice %arg9[%add3A_158, %dma_start3A_159] : memref<40x125xi32, #tpu.memory_space<vmem>> -> memref<1x125xi32, #tpu.memory_space<vmem>>
          %dma_start3A_161 = tpu.memref_squeeze %dma_start3A_160 : memref<1x125xi32, #tpu.memory_space<vmem>> -> memref<125xi32, #tpu.memory_space<vmem>>
          %dma_start3A_162 = arith.constant 0 : i32
          %dma_start3A_163 = arith.constant 0 : i32
          %dma_start3A_164 = tpu.memref_slice %arg2[%dma_start3A_162, %dma_start3A_163] : memref<10000x128xf32, #tpu.memory_space<hbm>> -> memref<10000x128xf32, #tpu.memory_space<hbm>>
          tpu.enqueue_indirect_dma source(%dma_start3A_164 : memref<10000x128xf32, #tpu.memory_space<hbm>>) target(%arg12 : memref<125x128xf32, #tpu.memory_space<vmem>>) offsets(%dma_start3A_161 : memref<125xi32, #tpu.memory_space<vmem>>) semaphore(%arg14 : memref<!tpu.dma_semaphore, #tpu.memory_space<semaphore_mem>>)
        } else {
        }
        %scan3A_156 = arith.constant 0 : i32
        scf.yield %scan3A_156 : i32
      }
      %scan3A_95 = arith.constant 20 : i32
      %run_scoped3A_96 = arith.constant 1 : i32
      "tpu.region"() ({
        %run_scoped3A_124 = tpu.sem_alloc : memref<!tpu.dma_semaphore, #tpu.memory_space<semaphore_mem>>
        %dma_start3A_125 = arith.constant 0 : i32
        %dma_start3A_126 = arith.constant 0 : i32
        %dma_start3A_127 = tpu.memref_slice %arg4[%arg1, %run_scoped3A_96, %dma_start3A_125, %dma_start3A_126] : memref<16x2x40x125xi32, #tpu.memory_space<hbm>> -> memref<1x1x40x125xi32, #tpu.memory_space<hbm>>
        %dma_start3A_128 = tpu.memref_squeeze %dma_start3A_127 : memref<1x1x40x125xi32, #tpu.memory_space<hbm>> -> memref<40x125xi32, #tpu.memory_space<hbm>>
        %dma_start3A_129 = arith.constant 0 : i32
        %dma_start3A_130 = arith.constant 0 : i32
        %dma_start3A_131 = tpu.memref_slice %arg4[%arg1, %run_scoped3A_96, %dma_start3A_129, %dma_start3A_130] : memref<16x2x40x125xi32, #tpu.memory_space<hbm>> -> memref<1x1x40x125xi32, #tpu.memory_space<hbm>>
        %dma_start3A_132 = tpu.memref_squeeze %dma_start3A_131 : memref<1x1x40x125xi32, #tpu.memory_space<hbm>> -> memref<40x125xi32, #tpu.memory_space<hbm>>
        tpu.enqueue_dma source(%dma_start3A_132 : memref<40x125xi32, #tpu.memory_space<hbm>>) target(%arg9 : memref<40x125xi32, #tpu.memory_space<vmem>>) target_semaphore(%run_scoped3A_124 : memref<!tpu.dma_semaphore, #tpu.memory_space<semaphore_mem>>)
        %dma_wait3A = arith.constant 0 : i32
        %dma_wait3A_133 = arith.constant 0 : i32
        %dma_wait3A_134 = tpu.memref_slice %arg4[%arg1, %run_scoped3A_96, %dma_wait3A, %dma_wait3A_133] : memref<16x2x40x125xi32, #tpu.memory_space<hbm>> -> memref<1x1x40x125xi32, #tpu.memory_space<hbm>>
        %dma_wait3A_135 = tpu.memref_squeeze %dma_wait3A_134 : memref<1x1x40x125xi32, #tpu.memory_space<hbm>> -> memref<40x125xi32, #tpu.memory_space<hbm>>
        %dma_wait3A_136 = arith.constant 0 : i32
        %dma_wait3A_137 = arith.constant 0 : i32
        %dma_wait3A_138 = tpu.memref_slice %arg4[%arg1, %run_scoped3A_96, %dma_wait3A_136, %dma_wait3A_137] : memref<16x2x40x125xi32, #tpu.memory_space<hbm>> -> memref<1x1x40x125xi32, #tpu.memory_space<hbm>>
        %dma_wait3A_139 = tpu.memref_squeeze %dma_wait3A_138 : memref<1x1x40x125xi32, #tpu.memory_space<hbm>> -> memref<40x125xi32, #tpu.memory_space<hbm>>
        tpu.wait_dma2 semaphore(%run_scoped3A_124 : memref<!tpu.dma_semaphore, #tpu.memory_space<semaphore_mem>>) src(%dma_wait3A_139 : memref<40x125xi32, #tpu.memory_space<hbm>>) dst(%arg9 : memref<40x125xi32, #tpu.memory_space<vmem>>)
        tpu.yield
      }) : () -> ()
      %run_scoped3A_97 = arith.constant 1 : i32
      "tpu.region"() ({
        %run_scoped3A_124 = tpu.sem_alloc : memref<!tpu.dma_semaphore, #tpu.memory_space<semaphore_mem>>
        %dma_start3A_125 = arith.constant 0 : i32
        %dma_start3A_126 = arith.constant 0 : i32
        %dma_start3A_127 = tpu.memref_slice %arg5[%arg1, %run_scoped3A_97, %dma_start3A_125, %dma_start3A_126] : memref<16x2x40x125xi32, #tpu.memory_space<hbm>> -> memref<1x1x40x125xi32, #tpu.memory_space<hbm>>
        %dma_start3A_128 = tpu.memref_squeeze %dma_start3A_127 : memref<1x1x40x125xi32, #tpu.memory_space<hbm>> -> memref<40x125xi32, #tpu.memory_space<hbm>>
        %dma_start3A_129 = arith.constant 0 : i32
        %dma_start3A_130 = arith.constant 0 : i32
        %dma_start3A_131 = tpu.memref_slice %arg5[%arg1, %run_scoped3A_97, %dma_start3A_129, %dma_start3A_130] : memref<16x2x40x125xi32, #tpu.memory_space<hbm>> -> memref<1x1x40x125xi32, #tpu.memory_space<hbm>>
        %dma_start3A_132 = tpu.memref_squeeze %dma_start3A_131 : memref<1x1x40x125xi32, #tpu.memory_space<hbm>> -> memref<40x125xi32, #tpu.memory_space<hbm>>
        tpu.enqueue_dma source(%dma_start3A_132 : memref<40x125xi32, #tpu.memory_space<hbm>>) target(%arg10 : memref<40x125xi32, #tpu.memory_space<vmem>>) target_semaphore(%run_scoped3A_124 : memref<!tpu.dma_semaphore, #tpu.memory_space<semaphore_mem>>)
        %dma_wait3A = arith.constant 0 : i32
        %dma_wait3A_133 = arith.constant 0 : i32
        %dma_wait3A_134 = tpu.memref_slice %arg5[%arg1, %run_scoped3A_97, %dma_wait3A, %dma_wait3A_133] : memref<16x2x40x125xi32, #tpu.memory_space<hbm>> -> memref<1x1x40x125xi32, #tpu.memory_space<hbm>>
        %dma_wait3A_135 = tpu.memref_squeeze %dma_wait3A_134 : memref<1x1x40x125xi32, #tpu.memory_space<hbm>> -> memref<40x125xi32, #tpu.memory_space<hbm>>
        %dma_wait3A_136 = arith.constant 0 : i32
        %dma_wait3A_137 = arith.constant 0 : i32
        %dma_wait3A_138 = tpu.memref_slice %arg5[%arg1, %run_scoped3A_97, %dma_wait3A_136, %dma_wait3A_137] : memref<16x2x40x125xi32, #tpu.memory_space<hbm>> -> memref<1x1x40x125xi32, #tpu.memory_space<hbm>>
        %dma_wait3A_139 = tpu.memref_squeeze %dma_wait3A_138 : memref<1x1x40x125xi32, #tpu.memory_space<hbm>> -> memref<40x125xi32, #tpu.memory_space<hbm>>
        tpu.wait_dma2 semaphore(%run_scoped3A_124 : memref<!tpu.dma_semaphore, #tpu.memory_space<semaphore_mem>>) src(%dma_wait3A_139 : memref<40x125xi32, #tpu.memory_space<hbm>>) dst(%arg10 : memref<40x125xi32, #tpu.memory_space<vmem>>)
        tpu.yield
      }) : () -> ()
      %dma_start3A_98 = arith.constant 0 : i32
      %dma_start3A_99 = arith.constant 0 : i32
      %dma_start3A_100 = tpu.memref_slice %arg9[%dma_start3A_98, %dma_start3A_99] : memref<40x125xi32, #tpu.memory_space<vmem>> -> memref<1x125xi32, #tpu.memory_space<vmem>>
      %dma_start3A_101 = tpu.memref_squeeze %dma_start3A_100 : memref<1x125xi32, #tpu.memory_space<vmem>> -> memref<125xi32, #tpu.memory_space<vmem>>
      %dma_start3A_102 = arith.constant 0 : i32
      %dma_start3A_103 = arith.constant 0 : i32
      %dma_start3A_104 = tpu.memref_slice %arg2[%dma_start3A_102, %dma_start3A_103] : memref<10000x128xf32, #tpu.memory_space<hbm>> -> memref<10000x128xf32, #tpu.memory_space<hbm>>
      tpu.enqueue_indirect_dma source(%dma_start3A_104 : memref<10000x128xf32, #tpu.memory_space<hbm>>) target(%arg11 : memref<125x128xf32, #tpu.memory_space<vmem>>) offsets(%dma_start3A_101 : memref<125xi32, #tpu.memory_space<vmem>>) semaphore(%arg13 : memref<!tpu.dma_semaphore, #tpu.memory_space<semaphore_mem>>)
      %dma_start3A_105 = arith.constant 1 : i32
      %dma_start3A_106 = arith.constant 0 : i32
      %dma_start3A_107 = tpu.memref_slice %arg9[%dma_start3A_105, %dma_start3A_106] : memref<40x125xi32, #tpu.memory_space<vmem>> -> memref<1x125xi32, #tpu.memory_space<vmem>>
      %dma_start3A_108 = tpu.memref_squeeze %dma_start3A_107 : memref<1x125xi32, #tpu.memory_space<vmem>> -> memref<125xi32, #tpu.memory_space<vmem>>
      %dma_start3A_109 = arith.constant 0 : i32
      %dma_start3A_110 = arith.constant 0 : i32
      %dma_start3A_111 = tpu.memref_slice %arg2[%dma_start3A_109, %dma_start3A_110] : memref<10000x128xf32, #tpu.memory_space<hbm>> -> memref<10000x128xf32, #tpu.memory_space<hbm>>
      tpu.enqueue_indirect_dma source(%dma_start3A_111 : memref<10000x128xf32, #tpu.memory_space<hbm>>) target(%arg12 : memref<125x128xf32, #tpu.memory_space<vmem>>) offsets(%dma_start3A_108 : memref<125xi32, #tpu.memory_space<vmem>>) semaphore(%arg14 : memref<!tpu.dma_semaphore, #tpu.memory_space<semaphore_mem>>)
      %scan3A_112 = arith.constant 0 : i32
      %scan3A_113 = arith.constant 0 : i32
      %scan3A_114 = arith.constant 20 : i32
      %scan3A_115 = arith.addi %scan3A_113, %scan3A_114 : i32
      %scan3A_116 = arith.constant 1 : i32
      %scan3A_117 = scf.for %scan3A_124 = %scan3A_113 to %scan3A_115 step %scan3A_116 iter_args(%scan3A_125 = %scan3A_112) -> (i32)  : i32 {
        %mul3A_126 = arith.constant 2 : i32
        %mul3A_127 = arith.muli %scan3A_124, %mul3A_126 : i32
        %dma_wait3A = arith.constant 0 : i32
        %dma_wait3A_128 = tpu.memref_slice %arg9[%mul3A_127, %dma_wait3A] : memref<40x125xi32, #tpu.memory_space<vmem>> -> memref<1x125xi32, #tpu.memory_space<vmem>>
        %dma_wait3A_129 = tpu.memref_squeeze %dma_wait3A_128 : memref<1x125xi32, #tpu.memory_space<vmem>> -> memref<125xi32, #tpu.memory_space<vmem>>
        %dma_wait3A_130 = arith.constant 0 : i32
        %dma_wait3A_131 = arith.constant 0 : i32
        %dma_wait3A_132 = tpu.memref_slice %arg2[%dma_wait3A_130, %dma_wait3A_131] : memref<10000x128xf32, #tpu.memory_space<hbm>> -> memref<10000x128xf32, #tpu.memory_space<hbm>>
        tpu.wait_indirect_dma semaphore(%arg13 : memref<!tpu.dma_semaphore, #tpu.memory_space<semaphore_mem>>) src(%dma_wait3A_132 : memref<10000x128xf32, #tpu.memory_space<hbm>>) dst(%arg11 : memref<125x128xf32, #tpu.memory_space<vmem>>)
        "tpu.region"() ({
          %run_scoped3A_157 = tpu.sem_alloc : memref<!tpu.dma_semaphore, #tpu.memory_space<semaphore_mem>>
          %dma_start3A_158 = arith.constant 0 : i32
          %dma_start3A_159 = tpu.memref_slice %arg10[%mul3A_127, %dma_start3A_158] : memref<40x125xi32, #tpu.memory_space<vmem>> -> memref<1x125xi32, #tpu.memory_space<vmem>>
          %dma_start3A_160 = tpu.memref_squeeze %dma_start3A_159 : memref<1x125xi32, #tpu.memory_space<vmem>> -> memref<125xi32, #tpu.memory_space<vmem>>
          %dma_start3A_161 = arith.constant 0 : i32
          %dma_start3A_162 = arith.constant 0 : i32
          %dma_start3A_163 = tpu.memref_slice %arg8[%dma_start3A_161, %dma_start3A_162] : memref<10240x128xf32, #tpu.memory_space<vmem_shared>> -> memref<10240x128xf32, #tpu.memory_space<vmem_shared>>
          tpu.enqueue_indirect_dma source(%arg11 : memref<125x128xf32, #tpu.memory_space<vmem>>) target(%dma_start3A_163 : memref<10240x128xf32, #tpu.memory_space<vmem_shared>>) offsets(%dma_start3A_160 : memref<125xi32, #tpu.memory_space<vmem>>) semaphore(%run_scoped3A_157 : memref<!tpu.dma_semaphore, #tpu.memory_space<semaphore_mem>>) {add = true}
          %dma_wait3A_164 = arith.constant 0 : i32
          %dma_wait3A_165 = tpu.memref_slice %arg10[%mul3A_127, %dma_wait3A_164] : memref<40x125xi32, #tpu.memory_space<vmem>> -> memref<1x125xi32, #tpu.memory_space<vmem>>
          %dma_wait3A_166 = tpu.memref_squeeze %dma_wait3A_165 : memref<1x125xi32, #tpu.memory_space<vmem>> -> memref<125xi32, #tpu.memory_space<vmem>>
          %dma_wait3A_167 = arith.constant 0 : i32
          %dma_wait3A_168 = arith.constant 0 : i32
          %dma_wait3A_169 = tpu.memref_slice %arg8[%dma_wait3A_167, %dma_wait3A_168] : memref<10240x128xf32, #tpu.memory_space<vmem_shared>> -> memref<10240x128xf32, #tpu.memory_space<vmem_shared>>
          tpu.wait_indirect_dma semaphore(%run_scoped3A_157 : memref<!tpu.dma_semaphore, #tpu.memory_space<semaphore_mem>>) src(%arg11 : memref<125x128xf32, #tpu.memory_space<vmem>>) dst(%dma_wait3A_169 : memref<10240x128xf32, #tpu.memory_space<vmem_shared>>)
          tpu.yield
        }) : () -> ()
        %add3A_133 = arith.constant 2 : i32
        %add3A_134 = arith.addi %mul3A_127, %add3A_133 : i32
        %lt3A = arith.constant 40 : i32
        %lt3A_135 = arith.cmpi slt, %add3A_134, %lt3A : i32
        %convert_element_type3A_136 = arith.extui %lt3A_135 : i1 to i32
        %cond3A_137 = arith.constant 0 : i32
        %cond3A_138 = arith.cmpi ne, %convert_element_type3A_136, %cond3A_137 : i32
        scf.if %cond3A_138 {
          %add3A_157 = arith.constant 2 : i32
          %add3A_158 = arith.addi %mul3A_127, %add3A_157 : i32
          %dma_start3A_159 = arith.constant 0 : i32
          %dma_start3A_160 = tpu.memref_slice %arg9[%add3A_158, %dma_start3A_159] : memref<40x125xi32, #tpu.memory_space<vmem>> -> memref<1x125xi32, #tpu.memory_space<vmem>>
          %dma_start3A_161 = tpu.memref_squeeze %dma_start3A_160 : memref<1x125xi32, #tpu.memory_space<vmem>> -> memref<125xi32, #tpu.memory_space<vmem>>
          %dma_start3A_162 = arith.constant 0 : i32
          %dma_start3A_163 = arith.constant 0 : i32
          %dma_start3A_164 = tpu.memref_slice %arg2[%dma_start3A_162, %dma_start3A_163] : memref<10000x128xf32, #tpu.memory_space<hbm>> -> memref<10000x128xf32, #tpu.memory_space<hbm>>
          tpu.enqueue_indirect_dma source(%dma_start3A_164 : memref<10000x128xf32, #tpu.memory_space<hbm>>) target(%arg11 : memref<125x128xf32, #tpu.memory_space<vmem>>) offsets(%dma_start3A_161 : memref<125xi32, #tpu.memory_space<vmem>>) semaphore(%arg13 : memref<!tpu.dma_semaphore, #tpu.memory_space<semaphore_mem>>)
        } else {
        }
        %add3A_139 = arith.constant 1 : i32
        %add3A_140 = arith.addi %mul3A_127, %add3A_139 : i32
        %dma_wait3A_141 = arith.constant 0 : i32
        %dma_wait3A_142 = tpu.memref_slice %arg9[%add3A_140, %dma_wait3A_141] : memref<40x125xi32, #tpu.memory_space<vmem>> -> memref<1x125xi32, #tpu.memory_space<vmem>>
        %dma_wait3A_143 = tpu.memref_squeeze %dma_wait3A_142 : memref<1x125xi32, #tpu.memory_space<vmem>> -> memref<125xi32, #tpu.memory_space<vmem>>
        %dma_wait3A_144 = arith.constant 0 : i32
        %dma_wait3A_145 = arith.constant 0 : i32
        %dma_wait3A_146 = tpu.memref_slice %arg2[%dma_wait3A_144, %dma_wait3A_145] : memref<10000x128xf32, #tpu.memory_space<hbm>> -> memref<10000x128xf32, #tpu.memory_space<hbm>>
        tpu.wait_indirect_dma semaphore(%arg14 : memref<!tpu.dma_semaphore, #tpu.memory_space<semaphore_mem>>) src(%dma_wait3A_146 : memref<10000x128xf32, #tpu.memory_space<hbm>>) dst(%arg12 : memref<125x128xf32, #tpu.memory_space<vmem>>)
        %add3A_147 = arith.constant 1 : i32
        %add3A_148 = arith.addi %mul3A_127, %add3A_147 : i32
        "tpu.region"() ({
          %run_scoped3A_157 = tpu.sem_alloc : memref<!tpu.dma_semaphore, #tpu.memory_space<semaphore_mem>>
          %dma_start3A_158 = arith.constant 0 : i32
          %dma_start3A_159 = tpu.memref_slice %arg10[%add3A_148, %dma_start3A_158] : memref<40x125xi32, #tpu.memory_space<vmem>> -> memref<1x125xi32, #tpu.memory_space<vmem>>
          %dma_start3A_160 = tpu.memref_squeeze %dma_start3A_159 : memref<1x125xi32, #tpu.memory_space<vmem>> -> memref<125xi32, #tpu.memory_space<vmem>>
          %dma_start3A_161 = arith.constant 0 : i32
          %dma_start3A_162 = arith.constant 0 : i32
          %dma_start3A_163 = tpu.memref_slice %arg8[%dma_start3A_161, %dma_start3A_162] : memref<10240x128xf32, #tpu.memory_space<vmem_shared>> -> memref<10240x128xf32, #tpu.memory_space<vmem_shared>>
          tpu.enqueue_indirect_dma source(%arg12 : memref<125x128xf32, #tpu.memory_space<vmem>>) target(%dma_start3A_163 : memref<10240x128xf32, #tpu.memory_space<vmem_shared>>) offsets(%dma_start3A_160 : memref<125xi32, #tpu.memory_space<vmem>>) semaphore(%run_scoped3A_157 : memref<!tpu.dma_semaphore, #tpu.memory_space<semaphore_mem>>) {add = true}
          %dma_wait3A_164 = arith.constant 0 : i32
          %dma_wait3A_165 = tpu.memref_slice %arg10[%add3A_148, %dma_wait3A_164] : memref<40x125xi32, #tpu.memory_space<vmem>> -> memref<1x125xi32, #tpu.memory_space<vmem>>
          %dma_wait3A_166 = tpu.memref_squeeze %dma_wait3A_165 : memref<1x125xi32, #tpu.memory_space<vmem>> -> memref<125xi32, #tpu.memory_space<vmem>>
          %dma_wait3A_167 = arith.constant 0 : i32
          %dma_wait3A_168 = arith.constant 0 : i32
          %dma_wait3A_169 = tpu.memref_slice %arg8[%dma_wait3A_167, %dma_wait3A_168] : memref<10240x128xf32, #tpu.memory_space<vmem_shared>> -> memref<10240x128xf32, #tpu.memory_space<vmem_shared>>
          tpu.wait_indirect_dma semaphore(%run_scoped3A_157 : memref<!tpu.dma_semaphore, #tpu.memory_space<semaphore_mem>>) src(%arg12 : memref<125x128xf32, #tpu.memory_space<vmem>>) dst(%dma_wait3A_169 : memref<10240x128xf32, #tpu.memory_space<vmem_shared>>)
          tpu.yield
        }) : () -> ()
        %add3A_149 = arith.constant 3 : i32
        %add3A_150 = arith.addi %mul3A_127, %add3A_149 : i32
        %lt3A_151 = arith.constant 40 : i32
        %lt3A_152 = arith.cmpi slt, %add3A_150, %lt3A_151 : i32
        %convert_element_type3A_153 = arith.extui %lt3A_152 : i1 to i32
        %cond3A_154 = arith.constant 0 : i32
        %cond3A_155 = arith.cmpi ne, %convert_element_type3A_153, %cond3A_154 : i32
        scf.if %cond3A_155 {
          %add3A_157 = arith.constant 3 : i32
          %add3A_158 = arith.addi %mul3A_127, %add3A_157 : i32
          %dma_start3A_159 = arith.constant 0 : i32
          %dma_start3A_160 = tpu.memref_slice %arg9[%add3A_158, %dma_start3A_159] : memref<40x125xi32, #tpu.memory_space<vmem>> -> memref<1x125xi32, #tpu.memory_space<vmem>>
          %dma_start3A_161 = tpu.memref_squeeze %dma_start3A_160 : memref<1x125xi32, #tpu.memory_space<vmem>> -> memref<125xi32, #tpu.memory_space<vmem>>
          %dma_start3A_162 = arith.constant 0 : i32
          %dma_start3A_163 = arith.constant 0 : i32
          %dma_start3A_164 = tpu.memref_slice %arg2[%dma_start3A_162, %dma_start3A_163] : memref<10000x128xf32, #tpu.memory_space<hbm>> -> memref<10000x128xf32, #tpu.memory_space<hbm>>
          tpu.enqueue_indirect_dma source(%dma_start3A_164 : memref<10000x128xf32, #tpu.memory_space<hbm>>) target(%arg12 : memref<125x128xf32, #tpu.memory_space<vmem>>) offsets(%dma_start3A_161 : memref<125xi32, #tpu.memory_space<vmem>>) semaphore(%arg14 : memref<!tpu.dma_semaphore, #tpu.memory_space<semaphore_mem>>)
        } else {
        }
        %scan3A_156 = arith.constant 0 : i32
        scf.yield %scan3A_156 : i32
      }
      %scan3A_118 = arith.constant 20 : i32
      %barrier3A_119 = arith.constant 0 : index
      tpu.barrier barrier_id(%barrier3A_119)
      %mul3A_120 = arith.constant 640 : i32
      %mul3A_121 = arith.muli %arg1, %mul3A_120 : i32
      %mul3A_122 = arith.constant 640 : i32
      %mul3A_123 = arith.muli %arg1, %mul3A_122 : i32
      "tpu.region"() ({
        %run_scoped3A_124 = tpu.sem_alloc : memref<!tpu.dma_semaphore, #tpu.memory_space<semaphore_mem>>
        %dma_start3A_125 = arith.constant 0 : i32
        %dma_start3A_126 = tpu.memref_slice %arg6[%mul3A_123, %dma_start3A_125] : memref<10240x128xf32, #tpu.memory_space<hbm>> -> memref<640x128xf32, #tpu.memory_space<hbm>>
        %dma_start3A_127 = arith.constant 0 : i32
        %dma_start3A_128 = tpu.memref_slice %arg8[%mul3A_121, %dma_start3A_127] : memref<10240x128xf32, #tpu.memory_space<vmem_shared>> -> memref<640x128xf32, #tpu.memory_space<vmem_shared>>
        tpu.enqueue_dma source(%dma_start3A_128 : memref<640x128xf32, #tpu.memory_space<vmem_shared>>) target(%dma_start3A_126 : memref<640x128xf32, #tpu.memory_space<hbm>>) target_semaphore(%run_scoped3A_124 : memref<!tpu.dma_semaphore, #tpu.memory_space<semaphore_mem>>)
        %dma_wait3A = arith.constant 0 : i32
        %dma_wait3A_129 = tpu.memref_slice %arg6[%mul3A_123, %dma_wait3A] : memref<10240x128xf32, #tpu.memory_space<hbm>> -> memref<640x128xf32, #tpu.memory_space<hbm>>
        %dma_wait3A_130 = arith.constant 0 : i32
        %dma_wait3A_131 = tpu.memref_slice %arg8[%mul3A_121, %dma_wait3A_130] : memref<10240x128xf32, #tpu.memory_space<vmem_shared>> -> memref<640x128xf32, #tpu.memory_space<vmem_shared>>
        tpu.wait_dma2 semaphore(%run_scoped3A_124 : memref<!tpu.dma_semaphore, #tpu.memory_space<semaphore_mem>>) src(%dma_wait3A_131 : memref<640x128xf32, #tpu.memory_space<vmem_shared>>) dst(%dma_wait3A_129 : memref<640x128xf32, #tpu.memory_space<hbm>>)
        tpu.yield
      }) : () -> ()
    } else {
    }
    %eq3A_2 = arith.constant 1 : i32
    %eq3A_3 = arith.cmpi eq, %arg0, %eq3A_2 : i32
    %convert_element_type3A_4 = arith.extui %eq3A_3 : i1 to i32
    %cond3A_5 = arith.constant 0 : i32
    %cond3A_6 = arith.cmpi ne, %convert_element_type3A_4, %cond3A_5 : i32
    scf.if %cond3A_6 {
      %scan3A = arith.constant 0 : i32
      %scan3A_7 = arith.constant 0 : i32
      %scan3A_8 = arith.constant 320 : i32
      %scan3A_9 = arith.addi %scan3A_7, %scan3A_8 : i32
      %scan3A_10 = arith.constant 1 : i32
      %scan3A_11 = scf.for %scan3A_124 = %scan3A_7 to %scan3A_9 step %scan3A_10 iter_args(%scan3A_125 = %scan3A) -> (i32)  : i32 {
        %broadcast_in_dim3A = arith.constant 0.000000e+00 : f32
        %broadcast_in_dim3A_126 = vector.broadcast %broadcast_in_dim3A : f32 to vector<16xf32>
        %jit3A = arith.constant 8 : i32
        %div3A = arith.divsi %scan3A_124, %jit3A : i32
        %sign3A = arith.constant 0 : i32
        %sign3A_127 = arith.cmpi sgt, %scan3A_124, %sign3A : i32
        %sign3A_128 = arith.extui %sign3A_127 : i1 to i32
        %sign3A_129 = arith.constant 0 : i32
        %sign3A_130 = arith.cmpi slt, %scan3A_124, %sign3A_129 : i32
        %sign3A_131 = arith.extui %sign3A_130 : i1 to i32
        %sign3A_132 = arith.subi %sign3A_128, %sign3A_131 : i32
        %sign3A_133 = arith.constant 0 : i32
        %sign3A_134 = arith.cmpi sgt, %jit3A, %sign3A_133 : i32
        %sign3A_135 = arith.extui %sign3A_134 : i1 to i32
        %sign3A_136 = arith.constant 0 : i32
        %sign3A_137 = arith.cmpi slt, %jit3A, %sign3A_136 : i32
        %sign3A_138 = arith.extui %sign3A_137 : i1 to i32
        %sign3A_139 = arith.subi %sign3A_135, %sign3A_138 : i32
        %ne3A = arith.cmpi ne, %sign3A_132, %sign3A_139 : i32
        %rem3A = arith.remsi %scan3A_124, %jit3A : i32
        %ne3A_140 = arith.constant 0 : i32
        %ne3A_141 = arith.cmpi ne, %rem3A, %ne3A_140 : i32
        %and3A = arith.andi %ne3A, %ne3A_141 : i1
        %sub3A = arith.constant 1 : i32
        %sub3A_142 = arith.subi %div3A, %sub3A : i32
        %select_n3A = arith.select %and3A, %sub3A_142, %div3A : i32
        %jit3A_143 = arith.constant 8 : i32
        %eq3A_144 = arith.constant 0 : i32
        %eq3A_145 = arith.cmpi eq, %jit3A_143, %eq3A_144 : i32
        %jit3A_146 = arith.constant 1 : i32
        %select_n3A_147 = arith.select %eq3A_145, %jit3A_146, %jit3A_143 : i32
        %rem3A_148 = arith.remsi %scan3A_124, %select_n3A_147 : i32
        %ne3A_149 = arith.constant 0 : i32
        %ne3A_150 = arith.cmpi ne, %rem3A_148, %ne3A_149 : i32
        %lt3A = arith.constant 0 : i32
        %lt3A_151 = arith.cmpi slt, %rem3A_148, %lt3A : i32
        %lt3A_152 = arith.constant 0 : i32
        %lt3A_153 = arith.cmpi slt, %select_n3A_147, %lt3A_152 : i32
        %ne3A_154 = arith.xori %lt3A_151, %lt3A_153 : i1
        %and3A_155 = arith.andi %ne3A_154, %ne3A_150 : i1
        %add3A_156 = arith.addi %rem3A_148, %select_n3A_147 : i32
        %select_n3A_157 = arith.select %and3A_155, %add3A_156, %rem3A_148 : i32
        %mul3A_158 = arith.constant 16 : i32
        %mul3A_159 = arith.muli %select_n3A_157, %mul3A_158 : i32
        %swap3A = arith.index_cast %select_n3A : i32 to index
        %swap3A_160 = arith.index_cast %mul3A_159 : i32 to index
        %swap3A_161 = tpu.vector_load %arg11[%swap3A, %swap3A_160] {strides = array<i32>} : memref<125x128xf32, #tpu.memory_space<vmem>>, vector<1x16xf32>,
        %swap3A_162 = vector.shape_cast %swap3A_161 : vector<1x16xf32> to vector<16xf32>
        %swap3A_163 = vector.shape_cast %broadcast_in_dim3A_126 : vector<16xf32> to vector<1x16xf32>
        tpu.vector_store %arg11[%swap3A, %swap3A_160], %swap3A_163 {strides = array<i32>} : memref<125x128xf32, #tpu.memory_space<vmem>>, vector<1x16xf32>,
        %scan3A_164 = arith.constant 0 : i32
        scf.yield %scan3A_164 : i32
      }
      %scan3A_12 = arith.constant 320 : i32
      %mul3A = arith.constant 640 : i32
      %mul3A_13 = arith.muli %arg1, %mul3A : i32
      %add3A = arith.constant 0 : i32
      %add3A_14 = arith.addi %mul3A_13, %add3A : i32
      "tpu.region"() ({
        %run_scoped3A_124 = tpu.sem_alloc : memref<!tpu.dma_semaphore, #tpu.memory_space<semaphore_mem>>
        %dma_start3A_125 = arith.constant 0 : i32
        %dma_start3A_126 = arith.constant 0 : i32
        %dma_start3A_127 = tpu.memref_slice %arg11[%dma_start3A_125, %dma_start3A_126] : memref<125x128xf32, #tpu.memory_space<vmem>> -> memref<40x128xf32, #tpu.memory_space<vmem>>
        %dma_start3A_128 = arith.constant 0 : i32
        %dma_start3A_129 = tpu.memref_slice %arg8[%add3A_14, %dma_start3A_128] : memref<10240x128xf32, #tpu.memory_space<vmem_shared>> -> memref<40x128xf32, #tpu.memory_space<vmem_shared>>
        %dma_start3A_130 = arith.constant 0 : i32
        %dma_start3A_131 = tpu.memref_slice %arg8[%add3A_14, %dma_start3A_130] : memref<10240x128xf32, #tpu.memory_space<vmem_shared>> -> memref<40x128xf32, #tpu.memory_space<vmem_shared>>
        %dma_start3A_132 = arith.constant 0 : i32
        %dma_start3A_133 = arith.constant 0 : i32
        %dma_start3A_134 = tpu.memref_slice %arg11[%dma_start3A_132, %dma_start3A_133] : memref<125x128xf32, #tpu.memory_space<vmem>> -> memref<40x128xf32, #tpu.memory_space<vmem>>
        tpu.enqueue_dma source(%dma_start3A_134 : memref<40x128xf32, #tpu.memory_space<vmem>>) target(%dma_start3A_131 : memref<40x128xf32, #tpu.memory_space<vmem_shared>>) target_semaphore(%run_scoped3A_124 : memref<!tpu.dma_semaphore, #tpu.memory_space<semaphore_mem>>)
        %dma_wait3A = arith.constant 0 : i32
        %dma_wait3A_135 = arith.constant 0 : i32
        %dma_wait3A_136 = tpu.memref_slice %arg11[%dma_wait3A, %dma_wait3A_135] : memref<125x128xf32, #tpu.memory_space<vmem>> -> memref<40x128xf32, #tpu.memory_space<vmem>>
        %dma_wait3A_137 = arith.constant 0 : i32
        %dma_wait3A_138 = tpu.memref_slice %arg8[%add3A_14, %dma_wait3A_137] : memref<10240x128xf32, #tpu.memory_space<vmem_shared>> -> memref<40x128xf32, #tpu.memory_space<vmem_shared>>
        %dma_wait3A_139 = arith.constant 0 : i32
        %dma_wait3A_140 = tpu.memref_slice %arg8[%add3A_14, %dma_wait3A_139] : memref<10240x128xf32, #tpu.memory_space<vmem_shared>> -> memref<40x128xf32, #tpu.memory_space<vmem_shared>>
        %dma_wait3A_141 = arith.constant 0 : i32
        %dma_wait3A_142 = arith.constant 0 : i32
        %dma_wait3A_143 = tpu.memref_slice %arg11[%dma_wait3A_141, %dma_wait3A_142] : memref<125x128xf32, #tpu.memory_space<vmem>> -> memref<40x128xf32, #tpu.memory_space<vmem>>
        tpu.wait_dma2 semaphore(%run_scoped3A_124 : memref<!tpu.dma_semaphore, #tpu.memory_space<semaphore_mem>>) src(%dma_wait3A_143 : memref<40x128xf32, #tpu.memory_space<vmem>>) dst(%dma_wait3A_140 : memref<40x128xf32, #tpu.memory_space<vmem_shared>>)
        tpu.yield
      }) : () -> ()
      %mul3A_15 = arith.constant 640 : i32
      %mul3A_16 = arith.muli %arg1, %mul3A_15 : i32
      %add3A_17 = arith.constant 40 : i32
      %add3A_18 = arith.addi %mul3A_16, %add3A_17 : i32
      "tpu.region"() ({
        %run_scoped3A_124 = tpu.sem_alloc : memref<!tpu.dma_semaphore, #tpu.memory_space<semaphore_mem>>
        %dma_start3A_125 = arith.constant 0 : i32
        %dma_start3A_126 = arith.constant 0 : i32
        %dma_start3A_127 = tpu.memref_slice %arg11[%dma_start3A_125, %dma_start3A_126] : memref<125x128xf32, #tpu.memory_space<vmem>> -> memref<40x128xf32, #tpu.memory_space<vmem>>
        %dma_start3A_128 = arith.constant 0 : i32
        %dma_start3A_129 = tpu.memref_slice %arg8[%add3A_18, %dma_start3A_128] : memref<10240x128xf32, #tpu.memory_space<vmem_shared>> -> memref<40x128xf32, #tpu.memory_space<vmem_shared>>
        %dma_start3A_130 = arith.constant 0 : i32
        %dma_start3A_131 = tpu.memref_slice %arg8[%add3A_18, %dma_start3A_130] : memref<10240x128xf32, #tpu.memory_space<vmem_shared>> -> memref<40x128xf32, #tpu.memory_space<vmem_shared>>
        %dma_start3A_132 = arith.constant 0 : i32
        %dma_start3A_133 = arith.constant 0 : i32
        %dma_start3A_134 = tpu.memref_slice %arg11[%dma_start3A_132, %dma_start3A_133] : memref<125x128xf32, #tpu.memory_space<vmem>> -> memref<40x128xf32, #tpu.memory_space<vmem>>
        tpu.enqueue_dma source(%dma_start3A_134 : memref<40x128xf32, #tpu.memory_space<vmem>>) target(%dma_start3A_131 : memref<40x128xf32, #tpu.memory_space<vmem_shared>>) target_semaphore(%run_scoped3A_124 : memref<!tpu.dma_semaphore, #tpu.memory_space<semaphore_mem>>)
        %dma_wait3A = arith.constant 0 : i32
        %dma_wait3A_135 = arith.constant 0 : i32
        %dma_wait3A_136 = tpu.memref_slice %arg11[%dma_wait3A, %dma_wait3A_135] : memref<125x128xf32, #tpu.memory_space<vmem>> -> memref<40x128xf32, #tpu.memory_space<vmem>>
        %dma_wait3A_137 = arith.constant 0 : i32
        %dma_wait3A_138 = tpu.memref_slice %arg8[%add3A_18, %dma_wait3A_137] : memref<10240x128xf32, #tpu.memory_space<vmem_shared>> -> memref<40x128xf32, #tpu.memory_space<vmem_shared>>
        %dma_wait3A_139 = arith.constant 0 : i32
        %dma_wait3A_140 = tpu.memref_slice %arg8[%add3A_18, %dma_wait3A_139] : memref<10240x128xf32, #tpu.memory_space<vmem_shared>> -> memref<40x128xf32, #tpu.memory_space<vmem_shared>>
        %dma_wait3A_141 = arith.constant 0 : i32
        %dma_wait3A_142 = arith.constant 0 : i32
        %dma_wait3A_143 = tpu.memref_slice %arg11[%dma_wait3A_141, %dma_wait3A_142] : memref<125x128xf32, #tpu.memory_space<vmem>> -> memref<40x128xf32, #tpu.memory_space<vmem>>
        tpu.wait_dma2 semaphore(%run_scoped3A_124 : memref<!tpu.dma_semaphore, #tpu.memory_space<semaphore_mem>>) src(%dma_wait3A_143 : memref<40x128xf32, #tpu.memory_space<vmem>>) dst(%dma_wait3A_140 : memref<40x128xf32, #tpu.memory_space<vmem_shared>>)
        tpu.yield
      }) : () -> ()
      %mul3A_19 = arith.constant 640 : i32
      %mul3A_20 = arith.muli %arg1, %mul3A_19 : i32
      %add3A_21 = arith.constant 80 : i32
      %add3A_22 = arith.addi %mul3A_20, %add3A_21 : i32
      "tpu.region"() ({
        %run_scoped3A_124 = tpu.sem_alloc : memref<!tpu.dma_semaphore, #tpu.memory_space<semaphore_mem>>
        %dma_start3A_125 = arith.constant 0 : i32
        %dma_start3A_126 = arith.constant 0 : i32
        %dma_start3A_127 = tpu.memref_slice %arg11[%dma_start3A_125, %dma_start3A_126] : memref<125x128xf32, #tpu.memory_space<vmem>> -> memref<40x128xf32, #tpu.memory_space<vmem>>
        %dma_start3A_128 = arith.constant 0 : i32
        %dma_start3A_129 = tpu.memref_slice %arg8[%add3A_22, %dma_start3A_128] : memref<10240x128xf32, #tpu.memory_space<vmem_shared>> -> memref<40x128xf32, #tpu.memory_space<vmem_shared>>
        %dma_start3A_130 = arith.constant 0 : i32
        %dma_start3A_131 = tpu.memref_slice %arg8[%add3A_22, %dma_start3A_130] : memref<10240x128xf32, #tpu.memory_space<vmem_shared>> -> memref<40x128xf32, #tpu.memory_space<vmem_shared>>
        %dma_start3A_132 = arith.constant 0 : i32
        %dma_start3A_133 = arith.constant 0 : i32
        %dma_start3A_134 = tpu.memref_slice %arg11[%dma_start3A_132, %dma_start3A_133] : memref<125x128xf32, #tpu.memory_space<vmem>> -> memref<40x128xf32, #tpu.memory_space<vmem>>
        tpu.enqueue_dma source(%dma_start3A_134 : memref<40x128xf32, #tpu.memory_space<vmem>>) target(%dma_start3A_131 : memref<40x128xf32, #tpu.memory_space<vmem_shared>>) target_semaphore(%run_scoped3A_124 : memref<!tpu.dma_semaphore, #tpu.memory_space<semaphore_mem>>)
        %dma_wait3A = arith.constant 0 : i32
        %dma_wait3A_135 = arith.constant 0 : i32
        %dma_wait3A_136 = tpu.memref_slice %arg11[%dma_wait3A, %dma_wait3A_135] : memref<125x128xf32, #tpu.memory_space<vmem>> -> memref<40x128xf32, #tpu.memory_space<vmem>>
        %dma_wait3A_137 = arith.constant 0 : i32
        %dma_wait3A_138 = tpu.memref_slice %arg8[%add3A_22, %dma_wait3A_137] : memref<10240x128xf32, #tpu.memory_space<vmem_shared>> -> memref<40x128xf32, #tpu.memory_space<vmem_shared>>
        %dma_wait3A_139 = arith.constant 0 : i32
        %dma_wait3A_140 = tpu.memref_slice %arg8[%add3A_22, %dma_wait3A_139] : memref<10240x128xf32, #tpu.memory_space<vmem_shared>> -> memref<40x128xf32, #tpu.memory_space<vmem_shared>>
        %dma_wait3A_141 = arith.constant 0 : i32
        %dma_wait3A_142 = arith.constant 0 : i32
        %dma_wait3A_143 = tpu.memref_slice %arg11[%dma_wait3A_141, %dma_wait3A_142] : memref<125x128xf32, #tpu.memory_space<vmem>> -> memref<40x128xf32, #tpu.memory_space<vmem>>
        tpu.wait_dma2 semaphore(%run_scoped3A_124 : memref<!tpu.dma_semaphore, #tpu.memory_space<semaphore_mem>>) src(%dma_wait3A_143 : memref<40x128xf32, #tpu.memory_space<vmem>>) dst(%dma_wait3A_140 : memref<40x128xf32, #tpu.memory_space<vmem_shared>>)
        tpu.yield
      }) : () -> ()
      %mul3A_23 = arith.constant 640 : i32
      %mul3A_24 = arith.muli %arg1, %mul3A_23 : i32
      %add3A_25 = arith.constant 120 : i32
      %add3A_26 = arith.addi %mul3A_24, %add3A_25 : i32
      "tpu.region"() ({
        %run_scoped3A_124 = tpu.sem_alloc : memref<!tpu.dma_semaphore, #tpu.memory_space<semaphore_mem>>
        %dma_start3A_125 = arith.constant 0 : i32
        %dma_start3A_126 = arith.constant 0 : i32
        %dma_start3A_127 = tpu.memref_slice %arg11[%dma_start3A_125, %dma_start3A_126] : memref<125x128xf32, #tpu.memory_space<vmem>> -> memref<40x128xf32, #tpu.memory_space<vmem>>
        %dma_start3A_128 = arith.constant 0 : i32
        %dma_start3A_129 = tpu.memref_slice %arg8[%add3A_26, %dma_start3A_128] : memref<10240x128xf32, #tpu.memory_space<vmem_shared>> -> memref<40x128xf32, #tpu.memory_space<vmem_shared>>
        %dma_start3A_130 = arith.constant 0 : i32
        %dma_start3A_131 = tpu.memref_slice %arg8[%add3A_26, %dma_start3A_130] : memref<10240x128xf32, #tpu.memory_space<vmem_shared>> -> memref<40x128xf32, #tpu.memory_space<vmem_shared>>
        %dma_start3A_132 = arith.constant 0 : i32
        %dma_start3A_133 = arith.constant 0 : i32
        %dma_start3A_134 = tpu.memref_slice %arg11[%dma_start3A_132, %dma_start3A_133] : memref<125x128xf32, #tpu.memory_space<vmem>> -> memref<40x128xf32, #tpu.memory_space<vmem>>
        tpu.enqueue_dma source(%dma_start3A_134 : memref<40x128xf32, #tpu.memory_space<vmem>>) target(%dma_start3A_131 : memref<40x128xf32, #tpu.memory_space<vmem_shared>>) target_semaphore(%run_scoped3A_124 : memref<!tpu.dma_semaphore, #tpu.memory_space<semaphore_mem>>)
        %dma_wait3A = arith.constant 0 : i32
        %dma_wait3A_135 = arith.constant 0 : i32
        %dma_wait3A_136 = tpu.memref_slice %arg11[%dma_wait3A, %dma_wait3A_135] : memref<125x128xf32, #tpu.memory_space<vmem>> -> memref<40x128xf32, #tpu.memory_space<vmem>>
        %dma_wait3A_137 = arith.constant 0 : i32
        %dma_wait3A_138 = tpu.memref_slice %arg8[%add3A_26, %dma_wait3A_137] : memref<10240x128xf32, #tpu.memory_space<vmem_shared>> -> memref<40x128xf32, #tpu.memory_space<vmem_shared>>
        %dma_wait3A_139 = arith.constant 0 : i32
        %dma_wait3A_140 = tpu.memref_slice %arg8[%add3A_26, %dma_wait3A_139] : memref<10240x128xf32, #tpu.memory_space<vmem_shared>> -> memref<40x128xf32, #tpu.memory_space<vmem_shared>>
        %dma_wait3A_141 = arith.constant 0 : i32
        %dma_wait3A_142 = arith.constant 0 : i32
        %dma_wait3A_143 = tpu.memref_slice %arg11[%dma_wait3A_141, %dma_wait3A_142] : memref<125x128xf32, #tpu.memory_space<vmem>> -> memref<40x128xf32, #tpu.memory_space<vmem>>
        tpu.wait_dma2 semaphore(%run_scoped3A_124 : memref<!tpu.dma_semaphore, #tpu.memory_space<semaphore_mem>>) src(%dma_wait3A_143 : memref<40x128xf32, #tpu.memory_space<vmem>>) dst(%dma_wait3A_140 : memref<40x128xf32, #tpu.memory_space<vmem_shared>>)
        tpu.yield
      }) : () -> ()
      %mul3A_27 = arith.constant 640 : i32
      %mul3A_28 = arith.muli %arg1, %mul3A_27 : i32
      %add3A_29 = arith.constant 160 : i32
      %add3A_30 = arith.addi %mul3A_28, %add3A_29 : i32
      "tpu.region"() ({
        %run_scoped3A_124 = tpu.sem_alloc : memref<!tpu.dma_semaphore, #tpu.memory_space<semaphore_mem>>
        %dma_start3A_125 = arith.constant 0 : i32
        %dma_start3A_126 = arith.constant 0 : i32
        %dma_start3A_127 = tpu.memref_slice %arg11[%dma_start3A_125, %dma_start3A_126] : memref<125x128xf32, #tpu.memory_space<vmem>> -> memref<40x128xf32, #tpu.memory_space<vmem>>
        %dma_start3A_128 = arith.constant 0 : i32
        %dma_start3A_129 = tpu.memref_slice %arg8[%add3A_30, %dma_start3A_128] : memref<10240x128xf32, #tpu.memory_space<vmem_shared>> -> memref<40x128xf32, #tpu.memory_space<vmem_shared>>
        %dma_start3A_130 = arith.constant 0 : i32
        %dma_start3A_131 = tpu.memref_slice %arg8[%add3A_30, %dma_start3A_130] : memref<10240x128xf32, #tpu.memory_space<vmem_shared>> -> memref<40x128xf32, #tpu.memory_space<vmem_shared>>
        %dma_start3A_132 = arith.constant 0 : i32
        %dma_start3A_133 = arith.constant 0 : i32
        %dma_start3A_134 = tpu.memref_slice %arg11[%dma_start3A_132, %dma_start3A_133] : memref<125x128xf32, #tpu.memory_space<vmem>> -> memref<40x128xf32, #tpu.memory_space<vmem>>
        tpu.enqueue_dma source(%dma_start3A_134 : memref<40x128xf32, #tpu.memory_space<vmem>>) target(%dma_start3A_131 : memref<40x128xf32, #tpu.memory_space<vmem_shared>>) target_semaphore(%run_scoped3A_124 : memref<!tpu.dma_semaphore, #tpu.memory_space<semaphore_mem>>)
        %dma_wait3A = arith.constant 0 : i32
        %dma_wait3A_135 = arith.constant 0 : i32
        %dma_wait3A_136 = tpu.memref_slice %arg11[%dma_wait3A, %dma_wait3A_135] : memref<125x128xf32, #tpu.memory_space<vmem>> -> memref<40x128xf32, #tpu.memory_space<vmem>>
        %dma_wait3A_137 = arith.constant 0 : i32
        %dma_wait3A_138 = tpu.memref_slice %arg8[%add3A_30, %dma_wait3A_137] : memref<10240x128xf32, #tpu.memory_space<vmem_shared>> -> memref<40x128xf32, #tpu.memory_space<vmem_shared>>
        %dma_wait3A_139 = arith.constant 0 : i32
        %dma_wait3A_140 = tpu.memref_slice %arg8[%add3A_30, %dma_wait3A_139] : memref<10240x128xf32, #tpu.memory_space<vmem_shared>> -> memref<40x128xf32, #tpu.memory_space<vmem_shared>>
        %dma_wait3A_141 = arith.constant 0 : i32
        %dma_wait3A_142 = arith.constant 0 : i32
        %dma_wait3A_143 = tpu.memref_slice %arg11[%dma_wait3A_141, %dma_wait3A_142] : memref<125x128xf32, #tpu.memory_space<vmem>> -> memref<40x128xf32, #tpu.memory_space<vmem>>
        tpu.wait_dma2 semaphore(%run_scoped3A_124 : memref<!tpu.dma_semaphore, #tpu.memory_space<semaphore_mem>>) src(%dma_wait3A_143 : memref<40x128xf32, #tpu.memory_space<vmem>>) dst(%dma_wait3A_140 : memref<40x128xf32, #tpu.memory_space<vmem_shared>>)
        tpu.yield
      }) : () -> ()
      %mul3A_31 = arith.constant 640 : i32
      %mul3A_32 = arith.muli %arg1, %mul3A_31 : i32
      %add3A_33 = arith.constant 200 : i32
      %add3A_34 = arith.addi %mul3A_32, %add3A_33 : i32
      "tpu.region"() ({
        %run_scoped3A_124 = tpu.sem_alloc : memref<!tpu.dma_semaphore, #tpu.memory_space<semaphore_mem>>
        %dma_start3A_125 = arith.constant 0 : i32
        %dma_start3A_126 = arith.constant 0 : i32
        %dma_start3A_127 = tpu.memref_slice %arg11[%dma_start3A_125, %dma_start3A_126] : memref<125x128xf32, #tpu.memory_space<vmem>> -> memref<40x128xf32, #tpu.memory_space<vmem>>
        %dma_start3A_128 = arith.constant 0 : i32
        %dma_start3A_129 = tpu.memref_slice %arg8[%add3A_34, %dma_start3A_128] : memref<10240x128xf32, #tpu.memory_space<vmem_shared>> -> memref<40x128xf32, #tpu.memory_space<vmem_shared>>
        %dma_start3A_130 = arith.constant 0 : i32
        %dma_start3A_131 = tpu.memref_slice %arg8[%add3A_34, %dma_start3A_130] : memref<10240x128xf32, #tpu.memory_space<vmem_shared>> -> memref<40x128xf32, #tpu.memory_space<vmem_shared>>
        %dma_start3A_132 = arith.constant 0 : i32
        %dma_start3A_133 = arith.constant 0 : i32
        %dma_start3A_134 = tpu.memref_slice %arg11[%dma_start3A_132, %dma_start3A_133] : memref<125x128xf32, #tpu.memory_space<vmem>> -> memref<40x128xf32, #tpu.memory_space<vmem>>
        tpu.enqueue_dma source(%dma_start3A_134 : memref<40x128xf32, #tpu.memory_space<vmem>>) target(%dma_start3A_131 : memref<40x128xf32, #tpu.memory_space<vmem_shared>>) target_semaphore(%run_scoped3A_124 : memref<!tpu.dma_semaphore, #tpu.memory_space<semaphore_mem>>)
        %dma_wait3A = arith.constant 0 : i32
        %dma_wait3A_135 = arith.constant 0 : i32
        %dma_wait3A_136 = tpu.memref_slice %arg11[%dma_wait3A, %dma_wait3A_135] : memref<125x128xf32, #tpu.memory_space<vmem>> -> memref<40x128xf32, #tpu.memory_space<vmem>>
        %dma_wait3A_137 = arith.constant 0 : i32
        %dma_wait3A_138 = tpu.memref_slice %arg8[%add3A_34, %dma_wait3A_137] : memref<10240x128xf32, #tpu.memory_space<vmem_shared>> -> memref<40x128xf32, #tpu.memory_space<vmem_shared>>
        %dma_wait3A_139 = arith.constant 0 : i32
        %dma_wait3A_140 = tpu.memref_slice %arg8[%add3A_34, %dma_wait3A_139] : memref<10240x128xf32, #tpu.memory_space<vmem_shared>> -> memref<40x128xf32, #tpu.memory_space<vmem_shared>>
        %dma_wait3A_141 = arith.constant 0 : i32
        %dma_wait3A_142 = arith.constant 0 : i32
        %dma_wait3A_143 = tpu.memref_slice %arg11[%dma_wait3A_141, %dma_wait3A_142] : memref<125x128xf32, #tpu.memory_space<vmem>> -> memref<40x128xf32, #tpu.memory_space<vmem>>
        tpu.wait_dma2 semaphore(%run_scoped3A_124 : memref<!tpu.dma_semaphore, #tpu.memory_space<semaphore_mem>>) src(%dma_wait3A_143 : memref<40x128xf32, #tpu.memory_space<vmem>>) dst(%dma_wait3A_140 : memref<40x128xf32, #tpu.memory_space<vmem_shared>>)
        tpu.yield
      }) : () -> ()
      %mul3A_35 = arith.constant 640 : i32
      %mul3A_36 = arith.muli %arg1, %mul3A_35 : i32
      %add3A_37 = arith.constant 240 : i32
      %add3A_38 = arith.addi %mul3A_36, %add3A_37 : i32
      "tpu.region"() ({
        %run_scoped3A_124 = tpu.sem_alloc : memref<!tpu.dma_semaphore, #tpu.memory_space<semaphore_mem>>
        %dma_start3A_125 = arith.constant 0 : i32
        %dma_start3A_126 = arith.constant 0 : i32
        %dma_start3A_127 = tpu.memref_slice %arg11[%dma_start3A_125, %dma_start3A_126] : memref<125x128xf32, #tpu.memory_space<vmem>> -> memref<40x128xf32, #tpu.memory_space<vmem>>
        %dma_start3A_128 = arith.constant 0 : i32
        %dma_start3A_129 = tpu.memref_slice %arg8[%add3A_38, %dma_start3A_128] : memref<10240x128xf32, #tpu.memory_space<vmem_shared>> -> memref<40x128xf32, #tpu.memory_space<vmem_shared>>
        %dma_start3A_130 = arith.constant 0 : i32
        %dma_start3A_131 = tpu.memref_slice %arg8[%add3A_38, %dma_start3A_130] : memref<10240x128xf32, #tpu.memory_space<vmem_shared>> -> memref<40x128xf32, #tpu.memory_space<vmem_shared>>
        %dma_start3A_132 = arith.constant 0 : i32
        %dma_start3A_133 = arith.constant 0 : i32
        %dma_start3A_134 = tpu.memref_slice %arg11[%dma_start3A_132, %dma_start3A_133] : memref<125x128xf32, #tpu.memory_space<vmem>> -> memref<40x128xf32, #tpu.memory_space<vmem>>
        tpu.enqueue_dma source(%dma_start3A_134 : memref<40x128xf32, #tpu.memory_space<vmem>>) target(%dma_start3A_131 : memref<40x128xf32, #tpu.memory_space<vmem_shared>>) target_semaphore(%run_scoped3A_124 : memref<!tpu.dma_semaphore, #tpu.memory_space<semaphore_mem>>)
        %dma_wait3A = arith.constant 0 : i32
        %dma_wait3A_135 = arith.constant 0 : i32
        %dma_wait3A_136 = tpu.memref_slice %arg11[%dma_wait3A, %dma_wait3A_135] : memref<125x128xf32, #tpu.memory_space<vmem>> -> memref<40x128xf32, #tpu.memory_space<vmem>>
        %dma_wait3A_137 = arith.constant 0 : i32
        %dma_wait3A_138 = tpu.memref_slice %arg8[%add3A_38, %dma_wait3A_137] : memref<10240x128xf32, #tpu.memory_space<vmem_shared>> -> memref<40x128xf32, #tpu.memory_space<vmem_shared>>
        %dma_wait3A_139 = arith.constant 0 : i32
        %dma_wait3A_140 = tpu.memref_slice %arg8[%add3A_38, %dma_wait3A_139] : memref<10240x128xf32, #tpu.memory_space<vmem_shared>> -> memref<40x128xf32, #tpu.memory_space<vmem_shared>>
        %dma_wait3A_141 = arith.constant 0 : i32
        %dma_wait3A_142 = arith.constant 0 : i32
        %dma_wait3A_143 = tpu.memref_slice %arg11[%dma_wait3A_141, %dma_wait3A_142] : memref<125x128xf32, #tpu.memory_space<vmem>> -> memref<40x128xf32, #tpu.memory_space<vmem>>
        tpu.wait_dma2 semaphore(%run_scoped3A_124 : memref<!tpu.dma_semaphore, #tpu.memory_space<semaphore_mem>>) src(%dma_wait3A_143 : memref<40x128xf32, #tpu.memory_space<vmem>>) dst(%dma_wait3A_140 : memref<40x128xf32, #tpu.memory_space<vmem_shared>>)
        tpu.yield
      }) : () -> ()
      %mul3A_39 = arith.constant 640 : i32
      %mul3A_40 = arith.muli %arg1, %mul3A_39 : i32
      %add3A_41 = arith.constant 280 : i32
      %add3A_42 = arith.addi %mul3A_40, %add3A_41 : i32
      "tpu.region"() ({
        %run_scoped3A_124 = tpu.sem_alloc : memref<!tpu.dma_semaphore, #tpu.memory_space<semaphore_mem>>
        %dma_start3A_125 = arith.constant 0 : i32
        %dma_start3A_126 = arith.constant 0 : i32
        %dma_start3A_127 = tpu.memref_slice %arg11[%dma_start3A_125, %dma_start3A_126] : memref<125x128xf32, #tpu.memory_space<vmem>> -> memref<40x128xf32, #tpu.memory_space<vmem>>
        %dma_start3A_128 = arith.constant 0 : i32
        %dma_start3A_129 = tpu.memref_slice %arg8[%add3A_42, %dma_start3A_128] : memref<10240x128xf32, #tpu.memory_space<vmem_shared>> -> memref<40x128xf32, #tpu.memory_space<vmem_shared>>
        %dma_start3A_130 = arith.constant 0 : i32
        %dma_start3A_131 = tpu.memref_slice %arg8[%add3A_42, %dma_start3A_130] : memref<10240x128xf32, #tpu.memory_space<vmem_shared>> -> memref<40x128xf32, #tpu.memory_space<vmem_shared>>
        %dma_start3A_132 = arith.constant 0 : i32
        %dma_start3A_133 = arith.constant 0 : i32
        %dma_start3A_134 = tpu.memref_slice %arg11[%dma_start3A_132, %dma_start3A_133] : memref<125x128xf32, #tpu.memory_space<vmem>> -> memref<40x128xf32, #tpu.memory_space<vmem>>
        tpu.enqueue_dma source(%dma_start3A_134 : memref<40x128xf32, #tpu.memory_space<vmem>>) target(%dma_start3A_131 : memref<40x128xf32, #tpu.memory_space<vmem_shared>>) target_semaphore(%run_scoped3A_124 : memref<!tpu.dma_semaphore, #tpu.memory_space<semaphore_mem>>)
        %dma_wait3A = arith.constant 0 : i32
        %dma_wait3A_135 = arith.constant 0 : i32
        %dma_wait3A_136 = tpu.memref_slice %arg11[%dma_wait3A, %dma_wait3A_135] : memref<125x128xf32, #tpu.memory_space<vmem>> -> memref<40x128xf32, #tpu.memory_space<vmem>>
        %dma_wait3A_137 = arith.constant 0 : i32
        %dma_wait3A_138 = tpu.memref_slice %arg8[%add3A_42, %dma_wait3A_137] : memref<10240x128xf32, #tpu.memory_space<vmem_shared>> -> memref<40x128xf32, #tpu.memory_space<vmem_shared>>
        %dma_wait3A_139 = arith.constant 0 : i32
        %dma_wait3A_140 = tpu.memref_slice %arg8[%add3A_42, %dma_wait3A_139] : memref<10240x128xf32, #tpu.memory_space<vmem_shared>> -> memref<40x128xf32, #tpu.memory_space<vmem_shared>>
        %dma_wait3A_141 = arith.constant 0 : i32
        %dma_wait3A_142 = arith.constant 0 : i32
        %dma_wait3A_143 = tpu.memref_slice %arg11[%dma_wait3A_141, %dma_wait3A_142] : memref<125x128xf32, #tpu.memory_space<vmem>> -> memref<40x128xf32, #tpu.memory_space<vmem>>
        tpu.wait_dma2 semaphore(%run_scoped3A_124 : memref<!tpu.dma_semaphore, #tpu.memory_space<semaphore_mem>>) src(%dma_wait3A_143 : memref<40x128xf32, #tpu.memory_space<vmem>>) dst(%dma_wait3A_140 : memref<40x128xf32, #tpu.memory_space<vmem_shared>>)
        tpu.yield
      }) : () -> ()
      %mul3A_43 = arith.constant 640 : i32
      %mul3A_44 = arith.muli %arg1, %mul3A_43 : i32
      %add3A_45 = arith.constant 320 : i32
      %add3A_46 = arith.addi %mul3A_44, %add3A_45 : i32
      "tpu.region"() ({
        %run_scoped3A_124 = tpu.sem_alloc : memref<!tpu.dma_semaphore, #tpu.memory_space<semaphore_mem>>
        %dma_start3A_125 = arith.constant 0 : i32
        %dma_start3A_126 = arith.constant 0 : i32
        %dma_start3A_127 = tpu.memref_slice %arg11[%dma_start3A_125, %dma_start3A_126] : memref<125x128xf32, #tpu.memory_space<vmem>> -> memref<40x128xf32, #tpu.memory_space<vmem>>
        %dma_start3A_128 = arith.constant 0 : i32
        %dma_start3A_129 = tpu.memref_slice %arg8[%add3A_46, %dma_start3A_128] : memref<10240x128xf32, #tpu.memory_space<vmem_shared>> -> memref<40x128xf32, #tpu.memory_space<vmem_shared>>
        %dma_start3A_130 = arith.constant 0 : i32
        %dma_start3A_131 = tpu.memref_slice %arg8[%add3A_46, %dma_start3A_130] : memref<10240x128xf32, #tpu.memory_space<vmem_shared>> -> memref<40x128xf32, #tpu.memory_space<vmem_shared>>
        %dma_start3A_132 = arith.constant 0 : i32
        %dma_start3A_133 = arith.constant 0 : i32
        %dma_start3A_134 = tpu.memref_slice %arg11[%dma_start3A_132, %dma_start3A_133] : memref<125x128xf32, #tpu.memory_space<vmem>> -> memref<40x128xf32, #tpu.memory_space<vmem>>
        tpu.enqueue_dma source(%dma_start3A_134 : memref<40x128xf32, #tpu.memory_space<vmem>>) target(%dma_start3A_131 : memref<40x128xf32, #tpu.memory_space<vmem_shared>>) target_semaphore(%run_scoped3A_124 : memref<!tpu.dma_semaphore, #tpu.memory_space<semaphore_mem>>)
        %dma_wait3A = arith.constant 0 : i32
        %dma_wait3A_135 = arith.constant 0 : i32
        %dma_wait3A_136 = tpu.memref_slice %arg11[%dma_wait3A, %dma_wait3A_135] : memref<125x128xf32, #tpu.memory_space<vmem>> -> memref<40x128xf32, #tpu.memory_space<vmem>>
        %dma_wait3A_137 = arith.constant 0 : i32
        %dma_wait3A_138 = tpu.memref_slice %arg8[%add3A_46, %dma_wait3A_137] : memref<10240x128xf32, #tpu.memory_space<vmem_shared>> -> memref<40x128xf32, #tpu.memory_space<vmem_shared>>
        %dma_wait3A_139 = arith.constant 0 : i32
        %dma_wait3A_140 = tpu.memref_slice %arg8[%add3A_46, %dma_wait3A_139] : memref<10240x128xf32, #tpu.memory_space<vmem_shared>> -> memref<40x128xf32, #tpu.memory_space<vmem_shared>>
        %dma_wait3A_141 = arith.constant 0 : i32
        %dma_wait3A_142 = arith.constant 0 : i32
        %dma_wait3A_143 = tpu.memref_slice %arg11[%dma_wait3A_141, %dma_wait3A_142] : memref<125x128xf32, #tpu.memory_space<vmem>> -> memref<40x128xf32, #tpu.memory_space<vmem>>
        tpu.wait_dma2 semaphore(%run_scoped3A_124 : memref<!tpu.dma_semaphore, #tpu.memory_space<semaphore_mem>>) src(%dma_wait3A_143 : memref<40x128xf32, #tpu.memory_space<vmem>>) dst(%dma_wait3A_140 : memref<40x128xf32, #tpu.memory_space<vmem_shared>>)
        tpu.yield
      }) : () -> ()
      %mul3A_47 = arith.constant 640 : i32
      %mul3A_48 = arith.muli %arg1, %mul3A_47 : i32
      %add3A_49 = arith.constant 360 : i32
      %add3A_50 = arith.addi %mul3A_48, %add3A_49 : i32
      "tpu.region"() ({
        %run_scoped3A_124 = tpu.sem_alloc : memref<!tpu.dma_semaphore, #tpu.memory_space<semaphore_mem>>
        %dma_start3A_125 = arith.constant 0 : i32
        %dma_start3A_126 = arith.constant 0 : i32
        %dma_start3A_127 = tpu.memref_slice %arg11[%dma_start3A_125, %dma_start3A_126] : memref<125x128xf32, #tpu.memory_space<vmem>> -> memref<40x128xf32, #tpu.memory_space<vmem>>
        %dma_start3A_128 = arith.constant 0 : i32
        %dma_start3A_129 = tpu.memref_slice %arg8[%add3A_50, %dma_start3A_128] : memref<10240x128xf32, #tpu.memory_space<vmem_shared>> -> memref<40x128xf32, #tpu.memory_space<vmem_shared>>
        %dma_start3A_130 = arith.constant 0 : i32
        %dma_start3A_131 = tpu.memref_slice %arg8[%add3A_50, %dma_start3A_130] : memref<10240x128xf32, #tpu.memory_space<vmem_shared>> -> memref<40x128xf32, #tpu.memory_space<vmem_shared>>
        %dma_start3A_132 = arith.constant 0 : i32
        %dma_start3A_133 = arith.constant 0 : i32
        %dma_start3A_134 = tpu.memref_slice %arg11[%dma_start3A_132, %dma_start3A_133] : memref<125x128xf32, #tpu.memory_space<vmem>> -> memref<40x128xf32, #tpu.memory_space<vmem>>
        tpu.enqueue_dma source(%dma_start3A_134 : memref<40x128xf32, #tpu.memory_space<vmem>>) target(%dma_start3A_131 : memref<40x128xf32, #tpu.memory_space<vmem_shared>>) target_semaphore(%run_scoped3A_124 : memref<!tpu.dma_semaphore, #tpu.memory_space<semaphore_mem>>)
        %dma_wait3A = arith.constant 0 : i32
        %dma_wait3A_135 = arith.constant 0 : i32
        %dma_wait3A_136 = tpu.memref_slice %arg11[%dma_wait3A, %dma_wait3A_135] : memref<125x128xf32, #tpu.memory_space<vmem>> -> memref<40x128xf32, #tpu.memory_space<vmem>>
        %dma_wait3A_137 = arith.constant 0 : i32
        %dma_wait3A_138 = tpu.memref_slice %arg8[%add3A_50, %dma_wait3A_137] : memref<10240x128xf32, #tpu.memory_space<vmem_shared>> -> memref<40x128xf32, #tpu.memory_space<vmem_shared>>
        %dma_wait3A_139 = arith.constant 0 : i32
        %dma_wait3A_140 = tpu.memref_slice %arg8[%add3A_50, %dma_wait3A_139] : memref<10240x128xf32, #tpu.memory_space<vmem_shared>> -> memref<40x128xf32, #tpu.memory_space<vmem_shared>>
        %dma_wait3A_141 = arith.constant 0 : i32
        %dma_wait3A_142 = arith.constant 0 : i32
        %dma_wait3A_143 = tpu.memref_slice %arg11[%dma_wait3A_141, %dma_wait3A_142] : memref<125x128xf32, #tpu.memory_space<vmem>> -> memref<40x128xf32, #tpu.memory_space<vmem>>
        tpu.wait_dma2 semaphore(%run_scoped3A_124 : memref<!tpu.dma_semaphore, #tpu.memory_space<semaphore_mem>>) src(%dma_wait3A_143 : memref<40x128xf32, #tpu.memory_space<vmem>>) dst(%dma_wait3A_140 : memref<40x128xf32, #tpu.memory_space<vmem_shared>>)
        tpu.yield
      }) : () -> ()
      %mul3A_51 = arith.constant 640 : i32
      %mul3A_52 = arith.muli %arg1, %mul3A_51 : i32
      %add3A_53 = arith.constant 400 : i32
      %add3A_54 = arith.addi %mul3A_52, %add3A_53 : i32
      "tpu.region"() ({
        %run_scoped3A_124 = tpu.sem_alloc : memref<!tpu.dma_semaphore, #tpu.memory_space<semaphore_mem>>
        %dma_start3A_125 = arith.constant 0 : i32
        %dma_start3A_126 = arith.constant 0 : i32
        %dma_start3A_127 = tpu.memref_slice %arg11[%dma_start3A_125, %dma_start3A_126] : memref<125x128xf32, #tpu.memory_space<vmem>> -> memref<40x128xf32, #tpu.memory_space<vmem>>
        %dma_start3A_128 = arith.constant 0 : i32
        %dma_start3A_129 = tpu.memref_slice %arg8[%add3A_54, %dma_start3A_128] : memref<10240x128xf32, #tpu.memory_space<vmem_shared>> -> memref<40x128xf32, #tpu.memory_space<vmem_shared>>
        %dma_start3A_130 = arith.constant 0 : i32
        %dma_start3A_131 = tpu.memref_slice %arg8[%add3A_54, %dma_start3A_130] : memref<10240x128xf32, #tpu.memory_space<vmem_shared>> -> memref<40x128xf32, #tpu.memory_space<vmem_shared>>
        %dma_start3A_132 = arith.constant 0 : i32
        %dma_start3A_133 = arith.constant 0 : i32
        %dma_start3A_134 = tpu.memref_slice %arg11[%dma_start3A_132, %dma_start3A_133] : memref<125x128xf32, #tpu.memory_space<vmem>> -> memref<40x128xf32, #tpu.memory_space<vmem>>
        tpu.enqueue_dma source(%dma_start3A_134 : memref<40x128xf32, #tpu.memory_space<vmem>>) target(%dma_start3A_131 : memref<40x128xf32, #tpu.memory_space<vmem_shared>>) target_semaphore(%run_scoped3A_124 : memref<!tpu.dma_semaphore, #tpu.memory_space<semaphore_mem>>)
        %dma_wait3A = arith.constant 0 : i32
        %dma_wait3A_135 = arith.constant 0 : i32
        %dma_wait3A_136 = tpu.memref_slice %arg11[%dma_wait3A, %dma_wait3A_135] : memref<125x128xf32, #tpu.memory_space<vmem>> -> memref<40x128xf32, #tpu.memory_space<vmem>>
        %dma_wait3A_137 = arith.constant 0 : i32
        %dma_wait3A_138 = tpu.memref_slice %arg8[%add3A_54, %dma_wait3A_137] : memref<10240x128xf32, #tpu.memory_space<vmem_shared>> -> memref<40x128xf32, #tpu.memory_space<vmem_shared>>
        %dma_wait3A_139 = arith.constant 0 : i32
        %dma_wait3A_140 = tpu.memref_slice %arg8[%add3A_54, %dma_wait3A_139] : memref<10240x128xf32, #tpu.memory_space<vmem_shared>> -> memref<40x128xf32, #tpu.memory_space<vmem_shared>>
        %dma_wait3A_141 = arith.constant 0 : i32
        %dma_wait3A_142 = arith.constant 0 : i32
        %dma_wait3A_143 = tpu.memref_slice %arg11[%dma_wait3A_141, %dma_wait3A_142] : memref<125x128xf32, #tpu.memory_space<vmem>> -> memref<40x128xf32, #tpu.memory_space<vmem>>
        tpu.wait_dma2 semaphore(%run_scoped3A_124 : memref<!tpu.dma_semaphore, #tpu.memory_space<semaphore_mem>>) src(%dma_wait3A_143 : memref<40x128xf32, #tpu.memory_space<vmem>>) dst(%dma_wait3A_140 : memref<40x128xf32, #tpu.memory_space<vmem_shared>>)
        tpu.yield
      }) : () -> ()
      %mul3A_55 = arith.constant 640 : i32
      %mul3A_56 = arith.muli %arg1, %mul3A_55 : i32
      %add3A_57 = arith.constant 440 : i32
      %add3A_58 = arith.addi %mul3A_56, %add3A_57 : i32
      "tpu.region"() ({
        %run_scoped3A_124 = tpu.sem_alloc : memref<!tpu.dma_semaphore, #tpu.memory_space<semaphore_mem>>
        %dma_start3A_125 = arith.constant 0 : i32
        %dma_start3A_126 = arith.constant 0 : i32
        %dma_start3A_127 = tpu.memref_slice %arg11[%dma_start3A_125, %dma_start3A_126] : memref<125x128xf32, #tpu.memory_space<vmem>> -> memref<40x128xf32, #tpu.memory_space<vmem>>
        %dma_start3A_128 = arith.constant 0 : i32
        %dma_start3A_129 = tpu.memref_slice %arg8[%add3A_58, %dma_start3A_128] : memref<10240x128xf32, #tpu.memory_space<vmem_shared>> -> memref<40x128xf32, #tpu.memory_space<vmem_shared>>
        %dma_start3A_130 = arith.constant 0 : i32
        %dma_start3A_131 = tpu.memref_slice %arg8[%add3A_58, %dma_start3A_130] : memref<10240x128xf32, #tpu.memory_space<vmem_shared>> -> memref<40x128xf32, #tpu.memory_space<vmem_shared>>
        %dma_start3A_132 = arith.constant 0 : i32
        %dma_start3A_133 = arith.constant 0 : i32
        %dma_start3A_134 = tpu.memref_slice %arg11[%dma_start3A_132, %dma_start3A_133] : memref<125x128xf32, #tpu.memory_space<vmem>> -> memref<40x128xf32, #tpu.memory_space<vmem>>
        tpu.enqueue_dma source(%dma_start3A_134 : memref<40x128xf32, #tpu.memory_space<vmem>>) target(%dma_start3A_131 : memref<40x128xf32, #tpu.memory_space<vmem_shared>>) target_semaphore(%run_scoped3A_124 : memref<!tpu.dma_semaphore, #tpu.memory_space<semaphore_mem>>)
        %dma_wait3A = arith.constant 0 : i32
        %dma_wait3A_135 = arith.constant 0 : i32
        %dma_wait3A_136 = tpu.memref_slice %arg11[%dma_wait3A, %dma_wait3A_135] : memref<125x128xf32, #tpu.memory_space<vmem>> -> memref<40x128xf32, #tpu.memory_space<vmem>>
        %dma_wait3A_137 = arith.constant 0 : i32
        %dma_wait3A_138 = tpu.memref_slice %arg8[%add3A_58, %dma_wait3A_137] : memref<10240x128xf32, #tpu.memory_space<vmem_shared>> -> memref<40x128xf32, #tpu.memory_space<vmem_shared>>
        %dma_wait3A_139 = arith.constant 0 : i32
        %dma_wait3A_140 = tpu.memref_slice %arg8[%add3A_58, %dma_wait3A_139] : memref<10240x128xf32, #tpu.memory_space<vmem_shared>> -> memref<40x128xf32, #tpu.memory_space<vmem_shared>>
        %dma_wait3A_141 = arith.constant 0 : i32
        %dma_wait3A_142 = arith.constant 0 : i32
        %dma_wait3A_143 = tpu.memref_slice %arg11[%dma_wait3A_141, %dma_wait3A_142] : memref<125x128xf32, #tpu.memory_space<vmem>> -> memref<40x128xf32, #tpu.memory_space<vmem>>
        tpu.wait_dma2 semaphore(%run_scoped3A_124 : memref<!tpu.dma_semaphore, #tpu.memory_space<semaphore_mem>>) src(%dma_wait3A_143 : memref<40x128xf32, #tpu.memory_space<vmem>>) dst(%dma_wait3A_140 : memref<40x128xf32, #tpu.memory_space<vmem_shared>>)
        tpu.yield
      }) : () -> ()
      %mul3A_59 = arith.constant 640 : i32
      %mul3A_60 = arith.muli %arg1, %mul3A_59 : i32
      %add3A_61 = arith.constant 480 : i32
      %add3A_62 = arith.addi %mul3A_60, %add3A_61 : i32
      "tpu.region"() ({
        %run_scoped3A_124 = tpu.sem_alloc : memref<!tpu.dma_semaphore, #tpu.memory_space<semaphore_mem>>
        %dma_start3A_125 = arith.constant 0 : i32
        %dma_start3A_126 = arith.constant 0 : i32
        %dma_start3A_127 = tpu.memref_slice %arg11[%dma_start3A_125, %dma_start3A_126] : memref<125x128xf32, #tpu.memory_space<vmem>> -> memref<40x128xf32, #tpu.memory_space<vmem>>
        %dma_start3A_128 = arith.constant 0 : i32
        %dma_start3A_129 = tpu.memref_slice %arg8[%add3A_62, %dma_start3A_128] : memref<10240x128xf32, #tpu.memory_space<vmem_shared>> -> memref<40x128xf32, #tpu.memory_space<vmem_shared>>
        %dma_start3A_130 = arith.constant 0 : i32
        %dma_start3A_131 = tpu.memref_slice %arg8[%add3A_62, %dma_start3A_130] : memref<10240x128xf32, #tpu.memory_space<vmem_shared>> -> memref<40x128xf32, #tpu.memory_space<vmem_shared>>
        %dma_start3A_132 = arith.constant 0 : i32
        %dma_start3A_133 = arith.constant 0 : i32
        %dma_start3A_134 = tpu.memref_slice %arg11[%dma_start3A_132, %dma_start3A_133] : memref<125x128xf32, #tpu.memory_space<vmem>> -> memref<40x128xf32, #tpu.memory_space<vmem>>
        tpu.enqueue_dma source(%dma_start3A_134 : memref<40x128xf32, #tpu.memory_space<vmem>>) target(%dma_start3A_131 : memref<40x128xf32, #tpu.memory_space<vmem_shared>>) target_semaphore(%run_scoped3A_124 : memref<!tpu.dma_semaphore, #tpu.memory_space<semaphore_mem>>)
        %dma_wait3A = arith.constant 0 : i32
        %dma_wait3A_135 = arith.constant 0 : i32
        %dma_wait3A_136 = tpu.memref_slice %arg11[%dma_wait3A, %dma_wait3A_135] : memref<125x128xf32, #tpu.memory_space<vmem>> -> memref<40x128xf32, #tpu.memory_space<vmem>>
        %dma_wait3A_137 = arith.constant 0 : i32
        %dma_wait3A_138 = tpu.memref_slice %arg8[%add3A_62, %dma_wait3A_137] : memref<10240x128xf32, #tpu.memory_space<vmem_shared>> -> memref<40x128xf32, #tpu.memory_space<vmem_shared>>
        %dma_wait3A_139 = arith.constant 0 : i32
        %dma_wait3A_140 = tpu.memref_slice %arg8[%add3A_62, %dma_wait3A_139] : memref<10240x128xf32, #tpu.memory_space<vmem_shared>> -> memref<40x128xf32, #tpu.memory_space<vmem_shared>>
        %dma_wait3A_141 = arith.constant 0 : i32
        %dma_wait3A_142 = arith.constant 0 : i32
        %dma_wait3A_143 = tpu.memref_slice %arg11[%dma_wait3A_141, %dma_wait3A_142] : memref<125x128xf32, #tpu.memory_space<vmem>> -> memref<40x128xf32, #tpu.memory_space<vmem>>
        tpu.wait_dma2 semaphore(%run_scoped3A_124 : memref<!tpu.dma_semaphore, #tpu.memory_space<semaphore_mem>>) src(%dma_wait3A_143 : memref<40x128xf32, #tpu.memory_space<vmem>>) dst(%dma_wait3A_140 : memref<40x128xf32, #tpu.memory_space<vmem_shared>>)
        tpu.yield
      }) : () -> ()
      %mul3A_63 = arith.constant 640 : i32
      %mul3A_64 = arith.muli %arg1, %mul3A_63 : i32
      %add3A_65 = arith.constant 520 : i32
      %add3A_66 = arith.addi %mul3A_64, %add3A_65 : i32
      "tpu.region"() ({
        %run_scoped3A_124 = tpu.sem_alloc : memref<!tpu.dma_semaphore, #tpu.memory_space<semaphore_mem>>
        %dma_start3A_125 = arith.constant 0 : i32
        %dma_start3A_126 = arith.constant 0 : i32
        %dma_start3A_127 = tpu.memref_slice %arg11[%dma_start3A_125, %dma_start3A_126] : memref<125x128xf32, #tpu.memory_space<vmem>> -> memref<40x128xf32, #tpu.memory_space<vmem>>
        %dma_start3A_128 = arith.constant 0 : i32
        %dma_start3A_129 = tpu.memref_slice %arg8[%add3A_66, %dma_start3A_128] : memref<10240x128xf32, #tpu.memory_space<vmem_shared>> -> memref<40x128xf32, #tpu.memory_space<vmem_shared>>
        %dma_start3A_130 = arith.constant 0 : i32
        %dma_start3A_131 = tpu.memref_slice %arg8[%add3A_66, %dma_start3A_130] : memref<10240x128xf32, #tpu.memory_space<vmem_shared>> -> memref<40x128xf32, #tpu.memory_space<vmem_shared>>
        %dma_start3A_132 = arith.constant 0 : i32
        %dma_start3A_133 = arith.constant 0 : i32
        %dma_start3A_134 = tpu.memref_slice %arg11[%dma_start3A_132, %dma_start3A_133] : memref<125x128xf32, #tpu.memory_space<vmem>> -> memref<40x128xf32, #tpu.memory_space<vmem>>
        tpu.enqueue_dma source(%dma_start3A_134 : memref<40x128xf32, #tpu.memory_space<vmem>>) target(%dma_start3A_131 : memref<40x128xf32, #tpu.memory_space<vmem_shared>>) target_semaphore(%run_scoped3A_124 : memref<!tpu.dma_semaphore, #tpu.memory_space<semaphore_mem>>)
        %dma_wait3A = arith.constant 0 : i32
        %dma_wait3A_135 = arith.constant 0 : i32
        %dma_wait3A_136 = tpu.memref_slice %arg11[%dma_wait3A, %dma_wait3A_135] : memref<125x128xf32, #tpu.memory_space<vmem>> -> memref<40x128xf32, #tpu.memory_space<vmem>>
        %dma_wait3A_137 = arith.constant 0 : i32
        %dma_wait3A_138 = tpu.memref_slice %arg8[%add3A_66, %dma_wait3A_137] : memref<10240x128xf32, #tpu.memory_space<vmem_shared>> -> memref<40x128xf32, #tpu.memory_space<vmem_shared>>
        %dma_wait3A_139 = arith.constant 0 : i32
        %dma_wait3A_140 = tpu.memref_slice %arg8[%add3A_66, %dma_wait3A_139] : memref<10240x128xf32, #tpu.memory_space<vmem_shared>> -> memref<40x128xf32, #tpu.memory_space<vmem_shared>>
        %dma_wait3A_141 = arith.constant 0 : i32
        %dma_wait3A_142 = arith.constant 0 : i32
        %dma_wait3A_143 = tpu.memref_slice %arg11[%dma_wait3A_141, %dma_wait3A_142] : memref<125x128xf32, #tpu.memory_space<vmem>> -> memref<40x128xf32, #tpu.memory_space<vmem>>
        tpu.wait_dma2 semaphore(%run_scoped3A_124 : memref<!tpu.dma_semaphore, #tpu.memory_space<semaphore_mem>>) src(%dma_wait3A_143 : memref<40x128xf32, #tpu.memory_space<vmem>>) dst(%dma_wait3A_140 : memref<40x128xf32, #tpu.memory_space<vmem_shared>>)
        tpu.yield
      }) : () -> ()
      %mul3A_67 = arith.constant 640 : i32
      %mul3A_68 = arith.muli %arg1, %mul3A_67 : i32
      %add3A_69 = arith.constant 560 : i32
      %add3A_70 = arith.addi %mul3A_68, %add3A_69 : i32
      "tpu.region"() ({
        %run_scoped3A_124 = tpu.sem_alloc : memref<!tpu.dma_semaphore, #tpu.memory_space<semaphore_mem>>
        %dma_start3A_125 = arith.constant 0 : i32
        %dma_start3A_126 = arith.constant 0 : i32
        %dma_start3A_127 = tpu.memref_slice %arg11[%dma_start3A_125, %dma_start3A_126] : memref<125x128xf32, #tpu.memory_space<vmem>> -> memref<40x128xf32, #tpu.memory_space<vmem>>
        %dma_start3A_128 = arith.constant 0 : i32
        %dma_start3A_129 = tpu.memref_slice %arg8[%add3A_70, %dma_start3A_128] : memref<10240x128xf32, #tpu.memory_space<vmem_shared>> -> memref<40x128xf32, #tpu.memory_space<vmem_shared>>
        %dma_start3A_130 = arith.constant 0 : i32
        %dma_start3A_131 = tpu.memref_slice %arg8[%add3A_70, %dma_start3A_130] : memref<10240x128xf32, #tpu.memory_space<vmem_shared>> -> memref<40x128xf32, #tpu.memory_space<vmem_shared>>
        %dma_start3A_132 = arith.constant 0 : i32
        %dma_start3A_133 = arith.constant 0 : i32
        %dma_start3A_134 = tpu.memref_slice %arg11[%dma_start3A_132, %dma_start3A_133] : memref<125x128xf32, #tpu.memory_space<vmem>> -> memref<40x128xf32, #tpu.memory_space<vmem>>
        tpu.enqueue_dma source(%dma_start3A_134 : memref<40x128xf32, #tpu.memory_space<vmem>>) target(%dma_start3A_131 : memref<40x128xf32, #tpu.memory_space<vmem_shared>>) target_semaphore(%run_scoped3A_124 : memref<!tpu.dma_semaphore, #tpu.memory_space<semaphore_mem>>)
        %dma_wait3A = arith.constant 0 : i32
        %dma_wait3A_135 = arith.constant 0 : i32
        %dma_wait3A_136 = tpu.memref_slice %arg11[%dma_wait3A, %dma_wait3A_135] : memref<125x128xf32, #tpu.memory_space<vmem>> -> memref<40x128xf32, #tpu.memory_space<vmem>>
        %dma_wait3A_137 = arith.constant 0 : i32
        %dma_wait3A_138 = tpu.memref_slice %arg8[%add3A_70, %dma_wait3A_137] : memref<10240x128xf32, #tpu.memory_space<vmem_shared>> -> memref<40x128xf32, #tpu.memory_space<vmem_shared>>
        %dma_wait3A_139 = arith.constant 0 : i32
        %dma_wait3A_140 = tpu.memref_slice %arg8[%add3A_70, %dma_wait3A_139] : memref<10240x128xf32, #tpu.memory_space<vmem_shared>> -> memref<40x128xf32, #tpu.memory_space<vmem_shared>>
        %dma_wait3A_141 = arith.constant 0 : i32
        %dma_wait3A_142 = arith.constant 0 : i32
        %dma_wait3A_143 = tpu.memref_slice %arg11[%dma_wait3A_141, %dma_wait3A_142] : memref<125x128xf32, #tpu.memory_space<vmem>> -> memref<40x128xf32, #tpu.memory_space<vmem>>
        tpu.wait_dma2 semaphore(%run_scoped3A_124 : memref<!tpu.dma_semaphore, #tpu.memory_space<semaphore_mem>>) src(%dma_wait3A_143 : memref<40x128xf32, #tpu.memory_space<vmem>>) dst(%dma_wait3A_140 : memref<40x128xf32, #tpu.memory_space<vmem_shared>>)
        tpu.yield
      }) : () -> ()
      %mul3A_71 = arith.constant 640 : i32
      %mul3A_72 = arith.muli %arg1, %mul3A_71 : i32
      %add3A_73 = arith.constant 600 : i32
      %add3A_74 = arith.addi %mul3A_72, %add3A_73 : i32
      "tpu.region"() ({
        %run_scoped3A_124 = tpu.sem_alloc : memref<!tpu.dma_semaphore, #tpu.memory_space<semaphore_mem>>
        %dma_start3A_125 = arith.constant 0 : i32
        %dma_start3A_126 = arith.constant 0 : i32
        %dma_start3A_127 = tpu.memref_slice %arg11[%dma_start3A_125, %dma_start3A_126] : memref<125x128xf32, #tpu.memory_space<vmem>> -> memref<40x128xf32, #tpu.memory_space<vmem>>
        %dma_start3A_128 = arith.constant 0 : i32
        %dma_start3A_129 = tpu.memref_slice %arg8[%add3A_74, %dma_start3A_128] : memref<10240x128xf32, #tpu.memory_space<vmem_shared>> -> memref<40x128xf32, #tpu.memory_space<vmem_shared>>
        %dma_start3A_130 = arith.constant 0 : i32
        %dma_start3A_131 = tpu.memref_slice %arg8[%add3A_74, %dma_start3A_130] : memref<10240x128xf32, #tpu.memory_space<vmem_shared>> -> memref<40x128xf32, #tpu.memory_space<vmem_shared>>
        %dma_start3A_132 = arith.constant 0 : i32
        %dma_start3A_133 = arith.constant 0 : i32
        %dma_start3A_134 = tpu.memref_slice %arg11[%dma_start3A_132, %dma_start3A_133] : memref<125x128xf32, #tpu.memory_space<vmem>> -> memref<40x128xf32, #tpu.memory_space<vmem>>
        tpu.enqueue_dma source(%dma_start3A_134 : memref<40x128xf32, #tpu.memory_space<vmem>>) target(%dma_start3A_131 : memref<40x128xf32, #tpu.memory_space<vmem_shared>>) target_semaphore(%run_scoped3A_124 : memref<!tpu.dma_semaphore, #tpu.memory_space<semaphore_mem>>)
        %dma_wait3A = arith.constant 0 : i32
        %dma_wait3A_135 = arith.constant 0 : i32
        %dma_wait3A_136 = tpu.memref_slice %arg11[%dma_wait3A, %dma_wait3A_135] : memref<125x128xf32, #tpu.memory_space<vmem>> -> memref<40x128xf32, #tpu.memory_space<vmem>>
        %dma_wait3A_137 = arith.constant 0 : i32
        %dma_wait3A_138 = tpu.memref_slice %arg8[%add3A_74, %dma_wait3A_137] : memref<10240x128xf32, #tpu.memory_space<vmem_shared>> -> memref<40x128xf32, #tpu.memory_space<vmem_shared>>
        %dma_wait3A_139 = arith.constant 0 : i32
        %dma_wait3A_140 = tpu.memref_slice %arg8[%add3A_74, %dma_wait3A_139] : memref<10240x128xf32, #tpu.memory_space<vmem_shared>> -> memref<40x128xf32, #tpu.memory_space<vmem_shared>>
        %dma_wait3A_141 = arith.constant 0 : i32
        %dma_wait3A_142 = arith.constant 0 : i32
        %dma_wait3A_143 = tpu.memref_slice %arg11[%dma_wait3A_141, %dma_wait3A_142] : memref<125x128xf32, #tpu.memory_space<vmem>> -> memref<40x128xf32, #tpu.memory_space<vmem>>
        tpu.wait_dma2 semaphore(%run_scoped3A_124 : memref<!tpu.dma_semaphore, #tpu.memory_space<semaphore_mem>>) src(%dma_wait3A_143 : memref<40x128xf32, #tpu.memory_space<vmem>>) dst(%dma_wait3A_140 : memref<40x128xf32, #tpu.memory_space<vmem_shared>>)
        tpu.yield
      }) : () -> ()
      %barrier3A = arith.constant 0 : index
      tpu.barrier barrier_id(%barrier3A)
      %run_scoped3A = arith.constant 0 : i32
      "tpu.region"() ({
        %run_scoped3A_124 = tpu.sem_alloc : memref<!tpu.dma_semaphore, #tpu.memory_space<semaphore_mem>>
        %dma_start3A_125 = arith.constant 0 : i32
        %dma_start3A_126 = arith.constant 0 : i32
        %dma_start3A_127 = tpu.memref_slice %arg4[%arg1, %run_scoped3A, %dma_start3A_125, %dma_start3A_126] : memref<16x2x40x125xi32, #tpu.memory_space<hbm>> -> memref<1x1x40x125xi32, #tpu.memory_space<hbm>>
        %dma_start3A_128 = tpu.memref_squeeze %dma_start3A_127 : memref<1x1x40x125xi32, #tpu.memory_space<hbm>> -> memref<40x125xi32, #tpu.memory_space<hbm>>
        %dma_start3A_129 = arith.constant 0 : i32
        %dma_start3A_130 = arith.constant 0 : i32
        %dma_start3A_131 = tpu.memref_slice %arg4[%arg1, %run_scoped3A, %dma_start3A_129, %dma_start3A_130] : memref<16x2x40x125xi32, #tpu.memory_space<hbm>> -> memref<1x1x40x125xi32, #tpu.memory_space<hbm>>
        %dma_start3A_132 = tpu.memref_squeeze %dma_start3A_131 : memref<1x1x40x125xi32, #tpu.memory_space<hbm>> -> memref<40x125xi32, #tpu.memory_space<hbm>>
        tpu.enqueue_dma source(%dma_start3A_132 : memref<40x125xi32, #tpu.memory_space<hbm>>) target(%arg9 : memref<40x125xi32, #tpu.memory_space<vmem>>) target_semaphore(%run_scoped3A_124 : memref<!tpu.dma_semaphore, #tpu.memory_space<semaphore_mem>>)
        %dma_wait3A = arith.constant 0 : i32
        %dma_wait3A_133 = arith.constant 0 : i32
        %dma_wait3A_134 = tpu.memref_slice %arg4[%arg1, %run_scoped3A, %dma_wait3A, %dma_wait3A_133] : memref<16x2x40x125xi32, #tpu.memory_space<hbm>> -> memref<1x1x40x125xi32, #tpu.memory_space<hbm>>
        %dma_wait3A_135 = tpu.memref_squeeze %dma_wait3A_134 : memref<1x1x40x125xi32, #tpu.memory_space<hbm>> -> memref<40x125xi32, #tpu.memory_space<hbm>>
        %dma_wait3A_136 = arith.constant 0 : i32
        %dma_wait3A_137 = arith.constant 0 : i32
        %dma_wait3A_138 = tpu.memref_slice %arg4[%arg1, %run_scoped3A, %dma_wait3A_136, %dma_wait3A_137] : memref<16x2x40x125xi32, #tpu.memory_space<hbm>> -> memref<1x1x40x125xi32, #tpu.memory_space<hbm>>
        %dma_wait3A_139 = tpu.memref_squeeze %dma_wait3A_138 : memref<1x1x40x125xi32, #tpu.memory_space<hbm>> -> memref<40x125xi32, #tpu.memory_space<hbm>>
        tpu.wait_dma2 semaphore(%run_scoped3A_124 : memref<!tpu.dma_semaphore, #tpu.memory_space<semaphore_mem>>) src(%dma_wait3A_139 : memref<40x125xi32, #tpu.memory_space<hbm>>) dst(%arg9 : memref<40x125xi32, #tpu.memory_space<vmem>>)
        tpu.yield
      }) : () -> ()
      %run_scoped3A_75 = arith.constant 0 : i32
      "tpu.region"() ({
        %run_scoped3A_124 = tpu.sem_alloc : memref<!tpu.dma_semaphore, #tpu.memory_space<semaphore_mem>>
        %dma_start3A_125 = arith.constant 0 : i32
        %dma_start3A_126 = arith.constant 0 : i32
        %dma_start3A_127 = tpu.memref_slice %arg5[%arg1, %run_scoped3A_75, %dma_start3A_125, %dma_start3A_126] : memref<16x2x40x125xi32, #tpu.memory_space<hbm>> -> memref<1x1x40x125xi32, #tpu.memory_space<hbm>>
        %dma_start3A_128 = tpu.memref_squeeze %dma_start3A_127 : memref<1x1x40x125xi32, #tpu.memory_space<hbm>> -> memref<40x125xi32, #tpu.memory_space<hbm>>
        %dma_start3A_129 = arith.constant 0 : i32
        %dma_start3A_130 = arith.constant 0 : i32
        %dma_start3A_131 = tpu.memref_slice %arg5[%arg1, %run_scoped3A_75, %dma_start3A_129, %dma_start3A_130] : memref<16x2x40x125xi32, #tpu.memory_space<hbm>> -> memref<1x1x40x125xi32, #tpu.memory_space<hbm>>
        %dma_start3A_132 = tpu.memref_squeeze %dma_start3A_131 : memref<1x1x40x125xi32, #tpu.memory_space<hbm>> -> memref<40x125xi32, #tpu.memory_space<hbm>>
        tpu.enqueue_dma source(%dma_start3A_132 : memref<40x125xi32, #tpu.memory_space<hbm>>) target(%arg10 : memref<40x125xi32, #tpu.memory_space<vmem>>) target_semaphore(%run_scoped3A_124 : memref<!tpu.dma_semaphore, #tpu.memory_space<semaphore_mem>>)
        %dma_wait3A = arith.constant 0 : i32
        %dma_wait3A_133 = arith.constant 0 : i32
        %dma_wait3A_134 = tpu.memref_slice %arg5[%arg1, %run_scoped3A_75, %dma_wait3A, %dma_wait3A_133] : memref<16x2x40x125xi32, #tpu.memory_space<hbm>> -> memref<1x1x40x125xi32, #tpu.memory_space<hbm>>
        %dma_wait3A_135 = tpu.memref_squeeze %dma_wait3A_134 : memref<1x1x40x125xi32, #tpu.memory_space<hbm>> -> memref<40x125xi32, #tpu.memory_space<hbm>>
        %dma_wait3A_136 = arith.constant 0 : i32
        %dma_wait3A_137 = arith.constant 0 : i32
        %dma_wait3A_138 = tpu.memref_slice %arg5[%arg1, %run_scoped3A_75, %dma_wait3A_136, %dma_wait3A_137] : memref<16x2x40x125xi32, #tpu.memory_space<hbm>> -> memref<1x1x40x125xi32, #tpu.memory_space<hbm>>
        %dma_wait3A_139 = tpu.memref_squeeze %dma_wait3A_138 : memref<1x1x40x125xi32, #tpu.memory_space<hbm>> -> memref<40x125xi32, #tpu.memory_space<hbm>>
        tpu.wait_dma2 semaphore(%run_scoped3A_124 : memref<!tpu.dma_semaphore, #tpu.memory_space<semaphore_mem>>) src(%dma_wait3A_139 : memref<40x125xi32, #tpu.memory_space<hbm>>) dst(%arg10 : memref<40x125xi32, #tpu.memory_space<vmem>>)
        tpu.yield
      }) : () -> ()
      %dma_start3A = arith.constant 0 : i32
      %dma_start3A_76 = arith.constant 0 : i32
      %dma_start3A_77 = tpu.memref_slice %arg9[%dma_start3A, %dma_start3A_76] : memref<40x125xi32, #tpu.memory_space<vmem>> -> memref<1x125xi32, #tpu.memory_space<vmem>>
      %dma_start3A_78 = tpu.memref_squeeze %dma_start3A_77 : memref<1x125xi32, #tpu.memory_space<vmem>> -> memref<125xi32, #tpu.memory_space<vmem>>
      %dma_start3A_79 = arith.constant 0 : i32
      %dma_start3A_80 = arith.constant 0 : i32
      %dma_start3A_81 = tpu.memref_slice %arg3[%dma_start3A_79, %dma_start3A_80] : memref<10000x128xf32, #tpu.memory_space<hbm>> -> memref<10000x128xf32, #tpu.memory_space<hbm>>
      tpu.enqueue_indirect_dma source(%dma_start3A_81 : memref<10000x128xf32, #tpu.memory_space<hbm>>) target(%arg11 : memref<125x128xf32, #tpu.memory_space<vmem>>) offsets(%dma_start3A_78 : memref<125xi32, #tpu.memory_space<vmem>>) semaphore(%arg13 : memref<!tpu.dma_semaphore, #tpu.memory_space<semaphore_mem>>)
      %dma_start3A_82 = arith.constant 1 : i32
      %dma_start3A_83 = arith.constant 0 : i32
      %dma_start3A_84 = tpu.memref_slice %arg9[%dma_start3A_82, %dma_start3A_83] : memref<40x125xi32, #tpu.memory_space<vmem>> -> memref<1x125xi32, #tpu.memory_space<vmem>>
      %dma_start3A_85 = tpu.memref_squeeze %dma_start3A_84 : memref<1x125xi32, #tpu.memory_space<vmem>> -> memref<125xi32, #tpu.memory_space<vmem>>
      %dma_start3A_86 = arith.constant 0 : i32
      %dma_start3A_87 = arith.constant 0 : i32
      %dma_start3A_88 = tpu.memref_slice %arg3[%dma_start3A_86, %dma_start3A_87] : memref<10000x128xf32, #tpu.memory_space<hbm>> -> memref<10000x128xf32, #tpu.memory_space<hbm>>
      tpu.enqueue_indirect_dma source(%dma_start3A_88 : memref<10000x128xf32, #tpu.memory_space<hbm>>) target(%arg12 : memref<125x128xf32, #tpu.memory_space<vmem>>) offsets(%dma_start3A_85 : memref<125xi32, #tpu.memory_space<vmem>>) semaphore(%arg14 : memref<!tpu.dma_semaphore, #tpu.memory_space<semaphore_mem>>)
      %scan3A_89 = arith.constant 0 : i32
      %scan3A_90 = arith.constant 0 : i32
      %scan3A_91 = arith.constant 20 : i32
      %scan3A_92 = arith.addi %scan3A_90, %scan3A_91 : i32
      %scan3A_93 = arith.constant 1 : i32
      %scan3A_94 = scf.for %scan3A_124 = %scan3A_90 to %scan3A_92 step %scan3A_93 iter_args(%scan3A_125 = %scan3A_89) -> (i32)  : i32 {
        %mul3A_126 = arith.constant 2 : i32
        %mul3A_127 = arith.muli %scan3A_124, %mul3A_126 : i32
        %dma_wait3A = arith.constant 0 : i32
        %dma_wait3A_128 = tpu.memref_slice %arg9[%mul3A_127, %dma_wait3A] : memref<40x125xi32, #tpu.memory_space<vmem>> -> memref<1x125xi32, #tpu.memory_space<vmem>>
        %dma_wait3A_129 = tpu.memref_squeeze %dma_wait3A_128 : memref<1x125xi32, #tpu.memory_space<vmem>> -> memref<125xi32, #tpu.memory_space<vmem>>
        %dma_wait3A_130 = arith.constant 0 : i32
        %dma_wait3A_131 = arith.constant 0 : i32
        %dma_wait3A_132 = tpu.memref_slice %arg3[%dma_wait3A_130, %dma_wait3A_131] : memref<10000x128xf32, #tpu.memory_space<hbm>> -> memref<10000x128xf32, #tpu.memory_space<hbm>>
        tpu.wait_indirect_dma semaphore(%arg13 : memref<!tpu.dma_semaphore, #tpu.memory_space<semaphore_mem>>) src(%dma_wait3A_132 : memref<10000x128xf32, #tpu.memory_space<hbm>>) dst(%arg11 : memref<125x128xf32, #tpu.memory_space<vmem>>)
        "tpu.region"() ({
          %run_scoped3A_157 = tpu.sem_alloc : memref<!tpu.dma_semaphore, #tpu.memory_space<semaphore_mem>>
          %dma_start3A_158 = arith.constant 0 : i32
          %dma_start3A_159 = tpu.memref_slice %arg10[%mul3A_127, %dma_start3A_158] : memref<40x125xi32, #tpu.memory_space<vmem>> -> memref<1x125xi32, #tpu.memory_space<vmem>>
          %dma_start3A_160 = tpu.memref_squeeze %dma_start3A_159 : memref<1x125xi32, #tpu.memory_space<vmem>> -> memref<125xi32, #tpu.memory_space<vmem>>
          %dma_start3A_161 = arith.constant 0 : i32
          %dma_start3A_162 = arith.constant 0 : i32
          %dma_start3A_163 = tpu.memref_slice %arg8[%dma_start3A_161, %dma_start3A_162] : memref<10240x128xf32, #tpu.memory_space<vmem_shared>> -> memref<10240x128xf32, #tpu.memory_space<vmem_shared>>
          tpu.enqueue_indirect_dma source(%arg11 : memref<125x128xf32, #tpu.memory_space<vmem>>) target(%dma_start3A_163 : memref<10240x128xf32, #tpu.memory_space<vmem_shared>>) offsets(%dma_start3A_160 : memref<125xi32, #tpu.memory_space<vmem>>) semaphore(%run_scoped3A_157 : memref<!tpu.dma_semaphore, #tpu.memory_space<semaphore_mem>>) {add = true}
          %dma_wait3A_164 = arith.constant 0 : i32
          %dma_wait3A_165 = tpu.memref_slice %arg10[%mul3A_127, %dma_wait3A_164] : memref<40x125xi32, #tpu.memory_space<vmem>> -> memref<1x125xi32, #tpu.memory_space<vmem>>
          %dma_wait3A_166 = tpu.memref_squeeze %dma_wait3A_165 : memref<1x125xi32, #tpu.memory_space<vmem>> -> memref<125xi32, #tpu.memory_space<vmem>>
          %dma_wait3A_167 = arith.constant 0 : i32
          %dma_wait3A_168 = arith.constant 0 : i32
          %dma_wait3A_169 = tpu.memref_slice %arg8[%dma_wait3A_167, %dma_wait3A_168] : memref<10240x128xf32, #tpu.memory_space<vmem_shared>> -> memref<10240x128xf32, #tpu.memory_space<vmem_shared>>
          tpu.wait_indirect_dma semaphore(%run_scoped3A_157 : memref<!tpu.dma_semaphore, #tpu.memory_space<semaphore_mem>>) src(%arg11 : memref<125x128xf32, #tpu.memory_space<vmem>>) dst(%dma_wait3A_169 : memref<10240x128xf32, #tpu.memory_space<vmem_shared>>)
          tpu.yield
        }) : () -> ()
        %add3A_133 = arith.constant 2 : i32
        %add3A_134 = arith.addi %mul3A_127, %add3A_133 : i32
        %lt3A = arith.constant 40 : i32
        %lt3A_135 = arith.cmpi slt, %add3A_134, %lt3A : i32
        %convert_element_type3A_136 = arith.extui %lt3A_135 : i1 to i32
        %cond3A_137 = arith.constant 0 : i32
        %cond3A_138 = arith.cmpi ne, %convert_element_type3A_136, %cond3A_137 : i32
        scf.if %cond3A_138 {
          %add3A_157 = arith.constant 2 : i32
          %add3A_158 = arith.addi %mul3A_127, %add3A_157 : i32
          %dma_start3A_159 = arith.constant 0 : i32
          %dma_start3A_160 = tpu.memref_slice %arg9[%add3A_158, %dma_start3A_159] : memref<40x125xi32, #tpu.memory_space<vmem>> -> memref<1x125xi32, #tpu.memory_space<vmem>>
          %dma_start3A_161 = tpu.memref_squeeze %dma_start3A_160 : memref<1x125xi32, #tpu.memory_space<vmem>> -> memref<125xi32, #tpu.memory_space<vmem>>
          %dma_start3A_162 = arith.constant 0 : i32
          %dma_start3A_163 = arith.constant 0 : i32
          %dma_start3A_164 = tpu.memref_slice %arg3[%dma_start3A_162, %dma_start3A_163] : memref<10000x128xf32, #tpu.memory_space<hbm>> -> memref<10000x128xf32, #tpu.memory_space<hbm>>
          tpu.enqueue_indirect_dma source(%dma_start3A_164 : memref<10000x128xf32, #tpu.memory_space<hbm>>) target(%arg11 : memref<125x128xf32, #tpu.memory_space<vmem>>) offsets(%dma_start3A_161 : memref<125xi32, #tpu.memory_space<vmem>>) semaphore(%arg13 : memref<!tpu.dma_semaphore, #tpu.memory_space<semaphore_mem>>)
        } else {
        }
        %add3A_139 = arith.constant 1 : i32
        %add3A_140 = arith.addi %mul3A_127, %add3A_139 : i32
        %dma_wait3A_141 = arith.constant 0 : i32
        %dma_wait3A_142 = tpu.memref_slice %arg9[%add3A_140, %dma_wait3A_141] : memref<40x125xi32, #tpu.memory_space<vmem>> -> memref<1x125xi32, #tpu.memory_space<vmem>>
        %dma_wait3A_143 = tpu.memref_squeeze %dma_wait3A_142 : memref<1x125xi32, #tpu.memory_space<vmem>> -> memref<125xi32, #tpu.memory_space<vmem>>
        %dma_wait3A_144 = arith.constant 0 : i32
        %dma_wait3A_145 = arith.constant 0 : i32
        %dma_wait3A_146 = tpu.memref_slice %arg3[%dma_wait3A_144, %dma_wait3A_145] : memref<10000x128xf32, #tpu.memory_space<hbm>> -> memref<10000x128xf32, #tpu.memory_space<hbm>>
        tpu.wait_indirect_dma semaphore(%arg14 : memref<!tpu.dma_semaphore, #tpu.memory_space<semaphore_mem>>) src(%dma_wait3A_146 : memref<10000x128xf32, #tpu.memory_space<hbm>>) dst(%arg12 : memref<125x128xf32, #tpu.memory_space<vmem>>)
        %add3A_147 = arith.constant 1 : i32
        %add3A_148 = arith.addi %mul3A_127, %add3A_147 : i32
        "tpu.region"() ({
          %run_scoped3A_157 = tpu.sem_alloc : memref<!tpu.dma_semaphore, #tpu.memory_space<semaphore_mem>>
          %dma_start3A_158 = arith.constant 0 : i32
          %dma_start3A_159 = tpu.memref_slice %arg10[%add3A_148, %dma_start3A_158] : memref<40x125xi32, #tpu.memory_space<vmem>> -> memref<1x125xi32, #tpu.memory_space<vmem>>
          %dma_start3A_160 = tpu.memref_squeeze %dma_start3A_159 : memref<1x125xi32, #tpu.memory_space<vmem>> -> memref<125xi32, #tpu.memory_space<vmem>>
          %dma_start3A_161 = arith.constant 0 : i32
          %dma_start3A_162 = arith.constant 0 : i32
          %dma_start3A_163 = tpu.memref_slice %arg8[%dma_start3A_161, %dma_start3A_162] : memref<10240x128xf32, #tpu.memory_space<vmem_shared>> -> memref<10240x128xf32, #tpu.memory_space<vmem_shared>>
          tpu.enqueue_indirect_dma source(%arg12 : memref<125x128xf32, #tpu.memory_space<vmem>>) target(%dma_start3A_163 : memref<10240x128xf32, #tpu.memory_space<vmem_shared>>) offsets(%dma_start3A_160 : memref<125xi32, #tpu.memory_space<vmem>>) semaphore(%run_scoped3A_157 : memref<!tpu.dma_semaphore, #tpu.memory_space<semaphore_mem>>) {add = true}
          %dma_wait3A_164 = arith.constant 0 : i32
          %dma_wait3A_165 = tpu.memref_slice %arg10[%add3A_148, %dma_wait3A_164] : memref<40x125xi32, #tpu.memory_space<vmem>> -> memref<1x125xi32, #tpu.memory_space<vmem>>
          %dma_wait3A_166 = tpu.memref_squeeze %dma_wait3A_165 : memref<1x125xi32, #tpu.memory_space<vmem>> -> memref<125xi32, #tpu.memory_space<vmem>>
          %dma_wait3A_167 = arith.constant 0 : i32
          %dma_wait3A_168 = arith.constant 0 : i32
          %dma_wait3A_169 = tpu.memref_slice %arg8[%dma_wait3A_167, %dma_wait3A_168] : memref<10240x128xf32, #tpu.memory_space<vmem_shared>> -> memref<10240x128xf32, #tpu.memory_space<vmem_shared>>
          tpu.wait_indirect_dma semaphore(%run_scoped3A_157 : memref<!tpu.dma_semaphore, #tpu.memory_space<semaphore_mem>>) src(%arg12 : memref<125x128xf32, #tpu.memory_space<vmem>>) dst(%dma_wait3A_169 : memref<10240x128xf32, #tpu.memory_space<vmem_shared>>)
          tpu.yield
        }) : () -> ()
        %add3A_149 = arith.constant 3 : i32
        %add3A_150 = arith.addi %mul3A_127, %add3A_149 : i32
        %lt3A_151 = arith.constant 40 : i32
        %lt3A_152 = arith.cmpi slt, %add3A_150, %lt3A_151 : i32
        %convert_element_type3A_153 = arith.extui %lt3A_152 : i1 to i32
        %cond3A_154 = arith.constant 0 : i32
        %cond3A_155 = arith.cmpi ne, %convert_element_type3A_153, %cond3A_154 : i32
        scf.if %cond3A_155 {
          %add3A_157 = arith.constant 3 : i32
          %add3A_158 = arith.addi %mul3A_127, %add3A_157 : i32
          %dma_start3A_159 = arith.constant 0 : i32
          %dma_start3A_160 = tpu.memref_slice %arg9[%add3A_158, %dma_start3A_159] : memref<40x125xi32, #tpu.memory_space<vmem>> -> memref<1x125xi32, #tpu.memory_space<vmem>>
          %dma_start3A_161 = tpu.memref_squeeze %dma_start3A_160 : memref<1x125xi32, #tpu.memory_space<vmem>> -> memref<125xi32, #tpu.memory_space<vmem>>
          %dma_start3A_162 = arith.constant 0 : i32
          %dma_start3A_163 = arith.constant 0 : i32
          %dma_start3A_164 = tpu.memref_slice %arg3[%dma_start3A_162, %dma_start3A_163] : memref<10000x128xf32, #tpu.memory_space<hbm>> -> memref<10000x128xf32, #tpu.memory_space<hbm>>
          tpu.enqueue_indirect_dma source(%dma_start3A_164 : memref<10000x128xf32, #tpu.memory_space<hbm>>) target(%arg12 : memref<125x128xf32, #tpu.memory_space<vmem>>) offsets(%dma_start3A_161 : memref<125xi32, #tpu.memory_space<vmem>>) semaphore(%arg14 : memref<!tpu.dma_semaphore, #tpu.memory_space<semaphore_mem>>)
        } else {
        }
        %scan3A_156 = arith.constant 0 : i32
        scf.yield %scan3A_156 : i32
      }
      %scan3A_95 = arith.constant 20 : i32
      %run_scoped3A_96 = arith.constant 1 : i32
      "tpu.region"() ({
        %run_scoped3A_124 = tpu.sem_alloc : memref<!tpu.dma_semaphore, #tpu.memory_space<semaphore_mem>>
        %dma_start3A_125 = arith.constant 0 : i32
        %dma_start3A_126 = arith.constant 0 : i32
        %dma_start3A_127 = tpu.memref_slice %arg4[%arg1, %run_scoped3A_96, %dma_start3A_125, %dma_start3A_126] : memref<16x2x40x125xi32, #tpu.memory_space<hbm>> -> memref<1x1x40x125xi32, #tpu.memory_space<hbm>>
        %dma_start3A_128 = tpu.memref_squeeze %dma_start3A_127 : memref<1x1x40x125xi32, #tpu.memory_space<hbm>> -> memref<40x125xi32, #tpu.memory_space<hbm>>
        %dma_start3A_129 = arith.constant 0 : i32
        %dma_start3A_130 = arith.constant 0 : i32
        %dma_start3A_131 = tpu.memref_slice %arg4[%arg1, %run_scoped3A_96, %dma_start3A_129, %dma_start3A_130] : memref<16x2x40x125xi32, #tpu.memory_space<hbm>> -> memref<1x1x40x125xi32, #tpu.memory_space<hbm>>
        %dma_start3A_132 = tpu.memref_squeeze %dma_start3A_131 : memref<1x1x40x125xi32, #tpu.memory_space<hbm>> -> memref<40x125xi32, #tpu.memory_space<hbm>>
        tpu.enqueue_dma source(%dma_start3A_132 : memref<40x125xi32, #tpu.memory_space<hbm>>) target(%arg9 : memref<40x125xi32, #tpu.memory_space<vmem>>) target_semaphore(%run_scoped3A_124 : memref<!tpu.dma_semaphore, #tpu.memory_space<semaphore_mem>>)
        %dma_wait3A = arith.constant 0 : i32
        %dma_wait3A_133 = arith.constant 0 : i32
        %dma_wait3A_134 = tpu.memref_slice %arg4[%arg1, %run_scoped3A_96, %dma_wait3A, %dma_wait3A_133] : memref<16x2x40x125xi32, #tpu.memory_space<hbm>> -> memref<1x1x40x125xi32, #tpu.memory_space<hbm>>
        %dma_wait3A_135 = tpu.memref_squeeze %dma_wait3A_134 : memref<1x1x40x125xi32, #tpu.memory_space<hbm>> -> memref<40x125xi32, #tpu.memory_space<hbm>>
        %dma_wait3A_136 = arith.constant 0 : i32
        %dma_wait3A_137 = arith.constant 0 : i32
        %dma_wait3A_138 = tpu.memref_slice %arg4[%arg1, %run_scoped3A_96, %dma_wait3A_136, %dma_wait3A_137] : memref<16x2x40x125xi32, #tpu.memory_space<hbm>> -> memref<1x1x40x125xi32, #tpu.memory_space<hbm>>
        %dma_wait3A_139 = tpu.memref_squeeze %dma_wait3A_138 : memref<1x1x40x125xi32, #tpu.memory_space<hbm>> -> memref<40x125xi32, #tpu.memory_space<hbm>>
        tpu.wait_dma2 semaphore(%run_scoped3A_124 : memref<!tpu.dma_semaphore, #tpu.memory_space<semaphore_mem>>) src(%dma_wait3A_139 : memref<40x125xi32, #tpu.memory_space<hbm>>) dst(%arg9 : memref<40x125xi32, #tpu.memory_space<vmem>>)
        tpu.yield
      }) : () -> ()
      %run_scoped3A_97 = arith.constant 1 : i32
      "tpu.region"() ({
        %run_scoped3A_124 = tpu.sem_alloc : memref<!tpu.dma_semaphore, #tpu.memory_space<semaphore_mem>>
        %dma_start3A_125 = arith.constant 0 : i32
        %dma_start3A_126 = arith.constant 0 : i32
        %dma_start3A_127 = tpu.memref_slice %arg5[%arg1, %run_scoped3A_97, %dma_start3A_125, %dma_start3A_126] : memref<16x2x40x125xi32, #tpu.memory_space<hbm>> -> memref<1x1x40x125xi32, #tpu.memory_space<hbm>>
        %dma_start3A_128 = tpu.memref_squeeze %dma_start3A_127 : memref<1x1x40x125xi32, #tpu.memory_space<hbm>> -> memref<40x125xi32, #tpu.memory_space<hbm>>
        %dma_start3A_129 = arith.constant 0 : i32
        %dma_start3A_130 = arith.constant 0 : i32
        %dma_start3A_131 = tpu.memref_slice %arg5[%arg1, %run_scoped3A_97, %dma_start3A_129, %dma_start3A_130] : memref<16x2x40x125xi32, #tpu.memory_space<hbm>> -> memref<1x1x40x125xi32, #tpu.memory_space<hbm>>
        %dma_start3A_132 = tpu.memref_squeeze %dma_start3A_131 : memref<1x1x40x125xi32, #tpu.memory_space<hbm>> -> memref<40x125xi32, #tpu.memory_space<hbm>>
        tpu.enqueue_dma source(%dma_start3A_132 : memref<40x125xi32, #tpu.memory_space<hbm>>) target(%arg10 : memref<40x125xi32, #tpu.memory_space<vmem>>) target_semaphore(%run_scoped3A_124 : memref<!tpu.dma_semaphore, #tpu.memory_space<semaphore_mem>>)
        %dma_wait3A = arith.constant 0 : i32
        %dma_wait3A_133 = arith.constant 0 : i32
        %dma_wait3A_134 = tpu.memref_slice %arg5[%arg1, %run_scoped3A_97, %dma_wait3A, %dma_wait3A_133] : memref<16x2x40x125xi32, #tpu.memory_space<hbm>> -> memref<1x1x40x125xi32, #tpu.memory_space<hbm>>
        %dma_wait3A_135 = tpu.memref_squeeze %dma_wait3A_134 : memref<1x1x40x125xi32, #tpu.memory_space<hbm>> -> memref<40x125xi32, #tpu.memory_space<hbm>>
        %dma_wait3A_136 = arith.constant 0 : i32
        %dma_wait3A_137 = arith.constant 0 : i32
        %dma_wait3A_138 = tpu.memref_slice %arg5[%arg1, %run_scoped3A_97, %dma_wait3A_136, %dma_wait3A_137] : memref<16x2x40x125xi32, #tpu.memory_space<hbm>> -> memref<1x1x40x125xi32, #tpu.memory_space<hbm>>
        %dma_wait3A_139 = tpu.memref_squeeze %dma_wait3A_138 : memref<1x1x40x125xi32, #tpu.memory_space<hbm>> -> memref<40x125xi32, #tpu.memory_space<hbm>>
        tpu.wait_dma2 semaphore(%run_scoped3A_124 : memref<!tpu.dma_semaphore, #tpu.memory_space<semaphore_mem>>) src(%dma_wait3A_139 : memref<40x125xi32, #tpu.memory_space<hbm>>) dst(%arg10 : memref<40x125xi32, #tpu.memory_space<vmem>>)
        tpu.yield
      }) : () -> ()
      %dma_start3A_98 = arith.constant 0 : i32
      %dma_start3A_99 = arith.constant 0 : i32
      %dma_start3A_100 = tpu.memref_slice %arg9[%dma_start3A_98, %dma_start3A_99] : memref<40x125xi32, #tpu.memory_space<vmem>> -> memref<1x125xi32, #tpu.memory_space<vmem>>
      %dma_start3A_101 = tpu.memref_squeeze %dma_start3A_100 : memref<1x125xi32, #tpu.memory_space<vmem>> -> memref<125xi32, #tpu.memory_space<vmem>>
      %dma_start3A_102 = arith.constant 0 : i32
      %dma_start3A_103 = arith.constant 0 : i32
      %dma_start3A_104 = tpu.memref_slice %arg3[%dma_start3A_102, %dma_start3A_103] : memref<10000x128xf32, #tpu.memory_space<hbm>> -> memref<10000x128xf32, #tpu.memory_space<hbm>>
      tpu.enqueue_indirect_dma source(%dma_start3A_104 : memref<10000x128xf32, #tpu.memory_space<hbm>>) target(%arg11 : memref<125x128xf32, #tpu.memory_space<vmem>>) offsets(%dma_start3A_101 : memref<125xi32, #tpu.memory_space<vmem>>) semaphore(%arg13 : memref<!tpu.dma_semaphore, #tpu.memory_space<semaphore_mem>>)
      %dma_start3A_105 = arith.constant 1 : i32
      %dma_start3A_106 = arith.constant 0 : i32
      %dma_start3A_107 = tpu.memref_slice %arg9[%dma_start3A_105, %dma_start3A_106] : memref<40x125xi32, #tpu.memory_space<vmem>> -> memref<1x125xi32, #tpu.memory_space<vmem>>
      %dma_start3A_108 = tpu.memref_squeeze %dma_start3A_107 : memref<1x125xi32, #tpu.memory_space<vmem>> -> memref<125xi32, #tpu.memory_space<vmem>>
      %dma_start3A_109 = arith.constant 0 : i32
      %dma_start3A_110 = arith.constant 0 : i32
      %dma_start3A_111 = tpu.memref_slice %arg3[%dma_start3A_109, %dma_start3A_110] : memref<10000x128xf32, #tpu.memory_space<hbm>> -> memref<10000x128xf32, #tpu.memory_space<hbm>>
      tpu.enqueue_indirect_dma source(%dma_start3A_111 : memref<10000x128xf32, #tpu.memory_space<hbm>>) target(%arg12 : memref<125x128xf32, #tpu.memory_space<vmem>>) offsets(%dma_start3A_108 : memref<125xi32, #tpu.memory_space<vmem>>) semaphore(%arg14 : memref<!tpu.dma_semaphore, #tpu.memory_space<semaphore_mem>>)
      %scan3A_112 = arith.constant 0 : i32
      %scan3A_113 = arith.constant 0 : i32
      %scan3A_114 = arith.constant 20 : i32
      %scan3A_115 = arith.addi %scan3A_113, %scan3A_114 : i32
      %scan3A_116 = arith.constant 1 : i32
      %scan3A_117 = scf.for %scan3A_124 = %scan3A_113 to %scan3A_115 step %scan3A_116 iter_args(%scan3A_125 = %scan3A_112) -> (i32)  : i32 {
        %mul3A_126 = arith.constant 2 : i32
        %mul3A_127 = arith.muli %scan3A_124, %mul3A_126 : i32
        %dma_wait3A = arith.constant 0 : i32
        %dma_wait3A_128 = tpu.memref_slice %arg9[%mul3A_127, %dma_wait3A] : memref<40x125xi32, #tpu.memory_space<vmem>> -> memref<1x125xi32, #tpu.memory_space<vmem>>
        %dma_wait3A_129 = tpu.memref_squeeze %dma_wait3A_128 : memref<1x125xi32, #tpu.memory_space<vmem>> -> memref<125xi32, #tpu.memory_space<vmem>>
        %dma_wait3A_130 = arith.constant 0 : i32
        %dma_wait3A_131 = arith.constant 0 : i32
        %dma_wait3A_132 = tpu.memref_slice %arg3[%dma_wait3A_130, %dma_wait3A_131] : memref<10000x128xf32, #tpu.memory_space<hbm>> -> memref<10000x128xf32, #tpu.memory_space<hbm>>
        tpu.wait_indirect_dma semaphore(%arg13 : memref<!tpu.dma_semaphore, #tpu.memory_space<semaphore_mem>>) src(%dma_wait3A_132 : memref<10000x128xf32, #tpu.memory_space<hbm>>) dst(%arg11 : memref<125x128xf32, #tpu.memory_space<vmem>>)
        "tpu.region"() ({
          %run_scoped3A_157 = tpu.sem_alloc : memref<!tpu.dma_semaphore, #tpu.memory_space<semaphore_mem>>
          %dma_start3A_158 = arith.constant 0 : i32
          %dma_start3A_159 = tpu.memref_slice %arg10[%mul3A_127, %dma_start3A_158] : memref<40x125xi32, #tpu.memory_space<vmem>> -> memref<1x125xi32, #tpu.memory_space<vmem>>
          %dma_start3A_160 = tpu.memref_squeeze %dma_start3A_159 : memref<1x125xi32, #tpu.memory_space<vmem>> -> memref<125xi32, #tpu.memory_space<vmem>>
          %dma_start3A_161 = arith.constant 0 : i32
          %dma_start3A_162 = arith.constant 0 : i32
          %dma_start3A_163 = tpu.memref_slice %arg8[%dma_start3A_161, %dma_start3A_162] : memref<10240x128xf32, #tpu.memory_space<vmem_shared>> -> memref<10240x128xf32, #tpu.memory_space<vmem_shared>>
          tpu.enqueue_indirect_dma source(%arg11 : memref<125x128xf32, #tpu.memory_space<vmem>>) target(%dma_start3A_163 : memref<10240x128xf32, #tpu.memory_space<vmem_shared>>) offsets(%dma_start3A_160 : memref<125xi32, #tpu.memory_space<vmem>>) semaphore(%run_scoped3A_157 : memref<!tpu.dma_semaphore, #tpu.memory_space<semaphore_mem>>) {add = true}
          %dma_wait3A_164 = arith.constant 0 : i32
          %dma_wait3A_165 = tpu.memref_slice %arg10[%mul3A_127, %dma_wait3A_164] : memref<40x125xi32, #tpu.memory_space<vmem>> -> memref<1x125xi32, #tpu.memory_space<vmem>>
          %dma_wait3A_166 = tpu.memref_squeeze %dma_wait3A_165 : memref<1x125xi32, #tpu.memory_space<vmem>> -> memref<125xi32, #tpu.memory_space<vmem>>
          %dma_wait3A_167 = arith.constant 0 : i32
          %dma_wait3A_168 = arith.constant 0 : i32
          %dma_wait3A_169 = tpu.memref_slice %arg8[%dma_wait3A_167, %dma_wait3A_168] : memref<10240x128xf32, #tpu.memory_space<vmem_shared>> -> memref<10240x128xf32, #tpu.memory_space<vmem_shared>>
          tpu.wait_indirect_dma semaphore(%run_scoped3A_157 : memref<!tpu.dma_semaphore, #tpu.memory_space<semaphore_mem>>) src(%arg11 : memref<125x128xf32, #tpu.memory_space<vmem>>) dst(%dma_wait3A_169 : memref<10240x128xf32, #tpu.memory_space<vmem_shared>>)
          tpu.yield
        }) : () -> ()
        %add3A_133 = arith.constant 2 : i32
        %add3A_134 = arith.addi %mul3A_127, %add3A_133 : i32
        %lt3A = arith.constant 40 : i32
        %lt3A_135 = arith.cmpi slt, %add3A_134, %lt3A : i32
        %convert_element_type3A_136 = arith.extui %lt3A_135 : i1 to i32
        %cond3A_137 = arith.constant 0 : i32
        %cond3A_138 = arith.cmpi ne, %convert_element_type3A_136, %cond3A_137 : i32
        scf.if %cond3A_138 {
          %add3A_157 = arith.constant 2 : i32
          %add3A_158 = arith.addi %mul3A_127, %add3A_157 : i32
          %dma_start3A_159 = arith.constant 0 : i32
          %dma_start3A_160 = tpu.memref_slice %arg9[%add3A_158, %dma_start3A_159] : memref<40x125xi32, #tpu.memory_space<vmem>> -> memref<1x125xi32, #tpu.memory_space<vmem>>
          %dma_start3A_161 = tpu.memref_squeeze %dma_start3A_160 : memref<1x125xi32, #tpu.memory_space<vmem>> -> memref<125xi32, #tpu.memory_space<vmem>>
          %dma_start3A_162 = arith.constant 0 : i32
          %dma_start3A_163 = arith.constant 0 : i32
          %dma_start3A_164 = tpu.memref_slice %arg3[%dma_start3A_162, %dma_start3A_163] : memref<10000x128xf32, #tpu.memory_space<hbm>> -> memref<10000x128xf32, #tpu.memory_space<hbm>>
          tpu.enqueue_indirect_dma source(%dma_start3A_164 : memref<10000x128xf32, #tpu.memory_space<hbm>>) target(%arg11 : memref<125x128xf32, #tpu.memory_space<vmem>>) offsets(%dma_start3A_161 : memref<125xi32, #tpu.memory_space<vmem>>) semaphore(%arg13 : memref<!tpu.dma_semaphore, #tpu.memory_space<semaphore_mem>>)
        } else {
        }
        %add3A_139 = arith.constant 1 : i32
        %add3A_140 = arith.addi %mul3A_127, %add3A_139 : i32
        %dma_wait3A_141 = arith.constant 0 : i32
        %dma_wait3A_142 = tpu.memref_slice %arg9[%add3A_140, %dma_wait3A_141] : memref<40x125xi32, #tpu.memory_space<vmem>> -> memref<1x125xi32, #tpu.memory_space<vmem>>
        %dma_wait3A_143 = tpu.memref_squeeze %dma_wait3A_142 : memref<1x125xi32, #tpu.memory_space<vmem>> -> memref<125xi32, #tpu.memory_space<vmem>>
        %dma_wait3A_144 = arith.constant 0 : i32
        %dma_wait3A_145 = arith.constant 0 : i32
        %dma_wait3A_146 = tpu.memref_slice %arg3[%dma_wait3A_144, %dma_wait3A_145] : memref<10000x128xf32, #tpu.memory_space<hbm>> -> memref<10000x128xf32, #tpu.memory_space<hbm>>
        tpu.wait_indirect_dma semaphore(%arg14 : memref<!tpu.dma_semaphore, #tpu.memory_space<semaphore_mem>>) src(%dma_wait3A_146 : memref<10000x128xf32, #tpu.memory_space<hbm>>) dst(%arg12 : memref<125x128xf32, #tpu.memory_space<vmem>>)
        %add3A_147 = arith.constant 1 : i32
        %add3A_148 = arith.addi %mul3A_127, %add3A_147 : i32
        "tpu.region"() ({
          %run_scoped3A_157 = tpu.sem_alloc : memref<!tpu.dma_semaphore, #tpu.memory_space<semaphore_mem>>
          %dma_start3A_158 = arith.constant 0 : i32
          %dma_start3A_159 = tpu.memref_slice %arg10[%add3A_148, %dma_start3A_158] : memref<40x125xi32, #tpu.memory_space<vmem>> -> memref<1x125xi32, #tpu.memory_space<vmem>>
          %dma_start3A_160 = tpu.memref_squeeze %dma_start3A_159 : memref<1x125xi32, #tpu.memory_space<vmem>> -> memref<125xi32, #tpu.memory_space<vmem>>
          %dma_start3A_161 = arith.constant 0 : i32
          %dma_start3A_162 = arith.constant 0 : i32
          %dma_start3A_163 = tpu.memref_slice %arg8[%dma_start3A_161, %dma_start3A_162] : memref<10240x128xf32, #tpu.memory_space<vmem_shared>> -> memref<10240x128xf32, #tpu.memory_space<vmem_shared>>
          tpu.enqueue_indirect_dma source(%arg12 : memref<125x128xf32, #tpu.memory_space<vmem>>) target(%dma_start3A_163 : memref<10240x128xf32, #tpu.memory_space<vmem_shared>>) offsets(%dma_start3A_160 : memref<125xi32, #tpu.memory_space<vmem>>) semaphore(%run_scoped3A_157 : memref<!tpu.dma_semaphore, #tpu.memory_space<semaphore_mem>>) {add = true}
          %dma_wait3A_164 = arith.constant 0 : i32
          %dma_wait3A_165 = tpu.memref_slice %arg10[%add3A_148, %dma_wait3A_164] : memref<40x125xi32, #tpu.memory_space<vmem>> -> memref<1x125xi32, #tpu.memory_space<vmem>>
          %dma_wait3A_166 = tpu.memref_squeeze %dma_wait3A_165 : memref<1x125xi32, #tpu.memory_space<vmem>> -> memref<125xi32, #tpu.memory_space<vmem>>
          %dma_wait3A_167 = arith.constant 0 : i32
          %dma_wait3A_168 = arith.constant 0 : i32
          %dma_wait3A_169 = tpu.memref_slice %arg8[%dma_wait3A_167, %dma_wait3A_168] : memref<10240x128xf32, #tpu.memory_space<vmem_shared>> -> memref<10240x128xf32, #tpu.memory_space<vmem_shared>>
          tpu.wait_indirect_dma semaphore(%run_scoped3A_157 : memref<!tpu.dma_semaphore, #tpu.memory_space<semaphore_mem>>) src(%arg12 : memref<125x128xf32, #tpu.memory_space<vmem>>) dst(%dma_wait3A_169 : memref<10240x128xf32, #tpu.memory_space<vmem_shared>>)
          tpu.yield
        }) : () -> ()
        %add3A_149 = arith.constant 3 : i32
        %add3A_150 = arith.addi %mul3A_127, %add3A_149 : i32
        %lt3A_151 = arith.constant 40 : i32
        %lt3A_152 = arith.cmpi slt, %add3A_150, %lt3A_151 : i32
        %convert_element_type3A_153 = arith.extui %lt3A_152 : i1 to i32
        %cond3A_154 = arith.constant 0 : i32
        %cond3A_155 = arith.cmpi ne, %convert_element_type3A_153, %cond3A_154 : i32
        scf.if %cond3A_155 {
          %add3A_157 = arith.constant 3 : i32
          %add3A_158 = arith.addi %mul3A_127, %add3A_157 : i32
          %dma_start3A_159 = arith.constant 0 : i32
          %dma_start3A_160 = tpu.memref_slice %arg9[%add3A_158, %dma_start3A_159] : memref<40x125xi32, #tpu.memory_space<vmem>> -> memref<1x125xi32, #tpu.memory_space<vmem>>
          %dma_start3A_161 = tpu.memref_squeeze %dma_start3A_160 : memref<1x125xi32, #tpu.memory_space<vmem>> -> memref<125xi32, #tpu.memory_space<vmem>>
          %dma_start3A_162 = arith.constant 0 : i32
          %dma_start3A_163 = arith.constant 0 : i32
          %dma_start3A_164 = tpu.memref_slice %arg3[%dma_start3A_162, %dma_start3A_163] : memref<10000x128xf32, #tpu.memory_space<hbm>> -> memref<10000x128xf32, #tpu.memory_space<hbm>>
          tpu.enqueue_indirect_dma source(%dma_start3A_164 : memref<10000x128xf32, #tpu.memory_space<hbm>>) target(%arg12 : memref<125x128xf32, #tpu.memory_space<vmem>>) offsets(%dma_start3A_161 : memref<125xi32, #tpu.memory_space<vmem>>) semaphore(%arg14 : memref<!tpu.dma_semaphore, #tpu.memory_space<semaphore_mem>>)
        } else {
        }
        %scan3A_156 = arith.constant 0 : i32
        scf.yield %scan3A_156 : i32
      }
      %scan3A_118 = arith.constant 20 : i32
      %barrier3A_119 = arith.constant 0 : index
      tpu.barrier barrier_id(%barrier3A_119)
      %mul3A_120 = arith.constant 640 : i32
      %mul3A_121 = arith.muli %arg1, %mul3A_120 : i32
      %mul3A_122 = arith.constant 640 : i32
      %mul3A_123 = arith.muli %arg1, %mul3A_122 : i32
      "tpu.region"() ({
        %run_scoped3A_124 = tpu.sem_alloc : memref<!tpu.dma_semaphore, #tpu.memory_space<semaphore_mem>>
        %dma_start3A_125 = arith.constant 0 : i32
        %dma_start3A_126 = tpu.memref_slice %arg7[%mul3A_123, %dma_start3A_125] : memref<10240x128xf32, #tpu.memory_space<hbm>> -> memref<640x128xf32, #tpu.memory_space<hbm>>
        %dma_start3A_127 = arith.constant 0 : i32
        %dma_start3A_128 = tpu.memref_slice %arg8[%mul3A_121, %dma_start3A_127] : memref<10240x128xf32, #tpu.memory_space<vmem_shared>> -> memref<640x128xf32, #tpu.memory_space<vmem_shared>>
        tpu.enqueue_dma source(%dma_start3A_128 : memref<640x128xf32, #tpu.memory_space<vmem_shared>>) target(%dma_start3A_126 : memref<640x128xf32, #tpu.memory_space<hbm>>) target_semaphore(%run_scoped3A_124 : memref<!tpu.dma_semaphore, #tpu.memory_space<semaphore_mem>>)
        %dma_wait3A = arith.constant 0 : i32
        %dma_wait3A_129 = tpu.memref_slice %arg7[%mul3A_123, %dma_wait3A] : memref<10240x128xf32, #tpu.memory_space<hbm>> -> memref<640x128xf32, #tpu.memory_space<hbm>>
        %dma_wait3A_130 = arith.constant 0 : i32
        %dma_wait3A_131 = tpu.memref_slice %arg8[%mul3A_121, %dma_wait3A_130] : memref<10240x128xf32, #tpu.memory_space<vmem_shared>> -> memref<640x128xf32, #tpu.memory_space<vmem_shared>>
        tpu.wait_dma2 semaphore(%run_scoped3A_124 : memref<!tpu.dma_semaphore, #tpu.memory_space<semaphore_mem>>) src(%dma_wait3A_131 : memref<640x128xf32, #tpu.memory_space<vmem_shared>>) dst(%dma_wait3A_129 : memref<640x128xf32, #tpu.memory_space<hbm>>)
        tpu.yield
      }) : () -> ()
    } else {
    }
    return
  }
}

module attributes {stable_mosaic.version = 14 : i64} {
  func.func @_mm1_body(%arg0: i32, %arg1: memref<2000x256xf32, #tpu.memory_space<vmem>>, %arg2: memref<256x256xf32, #tpu.memory_space<vmem>>, %arg3: memref<2000x1xf32, #tpu.memory_space<vmem>>, %arg4: memref<2000x1xf32, #tpu.memory_space<vmem>>, %arg5: memref<2000x128xf32, #tpu.memory_space<vmem>>, %arg6: memref<2000x128xf32, #tpu.memory_space<vmem>>, %arg7: memref<2000x1xf32, #tpu.memory_space<vmem>>) attributes {dimension_semantics = [#tpu.dimension_semantics<arbitrary>], iteration_bounds = array<i64: 5>, scalar_prefetch = 0 : i64, scratch_operands = 0 : i64, tpu.core_type = #tpu.core_type<tc>, window_params = [{transform_indices = @transform_0, window_bounds = array<i64: 2000, 256>}, {pipeline_mode = #tpu.pipeline_mode<synchronous>, transform_indices = @transform_1, window_bounds = array<i64: 256, 256>}, {transform_indices = @transform_2, window_bounds = array<i64: 2000, 1>}, {transform_indices = @transform_3, window_bounds = array<i64: 2000, 1>}, {transform_indices = @transform_4, window_bounds = array<i64: 2000, 128>}, {transform_indices = @transform_5, window_bounds = array<i64: 2000, 128>}, {transform_indices = @transform_6, window_bounds = array<i64: 2000, 1>}]} {
    %get3A = arith.constant 0 : index
    %get3A_0 = arith.constant 0 : index
    %get3A_1 = vector.load %arg3[%get3A, %get3A_0] : memref<2000x1xf32, #tpu.memory_space<vmem>>, vector<2000x1xf32>
    %get3A_2 = arith.constant 0 : index
    %get3A_3 = arith.constant 0 : index
    %get3A_4 = vector.load %arg4[%get3A_2, %get3A_3] : memref<2000x1xf32, #tpu.memory_space<vmem>>, vector<2000x1xf32>
    %add3A = arith.addf %get3A_1, %get3A_4 : vector<2000x1xf32>
    %swap3A = arith.constant 0 : index
    %swap3A_5 = arith.constant 0 : index
    %swap3A_6 = vector.load %arg7[%swap3A, %swap3A_5] : memref<2000x1xf32, #tpu.memory_space<vmem>>, vector<2000x1xf32>
    tpu.vector_store %arg7[%swap3A, %swap3A_5], %add3A {strides = array<i32>} : memref<2000x1xf32, #tpu.memory_space<vmem>>, vector<2000x1xf32>,
    %add3A_7 = arith.constant 1.000000e+00 : f32
    %add3A_8 = vector.broadcast %add3A_7 : f32 to vector<2000x1xf32>
    %add3A_9 = arith.addf %add3A, %add3A_8 : vector<2000x1xf32>
    %rsqrt3A = math.rsqrt %add3A_9 : vector<2000x1xf32>
    %get3A_10 = arith.constant 0 : index
    %get3A_11 = arith.constant 0 : index
    %get3A_12 = vector.load %arg1[%get3A_10, %get3A_11] : memref<2000x256xf32, #tpu.memory_space<vmem>>, vector<2000x256xf32>
    %get3A_13 = arith.constant 0 : index
    %get3A_14 = arith.constant 0 : index
    %get3A_15 = vector.load %arg2[%get3A_13, %get3A_14] : memref<256x256xf32, #tpu.memory_space<vmem>>, vector<256x256xf32>
    %dot_general3A = arith.constant dense<0.000000e+00> : vector<2000x256xf32>
    %dot_general3A_16 = tpu.matmul %get3A_12, %get3A_15, %dot_general3A {dimension_numbers = #tpu.dot_dimension_numbers<[1], [0], [0], [1], [0, 0, 1, 1], [], []>, transpose_lhs_hint = false} : vector<2000x256xf32>, vector<256x256xf32>, vector<2000x256xf32> -> vector<2000x256xf32>
    %mul3A = vector.broadcast %rsqrt3A : vector<2000x1xf32> to vector<2000x256xf32>
    %mul3A_17 = arith.mulf %dot_general3A_16, %mul3A : vector<2000x256xf32>
    %slice3A = vector.extract_strided_slice %mul3A_17 {offsets = [0, 0], sizes = [2000, 128], strides = [1, 1]} : vector<2000x256xf32> to vector<2000x128xf32>
    %swap3A_18 = arith.constant 0 : index
    %swap3A_19 = arith.constant 0 : index
    %swap3A_20 = vector.load %arg5[%swap3A_18, %swap3A_19] : memref<2000x128xf32, #tpu.memory_space<vmem>>, vector<2000x128xf32>
    tpu.vector_store %arg5[%swap3A_18, %swap3A_19], %slice3A {strides = array<i32>} : memref<2000x128xf32, #tpu.memory_space<vmem>>, vector<2000x128xf32>,
    %slice3A_21 = vector.extract_strided_slice %mul3A_17 {offsets = [0, 128], sizes = [2000, 128], strides = [1, 1]} : vector<2000x256xf32> to vector<2000x128xf32>
    %swap3A_22 = arith.constant 0 : index
    %swap3A_23 = arith.constant 0 : index
    %swap3A_24 = vector.load %arg6[%swap3A_22, %swap3A_23] : memref<2000x128xf32, #tpu.memory_space<vmem>>, vector<2000x128xf32>
    tpu.vector_store %arg6[%swap3A_22, %swap3A_23], %slice3A_21 {strides = array<i32>} : memref<2000x128xf32, #tpu.memory_space<vmem>>, vector<2000x128xf32>,
    return
  }
  func.func @transform_0(%arg0: i32) -> (i32, i32) {
    %c0_i32 = arith.constant 0 : i32
    %c0_i32_0 = arith.constant 0 : i32
    return %arg0, %c0_i32 : i32, i32
  }
  func.func @transform_1(%arg0: i32) -> (i32, i32) {
    %c0_i32 = arith.constant 0 : i32
    %c0_i32_0 = arith.constant 0 : i32
    %c0_i32_1 = arith.constant 0 : i32
    return %c0_i32, %c0_i32_0 : i32, i32
  }
  func.func @transform_2(%arg0: i32) -> (i32, i32) {
    %c0_i32 = arith.constant 0 : i32
    %c0_i32_0 = arith.constant 0 : i32
    return %arg0, %c0_i32 : i32, i32
  }
  func.func @transform_3(%arg0: i32) -> (i32, i32) {
    %c0_i32 = arith.constant 0 : i32
    %c0_i32_0 = arith.constant 0 : i32
    return %arg0, %c0_i32 : i32, i32
  }
  func.func @transform_4(%arg0: i32) -> (i32, i32) {
    %c0_i32 = arith.constant 0 : i32
    %c0_i32_0 = arith.constant 0 : i32
    return %arg0, %c0_i32 : i32, i32
  }
  func.func @transform_5(%arg0: i32) -> (i32, i32) {
    %c0_i32 = arith.constant 0 : i32
    %c0_i32_0 = arith.constant 0 : i32
    return %arg0, %c0_i32 : i32, i32
  }
  func.func @transform_6(%arg0: i32) -> (i32, i32) {
    %c0_i32 = arith.constant 0 : i32
    %c0_i32_0 = arith.constant 0 : i32
    return %arg0, %c0_i32 : i32, i32
  }
}

module attributes {stable_mosaic.version = 14 : i64} {
  func.func @_mm2_body(%arg0: i32, %arg1: memref<2000x128xf32, #tpu.memory_space<vmem>>, %arg2: memref<2000x128xf32, #tpu.memory_space<vmem>>, %arg3: memref<2000x128xf32, #tpu.memory_space<vmem>>, %arg4: memref<2000x128xf32, #tpu.memory_space<vmem>>, %arg5: memref<2000x1xf32, #tpu.memory_space<vmem>>, %arg6: memref<1x256xf32, #tpu.memory_space<vmem>>, %arg7: memref<256x256xf32, #tpu.memory_space<vmem>>, %arg8: memref<2000x128xf32, #tpu.memory_space<vmem>>, %arg9: memref<2000x128xf32, #tpu.memory_space<vmem>>) attributes {dimension_semantics = [#tpu.dimension_semantics<arbitrary>], iteration_bounds = array<i64: 5>, scalar_prefetch = 0 : i64, scratch_operands = 0 : i64, tpu.core_type = #tpu.core_type<tc>, window_params = [{transform_indices = @transform_0, window_bounds = array<i64: 2000, 128>}, {transform_indices = @transform_1, window_bounds = array<i64: 2000, 128>}, {transform_indices = @transform_2, window_bounds = array<i64: 2000, 128>}, {transform_indices = @transform_3, window_bounds = array<i64: 2000, 128>}, {transform_indices = @transform_4, window_bounds = array<i64: 2000, 1>}, {pipeline_mode = #tpu.pipeline_mode<synchronous>, transform_indices = @transform_5, window_bounds = array<i64: 1, 256>}, {pipeline_mode = #tpu.pipeline_mode<synchronous>, transform_indices = @transform_6, window_bounds = array<i64: 256, 256>}, {transform_indices = @transform_7, window_bounds = array<i64: 2000, 128>}, {transform_indices = @transform_8, window_bounds = array<i64: 2000, 128>}]} {
    %get3A = arith.constant 0 : index
    %get3A_0 = arith.constant 0 : index
    %get3A_1 = vector.load %arg5[%get3A, %get3A_0] : memref<2000x1xf32, #tpu.memory_space<vmem>>, vector<2000x1xf32>
    %add3A = arith.constant 1.000000e+00 : f32
    %add3A_2 = vector.broadcast %add3A : f32 to vector<2000x1xf32>
    %add3A_3 = arith.addf %get3A_1, %add3A_2 : vector<2000x1xf32>
    %rsqrt3A = math.rsqrt %add3A_3 : vector<2000x1xf32>
    %get3A_4 = arith.constant 0 : index
    %get3A_5 = arith.constant 0 : index
    %get3A_6 = vector.load %arg1[%get3A_4, %get3A_5] : memref<2000x128xf32, #tpu.memory_space<vmem>>, vector<2000x128xf32>
    %get3A_7 = arith.constant 0 : index
    %get3A_8 = arith.constant 0 : index
    %get3A_9 = vector.load %arg3[%get3A_7, %get3A_8] : memref<2000x128xf32, #tpu.memory_space<vmem>>, vector<2000x128xf32>
    %add3A_10 = arith.addf %get3A_6, %get3A_9 : vector<2000x128xf32>
    %mul3A = vector.broadcast %rsqrt3A : vector<2000x1xf32> to vector<2000x128xf32>
    %mul3A_11 = arith.mulf %mul3A, %add3A_10 : vector<2000x128xf32>
    %get3A_12 = arith.constant 0 : index
    %get3A_13 = arith.constant 0 : index
    %get3A_14 = vector.load %arg6[%get3A_12, %get3A_13] : memref<1x256xf32, #tpu.memory_space<vmem>>, vector<1x128xf32>
    %add3A_15 = vector.broadcast %get3A_14 : vector<1x128xf32> to vector<2000x128xf32>
    %add3A_16 = arith.addf %mul3A_11, %add3A_15 : vector<2000x128xf32>
    %get3A_17 = arith.constant 0 : index
    %get3A_18 = arith.constant 0 : index
    %get3A_19 = vector.load %arg2[%get3A_17, %get3A_18] : memref<2000x128xf32, #tpu.memory_space<vmem>>, vector<2000x128xf32>
    %get3A_20 = arith.constant 0 : index
    %get3A_21 = arith.constant 0 : index
    %get3A_22 = vector.load %arg4[%get3A_20, %get3A_21] : memref<2000x128xf32, #tpu.memory_space<vmem>>, vector<2000x128xf32>
    %add3A_23 = arith.addf %get3A_19, %get3A_22 : vector<2000x128xf32>
    %mul3A_24 = vector.broadcast %rsqrt3A : vector<2000x1xf32> to vector<2000x128xf32>
    %mul3A_25 = arith.mulf %mul3A_24, %add3A_23 : vector<2000x128xf32>
    %get3A_26 = arith.constant 0 : index
    %get3A_27 = arith.constant 128 : index
    %get3A_28 = vector.load %arg6[%get3A_26, %get3A_27] : memref<1x256xf32, #tpu.memory_space<vmem>>, vector<1x128xf32>
    %add3A_29 = vector.broadcast %get3A_28 : vector<1x128xf32> to vector<2000x128xf32>
    %add3A_30 = arith.addf %mul3A_25, %add3A_29 : vector<2000x128xf32>
    %concatenate3A = tpu.concatenate %add3A_16, %add3A_30 in 1 : vector<2000x128xf32>, vector<2000x128xf32> -> vector<2000x256xf32>
    %max3A = arith.constant 0.000000e+00 : f32
    %max3A_31 = vector.broadcast %max3A : f32 to vector<2000x256xf32>
    %max3A_32 = arith.maximumf %concatenate3A, %max3A_31 : vector<2000x256xf32>
    %get3A_33 = arith.constant 0 : index
    %get3A_34 = arith.constant 0 : index
    %get3A_35 = vector.load %arg7[%get3A_33, %get3A_34] : memref<256x256xf32, #tpu.memory_space<vmem>>, vector<256x256xf32>
    %dot_general3A = arith.constant dense<0.000000e+00> : vector<2000x256xf32>
    %dot_general3A_36 = tpu.matmul %max3A_32, %get3A_35, %dot_general3A {dimension_numbers = #tpu.dot_dimension_numbers<[1], [0], [0], [1], [0, 0, 1, 1], [], []>, transpose_lhs_hint = false} : vector<2000x256xf32>, vector<256x256xf32>, vector<2000x256xf32> -> vector<2000x256xf32>
    %mul3A_37 = vector.broadcast %rsqrt3A : vector<2000x1xf32> to vector<2000x256xf32>
    %mul3A_38 = arith.mulf %dot_general3A_36, %mul3A_37 : vector<2000x256xf32>
    %slice3A = vector.extract_strided_slice %mul3A_38 {offsets = [0, 0], sizes = [2000, 128], strides = [1, 1]} : vector<2000x256xf32> to vector<2000x128xf32>
    %swap3A = arith.constant 0 : index
    %swap3A_39 = arith.constant 0 : index
    %swap3A_40 = vector.load %arg8[%swap3A, %swap3A_39] : memref<2000x128xf32, #tpu.memory_space<vmem>>, vector<2000x128xf32>
    tpu.vector_store %arg8[%swap3A, %swap3A_39], %slice3A {strides = array<i32>} : memref<2000x128xf32, #tpu.memory_space<vmem>>, vector<2000x128xf32>,
    %slice3A_41 = vector.extract_strided_slice %mul3A_38 {offsets = [0, 128], sizes = [2000, 128], strides = [1, 1]} : vector<2000x256xf32> to vector<2000x128xf32>
    %swap3A_42 = arith.constant 0 : index
    %swap3A_43 = arith.constant 0 : index
    %swap3A_44 = vector.load %arg9[%swap3A_42, %swap3A_43] : memref<2000x128xf32, #tpu.memory_space<vmem>>, vector<2000x128xf32>
    tpu.vector_store %arg9[%swap3A_42, %swap3A_43], %slice3A_41 {strides = array<i32>} : memref<2000x128xf32, #tpu.memory_space<vmem>>, vector<2000x128xf32>,
    return
  }
  func.func @transform_0(%arg0: i32) -> (i32, i32) {
    %c0_i32 = arith.constant 0 : i32
    %c0_i32_0 = arith.constant 0 : i32
    return %arg0, %c0_i32 : i32, i32
  }
  func.func @transform_1(%arg0: i32) -> (i32, i32) {
    %c0_i32 = arith.constant 0 : i32
    %c0_i32_0 = arith.constant 0 : i32
    return %arg0, %c0_i32 : i32, i32
  }
  func.func @transform_2(%arg0: i32) -> (i32, i32) {
    %c0_i32 = arith.constant 0 : i32
    %c0_i32_0 = arith.constant 0 : i32
    return %arg0, %c0_i32 : i32, i32
  }
  func.func @transform_3(%arg0: i32) -> (i32, i32) {
    %c0_i32 = arith.constant 0 : i32
    %c0_i32_0 = arith.constant 0 : i32
    return %arg0, %c0_i32 : i32, i32
  }
  func.func @transform_4(%arg0: i32) -> (i32, i32) {
    %c0_i32 = arith.constant 0 : i32
    %c0_i32_0 = arith.constant 0 : i32
    return %arg0, %c0_i32 : i32, i32
  }
  func.func @transform_5(%arg0: i32) -> (i32, i32) {
    %c0_i32 = arith.constant 0 : i32
    %c0_i32_0 = arith.constant 0 : i32
    %c0_i32_1 = arith.constant 0 : i32
    return %c0_i32, %c0_i32_0 : i32, i32
  }
  func.func @transform_6(%arg0: i32) -> (i32, i32) {
    %c0_i32 = arith.constant 0 : i32
    %c0_i32_0 = arith.constant 0 : i32
    %c0_i32_1 = arith.constant 0 : i32
    return %c0_i32, %c0_i32_0 : i32, i32
  }
  func.func @transform_7(%arg0: i32) -> (i32, i32) {
    %c0_i32 = arith.constant 0 : i32
    %c0_i32_0 = arith.constant 0 : i32
    return %arg0, %c0_i32 : i32, i32
  }
  func.func @transform_8(%arg0: i32) -> (i32, i32) {
    %c0_i32 = arith.constant 0 : i32
    %c0_i32_0 = arith.constant 0 : i32
    return %arg0, %c0_i32 : i32, i32
  }
}

module attributes {stable_mosaic.version = 14 : i64} {
  func.func @_pool_body(%arg0: i32, %arg1: memref<2000x128xf32, #tpu.memory_space<vmem>>, %arg2: memref<2000x128xf32, #tpu.memory_space<vmem>>, %arg3: memref<2000x128xf32, #tpu.memory_space<vmem>>, %arg4: memref<2000x128xf32, #tpu.memory_space<vmem>>, %arg5: memref<2000x1xf32, #tpu.memory_space<vmem>>, %arg6: memref<1x256xf32, #tpu.memory_space<vmem>>, %arg7: memref<2000x1xi32, #tpu.memory_space<vmem>>, %arg8: memref<256x128xf32, #tpu.memory_space<vmem>>, %arg9: memref<1x128xf32, #tpu.memory_space<vmem>>, %arg10: memref<128x128xf32, #tpu.memory_space<vmem>>, %arg11: memref<128x256xf32, #tpu.memory_space<vmem>>, %arg12: memref<128x1xf32, #tpu.memory_space<vmem>>) attributes {dimension_semantics = [#tpu.dimension_semantics<arbitrary>], iteration_bounds = array<i64: 5>, scalar_prefetch = 0 : i64, scratch_operands = 2 : i64, tpu.core_type = #tpu.core_type<tc>, window_params = [{transform_indices = @transform_0, window_bounds = array<i64: 2000, 128>}, {transform_indices = @transform_1, window_bounds = array<i64: 2000, 128>}, {transform_indices = @transform_2, window_bounds = array<i64: 2000, 128>}, {transform_indices = @transform_3, window_bounds = array<i64: 2000, 128>}, {transform_indices = @transform_4, window_bounds = array<i64: 2000, 1>}, {pipeline_mode = #tpu.pipeline_mode<synchronous>, transform_indices = @transform_5, window_bounds = array<i64: 1, 256>}, {transform_indices = @transform_6, window_bounds = array<i64: 2000, 1>}, {pipeline_mode = #tpu.pipeline_mode<synchronous>, transform_indices = @transform_7, window_bounds = array<i64: 256, 128>}, {pipeline_mode = #tpu.pipeline_mode<synchronous>, transform_indices = @transform_8, window_bounds = array<i64: 1, 128>}, {pipeline_mode = #tpu.pipeline_mode<synchronous>, transform_indices = @transform_9, window_bounds = array<i64: 128, 128>}]} {
    %eq3A = arith.constant 0 : i32
    %eq3A_0 = arith.cmpi eq, %arg0, %eq3A : i32
    %convert_element_type3A = arith.extui %eq3A_0 : i1 to i32
    %cond3A = arith.constant 0 : i32
    %cond3A_1 = arith.cmpi ne, %convert_element_type3A, %cond3A : i32
    scf.if %cond3A_1 {
      %broadcast_in_dim3A_64 = arith.constant 0.000000e+00 : f32
      %broadcast_in_dim3A_65 = vector.broadcast %broadcast_in_dim3A_64 : f32 to vector<128x256xf32>
      %swap3A_66 = arith.constant 0 : index
      %swap3A_67 = arith.constant 0 : index
      %swap3A_68 = vector.load %arg11[%swap3A_66, %swap3A_67] : memref<128x256xf32, #tpu.memory_space<vmem>>, vector<128x256xf32>
      tpu.vector_store %arg11[%swap3A_66, %swap3A_67], %broadcast_in_dim3A_65 {strides = array<i32>} : memref<128x256xf32, #tpu.memory_space<vmem>>, vector<128x256xf32>,
      %broadcast_in_dim3A_69 = arith.constant 0.000000e+00 : f32
      %broadcast_in_dim3A_70 = vector.broadcast %broadcast_in_dim3A_69 : f32 to vector<128x1xf32>
      %swap3A_71 = arith.constant 0 : index
      %swap3A_72 = arith.constant 0 : index
      %swap3A_73 = vector.load %arg12[%swap3A_71, %swap3A_72] : memref<128x1xf32, #tpu.memory_space<vmem>>, vector<128x1xf32>
      tpu.vector_store %arg12[%swap3A_71, %swap3A_72], %broadcast_in_dim3A_70 {strides = array<i32>} : memref<128x1xf32, #tpu.memory_space<vmem>>, vector<128x1xf32>,
    } else {
    }
    %get3A = arith.constant 0 : index
    %get3A_2 = arith.constant 0 : index
    %get3A_3 = vector.load %arg5[%get3A, %get3A_2] : memref<2000x1xf32, #tpu.memory_space<vmem>>, vector<2000x1xf32>
    %add3A = arith.constant 1.000000e+00 : f32
    %add3A_4 = vector.broadcast %add3A : f32 to vector<2000x1xf32>
    %add3A_5 = arith.addf %get3A_3, %add3A_4 : vector<2000x1xf32>
    %rsqrt3A = math.rsqrt %add3A_5 : vector<2000x1xf32>
    %get3A_6 = arith.constant 0 : index
    %get3A_7 = arith.constant 0 : index
    %get3A_8 = vector.load %arg1[%get3A_6, %get3A_7] : memref<2000x128xf32, #tpu.memory_space<vmem>>, vector<2000x128xf32>
    %get3A_9 = arith.constant 0 : index
    %get3A_10 = arith.constant 0 : index
    %get3A_11 = vector.load %arg3[%get3A_9, %get3A_10] : memref<2000x128xf32, #tpu.memory_space<vmem>>, vector<2000x128xf32>
    %add3A_12 = arith.addf %get3A_8, %get3A_11 : vector<2000x128xf32>
    %mul3A = vector.broadcast %rsqrt3A : vector<2000x1xf32> to vector<2000x128xf32>
    %mul3A_13 = arith.mulf %mul3A, %add3A_12 : vector<2000x128xf32>
    %get3A_14 = arith.constant 0 : index
    %get3A_15 = arith.constant 0 : index
    %get3A_16 = vector.load %arg6[%get3A_14, %get3A_15] : memref<1x256xf32, #tpu.memory_space<vmem>>, vector<1x128xf32>
    %add3A_17 = vector.broadcast %get3A_16 : vector<1x128xf32> to vector<2000x128xf32>
    %add3A_18 = arith.addf %mul3A_13, %add3A_17 : vector<2000x128xf32>
    %get3A_19 = arith.constant 0 : index
    %get3A_20 = arith.constant 0 : index
    %get3A_21 = vector.load %arg2[%get3A_19, %get3A_20] : memref<2000x128xf32, #tpu.memory_space<vmem>>, vector<2000x128xf32>
    %get3A_22 = arith.constant 0 : index
    %get3A_23 = arith.constant 0 : index
    %get3A_24 = vector.load %arg4[%get3A_22, %get3A_23] : memref<2000x128xf32, #tpu.memory_space<vmem>>, vector<2000x128xf32>
    %add3A_25 = arith.addf %get3A_21, %get3A_24 : vector<2000x128xf32>
    %mul3A_26 = vector.broadcast %rsqrt3A : vector<2000x1xf32> to vector<2000x128xf32>
    %mul3A_27 = arith.mulf %mul3A_26, %add3A_25 : vector<2000x128xf32>
    %get3A_28 = arith.constant 0 : index
    %get3A_29 = arith.constant 128 : index
    %get3A_30 = vector.load %arg6[%get3A_28, %get3A_29] : memref<1x256xf32, #tpu.memory_space<vmem>>, vector<1x128xf32>
    %add3A_31 = vector.broadcast %get3A_30 : vector<1x128xf32> to vector<2000x128xf32>
    %add3A_32 = arith.addf %mul3A_27, %add3A_31 : vector<2000x128xf32>
    %concatenate3A = tpu.concatenate %add3A_18, %add3A_32 in 1 : vector<2000x128xf32>, vector<2000x128xf32> -> vector<2000x256xf32>
    %max3A = arith.constant 0.000000e+00 : f32
    %max3A_33 = vector.broadcast %max3A : f32 to vector<2000x256xf32>
    %max3A_34 = arith.maximumf %concatenate3A, %max3A_33 : vector<2000x256xf32>
    %get3A_35 = arith.constant 0 : index
    %get3A_36 = arith.constant 0 : index
    %get3A_37 = vector.load %arg7[%get3A_35, %get3A_36] : memref<2000x1xi32, #tpu.memory_space<vmem>>, vector<2000x1xi32>
    %iota3A = tpu.iota {dimensions = array<i32: 1>} : vector<2000x128xi32>
    %eq3A_38 = vector.broadcast %get3A_37 : vector<2000x1xi32> to vector<2000x128xi32>
    %eq3A_39 = arith.cmpi eq, %eq3A_38, %iota3A : vector<2000x128xi32>
    %convert_element_type3A_40 = arith.extui %eq3A_39 : vector<2000x128xi1> to vector<2000x128xi32>
    %convert_element_type3A_41 = arith.sitofp %convert_element_type3A_40 : vector<2000x128xi32> to vector<2000x128xf32>
    %get3A_42 = arith.constant 0 : index
    %get3A_43 = arith.constant 0 : index
    %get3A_44 = vector.load %arg11[%get3A_42, %get3A_43] : memref<128x256xf32, #tpu.memory_space<vmem>>, vector<128x256xf32>
    %dot_general3A = arith.constant dense<0.000000e+00> : vector<128x256xf32>
    %dot_general3A_45 = tpu.matmul %convert_element_type3A_41, %max3A_34, %dot_general3A {dimension_numbers = #tpu.dot_dimension_numbers<[0], [0], [1], [1], [0, 1, 1, 1], [], []>, transpose_lhs_hint = false} : vector<2000x128xf32>, vector<2000x256xf32>, vector<128x256xf32> -> vector<128x256xf32>
    %add3A_46 = arith.addf %get3A_44, %dot_general3A_45 : vector<128x256xf32>
    %swap3A = arith.constant 0 : index
    %swap3A_47 = arith.constant 0 : index
    %swap3A_48 = vector.load %arg11[%swap3A, %swap3A_47] : memref<128x256xf32, #tpu.memory_space<vmem>>, vector<128x256xf32>
    tpu.vector_store %arg11[%swap3A, %swap3A_47], %add3A_46 {strides = array<i32>} : memref<128x256xf32, #tpu.memory_space<vmem>>, vector<128x256xf32>,
    %get3A_49 = arith.constant 0 : index
    %get3A_50 = arith.constant 0 : index
    %get3A_51 = vector.load %arg12[%get3A_49, %get3A_50] : memref<128x1xf32, #tpu.memory_space<vmem>>, vector<128x1xf32>
    %broadcast_in_dim3A = arith.constant 1.000000e+00 : f32
    %broadcast_in_dim3A_52 = vector.broadcast %broadcast_in_dim3A : f32 to vector<2000x1xf32>
    %dot_general3A_53 = arith.constant dense<0.000000e+00> : vector<128x1xf32>
    %dot_general3A_54 = tpu.matmul %convert_element_type3A_41, %broadcast_in_dim3A_52, %dot_general3A_53 {dimension_numbers = #tpu.dot_dimension_numbers<[0], [0], [1], [1], [0, 1, 1, 1], [], []>, transpose_lhs_hint = false} : vector<2000x128xf32>, vector<2000x1xf32>, vector<128x1xf32> -> vector<128x1xf32>
    %add3A_55 = arith.addf %get3A_51, %dot_general3A_54 : vector<128x1xf32>
    %swap3A_56 = arith.constant 0 : index
    %swap3A_57 = arith.constant 0 : index
    %swap3A_58 = vector.load %arg12[%swap3A_56, %swap3A_57] : memref<128x1xf32, #tpu.memory_space<vmem>>, vector<128x1xf32>
    tpu.vector_store %arg12[%swap3A_56, %swap3A_57], %add3A_55 {strides = array<i32>} : memref<128x1xf32, #tpu.memory_space<vmem>>, vector<128x1xf32>,
    %eq3A_59 = arith.constant 4 : i32
    %eq3A_60 = arith.cmpi eq, %arg0, %eq3A_59 : i32
    %convert_element_type3A_61 = arith.extui %eq3A_60 : i1 to i32
    %cond3A_62 = arith.constant 0 : i32
    %cond3A_63 = arith.cmpi ne, %convert_element_type3A_61, %cond3A_62 : i32
    scf.if %cond3A_63 {
      %get3A_64 = arith.constant 0 : index
      %get3A_65 = arith.constant 0 : index
      %get3A_66 = vector.load %arg11[%get3A_64, %get3A_65] : memref<128x256xf32, #tpu.memory_space<vmem>>, vector<128x256xf32>
      %get3A_67 = arith.constant 0 : index
      %get3A_68 = arith.constant 0 : index
      %get3A_69 = vector.load %arg12[%get3A_67, %get3A_68] : memref<128x1xf32, #tpu.memory_space<vmem>>, vector<128x1xf32>
      %max3A_70 = arith.constant 1.000000e+00 : f32
      %max3A_71 = vector.broadcast %max3A_70 : f32 to vector<128x1xf32>
      %max3A_72 = arith.maximumf %get3A_69, %max3A_71 : vector<128x1xf32>
      %div3A = vector.broadcast %max3A_72 : vector<128x1xf32> to vector<128x256xf32>
      %div3A_73 = arith.divf %get3A_66, %div3A : vector<128x256xf32>
      %get3A_74 = arith.constant 0 : index
      %get3A_75 = arith.constant 0 : index
      %get3A_76 = vector.load %arg8[%get3A_74, %get3A_75] : memref<256x128xf32, #tpu.memory_space<vmem>>, vector<256x128xf32>
      %dot_general3A_77 = arith.constant dense<0.000000e+00> : vector<128x128xf32>
      %dot_general3A_78 = tpu.matmul %div3A_73, %get3A_76, %dot_general3A_77 {dimension_numbers = #tpu.dot_dimension_numbers<[1], [0], [0], [1], [0, 0, 1, 1], [], []>, transpose_lhs_hint = false} : vector<128x256xf32>, vector<256x128xf32>, vector<128x128xf32> -> vector<128x128xf32>
      %get3A_79 = arith.constant 0 : index
      %get3A_80 = arith.constant 0 : index
      %get3A_81 = vector.load %arg9[%get3A_79, %get3A_80] : memref<1x128xf32, #tpu.memory_space<vmem>>, vector<1x128xf32>
      %add3A_82 = vector.broadcast %get3A_81 : vector<1x128xf32> to vector<128x128xf32>
      %add3A_83 = arith.addf %dot_general3A_78, %add3A_82 : vector<128x128xf32>
      %swap3A_84 = arith.constant 0 : index
      %swap3A_85 = arith.constant 0 : index
      %swap3A_86 = vector.load %arg10[%swap3A_84, %swap3A_85] : memref<128x128xf32, #tpu.memory_space<vmem>>, vector<128x128xf32>
      tpu.vector_store %arg10[%swap3A_84, %swap3A_85], %add3A_83 {strides = array<i32>} : memref<128x128xf32, #tpu.memory_space<vmem>>, vector<128x128xf32>,
    } else {
    }
    return
  }
  func.func @transform_0(%arg0: i32) -> (i32, i32) {
    %c0_i32 = arith.constant 0 : i32
    %c0_i32_0 = arith.constant 0 : i32
    return %arg0, %c0_i32 : i32, i32
  }
  func.func @transform_1(%arg0: i32) -> (i32, i32) {
    %c0_i32 = arith.constant 0 : i32
    %c0_i32_0 = arith.constant 0 : i32
    return %arg0, %c0_i32 : i32, i32
  }
  func.func @transform_2(%arg0: i32) -> (i32, i32) {
    %c0_i32 = arith.constant 0 : i32
    %c0_i32_0 = arith.constant 0 : i32
    return %arg0, %c0_i32 : i32, i32
  }
  func.func @transform_3(%arg0: i32) -> (i32, i32) {
    %c0_i32 = arith.constant 0 : i32
    %c0_i32_0 = arith.constant 0 : i32
    return %arg0, %c0_i32 : i32, i32
  }
  func.func @transform_4(%arg0: i32) -> (i32, i32) {
    %c0_i32 = arith.constant 0 : i32
    %c0_i32_0 = arith.constant 0 : i32
    return %arg0, %c0_i32 : i32, i32
  }
  func.func @transform_5(%arg0: i32) -> (i32, i32) {
    %c0_i32 = arith.constant 0 : i32
    %c0_i32_0 = arith.constant 0 : i32
    %c0_i32_1 = arith.constant 0 : i32
    return %c0_i32, %c0_i32_0 : i32, i32
  }
  func.func @transform_6(%arg0: i32) -> (i32, i32) {
    %c0_i32 = arith.constant 0 : i32
    %c0_i32_0 = arith.constant 0 : i32
    return %arg0, %c0_i32 : i32, i32
  }
  func.func @transform_7(%arg0: i32) -> (i32, i32) {
    %c0_i32 = arith.constant 0 : i32
    %c0_i32_0 = arith.constant 0 : i32
    %c0_i32_1 = arith.constant 0 : i32
    return %c0_i32, %c0_i32_0 : i32, i32
  }
  func.func @transform_8(%arg0: i32) -> (i32, i32) {
    %c0_i32 = arith.constant 0 : i32
    %c0_i32_0 = arith.constant 0 : i32
    %c0_i32_1 = arith.constant 0 : i32
    return %c0_i32, %c0_i32_0 : i32, i32
  }
  func.func @transform_9(%arg0: i32) -> (i32, i32) {
    %c0_i32 = arith.constant 0 : i32
    %c0_i32_0 = arith.constant 0 : i32
    %c0_i32_1 = arith.constant 0 : i32
    return %c0_i32, %c0_i32_0 : i32, i32
  }
}

</mosaic_0001>

<sc_bundles>
// kernel: kernel.11.cloned.1.call-start
scs
__scs_entry_jumppad:
0x0: {  	(pc) =	sbr.rel $0x88, $3  }
0x1: {  	(tag) =	ssettag $0x0;
	lr =	simm.s32 $0x1  }
0x2: {  	[smem:$0x3F98] =	sst lr;
	_ =	strace $0xD0000000  }
0x3: {  	_ = 	snop  }
0x4: {  	_ = 	snop  }
0x5: {  	_ = 	snop  }
0x6: {  	_ = 	snop  }
0x7: {  	_ = 	snop  }
__scs_overlays_trampoline_lowered:
0x8: {  	[smem:$0x3FA7] =	sst s0  }
0x9: {  	[smem:$0x3FA8] =	sst s1  }
0xa: {  	[smem:$0x3FA9] =	sst s2  }
0xb: {  	[smem:$0x3FAA] =	sst s3  }
0xc: {  	[smem:$0x3FAB] =	sst s4  }
0xd: {  	[smem:$0x3FAC] =	sst s5  }
0xe: {  	[smem:$0x3FAD] =	sst s6  }
0xf: {  	[smem:$0x3FAE] =	sst s7  }
0x10: {  	[smem:$0x3FAF] =	sst s8  }
0x11: {  	[smem:$0x3FB0] =	sst s9;
	s0 =	simm.s32 @!p0 $0x0  }
0x12: {  	s1 =	sld [smem:$0x3F96];
	s0 =	simm.s32 @p0 $0x1  }
0x13: {  	[smem:$0x3FB1] =	sst s0;
	s0 =	simm.s32 @!p1 $0x0  }
0x14: {  	s2 =	sld [smem:$0x3F95];
	s0 =	simm.s32 @p1 $0x1  }
0x15: {  	[smem:$0x3FB2] =	sst s0;
	s0 =	simm.s32 @!p2 $0x0  }
0x16: {  	s3 =	sld [smem:$0x3FDB];
	s0 =	simm.s32 @p2 $0x1  }
0x17: {  	s4 =	simm.s32 $0x1BF5;
	[smem:$0x3FB4] =	sst s0  }
0x18: {  	s0 =	sld [smem:$0x3F97];
	_ =	swait.ge [sflag:s4], $0x0  }
0x19: {  	s7 =	sld [smem:$0x3F98]  }
0x1a: {  	s8 =	sadd.s32 $0xFFFFE003, lr  }
0x1b: {  	s9 =	sadd.s32 $0xFFFFFEF7, lr;
	s5 =	simm.s32 $0xFFFFFFFF;
	p2 =	slt.u32 s8, $0xFFFFF086  }
0x1c: {  	p1 =	slt.u32 s9, $0xF7A;
	s5 =	simm.s32 @!p2 $0x0  }
0x1d: {  	s5 =	simm.s32 @p1 $0x1;
	p0 =	seq.s32 s7, s2  }
0x1e: {  	s7 =	smul.u32 @!p0 $0xF7A, s2;
	p2 =	seq.s32 @!p0 s5, $0x0  }
0x1f: {  	s9 =	smul.u32 $0xF7A, s1;
	s8 =	simm.s32 @!p0 $0x1BF5;
	p2 =	por !p2, p0  }
0x20: {  	[sflag:s8] =	ssyncset.s32 @!p0 $0xFFFFF086;
	s6 =	sadd.s32 @!p0 s3, s7;
	s7 =	simm.s32 @!p0 $0x108  }
0x21: {  	s3 =	sadd.s32 s3, s9;
	s6 =	sadd.s32 @!p0 $0x88, s6;
	s7 =	simm.s32 @p2 $0x1082  }
0x22: {  	[simem:s7], [sflag:s8] =	dma.local @!p0 [hbm:s6], $0xF7A  }
0x23: {  	s9 =	sor.u32 $0xD0000000, s2;
	s6 =	simm.s32 $0x108;
	_ =	swait.ge @!p0 [sflag:s8], $0x0  }
0x24: {  	s3 =	sadd.s32 $0x88, s3;
	s6 =	simm.s32 @!p1 $0x1082;
	[sflag:s4] =	ssyncset.s32 $0xFFFFF086  }
0x25: {  	[simem:s6], [sflag:s4] =	dma.local [hbm:s3], $0xF7A  }
0x26: {  	[smem:$0x3F98] =	sst s1;
	(tag) =	ssettag s2;
	_ =	strace s9  }
0x27: {  	s1 =	sld [smem:$0x3FA8]  }
0x28: {  	s2 =	sld [smem:$0x3FA9]  }
0x29: {  	s4 =	sld [smem:$0x3FAB]  }
0x2a: {  	p0 =	seq.s32 s5, $0x0;
	s5 =	sld [smem:$0x3FAC]  }
0x2b: {  	s6 =	sld [smem:$0x3FAD]  }
0x2c: {  	s7 =	sld [smem:$0x3FAE]  }
0x2d: {  	s3 =	simm.s32 $0x108;
	s8 =	sld [smem:$0x3FAF]  }
0x2e: {  	s3 =	simm.s32 @!p0 $0x1082;
	s9 =	sld [smem:$0x3FB0]  }
0x2f: {  	lr =	sadd.s32 s0, s3;
	s0 =	sld [smem:$0x3FA7]  }
0x30: {  	s3 =	sld [smem:$0x3FAA]  }
0x31: {  	[smem:$0x3FB3] =	sst s10  }
0x32: {  	s10 =	sld [smem:$0x3FB1];
	_ =	sdelay $0x3  }
0x33: {  	p0 =	seq.s32 s10, $0x1;
	s10 =	sld [smem:$0x3FB3];
	_ =	sdelay $0x3  }
0x34: {  	[smem:$0x3FB3] =	sst s10  }
0x35: {  	s10 =	sld [smem:$0x3FB2];
	_ =	sdelay $0x3  }
0x36: {  	p1 =	seq.s32 s10, $0x1;
	s10 =	sld [smem:$0x3FB3];
	_ =	sdelay $0x3  }
0x37: {  	[smem:$0x3FB3] =	sst s10  }
0x38: {  	s10 =	sld [smem:$0x3FB4]  }
0x39: {  	_ = 	snop;
	(pc) =	sbr.ind lr, $3  }
0x3a: {  	_ = 	snop  }
0x3b: {  	_ = 	snop  }
0x3c: {  	p2 =	seq.s32 s10, $0x1;
	s10 =	sld [smem:$0x3FB3]  }
0x3d: {  	_ =	shalt  }
0x3e: {  	_ =	shalt  }
0x3f: {  	_ =	shalt  }
0x40: {  	_ =	shalt  }
0x41: {  	_ =	shalt  }
0x42: {  	_ =	shalt  }
0x43: {  	_ =	shalt  }
0x44: {  	_ =	shalt  }
0x45: {  	_ =	shalt  }
0x46: {  	_ =	shalt  }
0x47: {  	_ =	shalt  }
0x48: {  	_ =	shalt  }
0x49: {  	_ =	shalt  }
0x4a: {  	_ =	shalt  }
0x4b: {  	_ =	shalt  }
0x4c: {  	_ =	shalt  }
0x4d: {  	_ =	shalt  }
0x4e: {  	_ =	shalt  }
0x4f: {  	_ =	shalt  }
0x50: {  	_ =	shalt  }
0x51: {  	_ =	shalt  }
0x52: {  	_ =	shalt  }
0x53: {  	_ =	shalt  }
0x54: {  	_ =	shalt  }
0x55: {  	_ =	shalt  }
0x56: {  	_ =	shalt  }
0x57: {  	_ =	shalt  }
0x58: {  	_ =	shalt  }
0x59: {  	_ =	shalt  }
0x5a: {  	_ =	shalt  }
0x5b: {  	_ =	shalt  }
0x5c: {  	_ =	shalt  }
0x5d: {  	_ =	shalt  }
0x5e: {  	_ =	shalt  }
0x5f: {  	_ =	shalt  }
0x60: {  	_ =	shalt  }
0x61: {  	_ =	shalt  }
0x62: {  	_ =	shalt  }
0x63: {  	_ =	shalt  }
0x64: {  	_ =	shalt  }
0x65: {  	_ =	shalt  }
0x66: {  	_ =	shalt  }
0x67: {  	_ =	shalt  }
0x68: {  	_ =	shalt  }
0x69: {  	_ =	shalt  }
0x6a: {  	_ =	shalt  }
0x6b: {  	_ =	shalt  }
0x6c: {  	_ =	shalt  }
0x6d: {  	_ =	shalt  }
0x6e: {  	_ =	shalt  }
0x6f: {  	_ =	shalt  }
0x70: {  	_ =	shalt  }
0x71: {  	_ =	shalt  }
0x72: {  	_ =	shalt  }
0x73: {  	_ =	shalt  }
0x74: {  	_ =	shalt  }
0x75: {  	_ =	shalt  }
0x76: {  	_ =	shalt  }
0x77: {  	_ =	shalt  }
0x78: {  	_ =	shalt  }
0x79: {  	_ =	shalt  }
0x7a: {  	_ =	shalt  }
0x7b: {  	_ =	shalt  }
0x7c: {  	_ =	shalt  }
0x7d: {  	_ =	shalt  }
0x7e: {  	_ =	shalt  }
0x7f: {  	_ =	shalt  }
0x80: {  	_ =	shalt  }
0x81: {  	_ =	shalt  }
0x82: {  	_ =	shalt  }
0x83: {  	_ =	shalt  }
0x84: {  	_ =	shalt  }
0x85: {  	_ =	shalt  }
0x86: {  	_ =	shalt  }
0x87: {  	_ =	shalt  }
.Lfunc_end0:
.L_simem_size_0:
called_computation.1_lowered:
.L_overlay_start_0:
0x88: {  	s2 =	sld [smem:$0x3FD9]  }
0x89: {  	s3 =	sld [smem:$0x3FFE];
	_ =	sdelay $0x1  }
0x8a: {  	s1 =	srdreg.scid  }
0x8b: {  	s0 =	sand.u32 $0x1, s1  }
0x8c: {  	s16 =	sshll.u32 s0, $0xA;
	s2 =	sadd.s32 s3, s2  }
0x8d: {  	s2 =	sadd.s32 s2, s16  }
0x8e: {  	[smem:$0x3FBF] =	sst s2  }
0x8f: {  	_ = 	snop  }
0x90: {  	(tm) =	ssettm $0x1  }
0x91: {  	s17 =	sld [smem:$0x3FFB];
	_ =	sdelay $0x3  }
0x92: {  	_ =	strace s17  }
0x93: {  	s2 =	sld [smem:$0x3FFC];
	_ =	sdelay $0x3  }
0x94: {  	_ =	strace s2  }
0x95: {  	s2 =	sld [smem:$0x3FFD];
	_ =	sdelay $0x3  }
0x96: {  	_ =	strace s2  }
0x97: {  	_ =	strace $0x8FFFFFFF  }
0x98: {  	s18 =	sld [smem:$0x3FDB];
	_ =	sdelay $0x1  }
0x99: {  	s19 =	simm.s32 $_scs_section_size  }
0x9a: {  	s4 =	simm.s32 $_size__tile_overlayer_lowered;
	s5 =	simm.s32 $_tile_overlayer_lowered  }
0x9b: {  	s22 =	simm.s32 $0x1BFF;
	s21 =	sshll.u32 s5, $0x1;
	s2 =	sadd.s32 s19, s18  }
0x9c: {  	s6 =	simm.s32 $0x0;
	s20 =	sshll.u32 s4, $0x1;
	s4 =	sadd.s32 s21, s2  }
0x9d: {  	[timem:s6], [sflag:s22] =	dma.local [hbm:s4], s20  }
0x9e: {  	_ =	swait.ge [sflag:s22], s20  }
0x9f: {  	s3 =	ssub.s32 $0x0, s20;
	[sflag:s22] =	ssyncset.done $0x0  }
0xa0: {  	[sflag:s22] =	ssyncadd.s32 s3;
	_ =	sdelay $0x1  }
0xa1: {  	s23 =	simm.s32 $0x1B8B  }
0xa2: {  	_ =	swait.ge [sflag:s23], $0x1  }
0xa3: {  	[sflag:s23] =	ssyncset.done $0x0  }
0xa4: {  	s25 =	simm.s32 $0x1B8E;
	s24 =	sld [smem:$0x3FFE];
	[sflag:s23] =	ssyncadd.s32 $0xFFFFFFFF  }
0xa5: {  	s26 =	simm.s32 $execute0_lowered;
	[smem:$0x3FD2] =	sst s25  }
0xa6: {  	s4 =	sshll.u32 s26, $0x1;
	_ =	strace $0x80000049;
	[dreg:$0x1] =	wrdreg $0xFFFFFFFF  }
0xa7: {  	s28 =	simm.s32 $_size_execute0_lowered;
	s2 =	sadd.s32 s2, s4;
	[dreg:$0x0] =	wrdreg $0x0  }
0xa8: {  	s4 =	sshll.u32 s28, $0x1;
	[dreg:$0x2] =	wrdreg s2  }
0xa9: {  	[dreg:$0x3] =	wrdreg s4  }
0xaa: {  	[dreg:$0x4] =	wrdreg $0xC0  }
0xab: {  	_ =	task [dreg:s6], $0x5FFFF  }
0xac: {  	[dreg:$0x1] =	wrdreg $0xFFFFFFFF  }
0xad: {  	[dreg:$0x0] =	wrdreg $0x60  }
0xae: {  	[dreg:$0x2] =	wrdreg s24  }
0xaf: {  	[dreg:$0x3] =	wrdreg $0x0  }
0xb0: {  	[dreg:$0x4] =	wrdreg $0x9  }
0xb1: {  	_ =	task.clear_ibuf [dreg:s6], $0x5FFFF;
	_ =	strace $0x90000049  }
0xb2: {  	s29 =	simm.s32 $0x9;
	_ =	strace $0x8000004B  }
0xb3: {  	_ =	swait.ge [sflag:s29], $0x1  }
0xb4: {  	[sflag:s29] =	ssyncadd.s32 $0xFFFFFFFF  }
0xb5: {  	_ =	strace $0x9000004B  }
0xb6: {  	_ =	sfence  }
0xb7: {  	s30 =	sld [smem:$0x0];
	_ =	sdelay $0x2  }
0xb8: {  	s31 =	sshll.u32 s1, $0xD;
	s1 =	sshrl.u32 s1, $0x2  }
0xb9: {  	s3 =	sand.u32 $0x4000, s31;
	s1 =	sadd.s32 s1, s30  }
0xba: {  	s0 =	sor.u32 s3, s0;
	s1 =	sshll.u32 s1, $0x11  }
0xbb: {  	s0 =	sor.u32 s1, s0  }
0xbc: {  	s0 =	sadd.s32 $0x8F2B, s0  }
0xbd: {  	[sflag:s0] =	ssyncadd.remote.s32 $0x1  }
0xbe: {  	_ =	sfence.sel $0xFFFF  }
0xbf: {  	[dreg:$0x0] =	wrdreg $0xFFFFFFFF;
	(pc) =	sbr.abs _section_cstart, $3  }
0xc0: {  	[dreg:$0x1] =	wrdreg $0xFFFFFFFF  }
0xc1: {  	_ =	task.clear_ibuf [dreg:s6], $0x2FFFF;
	_ =	strace $0x9FFFFFFF  }
0xc2: {  	(tm) =	ssettm $0x7FFFFFFF  }
0xc3: {  	_ =	shalt  }
tec
execute0_lowered:
.L_overlay_start_1:
0x0: {  	(tag) =	ssettag $0x1  }
0x1: {  	s0 =	rddreg [dreg:$0x0]  }
0x2: {  	s1 =	rddreg [dreg:$0x1];
	s2 =	simm.s32 $0x0  }
0x3: {  	s13 =	srdreg.scid;
	s10 =	stileid.u32;
	s31 =	simm.s32 $0x16800  }
0x4: {  	s11 =	simm.s32 $0x2;
	s12 =	simm.s32 $0x16700;
	[smem:$0x7FF] =	sst s2  }
0x5: {  	s4 =	sadd.s32 $0x13400, s0;
	s5 =	sadd.s32 $0x3A600, s0;
	s2 =	sand.u32 $0x1, s13  }
0x6: {  	s3 =	smul.u32 $0x50000, s10;
	s6 =	sadd.s32 $0xE400, s0;
	s7 =	sadd.s32 $0x9400, s0  }
0x7: {  	s9 =	sadd.s32 $0x88A00, s0;
	s0 =	sadd.s32 $0xB0A00, s0;
	s13 =	smul.u32 $0x2800, s10  }
0x8: {  	s10 =	simm.s32 $0x1;
	_ =	strace $0x8000004A;
	s8 =	ssub.s32 $0x2, s2  }
0x9: {  	[dreg:$0x3] =	wrdreg s9;
	s14 =	sshrl.u32 s8, $0x1;
	s3 =	sshrl.u32 s3, $0x2  }
0xa: {  	[dreg:$0x4] =	wrdreg s0;
	s15 =	ssub.s32 s8, s14;
	s8 =	sadd.s32 s3, s1  }
0xb: {  	p0 =	seq.s32 s2, $0x1;
	s0 =	simm.s32 $0x3;
	s16 =	sadd.s32 $0x1400, s8  }
0xc: {  	s2 =	simm.s32 $0x14080;
	s17 =	sadd.s32 $0x2800, s8;
	[dreg:$0x5] =	wrdreg s16  }
0xd: {  	s9 =	simm.s32 $0x1A800;
	s18 =	sadd.s32 $0x3C00, s8;
	[dreg:$0x6] =	wrdreg s17  }
0xe: {  	s25 =	sshrl.u32 s13, $0x3;
	s19 =	sadd.s32 $0x5000, s8;
	[dreg:$0x7] =	wrdreg s18  }
0xf: {  	s26 =	sadd.s32 $0x280, s25;
	s20 =	sadd.s32 $0x6400, s8;
	[dreg:$0x8] =	wrdreg s19  }
0x10: {  	s14 =	simm.s32 $0x16780;
	s21 =	sadd.s32 $0x7800, s8;
	[dreg:$0x9] =	wrdreg s20  }
0x11: {  	s22 =	sadd.s32 $0x8C00, s8;
	s23 =	sadd.s32 $0xA000, s8;
	[dreg:$0xa] =	wrdreg s21  }
0x12: {  	s24 =	sadd.s32 $0xB400, s8;
	s3 =	sadd.s32 $0xC800, s8;
	[dreg:$0xb] =	wrdreg s22  }
0x13: {  	s28 =	sadd.s32 $0x10400, s8;
	s29 =	sadd.s32 $0x11800, s8;
	[dreg:$0xc] =	wrdreg s23  }
.Ltmp0:
0x14: {  	s30 =	sadd.s32 $0x12C00, s8;
	[dreg:$0xd] =	wrdreg s24;
	(pc) =	sbr.rel .LBB2_1-.Ltmp0, $4  }
0x15: {  	[dreg:$0xe] =	wrdreg s3;
	s20 =	sadd.s32 s6, s25;
	s21 =	sadd.s32 s7, s25  }
0x16: {  	s22 =	sadd.s32 s6, s26;
	s23 =	sadd.s32 s7, s26;
	s24 =	sadd.s32 $0xDC00, s8  }
0x17: {  	s25 =	smax.u32 s15, $0x1;
	s26 =	sadd.s32 $0xF000, s8;
	s6 =	simm.s32 $0x14000  }
0x18: {  	v0 =	vimm.f32 $0.0e+00;
	s7 =	simm.s32 $0x15400;
	s3 =	simm.s32 $0x7D;
	s15 =	simm.s32 $0x0  }
.LBB2_13:
0x19: {  	[tilespmem:s9], [sflag:$0x2] =	stream.indirect.gather [hbm4b:s5+s3], $0x80, s17, s3, $0xb8;
	[tilespmem:$0x1E800] =	vst v63  }
0x1a: {  	_ =	swait.ge [sflag:s10], $0x3E80  }
0x1b: {  	[sflag:s10] =	ssyncset.done $0x0  }
0x1c: {  	[sflag:s10] =	ssyncadd.s32 $0xFFFFC180  }
0x1d: {  	[spmem:s1] =	stream.indirect.scatter.add.f32 [tilespmem:s31], [sflag:$0x3], $0x80, s12, s3, $0xb8;
	[tilespmem:$0x1E800] =	vst v63  }
0x1e: {  	_ =	swait.ge [sflag:s0], $0x3E80  }
0x1f: {  	[sflag:s0] =	ssyncset.done $0x0  }
0x20: {  	[sflag:s0] =	ssyncadd.s32 $0xFFFFC180  }
0x21: {  	_ =	swait.ge [sflag:s11], $0x3E80  }
0x22: {  	[sflag:s11] =	ssyncset.done $0x0  }
0x23: {  	s16 =	rddreg [dreg:$0x4];
	[sflag:s11] =	ssyncadd.s32 $0xFFFFC180  }
0x24: {  	[spmem:s1] =	stream.indirect.scatter.add.f32 [tilespmem:s9], [sflag:$0x3], $0x80, s14, s3, $0xb8;
	[tilespmem:$0x1E800] =	vst v63  }
.LBB2_14:
0x25: {  	_ =	swait.ge [sflag:s0], $0x3E80;
	s16 =	sadd.s32 s16, s13;
	s17 =	stileid.u32  }
0x26: {  	s18 =	sshrl.u32 s8, $0x3;
	s15 =	sadd.s32 $0x1, s15;
	[sflag:s0] =	ssyncset.done $0x0  }
0x27: {  	s17 =	sshll.u32 s17, $0x6;
	p1 =	sne.s32 s15, s25;
	[sflag:s0] =	ssyncadd.s32 $0xFFFFC180  }
.Ltmp1:
0x28: {  	s17 =	sor.u32 $0x1C03, s17;
	[bflag:$0x0] =	sbarrier.arrive $0xFFFF;
	(pc) =	sbr.rel @!p1 .LBB2_15-.Ltmp1, $4  }
0x29: {  	[hbm:s16], [sflag:s17] =	dma.local [spmem:s18], $0x2800  }
0x2a: {  	_ =	swait.ge [sflag:s0], $0x2800  }
0x2b: {  	[sflag:s0] =	ssyncset.done $0x0  }
0x2c: {  	[sflag:s0] =	ssyncadd.s32 $0xFFFFD800  }
.LBB2_1:
.Ltmp2:
0x2d: {  	(pc) =	sbr.rel @!p0 .LBB2_2-.Ltmp2, $4  }
0x2e: {  	s17 =	simm.s32 $0x0  }
0x2f: {  	s16 =	sand.u32 $0x7E00, s17  }
0x30: {  	s17 =	sand.u32 $0x70, s17;
	s18 =	sshrl.u32 s16, $0x2  }
0x31: {  	s16 =	simm.s32 $0x40;
	s18 =	sor.u32 s17, s18;
	s17 =	simm.s32 $0x0  }
.LBB2_8:
0x32: {  	p1 =	sne.s32 s16, $0x4FC0  }
0x33: {  	[tilespmem:s18+$0x16800] =	vst v0;
	s17 =	sadd.s32 $0x10, s17;
	s18 =	smov.u32 s16;
	s16 =	sadd.s32 $0x40, s16  }
.Ltmp3:
0x34: {  	(pc) =	sbr.rel @p1 .LBB2_8-.Ltmp3, $4  }
0x35: {  	_ = 	snop  }
0x36: {  	s18 =	sand.u32 $0x7E00, s18  }
0x37: {  	s19 =	sand.u32 $0x70, s17;
	s18 =	sshrl.u32 s18, $0x2  }
0x38: {  	s18 =	sor.u32 s19, s18  }
0x39: {  	[tilespmem:s18+$0x16800] =	vst v0  }
0x3a: {  	[spmem:s8] =	stream.linear.scatter [tilespmem:s31], [sflag:$0x3], $0x1400, $0x38;
	[tilespmem:$0x1E800] =	vst v63  }
0x3b: {  	_ =	swait.ge [sflag:s0], $0x1400  }
0x3c: {  	[sflag:s0] =	ssyncset.done $0x0  }
0x3d: {  	s16 =	rddreg [dreg:$0x5];
	[sflag:s0] =	ssyncadd.s32 $0xFFFFEC00  }
0x3e: {  	[spmem:s16] =	stream.linear.scatter [tilespmem:s31], [sflag:$0x3], $0x1400, $0x38;
	[tilespmem:$0x1E800] =	vst v63  }
0x3f: {  	_ =	swait.ge [sflag:s0], $0x1400  }
0x40: {  	[sflag:s0] =	ssyncset.done $0x0  }
0x41: {  	s19 =	rddreg [dreg:$0x6];
	[sflag:s0] =	ssyncadd.s32 $0xFFFFEC00  }
0x42: {  	[spmem:s19] =	stream.linear.scatter [tilespmem:s31], [sflag:$0x3], $0x1400, $0x38;
	[tilespmem:$0x1E800] =	vst v63  }
0x43: {  	_ =	swait.ge [sflag:s0], $0x1400  }
0x44: {  	[sflag:s0] =	ssyncset.done $0x0  }
0x45: {  	s17 =	rddreg [dreg:$0x7];
	[sflag:s0] =	ssyncadd.s32 $0xFFFFEC00  }
0x46: {  	[spmem:s17] =	stream.linear.scatter [tilespmem:s31], [sflag:$0x3], $0x1400, $0x38;
	[tilespmem:$0x1E800] =	vst v63  }
0x47: {  	_ =	swait.ge [sflag:s0], $0x1400  }
0x48: {  	[sflag:s0] =	ssyncset.done $0x0  }
0x49: {  	s18 =	rddreg [dreg:$0x8];
	[sflag:s0] =	ssyncadd.s32 $0xFFFFEC00  }
0x4a: {  	[spmem:s18] =	stream.linear.scatter [tilespmem:s31], [sflag:$0x3], $0x1400, $0x38;
	[tilespmem:$0x1E800] =	vst v63  }
0x4b: {  	_ =	swait.ge [sflag:s0], $0x1400  }
0x4c: {  	[sflag:s0] =	ssyncset.done $0x0  }
0x4d: {  	s19 =	rddreg [dreg:$0x9];
	[sflag:s0] =	ssyncadd.s32 $0xFFFFEC00  }
0x4e: {  	[spmem:s19] =	stream.linear.scatter [tilespmem:s31], [sflag:$0x3], $0x1400, $0x38;
	[tilespmem:$0x1E800] =	vst v63  }
0x4f: {  	_ =	swait.ge [sflag:s0], $0x1400  }
0x50: {  	[sflag:s0] =	ssyncset.done $0x0  }
0x51: {  	s17 =	rddreg [dreg:$0xa];
	[sflag:s0] =	ssyncadd.s32 $0xFFFFEC00  }
0x52: {  	[spmem:s17] =	stream.linear.scatter [tilespmem:s31], [sflag:$0x3], $0x1400, $0x38;
	[tilespmem:$0x1E800] =	vst v63  }
0x53: {  	_ =	swait.ge [sflag:s0], $0x1400  }
0x54: {  	[sflag:s0] =	ssyncset.done $0x0  }
0x55: {  	s18 =	rddreg [dreg:$0xb];
	[sflag:s0] =	ssyncadd.s32 $0xFFFFEC00  }
0x56: {  	[spmem:s18] =	stream.linear.scatter [tilespmem:s31], [sflag:$0x3], $0x1400, $0x38;
	[tilespmem:$0x1E800] =	vst v63  }
0x57: {  	_ =	swait.ge [sflag:s0], $0x1400  }
0x58: {  	[sflag:s0] =	ssyncset.done $0x0  }
0x59: {  	s19 =	rddreg [dreg:$0xc];
	[sflag:s0] =	ssyncadd.s32 $0xFFFFEC00  }
0x5a: {  	[spmem:s19] =	stream.linear.scatter [tilespmem:s31], [sflag:$0x3], $0x1400, $0x38;
	[tilespmem:$0x1E800] =	vst v63  }
0x5b: {  	_ =	swait.ge [sflag:s0], $0x1400  }
0x5c: {  	[sflag:s0] =	ssyncset.done $0x0  }
0x5d: {  	s17 =	rddreg [dreg:$0xd];
	[sflag:s0] =	ssyncadd.s32 $0xFFFFEC00  }
0x5e: {  	[spmem:s17] =	stream.linear.scatter [tilespmem:s31], [sflag:$0x3], $0x1400, $0x38;
	[tilespmem:$0x1E800] =	vst v63  }
0x5f: {  	_ =	swait.ge [sflag:s0], $0x1400  }
0x60: {  	[sflag:s0] =	ssyncset.done $0x0  }
0x61: {  	s18 =	rddreg [dreg:$0xe];
	[sflag:s0] =	ssyncadd.s32 $0xFFFFEC00  }
0x62: {  	[spmem:s18] =	stream.linear.scatter [tilespmem:s31], [sflag:$0x3], $0x1400, $0x38;
	[tilespmem:$0x1E800] =	vst v63  }
0x63: {  	_ =	swait.ge [sflag:s0], $0x1400  }
0x64: {  	[sflag:s0] =	ssyncset.done $0x0  }
0x65: {  	[sflag:s0] =	ssyncadd.s32 $0xFFFFEC00  }
0x66: {  	[spmem:s24] =	stream.linear.scatter [tilespmem:s31], [sflag:$0x3], $0x1400, $0x38;
	[tilespmem:$0x1E800] =	vst v63  }
0x67: {  	_ =	swait.ge [sflag:s0], $0x1400  }
0x68: {  	[sflag:s0] =	ssyncset.done $0x0  }
0x69: {  	[sflag:s0] =	ssyncadd.s32 $0xFFFFEC00  }
0x6a: {  	[spmem:s26] =	stream.linear.scatter [tilespmem:s31], [sflag:$0x3], $0x1400, $0x38;
	[tilespmem:$0x1E800] =	vst v63  }
0x6b: {  	_ =	swait.ge [sflag:s0], $0x1400  }
0x6c: {  	[sflag:s0] =	ssyncset.done $0x0  }
0x6d: {  	[sflag:s0] =	ssyncadd.s32 $0xFFFFEC00  }
0x6e: {  	[spmem:s28] =	stream.linear.scatter [tilespmem:s31], [sflag:$0x3], $0x1400, $0x38;
	[tilespmem:$0x1E800] =	vst v63  }
0x6f: {  	_ =	swait.ge [sflag:s0], $0x1400  }
0x70: {  	[sflag:s0] =	ssyncset.done $0x0  }
0x71: {  	[sflag:s0] =	ssyncadd.s32 $0xFFFFEC00  }
0x72: {  	[spmem:s29] =	stream.linear.scatter [tilespmem:s31], [sflag:$0x3], $0x1400, $0x38;
	[tilespmem:$0x1E800] =	vst v63  }
0x73: {  	_ =	swait.ge [sflag:s0], $0x1400  }
0x74: {  	[sflag:s0] =	ssyncset.done $0x0  }
0x75: {  	[sflag:s0] =	ssyncadd.s32 $0xFFFFEC00  }
0x76: {  	[spmem:s30] =	stream.linear.scatter [tilespmem:s31], [sflag:$0x3], $0x1400, $0x38;
	[tilespmem:$0x1E800] =	vst v63  }
0x77: {  	_ =	swait.ge [sflag:s0], $0x1400  }
0x78: {  	[sflag:s0] =	ssyncset.done $0x0  }
0x79: {  	[sflag:s0] =	ssyncadd.s32 $0xFFFFEC00  }
0x7a: {  	s19 =	simm.s32 $0x0;
	[bflag:$0x0] =	sbarrier.arrive $0xFFFF  }
0x7b: {  	[tilespmem:s6], [sflag:$0x3] =	stream.linear.gather [hbm4b:s20+s19], $0x1400, $0x38;
	[tilespmem:$0x1E800] =	vst v63  }
0x7c: {  	_ =	swait.ge [sflag:s0], $0x1400  }
0x7d: {  	[sflag:s0] =	ssyncset.done $0x0  }
0x7e: {  	[sflag:s0] =	ssyncadd.s32 $0xFFFFEC00  }
0x7f: {  	[tilespmem:s7], [sflag:$0x3] =	stream.linear.gather [hbm4b:s21+s19], $0x1400, $0x38;
	[tilespmem:$0x1E800] =	vst v63  }
0x80: {  	_ =	swait.ge [sflag:s0], $0x1400  }
0x81: {  	[sflag:s0] =	ssyncset.done $0x0  }
0x82: {  	[sflag:s0] =	ssyncadd.s32 $0xFFFFEC00  }
0x83: {  	[tilespmem:s31], [sflag:$0x1] =	stream.indirect.gather [hbm4b:s5+s3], $0x80, s6, s3, $0xb8;
	[tilespmem:$0x1E800] =	vst v63  }
0x84: {  	_ = 	snop  }
0x85: {  	[tilespmem:s9], [sflag:$0x2] =	stream.indirect.gather [hbm4b:s5+s3], $0x80, s2, s3, $0xb8;
	[tilespmem:$0x1E800] =	vst v63  }
0x86: {  	_ =	swait.ge [sflag:s10], $0x3E80  }
0x87: {  	[sflag:s10] =	ssyncset.done $0x0  }
0x88: {  	s17 =	simm.s32 $0x15400;
	[sflag:s10] =	ssyncadd.s32 $0xFFFFC180  }
0x89: {  	[spmem:s1] =	stream.indirect.scatter.add.f32 [tilespmem:s31], [sflag:$0x3], $0x80, s17, s3, $0xb8;
	[tilespmem:$0x1E800] =	vst v63  }
0x8a: {  	_ =	swait.ge [sflag:s0], $0x3E80  }
0x8b: {  	[sflag:s0] =	ssyncset.done $0x0  }
0x8c: {  	s18 =	simm.s32 $0x14100;
	[sflag:s0] =	ssyncadd.s32 $0xFFFFC180  }
0x8d: {  	[tilespmem:s31], [sflag:$0x1] =	stream.indirect.gather [hbm4b:s5+s3], $0x80, s18, s3, $0xb8;
	[tilespmem:$0x1E800] =	vst v63  }
0x8e: {  	_ =	swait.ge [sflag:s11], $0x3E80  }
0x8f: {  	[sflag:s11] =	ssyncset.done $0x0  }
0x90: {  	s19 =	simm.s32 $0x15480;
	[sflag:s11] =	ssyncadd.s32 $0xFFFFC180  }
0x91: {  	[spmem:s1] =	stream.indirect.scatter.add.f32 [tilespmem:s9], [sflag:$0x3], $0x80, s19, s3, $0xb8;
	[tilespmem:$0x1E800] =	vst v63  }
0x92: {  	_ =	swait.ge [sflag:s0], $0x3E80  }
0x93: {  	[sflag:s0] =	ssyncset.done $0x0  }
0x94: {  	s16 =	simm.s32 $0x400;
	s17 =	simm.s32 $0x14180;
	[sflag:s0] =	ssyncadd.s32 $0xFFFFC180  }
.LBB2_10:
0x95: {  	[tilespmem:s9], [sflag:$0x2] =	stream.indirect.gather [hbm4b:s5+s3], $0x80, s17, s3, $0xb8;
	[tilespmem:$0x1E800] =	vst v63  }
0x96: {  	s17 =	smov.u32 s16  }
0x97: {  	p1 =	sne.s32 s16, $0x4800;
	s16 =	sadd.s32 $0x400, s16;
	_ =	swait.ge [sflag:s10], $0x3E80  }
0x98: {  	s17 =	sshra.s32 s17, $0x2;
	[sflag:s10] =	ssyncset.done $0x0  }
0x99: {  	s18 =	sadd.s32 $0x15400, s17;
	[sflag:s10] =	ssyncadd.s32 $0xFFFFC180  }
0x9a: {  	[spmem:s1] =	stream.indirect.scatter.add.f32 [tilespmem:s31], [sflag:$0x3], $0x80, s18, s3, $0xb8;
	[tilespmem:$0x1E800] =	vst v63  }
0x9b: {  	_ =	swait.ge [sflag:s0], $0x3E80  }
0x9c: {  	[sflag:s0] =	ssyncset.done $0x0  }
0x9d: {  	s18 =	sadd.s32 $0x14100, s17;
	[sflag:s0] =	ssyncadd.s32 $0xFFFFC180  }
0x9e: {  	[tilespmem:s31], [sflag:$0x1] =	stream.indirect.gather [hbm4b:s5+s3], $0x80, s18, s3, $0xb8;
	[tilespmem:$0x1E800] =	vst v63  }
0x9f: {  	_ =	swait.ge [sflag:s11], $0x3E80  }
0xa0: {  	[sflag:s11] =	ssyncset.done $0x0  }
.Ltmp4:
0xa1: {  	s18 =	sadd.s32 $0x15480, s17;
	[sflag:s11] =	ssyncadd.s32 $0xFFFFC180;
	(pc) =	sbr.rel @p1 .LBB2_10-.Ltmp4, $4  }
0xa2: {  	[spmem:s1] =	stream.indirect.scatter.add.f32 [tilespmem:s9], [sflag:$0x3], $0x80, s18, s3, $0xb8;
	[tilespmem:$0x1E800] =	vst v63  }
0xa3: {  	_ =	swait.ge [sflag:s0], $0x3E80  }
0xa4: {  	[sflag:s0] =	ssyncset.done $0x0  }
0xa5: {  	s17 =	sadd.s32 $0x14180, s17;
	[sflag:s0] =	ssyncadd.s32 $0xFFFFC180  }
0xa6: {  	[tilespmem:s9], [sflag:$0x2] =	stream.indirect.gather [hbm4b:s5+s3], $0x80, s17, s3, $0xb8;
	[tilespmem:$0x1E800] =	vst v63  }
0xa7: {  	_ =	swait.ge [sflag:s10], $0x3E80  }
0xa8: {  	[sflag:s10] =	ssyncset.done $0x0  }
0xa9: {  	[sflag:s10] =	ssyncadd.s32 $0xFFFFC180  }
0xaa: {  	[spmem:s1] =	stream.indirect.scatter.add.f32 [tilespmem:s31], [sflag:$0x3], $0x80, s12, s3, $0xb8;
	[tilespmem:$0x1E800] =	vst v63  }
0xab: {  	_ =	swait.ge [sflag:s0], $0x3E80  }
0xac: {  	[sflag:s0] =	ssyncset.done $0x0  }
0xad: {  	[sflag:s0] =	ssyncadd.s32 $0xFFFFC180  }
0xae: {  	_ =	swait.ge [sflag:s11], $0x3E80  }
0xaf: {  	[sflag:s11] =	ssyncset.done $0x0  }
0xb0: {  	[sflag:s11] =	ssyncadd.s32 $0xFFFFC180  }
0xb1: {  	[spmem:s1] =	stream.indirect.scatter.add.f32 [tilespmem:s9], [sflag:$0x3], $0x80, s14, s3, $0xb8;
	[tilespmem:$0x1E800] =	vst v63  }
0xb2: {  	_ =	swait.ge [sflag:s0], $0x3E80  }
0xb3: {  	[sflag:s0] =	ssyncset.done $0x0  }
0xb4: {  	s16 =	simm.s32 $0x0;
	[sflag:s0] =	ssyncadd.s32 $0xFFFFC180  }
0xb5: {  	[tilespmem:s6], [sflag:$0x3] =	stream.linear.gather [hbm4b:s22+s16], $0x1400, $0x38;
	[tilespmem:$0x1E800] =	vst v63  }
0xb6: {  	_ =	swait.ge [sflag:s0], $0x1400  }
0xb7: {  	[sflag:s0] =	ssyncset.done $0x0  }
0xb8: {  	[sflag:s0] =	ssyncadd.s32 $0xFFFFEC00  }
0xb9: {  	[tilespmem:s7], [sflag:$0x3] =	stream.linear.gather [hbm4b:s23+s16], $0x1400, $0x38;
	[tilespmem:$0x1E800] =	vst v63  }
0xba: {  	_ =	swait.ge [sflag:s0], $0x1400  }
0xbb: {  	[sflag:s0] =	ssyncset.done $0x0  }
0xbc: {  	[sflag:s0] =	ssyncadd.s32 $0xFFFFEC00  }
0xbd: {  	[tilespmem:s31], [sflag:$0x1] =	stream.indirect.gather [hbm4b:s5+s3], $0x80, s6, s3, $0xb8;
	[tilespmem:$0x1E800] =	vst v63  }
0xbe: {  	_ = 	snop  }
0xbf: {  	[tilespmem:s9], [sflag:$0x2] =	stream.indirect.gather [hbm4b:s5+s3], $0x80, s2, s3, $0xb8;
	[tilespmem:$0x1E800] =	vst v63  }
0xc0: {  	_ =	swait.ge [sflag:s10], $0x3E80  }
0xc1: {  	[sflag:s10] =	ssyncset.done $0x0  }
0xc2: {  	s17 =	simm.s32 $0x15400;
	[sflag:s10] =	ssyncadd.s32 $0xFFFFC180  }
0xc3: {  	[spmem:s1] =	stream.indirect.scatter.add.f32 [tilespmem:s31], [sflag:$0x3], $0x80, s17, s3, $0xb8;
	[tilespmem:$0x1E800] =	vst v63  }
0xc4: {  	_ =	swait.ge [sflag:s0], $0x3E80  }
0xc5: {  	[sflag:s0] =	ssyncset.done $0x0  }
0xc6: {  	s18 =	simm.s32 $0x14100;
	[sflag:s0] =	ssyncadd.s32 $0xFFFFC180  }
0xc7: {  	[tilespmem:s31], [sflag:$0x1] =	stream.indirect.gather [hbm4b:s5+s3], $0x80, s18, s3, $0xb8;
	[tilespmem:$0x1E800] =	vst v63  }
0xc8: {  	_ =	swait.ge [sflag:s11], $0x3E80  }
0xc9: {  	[sflag:s11] =	ssyncset.done $0x0  }
0xca: {  	s19 =	simm.s32 $0x15480;
	[sflag:s11] =	ssyncadd.s32 $0xFFFFC180  }
0xcb: {  	[spmem:s1] =	stream.indirect.scatter.add.f32 [tilespmem:s9], [sflag:$0x3], $0x80, s19, s3, $0xb8;
	[tilespmem:$0x1E800] =	vst v63  }
0xcc: {  	_ =	swait.ge [sflag:s0], $0x3E80  }
0xcd: {  	[sflag:s0] =	ssyncset.done $0x0  }
0xce: {  	s16 =	simm.s32 $0x400;
	s17 =	simm.s32 $0x14180;
	[sflag:s0] =	ssyncadd.s32 $0xFFFFC180  }
.LBB2_12:
0xcf: {  	[tilespmem:s9], [sflag:$0x2] =	stream.indirect.gather [hbm4b:s5+s3], $0x80, s17, s3, $0xb8;
	[tilespmem:$0x1E800] =	vst v63  }
0xd0: {  	s17 =	smov.u32 s16  }
0xd1: {  	p1 =	sne.s32 s16, $0x4800;
	s16 =	sadd.s32 $0x400, s16;
	_ =	swait.ge [sflag:s10], $0x3E80  }
0xd2: {  	s17 =	sshra.s32 s17, $0x2;
	[sflag:s10] =	ssyncset.done $0x0  }
0xd3: {  	s18 =	sadd.s32 $0x15400, s17;
	[sflag:s10] =	ssyncadd.s32 $0xFFFFC180  }
0xd4: {  	[spmem:s1] =	stream.indirect.scatter.add.f32 [tilespmem:s31], [sflag:$0x3], $0x80, s18, s3, $0xb8;
	[tilespmem:$0x1E800] =	vst v63  }
0xd5: {  	_ =	swait.ge [sflag:s0], $0x3E80  }
0xd6: {  	[sflag:s0] =	ssyncset.done $0x0  }
0xd7: {  	s18 =	sadd.s32 $0x14100, s17;
	[sflag:s0] =	ssyncadd.s32 $0xFFFFC180  }
0xd8: {  	[tilespmem:s31], [sflag:$0x1] =	stream.indirect.gather [hbm4b:s5+s3], $0x80, s18, s3, $0xb8;
	[tilespmem:$0x1E800] =	vst v63  }
0xd9: {  	_ =	swait.ge [sflag:s11], $0x3E80  }
0xda: {  	[sflag:s11] =	ssyncset.done $0x0  }
.Ltmp5:
0xdb: {  	s18 =	sadd.s32 $0x15480, s17;
	[sflag:s11] =	ssyncadd.s32 $0xFFFFC180;
	(pc) =	sbr.rel @p1 .LBB2_12-.Ltmp5, $4  }
0xdc: {  	[spmem:s1] =	stream.indirect.scatter.add.f32 [tilespmem:s9], [sflag:$0x3], $0x80, s18, s3, $0xb8;
	[tilespmem:$0x1E800] =	vst v63  }
0xdd: {  	_ =	swait.ge [sflag:s0], $0x3E80  }
0xde: {  	[sflag:s0] =	ssyncset.done $0x0  }
0xdf: {  	s17 =	sadd.s32 $0x14180, s17;
	[sflag:s0] =	ssyncadd.s32 $0xFFFFC180  }
.Ltmp6:
0xe0: {  	_ = 	snop;
	(pc) =	sbr.rel .LBB2_13-.Ltmp6, $1  }
0xe1: {  	_ =	sdelay $0x3  }
.LBB2_2:
0xe2: {  	p1 =	sne.s32 s16, $0x4FC0  }
0xe3: {  	[tilespmem:s18+$0x16800] =	vst v0;
	s17 =	sadd.s32 $0x10, s17;
	s18 =	smov.u32 s16;
	s16 =	sadd.s32 $0x40, s16  }
.Ltmp7:
0xe4: {  	(pc) =	sbr.rel @p1 .LBB2_2-.Ltmp7, $4  }
0xe5: {  	_ = 	snop  }
0xe6: {  	s18 =	sand.u32 $0x7E00, s18  }
0xe7: {  	s19 =	sand.u32 $0x70, s17;
	s18 =	sshrl.u32 s18, $0x2  }
0xe8: {  	s18 =	sor.u32 s19, s18  }
0xe9: {  	[tilespmem:s18+$0x16800] =	vst v0  }
0xea: {  	[spmem:s8] =	stream.linear.scatter [tilespmem:s31], [sflag:$0x3], $0x1400, $0x38;
	[tilespmem:$0x1E800] =	vst v63  }
0xeb: {  	_ =	swait.ge [sflag:s0], $0x1400  }
0xec: {  	[sflag:s0] =	ssyncset.done $0x0  }
0xed: {  	s16 =	rddreg [dreg:$0x5];
	[sflag:s0] =	ssyncadd.s32 $0xFFFFEC00  }
0xee: {  	[spmem:s16] =	stream.linear.scatter [tilespmem:s31], [sflag:$0x3], $0x1400, $0x38;
	[tilespmem:$0x1E800] =	vst v63  }
0xef: {  	_ =	swait.ge [sflag:s0], $0x1400  }
0xf0: {  	[sflag:s0] =	ssyncset.done $0x0  }
0xf1: {  	s19 =	rddreg [dreg:$0x6];
	[sflag:s0] =	ssyncadd.s32 $0xFFFFEC00  }
0xf2: {  	[spmem:s19] =	stream.linear.scatter [tilespmem:s31], [sflag:$0x3], $0x1400, $0x38;
	[tilespmem:$0x1E800] =	vst v63  }
0xf3: {  	_ =	swait.ge [sflag:s0], $0x1400  }
0xf4: {  	[sflag:s0] =	ssyncset.done $0x0  }
0xf5: {  	s17 =	rddreg [dreg:$0x7];
	[sflag:s0] =	ssyncadd.s32 $0xFFFFEC00  }
0xf6: {  	[spmem:s17] =	stream.linear.scatter [tilespmem:s31], [sflag:$0x3], $0x1400, $0x38;
	[tilespmem:$0x1E800] =	vst v63  }
0xf7: {  	_ =	swait.ge [sflag:s0], $0x1400  }
0xf8: {  	[sflag:s0] =	ssyncset.done $0x0  }
0xf9: {  	s18 =	rddreg [dreg:$0x8];
	[sflag:s0] =	ssyncadd.s32 $0xFFFFEC00  }
0xfa: {  	[spmem:s18] =	stream.linear.scatter [tilespmem:s31], [sflag:$0x3], $0x1400, $0x38;
	[tilespmem:$0x1E800] =	vst v63  }
0xfb: {  	_ =	swait.ge [sflag:s0], $0x1400  }
0xfc: {  	[sflag:s0] =	ssyncset.done $0x0  }
0xfd: {  	s19 =	rddreg [dreg:$0x9];
	[sflag:s0] =	ssyncadd.s32 $0xFFFFEC00  }
0xfe: {  	[spmem:s19] =	stream.linear.scatter [tilespmem:s31], [sflag:$0x3], $0x1400, $0x38;
	[tilespmem:$0x1E800] =	vst v63  }
0xff: {  	_ =	swait.ge [sflag:s0], $0x1400  }
0x100: {  	[sflag:s0] =	ssyncset.done $0x0  }
0x101: {  	s17 =	rddreg [dreg:$0xa];
	[sflag:s0] =	ssyncadd.s32 $0xFFFFEC00  }
0x102: {  	[spmem:s17] =	stream.linear.scatter [tilespmem:s31], [sflag:$0x3], $0x1400, $0x38;
	[tilespmem:$0x1E800] =	vst v63  }
0x103: {  	_ =	swait.ge [sflag:s0], $0x1400  }
0x104: {  	[sflag:s0] =	ssyncset.done $0x0  }
0x105: {  	s18 =	rddreg [dreg:$0xb];
	[sflag:s0] =	ssyncadd.s32 $0xFFFFEC00  }
0x106: {  	[spmem:s18] =	stream.linear.scatter [tilespmem:s31], [sflag:$0x3], $0x1400, $0x38;
	[tilespmem:$0x1E800] =	vst v63  }
0x107: {  	_ =	swait.ge [sflag:s0], $0x1400  }
0x108: {  	[sflag:s0] =	ssyncset.done $0x0  }
0x109: {  	s19 =	rddreg [dreg:$0xc];
	[sflag:s0] =	ssyncadd.s32 $0xFFFFEC00  }
0x10a: {  	[spmem:s19] =	stream.linear.scatter [tilespmem:s31], [sflag:$0x3], $0x1400, $0x38;
	[tilespmem:$0x1E800] =	vst v63  }
0x10b: {  	_ =	swait.ge [sflag:s0], $0x1400  }
0x10c: {  	[sflag:s0] =	ssyncset.done $0x0  }
0x10d: {  	s17 =	rddreg [dreg:$0xd];
	[sflag:s0] =	ssyncadd.s32 $0xFFFFEC00  }
0x10e: {  	[spmem:s17] =	stream.linear.scatter [tilespmem:s31], [sflag:$0x3], $0x1400, $0x38;
	[tilespmem:$0x1E800] =	vst v63  }
0x10f: {  	_ =	swait.ge [sflag:s0], $0x1400  }
0x110: {  	[sflag:s0] =	ssyncset.done $0x0  }
0x111: {  	s18 =	rddreg [dreg:$0xe];
	[sflag:s0] =	ssyncadd.s32 $0xFFFFEC00  }
0x112: {  	[spmem:s18] =	stream.linear.scatter [tilespmem:s31], [sflag:$0x3], $0x1400, $0x38;
	[tilespmem:$0x1E800] =	vst v63  }
0x113: {  	_ =	swait.ge [sflag:s0], $0x1400  }
0x114: {  	[sflag:s0] =	ssyncset.done $0x0  }
0x115: {  	[sflag:s0] =	ssyncadd.s32 $0xFFFFEC00  }
0x116: {  	[spmem:s24] =	stream.linear.scatter [tilespmem:s31], [sflag:$0x3], $0x1400, $0x38;
	[tilespmem:$0x1E800] =	vst v63  }
0x117: {  	_ =	swait.ge [sflag:s0], $0x1400  }
0x118: {  	[sflag:s0] =	ssyncset.done $0x0  }
0x119: {  	[sflag:s0] =	ssyncadd.s32 $0xFFFFEC00  }
0x11a: {  	[spmem:s26] =	stream.linear.scatter [tilespmem:s31], [sflag:$0x3], $0x1400, $0x38;
	[tilespmem:$0x1E800] =	vst v63  }
0x11b: {  	_ =	swait.ge [sflag:s0], $0x1400  }
0x11c: {  	[sflag:s0] =	ssyncset.done $0x0  }
0x11d: {  	[sflag:s0] =	ssyncadd.s32 $0xFFFFEC00  }
0x11e: {  	[spmem:s28] =	stream.linear.scatter [tilespmem:s31], [sflag:$0x3], $0x1400, $0x38;
	[tilespmem:$0x1E800] =	vst v63  }
0x11f: {  	_ =	swait.ge [sflag:s0], $0x1400  }
0x120: {  	[sflag:s0] =	ssyncset.done $0x0  }
0x121: {  	[sflag:s0] =	ssyncadd.s32 $0xFFFFEC00  }
0x122: {  	[spmem:s29] =	stream.linear.scatter [tilespmem:s31], [sflag:$0x3], $0x1400, $0x38;
	[tilespmem:$0x1E800] =	vst v63  }
0x123: {  	_ =	swait.ge [sflag:s0], $0x1400  }
0x124: {  	[sflag:s0] =	ssyncset.done $0x0  }
0x125: {  	[sflag:s0] =	ssyncadd.s32 $0xFFFFEC00  }
0x126: {  	[spmem:s30] =	stream.linear.scatter [tilespmem:s31], [sflag:$0x3], $0x1400, $0x38;
	[tilespmem:$0x1E800] =	vst v63  }
0x127: {  	_ =	swait.ge [sflag:s0], $0x1400  }
0x128: {  	[sflag:s0] =	ssyncset.done $0x0  }
0x129: {  	[sflag:s0] =	ssyncadd.s32 $0xFFFFEC00  }
0x12a: {  	s19 =	simm.s32 $0x0;
	[bflag:$0x0] =	sbarrier.arrive $0xFFFF  }
0x12b: {  	[tilespmem:s6], [sflag:$0x3] =	stream.linear.gather [hbm4b:s20+s19], $0x1400, $0x38;
	[tilespmem:$0x1E800] =	vst v63  }
0x12c: {  	_ =	swait.ge [sflag:s0], $0x1400  }
0x12d: {  	[sflag:s0] =	ssyncset.done $0x0  }
0x12e: {  	[sflag:s0] =	ssyncadd.s32 $0xFFFFEC00  }
0x12f: {  	[tilespmem:s7], [sflag:$0x3] =	stream.linear.gather [hbm4b:s21+s19], $0x1400, $0x38;
	[tilespmem:$0x1E800] =	vst v63  }
0x130: {  	_ =	swait.ge [sflag:s0], $0x1400  }
0x131: {  	[sflag:s0] =	ssyncset.done $0x0  }
0x132: {  	[sflag:s0] =	ssyncadd.s32 $0xFFFFEC00  }
0x133: {  	[tilespmem:s31], [sflag:$0x1] =	stream.indirect.gather [hbm4b:s4+s3], $0x80, s6, s3, $0xb8;
	[tilespmem:$0x1E800] =	vst v63  }
0x134: {  	_ = 	snop  }
0x135: {  	[tilespmem:s9], [sflag:$0x2] =	stream.indirect.gather [hbm4b:s4+s3], $0x80, s2, s3, $0xb8;
	[tilespmem:$0x1E800] =	vst v63  }
0x136: {  	_ =	swait.ge [sflag:s10], $0x3E80  }
0x137: {  	[sflag:s10] =	ssyncset.done $0x0  }
0x138: {  	s17 =	simm.s32 $0x15400;
	[sflag:s10] =	ssyncadd.s32 $0xFFFFC180  }
0x139: {  	[spmem:s1] =	stream.indirect.scatter.add.f32 [tilespmem:s31], [sflag:$0x3], $0x80, s17, s3, $0xb8;
	[tilespmem:$0x1E800] =	vst v63  }
0x13a: {  	_ =	swait.ge [sflag:s0], $0x3E80  }
0x13b: {  	[sflag:s0] =	ssyncset.done $0x0  }
0x13c: {  	s18 =	simm.s32 $0x14100;
	[sflag:s0] =	ssyncadd.s32 $0xFFFFC180  }
0x13d: {  	[tilespmem:s31], [sflag:$0x1] =	stream.indirect.gather [hbm4b:s4+s3], $0x80, s18, s3, $0xb8;
	[tilespmem:$0x1E800] =	vst v63  }
0x13e: {  	_ =	swait.ge [sflag:s11], $0x3E80  }
0x13f: {  	[sflag:s11] =	ssyncset.done $0x0  }
0x140: {  	s19 =	simm.s32 $0x15480;
	[sflag:s11] =	ssyncadd.s32 $0xFFFFC180  }
0x141: {  	[spmem:s1] =	stream.indirect.scatter.add.f32 [tilespmem:s9], [sflag:$0x3], $0x80, s19, s3, $0xb8;
	[tilespmem:$0x1E800] =	vst v63  }
0x142: {  	_ =	swait.ge [sflag:s0], $0x3E80  }
0x143: {  	[sflag:s0] =	ssyncset.done $0x0  }
0x144: {  	s16 =	simm.s32 $0x400;
	s17 =	simm.s32 $0x14180;
	[sflag:s0] =	ssyncadd.s32 $0xFFFFC180  }
.LBB2_4:
0x145: {  	[tilespmem:s9], [sflag:$0x2] =	stream.indirect.gather [hbm4b:s4+s3], $0x80, s17, s3, $0xb8;
	[tilespmem:$0x1E800] =	vst v63  }
0x146: {  	s17 =	smov.u32 s16  }
0x147: {  	p1 =	sne.s32 s16, $0x4800;
	s16 =	sadd.s32 $0x400, s16;
	_ =	swait.ge [sflag:s10], $0x3E80  }
0x148: {  	s17 =	sshra.s32 s17, $0x2;
	[sflag:s10] =	ssyncset.done $0x0  }
0x149: {  	s18 =	sadd.s32 $0x15400, s17;
	[sflag:s10] =	ssyncadd.s32 $0xFFFFC180  }
0x14a: {  	[spmem:s1] =	stream.indirect.scatter.add.f32 [tilespmem:s31], [sflag:$0x3], $0x80, s18, s3, $0xb8;
	[tilespmem:$0x1E800] =	vst v63  }
0x14b: {  	_ =	swait.ge [sflag:s0], $0x3E80  }
0x14c: {  	[sflag:s0] =	ssyncset.done $0x0  }
0x14d: {  	s18 =	sadd.s32 $0x14100, s17;
	[sflag:s0] =	ssyncadd.s32 $0xFFFFC180  }
0x14e: {  	[tilespmem:s31], [sflag:$0x1] =	stream.indirect.gather [hbm4b:s4+s3], $0x80, s18, s3, $0xb8;
	[tilespmem:$0x1E800] =	vst v63  }
0x14f: {  	_ =	swait.ge [sflag:s11], $0x3E80  }
0x150: {  	[sflag:s11] =	ssyncset.done $0x0  }
.Ltmp8:
0x151: {  	s18 =	sadd.s32 $0x15480, s17;
	[sflag:s11] =	ssyncadd.s32 $0xFFFFC180;
	(pc) =	sbr.rel @p1 .LBB2_4-.Ltmp8, $4  }
0x152: {  	[spmem:s1] =	stream.indirect.scatter.add.f32 [tilespmem:s9], [sflag:$0x3], $0x80, s18, s3, $0xb8;
	[tilespmem:$0x1E800] =	vst v63  }
0x153: {  	_ =	swait.ge [sflag:s0], $0x3E80  }
0x154: {  	[sflag:s0] =	ssyncset.done $0x0  }
0x155: {  	s17 =	sadd.s32 $0x14180, s17;
	[sflag:s0] =	ssyncadd.s32 $0xFFFFC180  }
0x156: {  	[tilespmem:s9], [sflag:$0x2] =	stream.indirect.gather [hbm4b:s4+s3], $0x80, s17, s3, $0xb8;
	[tilespmem:$0x1E800] =	vst v63  }
0x157: {  	_ =	swait.ge [sflag:s10], $0x3E80  }
0x158: {  	[sflag:s10] =	ssyncset.done $0x0  }
0x159: {  	[sflag:s10] =	ssyncadd.s32 $0xFFFFC180  }
0x15a: {  	[spmem:s1] =	stream.indirect.scatter.add.f32 [tilespmem:s31], [sflag:$0x3], $0x80, s12, s3, $0xb8;
	[tilespmem:$0x1E800] =	vst v63  }
0x15b: {  	_ =	swait.ge [sflag:s0], $0x3E80  }
0x15c: {  	[sflag:s0] =	ssyncset.done $0x0  }
0x15d: {  	[sflag:s0] =	ssyncadd.s32 $0xFFFFC180  }
0x15e: {  	_ =	swait.ge [sflag:s11], $0x3E80  }
0x15f: {  	[sflag:s11] =	ssyncset.done $0x0  }
0x160: {  	[sflag:s11] =	ssyncadd.s32 $0xFFFFC180  }
0x161: {  	[spmem:s1] =	stream.indirect.scatter.add.f32 [tilespmem:s9], [sflag:$0x3], $0x80, s14, s3, $0xb8;
	[tilespmem:$0x1E800] =	vst v63  }
0x162: {  	_ =	swait.ge [sflag:s0], $0x3E80  }
0x163: {  	[sflag:s0] =	ssyncset.done $0x0  }
0x164: {  	s16 =	simm.s32 $0x0;
	[sflag:s0] =	ssyncadd.s32 $0xFFFFC180  }
0x165: {  	[tilespmem:s6], [sflag:$0x3] =	stream.linear.gather [hbm4b:s22+s16], $0x1400, $0x38;
	[tilespmem:$0x1E800] =	vst v63  }
0x166: {  	_ =	swait.ge [sflag:s0], $0x1400  }
0x167: {  	[sflag:s0] =	ssyncset.done $0x0  }
0x168: {  	[sflag:s0] =	ssyncadd.s32 $0xFFFFEC00  }
0x169: {  	[tilespmem:s7], [sflag:$0x3] =	stream.linear.gather [hbm4b:s23+s16], $0x1400, $0x38;
	[tilespmem:$0x1E800] =	vst v63  }
0x16a: {  	_ =	swait.ge [sflag:s0], $0x1400  }
0x16b: {  	[sflag:s0] =	ssyncset.done $0x0  }
0x16c: {  	[sflag:s0] =	ssyncadd.s32 $0xFFFFEC00  }
0x16d: {  	[tilespmem:s31], [sflag:$0x1] =	stream.indirect.gather [hbm4b:s4+s3], $0x80, s6, s3, $0xb8;
	[tilespmem:$0x1E800] =	vst v63  }
0x16e: {  	_ = 	snop  }
0x16f: {  	[tilespmem:s9], [sflag:$0x2] =	stream.indirect.gather [hbm4b:s4+s3], $0x80, s2, s3, $0xb8;
	[tilespmem:$0x1E800] =	vst v63  }
0x170: {  	_ =	swait.ge [sflag:s10], $0x3E80  }
0x171: {  	[sflag:s10] =	ssyncset.done $0x0  }
0x172: {  	s17 =	simm.s32 $0x15400;
	[sflag:s10] =	ssyncadd.s32 $0xFFFFC180  }
0x173: {  	[spmem:s1] =	stream.indirect.scatter.add.f32 [tilespmem:s31], [sflag:$0x3], $0x80, s17, s3, $0xb8;
	[tilespmem:$0x1E800] =	vst v63  }
0x174: {  	_ =	swait.ge [sflag:s0], $0x3E80  }
0x175: {  	[sflag:s0] =	ssyncset.done $0x0  }
0x176: {  	s18 =	simm.s32 $0x14100;
	[sflag:s0] =	ssyncadd.s32 $0xFFFFC180  }
0x177: {  	[tilespmem:s31], [sflag:$0x1] =	stream.indirect.gather [hbm4b:s4+s3], $0x80, s18, s3, $0xb8;
	[tilespmem:$0x1E800] =	vst v63  }
0x178: {  	_ =	swait.ge [sflag:s11], $0x3E80  }
0x179: {  	[sflag:s11] =	ssyncset.done $0x0  }
0x17a: {  	s19 =	simm.s32 $0x15480;
	[sflag:s11] =	ssyncadd.s32 $0xFFFFC180  }
0x17b: {  	[spmem:s1] =	stream.indirect.scatter.add.f32 [tilespmem:s9], [sflag:$0x3], $0x80, s19, s3, $0xb8;
	[tilespmem:$0x1E800] =	vst v63  }
0x17c: {  	_ =	swait.ge [sflag:s0], $0x3E80  }
0x17d: {  	[sflag:s0] =	ssyncset.done $0x0  }
0x17e: {  	s16 =	simm.s32 $0x400;
	s17 =	simm.s32 $0x14180;
	[sflag:s0] =	ssyncadd.s32 $0xFFFFC180  }
.LBB2_6:
0x17f: {  	[tilespmem:s9], [sflag:$0x2] =	stream.indirect.gather [hbm4b:s4+s3], $0x80, s17, s3, $0xb8;
	[tilespmem:$0x1E800] =	vst v63  }
0x180: {  	s17 =	smov.u32 s16  }
0x181: {  	p1 =	sne.s32 s16, $0x4800;
	s16 =	sadd.s32 $0x400, s16;
	_ =	swait.ge [sflag:s10], $0x3E80  }
0x182: {  	s17 =	sshra.s32 s17, $0x2;
	[sflag:s10] =	ssyncset.done $0x0  }
0x183: {  	s18 =	sadd.s32 $0x15400, s17;
	[sflag:s10] =	ssyncadd.s32 $0xFFFFC180  }
0x184: {  	[spmem:s1] =	stream.indirect.scatter.add.f32 [tilespmem:s31], [sflag:$0x3], $0x80, s18, s3, $0xb8;
	[tilespmem:$0x1E800] =	vst v63  }
0x185: {  	_ =	swait.ge [sflag:s0], $0x3E80  }
0x186: {  	[sflag:s0] =	ssyncset.done $0x0  }
0x187: {  	s18 =	sadd.s32 $0x14100, s17;
	[sflag:s0] =	ssyncadd.s32 $0xFFFFC180  }
0x188: {  	[tilespmem:s31], [sflag:$0x1] =	stream.indirect.gather [hbm4b:s4+s3], $0x80, s18, s3, $0xb8;
	[tilespmem:$0x1E800] =	vst v63  }
0x189: {  	_ =	swait.ge [sflag:s11], $0x3E80  }
0x18a: {  	[sflag:s11] =	ssyncset.done $0x0  }
.Ltmp9:
0x18b: {  	s18 =	sadd.s32 $0x15480, s17;
	[sflag:s11] =	ssyncadd.s32 $0xFFFFC180;
	(pc) =	sbr.rel @p1 .LBB2_6-.Ltmp9, $4  }
0x18c: {  	[spmem:s1] =	stream.indirect.scatter.add.f32 [tilespmem:s9], [sflag:$0x3], $0x80, s18, s3, $0xb8;
	[tilespmem:$0x1E800] =	vst v63  }
0x18d: {  	_ =	swait.ge [sflag:s0], $0x3E80  }
0x18e: {  	[sflag:s0] =	ssyncset.done $0x0  }
0x18f: {  	s17 =	sadd.s32 $0x14180, s17;
	[sflag:s0] =	ssyncadd.s32 $0xFFFFC180  }
0x190: {  	[tilespmem:s9], [sflag:$0x2] =	stream.indirect.gather [hbm4b:s4+s3], $0x80, s17, s3, $0xb8;
	[tilespmem:$0x1E800] =	vst v63  }
0x191: {  	_ =	swait.ge [sflag:s10], $0x3E80  }
0x192: {  	[sflag:s10] =	ssyncset.done $0x0  }
0x193: {  	[sflag:s10] =	ssyncadd.s32 $0xFFFFC180  }
0x194: {  	[spmem:s1] =	stream.indirect.scatter.add.f32 [tilespmem:s31], [sflag:$0x3], $0x80, s12, s3, $0xb8;
	[tilespmem:$0x1E800] =	vst v63  }
0x195: {  	_ =	swait.ge [sflag:s0], $0x3E80  }
0x196: {  	[sflag:s0] =	ssyncset.done $0x0  }
.Ltmp10:
0x197: {  	[sflag:s0] =	ssyncadd.s32 $0xFFFFC180;
	(pc) =	sbr.rel .LBB2_14-.Ltmp10, $4  }
0x198: {  	_ =	swait.ge [sflag:s11], $0x3E80  }
0x199: {  	[sflag:s11] =	ssyncset.done $0x0  }
0x19a: {  	s16 =	rddreg [dreg:$0x3];
	[sflag:s11] =	ssyncadd.s32 $0xFFFFC180  }
0x19b: {  	[spmem:s1] =	stream.indirect.scatter.add.f32 [tilespmem:s9], [sflag:$0x3], $0x80, s14, s3, $0xb8;
	[tilespmem:$0x1E800] =	vst v63  }
.LBB2_15:
0x19c: {  	_ =	sfence.sel $0x180000  }
0x19d: {  	[bflag:$0x0] =	sbarrier.arrive $0xFFFF  }
0x19e: {  	_ =	strace $0x9000004A  }
0x19f: {  	s0 =	stileid.u32;
	[bflag:$0x2] =	sbarrier.arrive $0xFFFF  }
0x1a0: {  	p0 =	sne.s32 s0, $0x0;
	s0 =	rddreg [dreg:$0x2]  }
0x1a1: {  	s0 =	sadd.s32 @!p0 $0x100000, s0  }
0x1a2: {  	[sflag:s0] =	ssyncadd.tile.s32 @!p0 $0x1;
	_ =	shalt  }
.Lfunc_end2:
_tile_overlayer_lowered:
.L_overlay_start_2:
0x1a3: {  	(tag) =	ssettag $0x2  }
0x1a4: {  	s0 =	rddreg [dreg:$0x0];
	s2 =	stileid.u32  }
0x1a5: {  	s1 =	rddreg [dreg:$0x1];
	p0 =	sne.s32 s2, $0x0  }
0x1a6: {  	s3 =	rddreg [dreg:$0x2];
	[bflag:$0x3] =	sbarrier.arrive $0xFFFF;
	s2 =	simm.s32 @!p0 $0x1C03  }
0x1a7: {  	[timem:s3], [sflag:s2] =	dma.local @!p0 [hbm:s0], s1  }
0x1a8: {  	s0 =	simm.s32 @!p0 $0x3  }
0x1a9: {  	_ =	swait.ge @!p0 [sflag:s0], s1  }
0x1aa: {  	s1 =	ssub.s32 @!p0 $0x0, s1;
	[sflag:s0] =	ssyncset.done @!p0 $0x0  }
0x1ab: {  	[sflag:s0] =	ssyncadd.s32 @!p0 s1  }
0x1ac: {  	[bflag:$0x3] =	sbarrier.arrive $0xFFFF  }
0x1ad: {  	_ =	shalt  }

// kernel: kernel.14.cloned.1.call-start
scs
__scs_entry_jumppad:
0x0: {  	(pc) =	sbr.rel $0x88, $3  }
0x1: {  	(tag) =	ssettag $0x0;
	lr =	simm.s32 $0x1  }
0x2: {  	[smem:$0x3F98] =	sst lr;
	_ =	strace $0xD0000000  }
0x3: {  	_ = 	snop  }
0x4: {  	_ = 	snop  }
0x5: {  	_ = 	snop  }
0x6: {  	_ = 	snop  }
0x7: {  	_ = 	snop  }
__scs_overlays_trampoline_lowered:
0x8: {  	[smem:$0x3FA7] =	sst s0  }
0x9: {  	[smem:$0x3FA8] =	sst s1  }
0xa: {  	[smem:$0x3FA9] =	sst s2  }
0xb: {  	[smem:$0x3FAA] =	sst s3  }
0xc: {  	[smem:$0x3FAB] =	sst s4  }
0xd: {  	[smem:$0x3FAC] =	sst s5  }
0xe: {  	[smem:$0x3FAD] =	sst s6  }
0xf: {  	[smem:$0x3FAE] =	sst s7  }
0x10: {  	[smem:$0x3FAF] =	sst s8  }
0x11: {  	[smem:$0x3FB0] =	sst s9;
	s0 =	simm.s32 @!p0 $0x0  }
0x12: {  	s1 =	sld [smem:$0x3F96];
	s0 =	simm.s32 @p0 $0x1  }
0x13: {  	[smem:$0x3FB1] =	sst s0;
	s0 =	simm.s32 @!p1 $0x0  }
0x14: {  	s2 =	sld [smem:$0x3F95];
	s0 =	simm.s32 @p1 $0x1  }
0x15: {  	[smem:$0x3FB2] =	sst s0;
	s0 =	simm.s32 @!p2 $0x0  }
0x16: {  	s3 =	sld [smem:$0x3FDB];
	s0 =	simm.s32 @p2 $0x1  }
0x17: {  	s4 =	simm.s32 $0x1BF5;
	[smem:$0x3FB4] =	sst s0  }
0x18: {  	s0 =	sld [smem:$0x3F97];
	_ =	swait.ge [sflag:s4], $0x0  }
0x19: {  	s7 =	sld [smem:$0x3F98]  }
0x1a: {  	s8 =	sadd.s32 $0xFFFFE003, lr  }
0x1b: {  	s9 =	sadd.s32 $0xFFFFFEF7, lr;
	s5 =	simm.s32 $0xFFFFFFFF;
	p2 =	slt.u32 s8, $0xFFFFF086  }
0x1c: {  	p1 =	slt.u32 s9, $0xF7A;
	s5 =	simm.s32 @!p2 $0x0  }
0x1d: {  	s5 =	simm.s32 @p1 $0x1;
	p0 =	seq.s32 s7, s2  }
0x1e: {  	s7 =	smul.u32 @!p0 $0xF7A, s2;
	p2 =	seq.s32 @!p0 s5, $0x0  }
0x1f: {  	s9 =	smul.u32 $0xF7A, s1;
	s8 =	simm.s32 @!p0 $0x1BF5;
	p2 =	por !p2, p0  }
0x20: {  	[sflag:s8] =	ssyncset.s32 @!p0 $0xFFFFF086;
	s6 =	sadd.s32 @!p0 s3, s7;
	s7 =	simm.s32 @!p0 $0x108  }
0x21: {  	s3 =	sadd.s32 s3, s9;
	s6 =	sadd.s32 @!p0 $0x88, s6;
	s7 =	simm.s32 @p2 $0x1082  }
0x22: {  	[simem:s7], [sflag:s8] =	dma.local @!p0 [hbm:s6], $0xF7A  }
0x23: {  	s9 =	sor.u32 $0xD0000000, s2;
	s6 =	simm.s32 $0x108;
	_ =	swait.ge @!p0 [sflag:s8], $0x0  }
0x24: {  	s3 =	sadd.s32 $0x88, s3;
	s6 =	simm.s32 @!p1 $0x1082;
	[sflag:s4] =	ssyncset.s32 $0xFFFFF086  }
0x25: {  	[simem:s6], [sflag:s4] =	dma.local [hbm:s3], $0xF7A  }
0x26: {  	[smem:$0x3F98] =	sst s1;
	(tag) =	ssettag s2;
	_ =	strace s9  }
0x27: {  	s1 =	sld [smem:$0x3FA8]  }
0x28: {  	s2 =	sld [smem:$0x3FA9]  }
0x29: {  	s4 =	sld [smem:$0x3FAB]  }
0x2a: {  	p0 =	seq.s32 s5, $0x0;
	s5 =	sld [smem:$0x3FAC]  }
0x2b: {  	s6 =	sld [smem:$0x3FAD]  }
0x2c: {  	s7 =	sld [smem:$0x3FAE]  }
0x2d: {  	s3 =	simm.s32 $0x108;
	s8 =	sld [smem:$0x3FAF]  }
0x2e: {  	s3 =	simm.s32 @!p0 $0x1082;
	s9 =	sld [smem:$0x3FB0]  }
0x2f: {  	lr =	sadd.s32 s0, s3;
	s0 =	sld [smem:$0x3FA7]  }
0x30: {  	s3 =	sld [smem:$0x3FAA]  }
0x31: {  	[smem:$0x3FB3] =	sst s10  }
0x32: {  	s10 =	sld [smem:$0x3FB1];
	_ =	sdelay $0x3  }
0x33: {  	p0 =	seq.s32 s10, $0x1;
	s10 =	sld [smem:$0x3FB3];
	_ =	sdelay $0x3  }
0x34: {  	[smem:$0x3FB3] =	sst s10  }
0x35: {  	s10 =	sld [smem:$0x3FB2];
	_ =	sdelay $0x3  }
0x36: {  	p1 =	seq.s32 s10, $0x1;
	s10 =	sld [smem:$0x3FB3];
	_ =	sdelay $0x3  }
0x37: {  	[smem:$0x3FB3] =	sst s10  }
0x38: {  	s10 =	sld [smem:$0x3FB4]  }
0x39: {  	_ = 	snop;
	(pc) =	sbr.ind lr, $3  }
0x3a: {  	_ = 	snop  }
0x3b: {  	_ = 	snop  }
0x3c: {  	p2 =	seq.s32 s10, $0x1;
	s10 =	sld [smem:$0x3FB3]  }
0x3d: {  	_ =	shalt  }
0x3e: {  	_ =	shalt  }
0x3f: {  	_ =	shalt  }
0x40: {  	_ =	shalt  }
0x41: {  	_ =	shalt  }
0x42: {  	_ =	shalt  }
0x43: {  	_ =	shalt  }
0x44: {  	_ =	shalt  }
0x45: {  	_ =	shalt  }
0x46: {  	_ =	shalt  }
0x47: {  	_ =	shalt  }
0x48: {  	_ =	shalt  }
0x49: {  	_ =	shalt  }
0x4a: {  	_ =	shalt  }
0x4b: {  	_ =	shalt  }
0x4c: {  	_ =	shalt  }
0x4d: {  	_ =	shalt  }
0x4e: {  	_ =	shalt  }
0x4f: {  	_ =	shalt  }
0x50: {  	_ =	shalt  }
0x51: {  	_ =	shalt  }
0x52: {  	_ =	shalt  }
0x53: {  	_ =	shalt  }
0x54: {  	_ =	shalt  }
0x55: {  	_ =	shalt  }
0x56: {  	_ =	shalt  }
0x57: {  	_ =	shalt  }
0x58: {  	_ =	shalt  }
0x59: {  	_ =	shalt  }
0x5a: {  	_ =	shalt  }
0x5b: {  	_ =	shalt  }
0x5c: {  	_ =	shalt  }
0x5d: {  	_ =	shalt  }
0x5e: {  	_ =	shalt  }
0x5f: {  	_ =	shalt  }
0x60: {  	_ =	shalt  }
0x61: {  	_ =	shalt  }
0x62: {  	_ =	shalt  }
0x63: {  	_ =	shalt  }
0x64: {  	_ =	shalt  }
0x65: {  	_ =	shalt  }
0x66: {  	_ =	shalt  }
0x67: {  	_ =	shalt  }
0x68: {  	_ =	shalt  }
0x69: {  	_ =	shalt  }
0x6a: {  	_ =	shalt  }
0x6b: {  	_ =	shalt  }
0x6c: {  	_ =	shalt  }
0x6d: {  	_ =	shalt  }
0x6e: {  	_ =	shalt  }
0x6f: {  	_ =	shalt  }
0x70: {  	_ =	shalt  }
0x71: {  	_ =	shalt  }
0x72: {  	_ =	shalt  }
0x73: {  	_ =	shalt  }
0x74: {  	_ =	shalt  }
0x75: {  	_ =	shalt  }
0x76: {  	_ =	shalt  }
0x77: {  	_ =	shalt  }
0x78: {  	_ =	shalt  }
0x79: {  	_ =	shalt  }
0x7a: {  	_ =	shalt  }
0x7b: {  	_ =	shalt  }
0x7c: {  	_ =	shalt  }
0x7d: {  	_ =	shalt  }
0x7e: {  	_ =	shalt  }
0x7f: {  	_ =	shalt  }
0x80: {  	_ =	shalt  }
0x81: {  	_ =	shalt  }
0x82: {  	_ =	shalt  }
0x83: {  	_ =	shalt  }
0x84: {  	_ =	shalt  }
0x85: {  	_ =	shalt  }
0x86: {  	_ =	shalt  }
0x87: {  	_ =	shalt  }
.Lfunc_end0:
.L_simem_size_0:
called_computation.2_lowered:
.L_overlay_start_0:
0x88: {  	s2 =	sld [smem:$0x3FD9]  }
0x89: {  	s3 =	sld [smem:$0x3FFE];
	_ =	sdelay $0x1  }
0x8a: {  	s1 =	srdreg.scid  }
0x8b: {  	s0 =	sand.u32 $0x1, s1  }
0x8c: {  	s16 =	sshll.u32 s0, $0xA;
	s2 =	sadd.s32 s3, s2  }
0x8d: {  	s2 =	sadd.s32 s2, s16  }
0x8e: {  	[smem:$0x3FBF] =	sst s2  }
0x8f: {  	_ = 	snop  }
0x90: {  	(tm) =	ssettm $0x1  }
0x91: {  	s17 =	sld [smem:$0x3FFB];
	_ =	sdelay $0x3  }
0x92: {  	_ =	strace s17  }
0x93: {  	s2 =	sld [smem:$0x3FFC];
	_ =	sdelay $0x3  }
0x94: {  	_ =	strace s2  }
0x95: {  	s2 =	sld [smem:$0x3FFD];
	_ =	sdelay $0x3  }
0x96: {  	_ =	strace s2  }
0x97: {  	_ =	strace $0x8FFFFFFF  }
0x98: {  	s18 =	sld [smem:$0x3FDB];
	_ =	sdelay $0x1  }
0x99: {  	s19 =	simm.s32 $_scs_section_size  }
0x9a: {  	s4 =	simm.s32 $_size__tile_overlayer_lowered;
	s5 =	simm.s32 $_tile_overlayer_lowered  }
0x9b: {  	s22 =	simm.s32 $0x1BFF;
	s21 =	sshll.u32 s5, $0x1;
	s2 =	sadd.s32 s19, s18  }
0x9c: {  	s6 =	simm.s32 $0x0;
	s20 =	sshll.u32 s4, $0x1;
	s4 =	sadd.s32 s21, s2  }
0x9d: {  	[timem:s6], [sflag:s22] =	dma.local [hbm:s4], s20  }
0x9e: {  	_ =	swait.ge [sflag:s22], s20  }
0x9f: {  	s3 =	ssub.s32 $0x0, s20;
	[sflag:s22] =	ssyncset.done $0x0  }
0xa0: {  	[sflag:s22] =	ssyncadd.s32 s3;
	_ =	sdelay $0x1  }
0xa1: {  	s23 =	simm.s32 $0x1B8B  }
0xa2: {  	_ =	swait.ge [sflag:s23], $0x1  }
0xa3: {  	[sflag:s23] =	ssyncset.done $0x0  }
0xa4: {  	s25 =	simm.s32 $0x1B8E;
	s24 =	sld [smem:$0x3FFE];
	[sflag:s23] =	ssyncadd.s32 $0xFFFFFFFF  }
0xa5: {  	s26 =	simm.s32 $execute0_lowered;
	[smem:$0x3FD2] =	sst s25  }
0xa6: {  	s4 =	sshll.u32 s26, $0x1;
	_ =	strace $0x8000004C;
	[dreg:$0x1] =	wrdreg $0xFFFFFFFF  }
0xa7: {  	s28 =	simm.s32 $_size_execute0_lowered;
	s2 =	sadd.s32 s2, s4;
	[dreg:$0x0] =	wrdreg $0x0  }
0xa8: {  	s4 =	sshll.u32 s28, $0x1;
	[dreg:$0x2] =	wrdreg s2  }
0xa9: {  	[dreg:$0x3] =	wrdreg s4  }
0xaa: {  	[dreg:$0x4] =	wrdreg $0xC0  }
0xab: {  	_ =	task [dreg:s6], $0x5FFFF  }
0xac: {  	[dreg:$0x1] =	wrdreg $0xFFFFFFFF  }
0xad: {  	[dreg:$0x0] =	wrdreg $0x60  }
0xae: {  	[dreg:$0x2] =	wrdreg s24  }
0xaf: {  	[dreg:$0x3] =	wrdreg $0x0  }
0xb0: {  	[dreg:$0x4] =	wrdreg $0x9  }
0xb1: {  	_ =	task.clear_ibuf [dreg:s6], $0x5FFFF;
	_ =	strace $0x9000004C  }
0xb2: {  	s29 =	simm.s32 $0x9;
	_ =	strace $0x8000004E  }
0xb3: {  	_ =	swait.ge [sflag:s29], $0x1  }
0xb4: {  	[sflag:s29] =	ssyncadd.s32 $0xFFFFFFFF  }
0xb5: {  	_ =	strace $0x9000004E  }
0xb6: {  	_ =	sfence  }
0xb7: {  	s30 =	sld [smem:$0x0];
	_ =	sdelay $0x2  }
0xb8: {  	s31 =	sshll.u32 s1, $0xD;
	s1 =	sshrl.u32 s1, $0x2  }
0xb9: {  	s3 =	sand.u32 $0x4000, s31;
	s1 =	sadd.s32 s1, s30  }
0xba: {  	s0 =	sor.u32 s3, s0;
	s1 =	sshll.u32 s1, $0x11  }
0xbb: {  	s0 =	sor.u32 s1, s0  }
0xbc: {  	s0 =	sadd.s32 $0x8F2B, s0  }
0xbd: {  	[sflag:s0] =	ssyncadd.remote.s32 $0x1  }
0xbe: {  	_ =	sfence.sel $0xFFFF  }
0xbf: {  	[dreg:$0x0] =	wrdreg $0xFFFFFFFF;
	(pc) =	sbr.abs _section_cstart, $3  }
0xc0: {  	[dreg:$0x1] =	wrdreg $0xFFFFFFFF  }
0xc1: {  	_ =	task.clear_ibuf [dreg:s6], $0x2FFFF;
	_ =	strace $0x9FFFFFFF  }
0xc2: {  	(tm) =	ssettm $0x7FFFFFFF  }
0xc3: {  	_ =	shalt  }
tec
execute0_lowered:
.L_overlay_start_1:
0x0: {  	(tag) =	ssettag $0x1  }
0x1: {  	s0 =	rddreg [dreg:$0x0]  }
0x2: {  	s1 =	rddreg [dreg:$0x1];
	s2 =	simm.s32 $0x0  }
0x3: {  	s13 =	srdreg.scid;
	s10 =	stileid.u32;
	s31 =	simm.s32 $0x16800  }
0x4: {  	s11 =	simm.s32 $0x2;
	s12 =	simm.s32 $0x16700;
	[smem:$0x7FF] =	sst s2  }
0x5: {  	s4 =	sadd.s32 $0x13400, s0;
	s5 =	sadd.s32 $0x3A600, s0;
	s2 =	sand.u32 $0x1, s13  }
0x6: {  	s3 =	smul.u32 $0x50000, s10;
	s6 =	sadd.s32 $0xE400, s0;
	s7 =	sadd.s32 $0x9400, s0  }
0x7: {  	s9 =	sadd.s32 $0x88A00, s0;
	s0 =	sadd.s32 $0xB0A00, s0;
	s13 =	smul.u32 $0x2800, s10  }
0x8: {  	s10 =	simm.s32 $0x1;
	_ =	strace $0x8000004D;
	s8 =	ssub.s32 $0x2, s2  }
0x9: {  	[dreg:$0x3] =	wrdreg s9;
	s14 =	sshrl.u32 s8, $0x1;
	s3 =	sshrl.u32 s3, $0x2  }
0xa: {  	[dreg:$0x4] =	wrdreg s0;
	s15 =	ssub.s32 s8, s14;
	s8 =	sadd.s32 s3, s1  }
0xb: {  	p0 =	seq.s32 s2, $0x1;
	s0 =	simm.s32 $0x3;
	s16 =	sadd.s32 $0x1400, s8  }
0xc: {  	s2 =	simm.s32 $0x14080;
	s17 =	sadd.s32 $0x2800, s8;
	[dreg:$0x5] =	wrdreg s16  }
0xd: {  	s9 =	simm.s32 $0x1A800;
	s18 =	sadd.s32 $0x3C00, s8;
	[dreg:$0x6] =	wrdreg s17  }
0xe: {  	s25 =	sshrl.u32 s13, $0x3;
	s19 =	sadd.s32 $0x5000, s8;
	[dreg:$0x7] =	wrdreg s18  }
0xf: {  	s26 =	sadd.s32 $0x280, s25;
	s20 =	sadd.s32 $0x6400, s8;
	[dreg:$0x8] =	wrdreg s19  }
0x10: {  	s14 =	simm.s32 $0x16780;
	s21 =	sadd.s32 $0x7800, s8;
	[dreg:$0x9] =	wrdreg s20  }
0x11: {  	s22 =	sadd.s32 $0x8C00, s8;
	s23 =	sadd.s32 $0xA000, s8;
	[dreg:$0xa] =	wrdreg s21  }
0x12: {  	s24 =	sadd.s32 $0xB400, s8;
	s3 =	sadd.s32 $0xC800, s8;
	[dreg:$0xb] =	wrdreg s22  }
0x13: {  	s28 =	sadd.s32 $0x10400, s8;
	s29 =	sadd.s32 $0x11800, s8;
	[dreg:$0xc] =	wrdreg s23  }
.Ltmp0:
0x14: {  	s30 =	sadd.s32 $0x12C00, s8;
	[dreg:$0xd] =	wrdreg s24;
	(pc) =	sbr.rel .LBB2_1-.Ltmp0, $4  }
0x15: {  	[dreg:$0xe] =	wrdreg s3;
	s20 =	sadd.s32 s6, s25;
	s21 =	sadd.s32 s7, s25  }
0x16: {  	s22 =	sadd.s32 s6, s26;
	s23 =	sadd.s32 s7, s26;
	s24 =	sadd.s32 $0xDC00, s8  }
0x17: {  	s25 =	smax.u32 s15, $0x1;
	s26 =	sadd.s32 $0xF000, s8;
	s6 =	simm.s32 $0x14000  }
0x18: {  	v0 =	vimm.f32 $0.0e+00;
	s7 =	simm.s32 $0x15400;
	s3 =	simm.s32 $0x7D;
	s15 =	simm.s32 $0x0  }
.LBB2_13:
0x19: {  	[tilespmem:s9], [sflag:$0x2] =	stream.indirect.gather [hbm4b:s5+s3], $0x80, s17, s3, $0xb8;
	[tilespmem:$0x1E800] =	vst v63  }
0x1a: {  	_ =	swait.ge [sflag:s10], $0x3E80  }
0x1b: {  	[sflag:s10] =	ssyncset.done $0x0  }
0x1c: {  	[sflag:s10] =	ssyncadd.s32 $0xFFFFC180  }
0x1d: {  	[spmem:s1] =	stream.indirect.scatter.add.f32 [tilespmem:s31], [sflag:$0x3], $0x80, s12, s3, $0xb8;
	[tilespmem:$0x1E800] =	vst v63  }
0x1e: {  	_ =	swait.ge [sflag:s0], $0x3E80  }
0x1f: {  	[sflag:s0] =	ssyncset.done $0x0  }
0x20: {  	[sflag:s0] =	ssyncadd.s32 $0xFFFFC180  }
0x21: {  	_ =	swait.ge [sflag:s11], $0x3E80  }
0x22: {  	[sflag:s11] =	ssyncset.done $0x0  }
0x23: {  	s16 =	rddreg [dreg:$0x4];
	[sflag:s11] =	ssyncadd.s32 $0xFFFFC180  }
0x24: {  	[spmem:s1] =	stream.indirect.scatter.add.f32 [tilespmem:s9], [sflag:$0x3], $0x80, s14, s3, $0xb8;
	[tilespmem:$0x1E800] =	vst v63  }
.LBB2_14:
0x25: {  	_ =	swait.ge [sflag:s0], $0x3E80;
	s16 =	sadd.s32 s16, s13;
	s17 =	stileid.u32  }
0x26: {  	s18 =	sshrl.u32 s8, $0x3;
	s15 =	sadd.s32 $0x1, s15;
	[sflag:s0] =	ssyncset.done $0x0  }
0x27: {  	s17 =	sshll.u32 s17, $0x6;
	p1 =	sne.s32 s15, s25;
	[sflag:s0] =	ssyncadd.s32 $0xFFFFC180  }
.Ltmp1:
0x28: {  	s17 =	sor.u32 $0x1C03, s17;
	[bflag:$0x0] =	sbarrier.arrive $0xFFFF;
	(pc) =	sbr.rel @!p1 .LBB2_15-.Ltmp1, $4  }
0x29: {  	[hbm:s16], [sflag:s17] =	dma.local [spmem:s18], $0x2800  }
0x2a: {  	_ =	swait.ge [sflag:s0], $0x2800  }
0x2b: {  	[sflag:s0] =	ssyncset.done $0x0  }
0x2c: {  	[sflag:s0] =	ssyncadd.s32 $0xFFFFD800  }
.LBB2_1:
.Ltmp2:
0x2d: {  	(pc) =	sbr.rel @!p0 .LBB2_2-.Ltmp2, $4  }
0x2e: {  	s17 =	simm.s32 $0x0  }
0x2f: {  	s16 =	sand.u32 $0x7E00, s17  }
0x30: {  	s17 =	sand.u32 $0x70, s17;
	s18 =	sshrl.u32 s16, $0x2  }
0x31: {  	s16 =	simm.s32 $0x40;
	s18 =	sor.u32 s17, s18;
	s17 =	simm.s32 $0x0  }
.LBB2_8:
0x32: {  	p1 =	sne.s32 s16, $0x4FC0  }
0x33: {  	[tilespmem:s18+$0x16800] =	vst v0;
	s17 =	sadd.s32 $0x10, s17;
	s18 =	smov.u32 s16;
	s16 =	sadd.s32 $0x40, s16  }
.Ltmp3:
0x34: {  	(pc) =	sbr.rel @p1 .LBB2_8-.Ltmp3, $4  }
0x35: {  	_ = 	snop  }
0x36: {  	s18 =	sand.u32 $0x7E00, s18  }
0x37: {  	s19 =	sand.u32 $0x70, s17;
	s18 =	sshrl.u32 s18, $0x2  }
0x38: {  	s18 =	sor.u32 s19, s18  }
0x39: {  	[tilespmem:s18+$0x16800] =	vst v0  }
0x3a: {  	[spmem:s8] =	stream.linear.scatter [tilespmem:s31], [sflag:$0x3], $0x1400, $0x38;
	[tilespmem:$0x1E800] =	vst v63  }
0x3b: {  	_ =	swait.ge [sflag:s0], $0x1400  }
0x3c: {  	[sflag:s0] =	ssyncset.done $0x0  }
0x3d: {  	s16 =	rddreg [dreg:$0x5];
	[sflag:s0] =	ssyncadd.s32 $0xFFFFEC00  }
0x3e: {  	[spmem:s16] =	stream.linear.scatter [tilespmem:s31], [sflag:$0x3], $0x1400, $0x38;
	[tilespmem:$0x1E800] =	vst v63  }
0x3f: {  	_ =	swait.ge [sflag:s0], $0x1400  }
0x40: {  	[sflag:s0] =	ssyncset.done $0x0  }
0x41: {  	s19 =	rddreg [dreg:$0x6];
	[sflag:s0] =	ssyncadd.s32 $0xFFFFEC00  }
0x42: {  	[spmem:s19] =	stream.linear.scatter [tilespmem:s31], [sflag:$0x3], $0x1400, $0x38;
	[tilespmem:$0x1E800] =	vst v63  }
0x43: {  	_ =	swait.ge [sflag:s0], $0x1400  }
0x44: {  	[sflag:s0] =	ssyncset.done $0x0  }
0x45: {  	s17 =	rddreg [dreg:$0x7];
	[sflag:s0] =	ssyncadd.s32 $0xFFFFEC00  }
0x46: {  	[spmem:s17] =	stream.linear.scatter [tilespmem:s31], [sflag:$0x3], $0x1400, $0x38;
	[tilespmem:$0x1E800] =	vst v63  }
0x47: {  	_ =	swait.ge [sflag:s0], $0x1400  }
0x48: {  	[sflag:s0] =	ssyncset.done $0x0  }
0x49: {  	s18 =	rddreg [dreg:$0x8];
	[sflag:s0] =	ssyncadd.s32 $0xFFFFEC00  }
0x4a: {  	[spmem:s18] =	stream.linear.scatter [tilespmem:s31], [sflag:$0x3], $0x1400, $0x38;
	[tilespmem:$0x1E800] =	vst v63  }
0x4b: {  	_ =	swait.ge [sflag:s0], $0x1400  }
0x4c: {  	[sflag:s0] =	ssyncset.done $0x0  }
0x4d: {  	s19 =	rddreg [dreg:$0x9];
	[sflag:s0] =	ssyncadd.s32 $0xFFFFEC00  }
0x4e: {  	[spmem:s19] =	stream.linear.scatter [tilespmem:s31], [sflag:$0x3], $0x1400, $0x38;
	[tilespmem:$0x1E800] =	vst v63  }
0x4f: {  	_ =	swait.ge [sflag:s0], $0x1400  }
0x50: {  	[sflag:s0] =	ssyncset.done $0x0  }
0x51: {  	s17 =	rddreg [dreg:$0xa];
	[sflag:s0] =	ssyncadd.s32 $0xFFFFEC00  }
0x52: {  	[spmem:s17] =	stream.linear.scatter [tilespmem:s31], [sflag:$0x3], $0x1400, $0x38;
	[tilespmem:$0x1E800] =	vst v63  }
0x53: {  	_ =	swait.ge [sflag:s0], $0x1400  }
0x54: {  	[sflag:s0] =	ssyncset.done $0x0  }
0x55: {  	s18 =	rddreg [dreg:$0xb];
	[sflag:s0] =	ssyncadd.s32 $0xFFFFEC00  }
0x56: {  	[spmem:s18] =	stream.linear.scatter [tilespmem:s31], [sflag:$0x3], $0x1400, $0x38;
	[tilespmem:$0x1E800] =	vst v63  }
0x57: {  	_ =	swait.ge [sflag:s0], $0x1400  }
0x58: {  	[sflag:s0] =	ssyncset.done $0x0  }
0x59: {  	s19 =	rddreg [dreg:$0xc];
	[sflag:s0] =	ssyncadd.s32 $0xFFFFEC00  }
0x5a: {  	[spmem:s19] =	stream.linear.scatter [tilespmem:s31], [sflag:$0x3], $0x1400, $0x38;
	[tilespmem:$0x1E800] =	vst v63  }
0x5b: {  	_ =	swait.ge [sflag:s0], $0x1400  }
0x5c: {  	[sflag:s0] =	ssyncset.done $0x0  }
0x5d: {  	s17 =	rddreg [dreg:$0xd];
	[sflag:s0] =	ssyncadd.s32 $0xFFFFEC00  }
0x5e: {  	[spmem:s17] =	stream.linear.scatter [tilespmem:s31], [sflag:$0x3], $0x1400, $0x38;
	[tilespmem:$0x1E800] =	vst v63  }
0x5f: {  	_ =	swait.ge [sflag:s0], $0x1400  }
0x60: {  	[sflag:s0] =	ssyncset.done $0x0  }
0x61: {  	s18 =	rddreg [dreg:$0xe];
	[sflag:s0] =	ssyncadd.s32 $0xFFFFEC00  }
0x62: {  	[spmem:s18] =	stream.linear.scatter [tilespmem:s31], [sflag:$0x3], $0x1400, $0x38;
	[tilespmem:$0x1E800] =	vst v63  }
0x63: {  	_ =	swait.ge [sflag:s0], $0x1400  }
0x64: {  	[sflag:s0] =	ssyncset.done $0x0  }
0x65: {  	[sflag:s0] =	ssyncadd.s32 $0xFFFFEC00  }
0x66: {  	[spmem:s24] =	stream.linear.scatter [tilespmem:s31], [sflag:$0x3], $0x1400, $0x38;
	[tilespmem:$0x1E800] =	vst v63  }
0x67: {  	_ =	swait.ge [sflag:s0], $0x1400  }
0x68: {  	[sflag:s0] =	ssyncset.done $0x0  }
0x69: {  	[sflag:s0] =	ssyncadd.s32 $0xFFFFEC00  }
0x6a: {  	[spmem:s26] =	stream.linear.scatter [tilespmem:s31], [sflag:$0x3], $0x1400, $0x38;
	[tilespmem:$0x1E800] =	vst v63  }
0x6b: {  	_ =	swait.ge [sflag:s0], $0x1400  }
0x6c: {  	[sflag:s0] =	ssyncset.done $0x0  }
0x6d: {  	[sflag:s0] =	ssyncadd.s32 $0xFFFFEC00  }
0x6e: {  	[spmem:s28] =	stream.linear.scatter [tilespmem:s31], [sflag:$0x3], $0x1400, $0x38;
	[tilespmem:$0x1E800] =	vst v63  }
0x6f: {  	_ =	swait.ge [sflag:s0], $0x1400  }
0x70: {  	[sflag:s0] =	ssyncset.done $0x0  }
0x71: {  	[sflag:s0] =	ssyncadd.s32 $0xFFFFEC00  }
0x72: {  	[spmem:s29] =	stream.linear.scatter [tilespmem:s31], [sflag:$0x3], $0x1400, $0x38;
	[tilespmem:$0x1E800] =	vst v63  }
0x73: {  	_ =	swait.ge [sflag:s0], $0x1400  }
0x74: {  	[sflag:s0] =	ssyncset.done $0x0  }
0x75: {  	[sflag:s0] =	ssyncadd.s32 $0xFFFFEC00  }
0x76: {  	[spmem:s30] =	stream.linear.scatter [tilespmem:s31], [sflag:$0x3], $0x1400, $0x38;
	[tilespmem:$0x1E800] =	vst v63  }
0x77: {  	_ =	swait.ge [sflag:s0], $0x1400  }
0x78: {  	[sflag:s0] =	ssyncset.done $0x0  }
0x79: {  	[sflag:s0] =	ssyncadd.s32 $0xFFFFEC00  }
0x7a: {  	s19 =	simm.s32 $0x0;
	[bflag:$0x0] =	sbarrier.arrive $0xFFFF  }
0x7b: {  	[tilespmem:s6], [sflag:$0x3] =	stream.linear.gather [hbm4b:s20+s19], $0x1400, $0x38;
	[tilespmem:$0x1E800] =	vst v63  }
0x7c: {  	_ =	swait.ge [sflag:s0], $0x1400  }
0x7d: {  	[sflag:s0] =	ssyncset.done $0x0  }
0x7e: {  	[sflag:s0] =	ssyncadd.s32 $0xFFFFEC00  }
0x7f: {  	[tilespmem:s7], [sflag:$0x3] =	stream.linear.gather [hbm4b:s21+s19], $0x1400, $0x38;
	[tilespmem:$0x1E800] =	vst v63  }
0x80: {  	_ =	swait.ge [sflag:s0], $0x1400  }
0x81: {  	[sflag:s0] =	ssyncset.done $0x0  }
0x82: {  	[sflag:s0] =	ssyncadd.s32 $0xFFFFEC00  }
0x83: {  	[tilespmem:s31], [sflag:$0x1] =	stream.indirect.gather [hbm4b:s5+s3], $0x80, s6, s3, $0xb8;
	[tilespmem:$0x1E800] =	vst v63  }
0x84: {  	_ = 	snop  }
0x85: {  	[tilespmem:s9], [sflag:$0x2] =	stream.indirect.gather [hbm4b:s5+s3], $0x80, s2, s3, $0xb8;
	[tilespmem:$0x1E800] =	vst v63  }
0x86: {  	_ =	swait.ge [sflag:s10], $0x3E80  }
0x87: {  	[sflag:s10] =	ssyncset.done $0x0  }
0x88: {  	s17 =	simm.s32 $0x15400;
	[sflag:s10] =	ssyncadd.s32 $0xFFFFC180  }
0x89: {  	[spmem:s1] =	stream.indirect.scatter.add.f32 [tilespmem:s31], [sflag:$0x3], $0x80, s17, s3, $0xb8;
	[tilespmem:$0x1E800] =	vst v63  }
0x8a: {  	_ =	swait.ge [sflag:s0], $0x3E80  }
0x8b: {  	[sflag:s0] =	ssyncset.done $0x0  }
0x8c: {  	s18 =	simm.s32 $0x14100;
	[sflag:s0] =	ssyncadd.s32 $0xFFFFC180  }
0x8d: {  	[tilespmem:s31], [sflag:$0x1] =	stream.indirect.gather [hbm4b:s5+s3], $0x80, s18, s3, $0xb8;
	[tilespmem:$0x1E800] =	vst v63  }
0x8e: {  	_ =	swait.ge [sflag:s11], $0x3E80  }
0x8f: {  	[sflag:s11] =	ssyncset.done $0x0  }
0x90: {  	s19 =	simm.s32 $0x15480;
	[sflag:s11] =	ssyncadd.s32 $0xFFFFC180  }
0x91: {  	[spmem:s1] =	stream.indirect.scatter.add.f32 [tilespmem:s9], [sflag:$0x3], $0x80, s19, s3, $0xb8;
	[tilespmem:$0x1E800] =	vst v63  }
0x92: {  	_ =	swait.ge [sflag:s0], $0x3E80  }
0x93: {  	[sflag:s0] =	ssyncset.done $0x0  }
0x94: {  	s16 =	simm.s32 $0x400;
	s17 =	simm.s32 $0x14180;
	[sflag:s0] =	ssyncadd.s32 $0xFFFFC180  }
.LBB2_10:
0x95: {  	[tilespmem:s9], [sflag:$0x2] =	stream.indirect.gather [hbm4b:s5+s3], $0x80, s17, s3, $0xb8;
	[tilespmem:$0x1E800] =	vst v63  }
0x96: {  	s17 =	smov.u32 s16  }
0x97: {  	p1 =	sne.s32 s16, $0x4800;
	s16 =	sadd.s32 $0x400, s16;
	_ =	swait.ge [sflag:s10], $0x3E80  }
0x98: {  	s17 =	sshra.s32 s17, $0x2;
	[sflag:s10] =	ssyncset.done $0x0  }
0x99: {  	s18 =	sadd.s32 $0x15400, s17;
	[sflag:s10] =	ssyncadd.s32 $0xFFFFC180  }
0x9a: {  	[spmem:s1] =	stream.indirect.scatter.add.f32 [tilespmem:s31], [sflag:$0x3], $0x80, s18, s3, $0xb8;
	[tilespmem:$0x1E800] =	vst v63  }
0x9b: {  	_ =	swait.ge [sflag:s0], $0x3E80  }
0x9c: {  	[sflag:s0] =	ssyncset.done $0x0  }
0x9d: {  	s18 =	sadd.s32 $0x14100, s17;
	[sflag:s0] =	ssyncadd.s32 $0xFFFFC180  }
0x9e: {  	[tilespmem:s31], [sflag:$0x1] =	stream.indirect.gather [hbm4b:s5+s3], $0x80, s18, s3, $0xb8;
	[tilespmem:$0x1E800] =	vst v63  }
0x9f: {  	_ =	swait.ge [sflag:s11], $0x3E80  }
0xa0: {  	[sflag:s11] =	ssyncset.done $0x0  }
.Ltmp4:
0xa1: {  	s18 =	sadd.s32 $0x15480, s17;
	[sflag:s11] =	ssyncadd.s32 $0xFFFFC180;
	(pc) =	sbr.rel @p1 .LBB2_10-.Ltmp4, $4  }
0xa2: {  	[spmem:s1] =	stream.indirect.scatter.add.f32 [tilespmem:s9], [sflag:$0x3], $0x80, s18, s3, $0xb8;
	[tilespmem:$0x1E800] =	vst v63  }
0xa3: {  	_ =	swait.ge [sflag:s0], $0x3E80  }
0xa4: {  	[sflag:s0] =	ssyncset.done $0x0  }
0xa5: {  	s17 =	sadd.s32 $0x14180, s17;
	[sflag:s0] =	ssyncadd.s32 $0xFFFFC180  }
0xa6: {  	[tilespmem:s9], [sflag:$0x2] =	stream.indirect.gather [hbm4b:s5+s3], $0x80, s17, s3, $0xb8;
	[tilespmem:$0x1E800] =	vst v63  }
0xa7: {  	_ =	swait.ge [sflag:s10], $0x3E80  }
0xa8: {  	[sflag:s10] =	ssyncset.done $0x0  }
0xa9: {  	[sflag:s10] =	ssyncadd.s32 $0xFFFFC180  }
0xaa: {  	[spmem:s1] =	stream.indirect.scatter.add.f32 [tilespmem:s31], [sflag:$0x3], $0x80, s12, s3, $0xb8;
	[tilespmem:$0x1E800] =	vst v63  }
0xab: {  	_ =	swait.ge [sflag:s0], $0x3E80  }
0xac: {  	[sflag:s0] =	ssyncset.done $0x0  }
0xad: {  	[sflag:s0] =	ssyncadd.s32 $0xFFFFC180  }
0xae: {  	_ =	swait.ge [sflag:s11], $0x3E80  }
0xaf: {  	[sflag:s11] =	ssyncset.done $0x0  }
0xb0: {  	[sflag:s11] =	ssyncadd.s32 $0xFFFFC180  }
0xb1: {  	[spmem:s1] =	stream.indirect.scatter.add.f32 [tilespmem:s9], [sflag:$0x3], $0x80, s14, s3, $0xb8;
	[tilespmem:$0x1E800] =	vst v63  }
0xb2: {  	_ =	swait.ge [sflag:s0], $0x3E80  }
0xb3: {  	[sflag:s0] =	ssyncset.done $0x0  }
0xb4: {  	s16 =	simm.s32 $0x0;
	[sflag:s0] =	ssyncadd.s32 $0xFFFFC180  }
0xb5: {  	[tilespmem:s6], [sflag:$0x3] =	stream.linear.gather [hbm4b:s22+s16], $0x1400, $0x38;
	[tilespmem:$0x1E800] =	vst v63  }
0xb6: {  	_ =	swait.ge [sflag:s0], $0x1400  }
0xb7: {  	[sflag:s0] =	ssyncset.done $0x0  }
0xb8: {  	[sflag:s0] =	ssyncadd.s32 $0xFFFFEC00  }
0xb9: {  	[tilespmem:s7], [sflag:$0x3] =	stream.linear.gather [hbm4b:s23+s16], $0x1400, $0x38;
	[tilespmem:$0x1E800] =	vst v63  }
0xba: {  	_ =	swait.ge [sflag:s0], $0x1400  }
0xbb: {  	[sflag:s0] =	ssyncset.done $0x0  }
0xbc: {  	[sflag:s0] =	ssyncadd.s32 $0xFFFFEC00  }
0xbd: {  	[tilespmem:s31], [sflag:$0x1] =	stream.indirect.gather [hbm4b:s5+s3], $0x80, s6, s3, $0xb8;
	[tilespmem:$0x1E800] =	vst v63  }
0xbe: {  	_ = 	snop  }
0xbf: {  	[tilespmem:s9], [sflag:$0x2] =	stream.indirect.gather [hbm4b:s5+s3], $0x80, s2, s3, $0xb8;
	[tilespmem:$0x1E800] =	vst v63  }
0xc0: {  	_ =	swait.ge [sflag:s10], $0x3E80  }
0xc1: {  	[sflag:s10] =	ssyncset.done $0x0  }
0xc2: {  	s17 =	simm.s32 $0x15400;
	[sflag:s10] =	ssyncadd.s32 $0xFFFFC180  }
0xc3: {  	[spmem:s1] =	stream.indirect.scatter.add.f32 [tilespmem:s31], [sflag:$0x3], $0x80, s17, s3, $0xb8;
	[tilespmem:$0x1E800] =	vst v63  }
0xc4: {  	_ =	swait.ge [sflag:s0], $0x3E80  }
0xc5: {  	[sflag:s0] =	ssyncset.done $0x0  }
0xc6: {  	s18 =	simm.s32 $0x14100;
	[sflag:s0] =	ssyncadd.s32 $0xFFFFC180  }
0xc7: {  	[tilespmem:s31], [sflag:$0x1] =	stream.indirect.gather [hbm4b:s5+s3], $0x80, s18, s3, $0xb8;
	[tilespmem:$0x1E800] =	vst v63  }
0xc8: {  	_ =	swait.ge [sflag:s11], $0x3E80  }
0xc9: {  	[sflag:s11] =	ssyncset.done $0x0  }
0xca: {  	s19 =	simm.s32 $0x15480;
	[sflag:s11] =	ssyncadd.s32 $0xFFFFC180  }
0xcb: {  	[spmem:s1] =	stream.indirect.scatter.add.f32 [tilespmem:s9], [sflag:$0x3], $0x80, s19, s3, $0xb8;
	[tilespmem:$0x1E800] =	vst v63  }
0xcc: {  	_ =	swait.ge [sflag:s0], $0x3E80  }
0xcd: {  	[sflag:s0] =	ssyncset.done $0x0  }
0xce: {  	s16 =	simm.s32 $0x400;
	s17 =	simm.s32 $0x14180;
	[sflag:s0] =	ssyncadd.s32 $0xFFFFC180  }
.LBB2_12:
0xcf: {  	[tilespmem:s9], [sflag:$0x2] =	stream.indirect.gather [hbm4b:s5+s3], $0x80, s17, s3, $0xb8;
	[tilespmem:$0x1E800] =	vst v63  }
0xd0: {  	s17 =	smov.u32 s16  }
0xd1: {  	p1 =	sne.s32 s16, $0x4800;
	s16 =	sadd.s32 $0x400, s16;
	_ =	swait.ge [sflag:s10], $0x3E80  }
0xd2: {  	s17 =	sshra.s32 s17, $0x2;
	[sflag:s10] =	ssyncset.done $0x0  }
0xd3: {  	s18 =	sadd.s32 $0x15400, s17;
	[sflag:s10] =	ssyncadd.s32 $0xFFFFC180  }
0xd4: {  	[spmem:s1] =	stream.indirect.scatter.add.f32 [tilespmem:s31], [sflag:$0x3], $0x80, s18, s3, $0xb8;
	[tilespmem:$0x1E800] =	vst v63  }
0xd5: {  	_ =	swait.ge [sflag:s0], $0x3E80  }
0xd6: {  	[sflag:s0] =	ssyncset.done $0x0  }
0xd7: {  	s18 =	sadd.s32 $0x14100, s17;
	[sflag:s0] =	ssyncadd.s32 $0xFFFFC180  }
0xd8: {  	[tilespmem:s31], [sflag:$0x1] =	stream.indirect.gather [hbm4b:s5+s3], $0x80, s18, s3, $0xb8;
	[tilespmem:$0x1E800] =	vst v63  }
0xd9: {  	_ =	swait.ge [sflag:s11], $0x3E80  }
0xda: {  	[sflag:s11] =	ssyncset.done $0x0  }
.Ltmp5:
0xdb: {  	s18 =	sadd.s32 $0x15480, s17;
	[sflag:s11] =	ssyncadd.s32 $0xFFFFC180;
	(pc) =	sbr.rel @p1 .LBB2_12-.Ltmp5, $4  }
0xdc: {  	[spmem:s1] =	stream.indirect.scatter.add.f32 [tilespmem:s9], [sflag:$0x3], $0x80, s18, s3, $0xb8;
	[tilespmem:$0x1E800] =	vst v63  }
0xdd: {  	_ =	swait.ge [sflag:s0], $0x3E80  }
0xde: {  	[sflag:s0] =	ssyncset.done $0x0  }
0xdf: {  	s17 =	sadd.s32 $0x14180, s17;
	[sflag:s0] =	ssyncadd.s32 $0xFFFFC180  }
.Ltmp6:
0xe0: {  	_ = 	snop;
	(pc) =	sbr.rel .LBB2_13-.Ltmp6, $1  }
0xe1: {  	_ =	sdelay $0x3  }
.LBB2_2:
0xe2: {  	p1 =	sne.s32 s16, $0x4FC0  }
0xe3: {  	[tilespmem:s18+$0x16800] =	vst v0;
	s17 =	sadd.s32 $0x10, s17;
	s18 =	smov.u32 s16;
	s16 =	sadd.s32 $0x40, s16  }
.Ltmp7:
0xe4: {  	(pc) =	sbr.rel @p1 .LBB2_2-.Ltmp7, $4  }
0xe5: {  	_ = 	snop  }
0xe6: {  	s18 =	sand.u32 $0x7E00, s18  }
0xe7: {  	s19 =	sand.u32 $0x70, s17;
	s18 =	sshrl.u32 s18, $0x2  }
0xe8: {  	s18 =	sor.u32 s19, s18  }
0xe9: {  	[tilespmem:s18+$0x16800] =	vst v0  }
0xea: {  	[spmem:s8] =	stream.linear.scatter [tilespmem:s31], [sflag:$0x3], $0x1400, $0x38;
	[tilespmem:$0x1E800] =	vst v63  }
0xeb: {  	_ =	swait.ge [sflag:s0], $0x1400  }
0xec: {  	[sflag:s0] =	ssyncset.done $0x0  }
0xed: {  	s16 =	rddreg [dreg:$0x5];
	[sflag:s0] =	ssyncadd.s32 $0xFFFFEC00  }
0xee: {  	[spmem:s16] =	stream.linear.scatter [tilespmem:s31], [sflag:$0x3], $0x1400, $0x38;
	[tilespmem:$0x1E800] =	vst v63  }
0xef: {  	_ =	swait.ge [sflag:s0], $0x1400  }
0xf0: {  	[sflag:s0] =	ssyncset.done $0x0  }
0xf1: {  	s19 =	rddreg [dreg:$0x6];
	[sflag:s0] =	ssyncadd.s32 $0xFFFFEC00  }
0xf2: {  	[spmem:s19] =	stream.linear.scatter [tilespmem:s31], [sflag:$0x3], $0x1400, $0x38;
	[tilespmem:$0x1E800] =	vst v63  }
0xf3: {  	_ =	swait.ge [sflag:s0], $0x1400  }
0xf4: {  	[sflag:s0] =	ssyncset.done $0x0  }
0xf5: {  	s17 =	rddreg [dreg:$0x7];
	[sflag:s0] =	ssyncadd.s32 $0xFFFFEC00  }
0xf6: {  	[spmem:s17] =	stream.linear.scatter [tilespmem:s31], [sflag:$0x3], $0x1400, $0x38;
	[tilespmem:$0x1E800] =	vst v63  }
0xf7: {  	_ =	swait.ge [sflag:s0], $0x1400  }
0xf8: {  	[sflag:s0] =	ssyncset.done $0x0  }
0xf9: {  	s18 =	rddreg [dreg:$0x8];
	[sflag:s0] =	ssyncadd.s32 $0xFFFFEC00  }
0xfa: {  	[spmem:s18] =	stream.linear.scatter [tilespmem:s31], [sflag:$0x3], $0x1400, $0x38;
	[tilespmem:$0x1E800] =	vst v63  }
0xfb: {  	_ =	swait.ge [sflag:s0], $0x1400  }
0xfc: {  	[sflag:s0] =	ssyncset.done $0x0  }
0xfd: {  	s19 =	rddreg [dreg:$0x9];
	[sflag:s0] =	ssyncadd.s32 $0xFFFFEC00  }
0xfe: {  	[spmem:s19] =	stream.linear.scatter [tilespmem:s31], [sflag:$0x3], $0x1400, $0x38;
	[tilespmem:$0x1E800] =	vst v63  }
0xff: {  	_ =	swait.ge [sflag:s0], $0x1400  }
0x100: {  	[sflag:s0] =	ssyncset.done $0x0  }
0x101: {  	s17 =	rddreg [dreg:$0xa];
	[sflag:s0] =	ssyncadd.s32 $0xFFFFEC00  }
0x102: {  	[spmem:s17] =	stream.linear.scatter [tilespmem:s31], [sflag:$0x3], $0x1400, $0x38;
	[tilespmem:$0x1E800] =	vst v63  }
0x103: {  	_ =	swait.ge [sflag:s0], $0x1400  }
0x104: {  	[sflag:s0] =	ssyncset.done $0x0  }
0x105: {  	s18 =	rddreg [dreg:$0xb];
	[sflag:s0] =	ssyncadd.s32 $0xFFFFEC00  }
0x106: {  	[spmem:s18] =	stream.linear.scatter [tilespmem:s31], [sflag:$0x3], $0x1400, $0x38;
	[tilespmem:$0x1E800] =	vst v63  }
0x107: {  	_ =	swait.ge [sflag:s0], $0x1400  }
0x108: {  	[sflag:s0] =	ssyncset.done $0x0  }
0x109: {  	s19 =	rddreg [dreg:$0xc];
	[sflag:s0] =	ssyncadd.s32 $0xFFFFEC00  }
0x10a: {  	[spmem:s19] =	stream.linear.scatter [tilespmem:s31], [sflag:$0x3], $0x1400, $0x38;
	[tilespmem:$0x1E800] =	vst v63  }
0x10b: {  	_ =	swait.ge [sflag:s0], $0x1400  }
0x10c: {  	[sflag:s0] =	ssyncset.done $0x0  }
0x10d: {  	s17 =	rddreg [dreg:$0xd];
	[sflag:s0] =	ssyncadd.s32 $0xFFFFEC00  }
0x10e: {  	[spmem:s17] =	stream.linear.scatter [tilespmem:s31], [sflag:$0x3], $0x1400, $0x38;
	[tilespmem:$0x1E800] =	vst v63  }
0x10f: {  	_ =	swait.ge [sflag:s0], $0x1400  }
0x110: {  	[sflag:s0] =	ssyncset.done $0x0  }
0x111: {  	s18 =	rddreg [dreg:$0xe];
	[sflag:s0] =	ssyncadd.s32 $0xFFFFEC00  }
0x112: {  	[spmem:s18] =	stream.linear.scatter [tilespmem:s31], [sflag:$0x3], $0x1400, $0x38;
	[tilespmem:$0x1E800] =	vst v63  }
0x113: {  	_ =	swait.ge [sflag:s0], $0x1400  }
0x114: {  	[sflag:s0] =	ssyncset.done $0x0  }
0x115: {  	[sflag:s0] =	ssyncadd.s32 $0xFFFFEC00  }
0x116: {  	[spmem:s24] =	stream.linear.scatter [tilespmem:s31], [sflag:$0x3], $0x1400, $0x38;
	[tilespmem:$0x1E800] =	vst v63  }
0x117: {  	_ =	swait.ge [sflag:s0], $0x1400  }
0x118: {  	[sflag:s0] =	ssyncset.done $0x0  }
0x119: {  	[sflag:s0] =	ssyncadd.s32 $0xFFFFEC00  }
0x11a: {  	[spmem:s26] =	stream.linear.scatter [tilespmem:s31], [sflag:$0x3], $0x1400, $0x38;
	[tilespmem:$0x1E800] =	vst v63  }
0x11b: {  	_ =	swait.ge [sflag:s0], $0x1400  }
0x11c: {  	[sflag:s0] =	ssyncset.done $0x0  }
0x11d: {  	[sflag:s0] =	ssyncadd.s32 $0xFFFFEC00  }
0x11e: {  	[spmem:s28] =	stream.linear.scatter [tilespmem:s31], [sflag:$0x3], $0x1400, $0x38;
	[tilespmem:$0x1E800] =	vst v63  }
0x11f: {  	_ =	swait.ge [sflag:s0], $0x1400  }
0x120: {  	[sflag:s0] =	ssyncset.done $0x0  }
0x121: {  	[sflag:s0] =	ssyncadd.s32 $0xFFFFEC00  }
0x122: {  	[spmem:s29] =	stream.linear.scatter [tilespmem:s31], [sflag:$0x3], $0x1400, $0x38;
	[tilespmem:$0x1E800] =	vst v63  }
0x123: {  	_ =	swait.ge [sflag:s0], $0x1400  }
0x124: {  	[sflag:s0] =	ssyncset.done $0x0  }
0x125: {  	[sflag:s0] =	ssyncadd.s32 $0xFFFFEC00  }
0x126: {  	[spmem:s30] =	stream.linear.scatter [tilespmem:s31], [sflag:$0x3], $0x1400, $0x38;
	[tilespmem:$0x1E800] =	vst v63  }
0x127: {  	_ =	swait.ge [sflag:s0], $0x1400  }
0x128: {  	[sflag:s0] =	ssyncset.done $0x0  }
0x129: {  	[sflag:s0] =	ssyncadd.s32 $0xFFFFEC00  }
0x12a: {  	s19 =	simm.s32 $0x0;
	[bflag:$0x0] =	sbarrier.arrive $0xFFFF  }
0x12b: {  	[tilespmem:s6], [sflag:$0x3] =	stream.linear.gather [hbm4b:s20+s19], $0x1400, $0x38;
	[tilespmem:$0x1E800] =	vst v63  }
0x12c: {  	_ =	swait.ge [sflag:s0], $0x1400  }
0x12d: {  	[sflag:s0] =	ssyncset.done $0x0  }
0x12e: {  	[sflag:s0] =	ssyncadd.s32 $0xFFFFEC00  }
0x12f: {  	[tilespmem:s7], [sflag:$0x3] =	stream.linear.gather [hbm4b:s21+s19], $0x1400, $0x38;
	[tilespmem:$0x1E800] =	vst v63  }
0x130: {  	_ =	swait.ge [sflag:s0], $0x1400  }
0x131: {  	[sflag:s0] =	ssyncset.done $0x0  }
0x132: {  	[sflag:s0] =	ssyncadd.s32 $0xFFFFEC00  }
0x133: {  	[tilespmem:s31], [sflag:$0x1] =	stream.indirect.gather [hbm4b:s4+s3], $0x80, s6, s3, $0xb8;
	[tilespmem:$0x1E800] =	vst v63  }
0x134: {  	_ = 	snop  }
0x135: {  	[tilespmem:s9], [sflag:$0x2] =	stream.indirect.gather [hbm4b:s4+s3], $0x80, s2, s3, $0xb8;
	[tilespmem:$0x1E800] =	vst v63  }
0x136: {  	_ =	swait.ge [sflag:s10], $0x3E80  }
0x137: {  	[sflag:s10] =	ssyncset.done $0x0  }
0x138: {  	s17 =	simm.s32 $0x15400;
	[sflag:s10] =	ssyncadd.s32 $0xFFFFC180  }
0x139: {  	[spmem:s1] =	stream.indirect.scatter.add.f32 [tilespmem:s31], [sflag:$0x3], $0x80, s17, s3, $0xb8;
	[tilespmem:$0x1E800] =	vst v63  }
0x13a: {  	_ =	swait.ge [sflag:s0], $0x3E80  }
0x13b: {  	[sflag:s0] =	ssyncset.done $0x0  }
0x13c: {  	s18 =	simm.s32 $0x14100;
	[sflag:s0] =	ssyncadd.s32 $0xFFFFC180  }
0x13d: {  	[tilespmem:s31], [sflag:$0x1] =	stream.indirect.gather [hbm4b:s4+s3], $0x80, s18, s3, $0xb8;
	[tilespmem:$0x1E800] =	vst v63  }
0x13e: {  	_ =	swait.ge [sflag:s11], $0x3E80  }
0x13f: {  	[sflag:s11] =	ssyncset.done $0x0  }
0x140: {  	s19 =	simm.s32 $0x15480;
	[sflag:s11] =	ssyncadd.s32 $0xFFFFC180  }
0x141: {  	[spmem:s1] =	stream.indirect.scatter.add.f32 [tilespmem:s9], [sflag:$0x3], $0x80, s19, s3, $0xb8;
	[tilespmem:$0x1E800] =	vst v63  }
0x142: {  	_ =	swait.ge [sflag:s0], $0x3E80  }
0x143: {  	[sflag:s0] =	ssyncset.done $0x0  }
0x144: {  	s16 =	simm.s32 $0x400;
	s17 =	simm.s32 $0x14180;
	[sflag:s0] =	ssyncadd.s32 $0xFFFFC180  }
.LBB2_4:
0x145: {  	[tilespmem:s9], [sflag:$0x2] =	stream.indirect.gather [hbm4b:s4+s3], $0x80, s17, s3, $0xb8;
	[tilespmem:$0x1E800] =	vst v63  }
0x146: {  	s17 =	smov.u32 s16  }
0x147: {  	p1 =	sne.s32 s16, $0x4800;
	s16 =	sadd.s32 $0x400, s16;
	_ =	swait.ge [sflag:s10], $0x3E80  }
0x148: {  	s17 =	sshra.s32 s17, $0x2;
	[sflag:s10] =	ssyncset.done $0x0  }
0x149: {  	s18 =	sadd.s32 $0x15400, s17;
	[sflag:s10] =	ssyncadd.s32 $0xFFFFC180  }
0x14a: {  	[spmem:s1] =	stream.indirect.scatter.add.f32 [tilespmem:s31], [sflag:$0x3], $0x80, s18, s3, $0xb8;
	[tilespmem:$0x1E800] =	vst v63  }
0x14b: {  	_ =	swait.ge [sflag:s0], $0x3E80  }
0x14c: {  	[sflag:s0] =	ssyncset.done $0x0  }
0x14d: {  	s18 =	sadd.s32 $0x14100, s17;
	[sflag:s0] =	ssyncadd.s32 $0xFFFFC180  }
0x14e: {  	[tilespmem:s31], [sflag:$0x1] =	stream.indirect.gather [hbm4b:s4+s3], $0x80, s18, s3, $0xb8;
	[tilespmem:$0x1E800] =	vst v63  }
0x14f: {  	_ =	swait.ge [sflag:s11], $0x3E80  }
0x150: {  	[sflag:s11] =	ssyncset.done $0x0  }
.Ltmp8:
0x151: {  	s18 =	sadd.s32 $0x15480, s17;
	[sflag:s11] =	ssyncadd.s32 $0xFFFFC180;
	(pc) =	sbr.rel @p1 .LBB2_4-.Ltmp8, $4  }
0x152: {  	[spmem:s1] =	stream.indirect.scatter.add.f32 [tilespmem:s9], [sflag:$0x3], $0x80, s18, s3, $0xb8;
	[tilespmem:$0x1E800] =	vst v63  }
0x153: {  	_ =	swait.ge [sflag:s0], $0x3E80  }
0x154: {  	[sflag:s0] =	ssyncset.done $0x0  }
0x155: {  	s17 =	sadd.s32 $0x14180, s17;
	[sflag:s0] =	ssyncadd.s32 $0xFFFFC180  }
0x156: {  	[tilespmem:s9], [sflag:$0x2] =	stream.indirect.gather [hbm4b:s4+s3], $0x80, s17, s3, $0xb8;
	[tilespmem:$0x1E800] =	vst v63  }
0x157: {  	_ =	swait.ge [sflag:s10], $0x3E80  }
0x158: {  	[sflag:s10] =	ssyncset.done $0x0  }
0x159: {  	[sflag:s10] =	ssyncadd.s32 $0xFFFFC180  }
0x15a: {  	[spmem:s1] =	stream.indirect.scatter.add.f32 [tilespmem:s31], [sflag:$0x3], $0x80, s12, s3, $0xb8;
	[tilespmem:$0x1E800] =	vst v63  }
0x15b: {  	_ =	swait.ge [sflag:s0], $0x3E80  }
0x15c: {  	[sflag:s0] =	ssyncset.done $0x0  }
0x15d: {  	[sflag:s0] =	ssyncadd.s32 $0xFFFFC180  }
0x15e: {  	_ =	swait.ge [sflag:s11], $0x3E80  }
0x15f: {  	[sflag:s11] =	ssyncset.done $0x0  }
0x160: {  	[sflag:s11] =	ssyncadd.s32 $0xFFFFC180  }
0x161: {  	[spmem:s1] =	stream.indirect.scatter.add.f32 [tilespmem:s9], [sflag:$0x3], $0x80, s14, s3, $0xb8;
	[tilespmem:$0x1E800] =	vst v63  }
0x162: {  	_ =	swait.ge [sflag:s0], $0x3E80  }
0x163: {  	[sflag:s0] =	ssyncset.done $0x0  }
0x164: {  	s16 =	simm.s32 $0x0;
	[sflag:s0] =	ssyncadd.s32 $0xFFFFC180  }
0x165: {  	[tilespmem:s6], [sflag:$0x3] =	stream.linear.gather [hbm4b:s22+s16], $0x1400, $0x38;
	[tilespmem:$0x1E800] =	vst v63  }
0x166: {  	_ =	swait.ge [sflag:s0], $0x1400  }
0x167: {  	[sflag:s0] =	ssyncset.done $0x0  }
0x168: {  	[sflag:s0] =	ssyncadd.s32 $0xFFFFEC00  }
0x169: {  	[tilespmem:s7], [sflag:$0x3] =	stream.linear.gather [hbm4b:s23+s16], $0x1400, $0x38;
	[tilespmem:$0x1E800] =	vst v63  }
0x16a: {  	_ =	swait.ge [sflag:s0], $0x1400  }
0x16b: {  	[sflag:s0] =	ssyncset.done $0x0  }
0x16c: {  	[sflag:s0] =	ssyncadd.s32 $0xFFFFEC00  }
0x16d: {  	[tilespmem:s31], [sflag:$0x1] =	stream.indirect.gather [hbm4b:s4+s3], $0x80, s6, s3, $0xb8;
	[tilespmem:$0x1E800] =	vst v63  }
0x16e: {  	_ = 	snop  }
0x16f: {  	[tilespmem:s9], [sflag:$0x2] =	stream.indirect.gather [hbm4b:s4+s3], $0x80, s2, s3, $0xb8;
	[tilespmem:$0x1E800] =	vst v63  }
0x170: {  	_ =	swait.ge [sflag:s10], $0x3E80  }
0x171: {  	[sflag:s10] =	ssyncset.done $0x0  }
0x172: {  	s17 =	simm.s32 $0x15400;
	[sflag:s10] =	ssyncadd.s32 $0xFFFFC180  }
0x173: {  	[spmem:s1] =	stream.indirect.scatter.add.f32 [tilespmem:s31], [sflag:$0x3], $0x80, s17, s3, $0xb8;
	[tilespmem:$0x1E800] =	vst v63  }
0x174: {  	_ =	swait.ge [sflag:s0], $0x3E80  }
0x175: {  	[sflag:s0] =	ssyncset.done $0x0  }
0x176: {  	s18 =	simm.s32 $0x14100;
	[sflag:s0] =	ssyncadd.s32 $0xFFFFC180  }
0x177: {  	[tilespmem:s31], [sflag:$0x1] =	stream.indirect.gather [hbm4b:s4+s3], $0x80, s18, s3, $0xb8;
	[tilespmem:$0x1E800] =	vst v63  }
0x178: {  	_ =	swait.ge [sflag:s11], $0x3E80  }
0x179: {  	[sflag:s11] =	ssyncset.done $0x0  }
0x17a: {  	s19 =	simm.s32 $0x15480;
	[sflag:s11] =	ssyncadd.s32 $0xFFFFC180  }
0x17b: {  	[spmem:s1] =	stream.indirect.scatter.add.f32 [tilespmem:s9], [sflag:$0x3], $0x80, s19, s3, $0xb8;
	[tilespmem:$0x1E800] =	vst v63  }
0x17c: {  	_ =	swait.ge [sflag:s0], $0x3E80  }
0x17d: {  	[sflag:s0] =	ssyncset.done $0x0  }
0x17e: {  	s16 =	simm.s32 $0x400;
	s17 =	simm.s32 $0x14180;
	[sflag:s0] =	ssyncadd.s32 $0xFFFFC180  }
.LBB2_6:
0x17f: {  	[tilespmem:s9], [sflag:$0x2] =	stream.indirect.gather [hbm4b:s4+s3], $0x80, s17, s3, $0xb8;
	[tilespmem:$0x1E800] =	vst v63  }
0x180: {  	s17 =	smov.u32 s16  }
0x181: {  	p1 =	sne.s32 s16, $0x4800;
	s16 =	sadd.s32 $0x400, s16;
	_ =	swait.ge [sflag:s10], $0x3E80  }
0x182: {  	s17 =	sshra.s32 s17, $0x2;
	[sflag:s10] =	ssyncset.done $0x0  }
0x183: {  	s18 =	sadd.s32 $0x15400, s17;
	[sflag:s10] =	ssyncadd.s32 $0xFFFFC180  }
0x184: {  	[spmem:s1] =	stream.indirect.scatter.add.f32 [tilespmem:s31], [sflag:$0x3], $0x80, s18, s3, $0xb8;
	[tilespmem:$0x1E800] =	vst v63  }
0x185: {  	_ =	swait.ge [sflag:s0], $0x3E80  }
0x186: {  	[sflag:s0] =	ssyncset.done $0x0  }
0x187: {  	s18 =	sadd.s32 $0x14100, s17;
	[sflag:s0] =	ssyncadd.s32 $0xFFFFC180  }
0x188: {  	[tilespmem:s31], [sflag:$0x1] =	stream.indirect.gather [hbm4b:s4+s3], $0x80, s18, s3, $0xb8;
	[tilespmem:$0x1E800] =	vst v63  }
0x189: {  	_ =	swait.ge [sflag:s11], $0x3E80  }
0x18a: {  	[sflag:s11] =	ssyncset.done $0x0  }
.Ltmp9:
0x18b: {  	s18 =	sadd.s32 $0x15480, s17;
	[sflag:s11] =	ssyncadd.s32 $0xFFFFC180;
	(pc) =	sbr.rel @p1 .LBB2_6-.Ltmp9, $4  }
0x18c: {  	[spmem:s1] =	stream.indirect.scatter.add.f32 [tilespmem:s9], [sflag:$0x3], $0x80, s18, s3, $0xb8;
	[tilespmem:$0x1E800] =	vst v63  }
0x18d: {  	_ =	swait.ge [sflag:s0], $0x3E80  }
0x18e: {  	[sflag:s0] =	ssyncset.done $0x0  }
0x18f: {  	s17 =	sadd.s32 $0x14180, s17;
	[sflag:s0] =	ssyncadd.s32 $0xFFFFC180  }
0x190: {  	[tilespmem:s9], [sflag:$0x2] =	stream.indirect.gather [hbm4b:s4+s3], $0x80, s17, s3, $0xb8;
	[tilespmem:$0x1E800] =	vst v63  }
0x191: {  	_ =	swait.ge [sflag:s10], $0x3E80  }
0x192: {  	[sflag:s10] =	ssyncset.done $0x0  }
0x193: {  	[sflag:s10] =	ssyncadd.s32 $0xFFFFC180  }
0x194: {  	[spmem:s1] =	stream.indirect.scatter.add.f32 [tilespmem:s31], [sflag:$0x3], $0x80, s12, s3, $0xb8;
	[tilespmem:$0x1E800] =	vst v63  }
0x195: {  	_ =	swait.ge [sflag:s0], $0x3E80  }
0x196: {  	[sflag:s0] =	ssyncset.done $0x0  }
.Ltmp10:
0x197: {  	[sflag:s0] =	ssyncadd.s32 $0xFFFFC180;
	(pc) =	sbr.rel .LBB2_14-.Ltmp10, $4  }
0x198: {  	_ =	swait.ge [sflag:s11], $0x3E80  }
0x199: {  	[sflag:s11] =	ssyncset.done $0x0  }
0x19a: {  	s16 =	rddreg [dreg:$0x3];
	[sflag:s11] =	ssyncadd.s32 $0xFFFFC180  }
0x19b: {  	[spmem:s1] =	stream.indirect.scatter.add.f32 [tilespmem:s9], [sflag:$0x3], $0x80, s14, s3, $0xb8;
	[tilespmem:$0x1E800] =	vst v63  }
.LBB2_15:
0x19c: {  	_ =	sfence.sel $0x180000  }
0x19d: {  	[bflag:$0x0] =	sbarrier.arrive $0xFFFF  }
0x19e: {  	_ =	strace $0x9000004D  }
0x19f: {  	s0 =	stileid.u32;
	[bflag:$0x2] =	sbarrier.arrive $0xFFFF  }
0x1a0: {  	p0 =	sne.s32 s0, $0x0;
	s0 =	rddreg [dreg:$0x2]  }
0x1a1: {  	s0 =	sadd.s32 @!p0 $0x100000, s0  }
0x1a2: {  	[sflag:s0] =	ssyncadd.tile.s32 @!p0 $0x1;
	_ =	shalt  }
.Lfunc_end2:
_tile_overlayer_lowered:
.L_overlay_start_2:
0x1a3: {  	(tag) =	ssettag $0x2  }
0x1a4: {  	s0 =	rddreg [dreg:$0x0];
	s2 =	stileid.u32  }
0x1a5: {  	s1 =	rddreg [dreg:$0x1];
	p0 =	sne.s32 s2, $0x0  }
0x1a6: {  	s3 =	rddreg [dreg:$0x2];
	[bflag:$0x3] =	sbarrier.arrive $0xFFFF;
	s2 =	simm.s32 @!p0 $0x1C03  }
0x1a7: {  	[timem:s3], [sflag:s2] =	dma.local @!p0 [hbm:s0], s1  }
0x1a8: {  	s0 =	simm.s32 @!p0 $0x3  }
0x1a9: {  	_ =	swait.ge @!p0 [sflag:s0], s1  }
0x1aa: {  	s1 =	ssub.s32 @!p0 $0x0, s1;
	[sflag:s0] =	ssyncset.done @!p0 $0x0  }
0x1ab: {  	[sflag:s0] =	ssyncadd.s32 @!p0 s1  }
0x1ac: {  	[bflag:$0x3] =	sbarrier.arrive $0xFFFF  }
0x1ad: {  	_ =	shalt  }

// kernel: kernel.8.cloned.1.call-start
scs
__scs_entry_jumppad:
0x0: {  	(pc) =	sbr.rel $0x88, $3  }
0x1: {  	(tag) =	ssettag $0x0;
	lr =	simm.s32 $0x1  }
0x2: {  	[smem:$0x3F98] =	sst lr;
	_ =	strace $0xD0000000  }
0x3: {  	_ = 	snop  }
0x4: {  	_ = 	snop  }
0x5: {  	_ = 	snop  }
0x6: {  	_ = 	snop  }
0x7: {  	_ = 	snop  }
__scs_overlays_trampoline_lowered:
0x8: {  	[smem:$0x3FA7] =	sst s0  }
0x9: {  	[smem:$0x3FA8] =	sst s1  }
0xa: {  	[smem:$0x3FA9] =	sst s2  }
0xb: {  	[smem:$0x3FAA] =	sst s3  }
0xc: {  	[smem:$0x3FAB] =	sst s4  }
0xd: {  	[smem:$0x3FAC] =	sst s5  }
0xe: {  	[smem:$0x3FAD] =	sst s6  }
0xf: {  	[smem:$0x3FAE] =	sst s7  }
0x10: {  	[smem:$0x3FAF] =	sst s8  }
0x11: {  	[smem:$0x3FB0] =	sst s9;
	s0 =	simm.s32 @!p0 $0x0  }
0x12: {  	s1 =	sld [smem:$0x3F96];
	s0 =	simm.s32 @p0 $0x1  }
0x13: {  	[smem:$0x3FB1] =	sst s0;
	s0 =	simm.s32 @!p1 $0x0  }
0x14: {  	s2 =	sld [smem:$0x3F95];
	s0 =	simm.s32 @p1 $0x1  }
0x15: {  	[smem:$0x3FB2] =	sst s0;
	s0 =	simm.s32 @!p2 $0x0  }
0x16: {  	s3 =	sld [smem:$0x3FDB];
	s0 =	simm.s32 @p2 $0x1  }
0x17: {  	s4 =	simm.s32 $0x1BF5;
	[smem:$0x3FB4] =	sst s0  }
0x18: {  	s0 =	sld [smem:$0x3F97];
	_ =	swait.ge [sflag:s4], $0x0  }
0x19: {  	s7 =	sld [smem:$0x3F98]  }
0x1a: {  	s8 =	sadd.s32 $0xFFFFE003, lr  }
0x1b: {  	s9 =	sadd.s32 $0xFFFFFEF7, lr;
	s5 =	simm.s32 $0xFFFFFFFF;
	p2 =	slt.u32 s8, $0xFFFFF086  }
0x1c: {  	p1 =	slt.u32 s9, $0xF7A;
	s5 =	simm.s32 @!p2 $0x0  }
0x1d: {  	s5 =	simm.s32 @p1 $0x1;
	p0 =	seq.s32 s7, s2  }
0x1e: {  	s7 =	smul.u32 @!p0 $0xF7A, s2;
	p2 =	seq.s32 @!p0 s5, $0x0  }
0x1f: {  	s9 =	smul.u32 $0xF7A, s1;
	s8 =	simm.s32 @!p0 $0x1BF5;
	p2 =	por !p2, p0  }
0x20: {  	[sflag:s8] =	ssyncset.s32 @!p0 $0xFFFFF086;
	s6 =	sadd.s32 @!p0 s3, s7;
	s7 =	simm.s32 @!p0 $0x108  }
0x21: {  	s3 =	sadd.s32 s3, s9;
	s6 =	sadd.s32 @!p0 $0x88, s6;
	s7 =	simm.s32 @p2 $0x1082  }
0x22: {  	[simem:s7], [sflag:s8] =	dma.local @!p0 [hbm:s6], $0xF7A  }
0x23: {  	s9 =	sor.u32 $0xD0000000, s2;
	s6 =	simm.s32 $0x108;
	_ =	swait.ge @!p0 [sflag:s8], $0x0  }
0x24: {  	s3 =	sadd.s32 $0x88, s3;
	s6 =	simm.s32 @!p1 $0x1082;
	[sflag:s4] =	ssyncset.s32 $0xFFFFF086  }
0x25: {  	[simem:s6], [sflag:s4] =	dma.local [hbm:s3], $0xF7A  }
0x26: {  	[smem:$0x3F98] =	sst s1;
	(tag) =	ssettag s2;
	_ =	strace s9  }
0x27: {  	s1 =	sld [smem:$0x3FA8]  }
0x28: {  	s2 =	sld [smem:$0x3FA9]  }
0x29: {  	s4 =	sld [smem:$0x3FAB]  }
0x2a: {  	p0 =	seq.s32 s5, $0x0;
	s5 =	sld [smem:$0x3FAC]  }
0x2b: {  	s6 =	sld [smem:$0x3FAD]  }
0x2c: {  	s7 =	sld [smem:$0x3FAE]  }
0x2d: {  	s3 =	simm.s32 $0x108;
	s8 =	sld [smem:$0x3FAF]  }
0x2e: {  	s3 =	simm.s32 @!p0 $0x1082;
	s9 =	sld [smem:$0x3FB0]  }
0x2f: {  	lr =	sadd.s32 s0, s3;
	s0 =	sld [smem:$0x3FA7]  }
0x30: {  	s3 =	sld [smem:$0x3FAA]  }
0x31: {  	[smem:$0x3FB3] =	sst s10  }
0x32: {  	s10 =	sld [smem:$0x3FB1];
	_ =	sdelay $0x3  }
0x33: {  	p0 =	seq.s32 s10, $0x1;
	s10 =	sld [smem:$0x3FB3];
	_ =	sdelay $0x3  }
0x34: {  	[smem:$0x3FB3] =	sst s10  }
0x35: {  	s10 =	sld [smem:$0x3FB2];
	_ =	sdelay $0x3  }
0x36: {  	p1 =	seq.s32 s10, $0x1;
	s10 =	sld [smem:$0x3FB3];
	_ =	sdelay $0x3  }
0x37: {  	[smem:$0x3FB3] =	sst s10  }
0x38: {  	s10 =	sld [smem:$0x3FB4]  }
0x39: {  	_ = 	snop;
	(pc) =	sbr.ind lr, $3  }
0x3a: {  	_ = 	snop  }
0x3b: {  	_ = 	snop  }
0x3c: {  	p2 =	seq.s32 s10, $0x1;
	s10 =	sld [smem:$0x3FB3]  }
0x3d: {  	_ =	shalt  }
0x3e: {  	_ =	shalt  }
0x3f: {  	_ =	shalt  }
0x40: {  	_ =	shalt  }
0x41: {  	_ =	shalt  }
0x42: {  	_ =	shalt  }
0x43: {  	_ =	shalt  }
0x44: {  	_ =	shalt  }
0x45: {  	_ =	shalt  }
0x46: {  	_ =	shalt  }
0x47: {  	_ =	shalt  }
0x48: {  	_ =	shalt  }
0x49: {  	_ =	shalt  }
0x4a: {  	_ =	shalt  }
0x4b: {  	_ =	shalt  }
0x4c: {  	_ =	shalt  }
0x4d: {  	_ =	shalt  }
0x4e: {  	_ =	shalt  }
0x4f: {  	_ =	shalt  }
0x50: {  	_ =	shalt  }
0x51: {  	_ =	shalt  }
0x52: {  	_ =	shalt  }
0x53: {  	_ =	shalt  }
0x54: {  	_ =	shalt  }
0x55: {  	_ =	shalt  }
0x56: {  	_ =	shalt  }
0x57: {  	_ =	shalt  }
0x58: {  	_ =	shalt  }
0x59: {  	_ =	shalt  }
0x5a: {  	_ =	shalt  }
0x5b: {  	_ =	shalt  }
0x5c: {  	_ =	shalt  }
0x5d: {  	_ =	shalt  }
0x5e: {  	_ =	shalt  }
0x5f: {  	_ =	shalt  }
0x60: {  	_ =	shalt  }
0x61: {  	_ =	shalt  }
0x62: {  	_ =	shalt  }
0x63: {  	_ =	shalt  }
0x64: {  	_ =	shalt  }
0x65: {  	_ =	shalt  }
0x66: {  	_ =	shalt  }
0x67: {  	_ =	shalt  }
0x68: {  	_ =	shalt  }
0x69: {  	_ =	shalt  }
0x6a: {  	_ =	shalt  }
0x6b: {  	_ =	shalt  }
0x6c: {  	_ =	shalt  }
0x6d: {  	_ =	shalt  }
0x6e: {  	_ =	shalt  }
0x6f: {  	_ =	shalt  }
0x70: {  	_ =	shalt  }
0x71: {  	_ =	shalt  }
0x72: {  	_ =	shalt  }
0x73: {  	_ =	shalt  }
0x74: {  	_ =	shalt  }
0x75: {  	_ =	shalt  }
0x76: {  	_ =	shalt  }
0x77: {  	_ =	shalt  }
0x78: {  	_ =	shalt  }
0x79: {  	_ =	shalt  }
0x7a: {  	_ =	shalt  }
0x7b: {  	_ =	shalt  }
0x7c: {  	_ =	shalt  }
0x7d: {  	_ =	shalt  }
0x7e: {  	_ =	shalt  }
0x7f: {  	_ =	shalt  }
0x80: {  	_ =	shalt  }
0x81: {  	_ =	shalt  }
0x82: {  	_ =	shalt  }
0x83: {  	_ =	shalt  }
0x84: {  	_ =	shalt  }
0x85: {  	_ =	shalt  }
0x86: {  	_ =	shalt  }
0x87: {  	_ =	shalt  }
.Lfunc_end0:
.L_simem_size_0:
called_computation_lowered:
.L_overlay_start_0:
0x88: {  	s2 =	sld [smem:$0x3FD9]  }
0x89: {  	s3 =	sld [smem:$0x3FFE];
	_ =	sdelay $0x1  }
0x8a: {  	s1 =	srdreg.scid  }
0x8b: {  	s0 =	sand.u32 $0x1, s1  }
0x8c: {  	s17 =	sshll.u32 s0, $0xA;
	s2 =	sadd.s32 s3, s2  }
0x8d: {  	s2 =	sadd.s32 s2, s17  }
0x8e: {  	[smem:$0x3FBF] =	sst s2  }
0x8f: {  	_ = 	snop  }
0x90: {  	s2 =	sld [smem:$0x3FD0];
	(tm) =	ssettm $0x1  }
0x91: {  	s18 =	sld [smem:$0x3FFB];
	_ =	sdelay $0x3  }
0x92: {  	_ =	strace s18  }
0x93: {  	s3 =	sld [smem:$0x3FFC];
	_ =	sdelay $0x3  }
0x94: {  	_ =	strace s3  }
0x95: {  	s3 =	sld [smem:$0x3FFD];
	_ =	sdelay $0x3  }
0x96: {  	_ =	strace s3  }
0x97: {  	_ =	strace $0x8FFFFFFF  }
0x98: {  	s19 =	sld [smem:$0x3FDB];
	_ =	sdelay $0x1  }
0x99: {  	s4 =	simm.s32 $_scs_section_size  }
0x9a: {  	s5 =	simm.s32 $_size__tile_overlayer_lowered;
	s6 =	simm.s32 $_tile_overlayer_lowered  }
0x9b: {  	s22 =	simm.s32 $0x1BFF;
	s21 =	sshll.u32 s6, $0x1;
	s3 =	sadd.s32 s4, s19  }
0x9c: {  	s7 =	simm.s32 $0x0;
	s20 =	sshll.u32 s5, $0x1;
	s5 =	sadd.s32 s21, s3  }
0x9d: {  	[timem:s7], [sflag:s22] =	dma.local [hbm:s5], s20  }
0x9e: {  	_ =	swait.ge [sflag:s22], s20  }
0x9f: {  	s4 =	ssub.s32 $0x0, s20;
	[sflag:s22] =	ssyncset.done $0x0  }
0xa0: {  	[sflag:s22] =	ssyncadd.s32 s4;
	_ =	sdelay $0x1  }
0xa1: {  	s23 =	simm.s32 $0x1B8B  }
0xa2: {  	_ =	swait.ge [sflag:s23], $0x1  }
0xa3: {  	[sflag:s23] =	ssyncset.done $0x0  }
0xa4: {  	s25 =	simm.s32 $0x1B8E;
	s24 =	sld [smem:$0x3FFE];
	[sflag:s23] =	ssyncadd.s32 $0xFFFFFFFF  }
0xa5: {  	s26 =	simm.s32 $execute0_lowered;
	[smem:$0x3FD2] =	sst s25  }
0xa6: {  	s5 =	sshll.u32 s26, $0x1;
	_ =	strace $0x80000046;
	[dreg:$0x1] =	wrdreg $0xFFFFFFFF  }
0xa7: {  	s28 =	simm.s32 $_size_execute0_lowered;
	s3 =	sadd.s32 s3, s5;
	[dreg:$0x0] =	wrdreg $0x0  }
0xa8: {  	s5 =	sshll.u32 s28, $0x1;
	[dreg:$0x2] =	wrdreg s3  }
0xa9: {  	[dreg:$0x3] =	wrdreg s5  }
0xaa: {  	[dreg:$0x4] =	wrdreg $0xC0  }
0xab: {  	_ =	task [dreg:s7], $0x5FFFF  }
0xac: {  	[dreg:$0x1] =	wrdreg $0xFFFFFFFF  }
0xad: {  	[dreg:$0x0] =	wrdreg $0x60  }
0xae: {  	[dreg:$0x2] =	wrdreg s24  }
0xaf: {  	[dreg:$0x3] =	wrdreg s2  }
0xb0: {  	[dreg:$0x4] =	wrdreg $0x0  }
0xb1: {  	[dreg:$0x5] =	wrdreg $0x9  }
0xb2: {  	_ =	task.clear_ibuf [dreg:s7], $0x6FFFF;
	_ =	strace $0x90000046  }
0xb3: {  	s29 =	simm.s32 $0x9;
	_ =	strace $0x80000048  }
0xb4: {  	_ =	swait.ge [sflag:s29], $0x1  }
0xb5: {  	[sflag:s29] =	ssyncadd.s32 $0xFFFFFFFF  }
0xb6: {  	_ =	strace $0x90000048  }
0xb7: {  	_ =	sfence  }
0xb8: {  	s30 =	sld [smem:$0x0];
	_ =	sdelay $0x2  }
0xb9: {  	s31 =	sshll.u32 s1, $0xD;
	s1 =	sshrl.u32 s1, $0x2  }
0xba: {  	s3 =	sand.u32 $0x4000, s31;
	s1 =	sadd.s32 s1, s30  }
0xbb: {  	s0 =	sor.u32 s3, s0;
	s1 =	sshll.u32 s1, $0x11  }
0xbc: {  	s0 =	sor.u32 s1, s0  }
0xbd: {  	s0 =	sadd.s32 $0x8F2B, s0  }
0xbe: {  	[sflag:s0] =	ssyncadd.remote.s32 $0x1  }
0xbf: {  	_ =	sfence.sel $0xFFFF  }
0xc0: {  	[dreg:$0x0] =	wrdreg $0xFFFFFFFF;
	(pc) =	sbr.abs _section_cstart, $3  }
0xc1: {  	[dreg:$0x1] =	wrdreg $0xFFFFFFFF  }
0xc2: {  	_ =	task.clear_ibuf [dreg:s7], $0x2FFFF;
	_ =	strace $0x9FFFFFFF  }
0xc3: {  	(tm) =	ssettm $0x7FFFFFFF  }
tec
execute0_lowered:
.L_overlay_start_1:
0x0: {  	(tag) =	ssettag $0x1  }
0x1: {  	s4 =	rddreg [dreg:$0x0]  }
0x2: {  	s0 =	srdreg.scid;
	s1 =	rddreg [dreg:$0x1]  }
0x3: {  	s12 =	stileid.u32;
	s2 =	rddreg [dreg:$0x2];
	s3 =	simm.s32 $0x0  }
0x4: {  	s9 =	simm.s32 $0x280;
	s6 =	sand.u32 $0x1, s0;
	s0 =	rddreg [dreg:$0x3]  }
0x5: {  	s11 =	simm.s32 $0x1680;
	s31 =	sshll.u32 s12, $0x1;
	[smem:$0x7FF] =	sst s3  }
0x6: {  	p0 =	seq.s32 s12, $0x0;
	s5 =	sor.u32 s6, s31;
	_ =	strace $0x80000047  }
0x7: {  	s7 =	ssub.s32 $0x2, s6;
	p1 =	seq.s32 s6, $0x1;
	s10 =	sor.u32 s6, s12  }
0x8: {  	s5 =	smul.u32 $0x280, s5;
	s8 =	sshrl.u32 s7, $0x1;
	p0 =	por !p0, !p1  }
0x9: {  	p2 =	sne.s32 s10, $0x0;
	s10 =	simm.s32 $0x7D;
	s7 =	ssub.s32 s7, s8  }
0xa: {  	p1 =	por !p0, !p0;
	p0 =	sne.s32 s12, $0x0;
	s8 =	simm.s32 $0x1  }
0xb: {  	s12 =	sshll.u32 @!p2 s12, $0x6;
	s13 =	sshrl.u32 @!p2 s2, $0x3;
	s5 =	sadd.s32 s5, s4  }
0xc: {  	s4 =	sadd.s32 $0x8E00, s4;
	s6 =	smax.u32 s7, $0x1;
	s7 =	simm.s32 $0x1700  }
0xd: {  	v0 =	vimm.f32 $0.0e+00;
	v1 =	vimm.f32 $1.000000000e+00;
	s12 =	sor.u32 @!p2 $0x1C01, s12;
	s14 =	sshrl.u32 @p1 s2, $0x3;
	s5 =	sadd.s32 $0x3E00, s5  }
.LBB2_1:
.Ltmp0:
0xe: {  	(pc) =	sbr.rel @p0 .LBB2_5-.Ltmp0, $1  }
0xf: {  	_ =	sdelay $0x3  }
0x10: {  	s15 =	simm.s32 $0x40;
	s16 =	simm.s32 $0x0  }
.LBB2_3:
0x11: {  	p3 =	sne.s32 s15, $0x9FC0;
	[tilespmem:s16+$0x1700] =	vst v0;
	s16 =	smov.u32 s15;
	s15 =	sadd.s32 $0x40, s15  }
.Ltmp1:
0x12: {  	(pc) =	sbr.rel @p3 .LBB2_3-.Ltmp1, $2  }
0x13: {  	_ =	sdelay $0x2  }
0x14: {  	s16 =	sshra.s32 s16, $0x2  }
0x15: {  	[tilespmem:s16+$0x1700] =	vst v0  }
0x16: {  	[spmem:s2] =	stream.linear.scatter [tilespmem:s7], [sflag:$0x1], $0x2800, $0x38;
	[tilespmem:$0x3F00] =	vst v63  }
0x17: {  	_ =	swait.ge [sflag:s8], $0x2800  }
0x18: {  	[sflag:s8] =	ssyncset.done $0x0  }
0x19: {  	[sflag:s8] =	ssyncadd.s32 $0xFFFFD800  }
.LBB2_5:
0x1a: {  	[tilespmem:$0x1680] =	vst v1  }
0x1b: {  	[tilespmem:$0x1690] =	vst v1  }
0x1c: {  	[tilespmem:$0x16A0] =	vst v1  }
0x1d: {  	[tilespmem:$0x16B0] =	vst v1  }
0x1e: {  	[tilespmem:$0x16C0] =	vst v1  }
0x1f: {  	[tilespmem:$0x16D0] =	vst v1  }
0x20: {  	[tilespmem:$0x16E0] =	vst v1  }
0x21: {  	s15 =	simm.s32 $0x0;
	[tilespmem:$0x16ED] =	vst v1  }
0x22: {  	[tilespmem:s9], [sflag:$0x1] =	stream.linear.gather [hbm4b:s5+s15], $0x1400, $0x38;
	[tilespmem:$0x3F00] =	vst v63  }
0x23: {  	_ =	swait.ge [sflag:s8], $0x1400  }
0x24: {  	[sflag:s8] =	ssyncset.done $0x0  }
0x25: {  	[sflag:s8] =	ssyncadd.s32 $0xFFFFEC00  }
0x26: {  	s31 =	simm.s32 $0x280;
	[bflag:$0x0] =	sbarrier.arrive $0xFFFF  }
0x27: {  	[spmem:s2] =	stream.indirect.scatter.add.f32 [tilespmem:s11], [sflag:$0x1], $0x1, s31, s10, $0xb8;
	[tilespmem:$0x3F00] =	vst v63  }
0x28: {  	s15 =	simm.s32 $0x200;
	_ =	swait.ge [sflag:s8], $0x7D  }
.LBB2_6:
0x29: {  	s16 =	sshra.s32 s15, $0x2;
	[sflag:s8] =	ssyncset.done $0x0;
	p3 =	sne.s32 s15, $0x4E00  }
.Ltmp2:
0x2a: {  	s16 =	sadd.s32 $0x280, s16;
	[sflag:s8] =	ssyncadd.s32 $0xFFFFFF83;
	(pc) =	sbr.rel @p3 .LBB2_6-.Ltmp2, $3  }
0x2b: {  	[spmem:s2] =	stream.indirect.scatter.add.f32 [tilespmem:s11], [sflag:$0x1], $0x1, s16, s10, $0xb8;
	[tilespmem:$0x3F00] =	vst v63  }
0x2c: {  	s15 =	sadd.s32 $0x200, s15;
	_ =	sdelay $0x1  }
0x2d: {  	_ =	swait.ge [sflag:s8], $0x7D  }
0x2e: {  	[sflag:s8] =	ssyncset.done $0x0  }
0x2f: {  	[sflag:s8] =	ssyncadd.s32 $0xFFFFFF83  }
0x30: {  	s15 =	simm.s32 @!p2 $0x1;
	[bflag:$0x0] =	sbarrier.arrive $0xFFFF  }
0x31: {  	[hbm:s1], [sflag:s12] =	dma.local @!p2 [spmem:s13], $0x500  }
0x32: {  	_ =	swait.ge @!p2 [sflag:s15], $0x500  }
0x33: {  	s3 =	sadd.s32 $0x1, s3;
	[sflag:s15] =	ssyncset.done @!p2 $0x0  }
0x34: {  	p3 =	sne.s32 s3, s6;
	[sflag:s15] =	ssyncadd.s32 @!p2 $0xFFFFFB00;
	s15 =	simm.s32 @p1 $0x1C01  }
0x35: {  	[hbm:s4], [sflag:s15] =	dma.local @p1 [spmem:s14], $0x500  }
.Ltmp3:
0x36: {  	_ = 	snop;
	(pc) =	sbr.rel @p3 .LBB2_1-.Ltmp3, $4  }
0x37: {  	s15 =	simm.s32 @p1 $0x1  }
0x38: {  	_ =	swait.ge @p1 [sflag:s15], $0x500  }
0x39: {  	[sflag:s15] =	ssyncset.done @p1 $0x0  }
0x3a: {  	[sflag:s15] =	ssyncadd.s32 @p1 $0xFFFFFB00  }
0x3b: {  	_ =	sfence.sel $0x180000  }
0x3c: {  	[bflag:$0x0] =	sbarrier.arrive $0xFFFF  }
0x3d: {  	_ =	strace $0x90000047  }
0x3e: {  	s0 =	sadd.s32 @!p0 $0x100000, s0;
	[bflag:$0x2] =	sbarrier.arrive $0xFFFF  }
0x3f: {  	[sflag:s0] =	ssyncadd.tile.s32 @!p0 $0x1;
	_ =	shalt  }
.Lfunc_end2:
_tile_overlayer_lowered:
.L_overlay_start_2:
0x40: {  	(tag) =	ssettag $0x2  }
0x41: {  	s0 =	rddreg [dreg:$0x0];
	s2 =	stileid.u32  }
0x42: {  	s1 =	rddreg [dreg:$0x1];
	p0 =	sne.s32 s2, $0x0  }
0x43: {  	s3 =	rddreg [dreg:$0x2];
	[bflag:$0x3] =	sbarrier.arrive $0xFFFF;
	s2 =	simm.s32 @!p0 $0x1C01  }
0x44: {  	[timem:s3], [sflag:s2] =	dma.local @!p0 [hbm:s0], s1  }
0x45: {  	s0 =	simm.s32 @!p0 $0x1  }
0x46: {  	_ =	swait.ge @!p0 [sflag:s0], s1  }
0x47: {  	s1 =	ssub.s32 @!p0 $0x0, s1;
	[sflag:s0] =	ssyncset.done @!p0 $0x0  }
0x48: {  	[sflag:s0] =	ssyncadd.s32 @!p0 s1  }
0x49: {  	[bflag:$0x3] =	sbarrier.arrive $0xFFFF  }
0x4a: {  	_ =	shalt  }

</sc_bundles>
